<compile_context>
chip_gen: v7x
topology: tpu7x:2x2x1
jax: 0.10.2.dev20260603
libtpu: 0.0.44.dev20260713+nightly
codegen_flags: <defaults>
</compile_context>

<pallas_src>
import functools

import jax
import jax.numpy as jnp
from jax import lax
from jax.experimental import pallas as pl
from jax.experimental.pallas import tpu as pltpu
from jax.experimental.pallas import tpu_sc as plsc

_NC, _NS = 2, 16
_NW = _NC * _NS

_BLK = 256
_LANES = 128


def _router_body(x_ref, gw_ref, probs_ref, meta_ref, *, n_exp):
    x = x_ref[...]
    gw = gw_ref[...]
    logits = lax.dot_general(x, gw, (((1,), (1,)), ((), ())),
                             preferred_element_type=jnp.float32)
    lane = lax.broadcasted_iota(jnp.int32, logits.shape, 1)
    logits = jnp.where(lane < n_exp, logits, jnp.float32(-1e30))
    m = jnp.max(logits, axis=1, keepdims=True)
    ex = jnp.exp(logits - m)
    probs = ex / jnp.sum(ex, axis=1, keepdims=True)
    probs_ref[...] = probs
    m1 = jnp.max(probs, axis=1, keepdims=True)
    a1 = jnp.min(jnp.where(probs == m1, lane, 128), axis=1, keepdims=True)
    probs2 = jnp.where(lane == a1, jnp.float32(-1.0), probs)
    m2 = jnp.max(probs2, axis=1, keepdims=True)
    a2 = jnp.min(jnp.where(probs2 == m2, lane, 128), axis=1, keepdims=True)
    s = m1 + m2
    meta = jnp.where(lane == 0, a1.astype(jnp.float32),
           jnp.where(lane == 1, a2.astype(jnp.float32),
           jnp.where(lane == 2, m1 / s, m2 / s)))
    meta_ref[...] = meta


def _router(xf, gwp, n_exp):
    T, D = xf.shape
    TB = 1024
    return pl.pallas_call(
        functools.partial(_router_body, n_exp=n_exp),
        grid=(T // TB,),
        in_specs=[pl.BlockSpec((TB, D), lambda i: (i, 0)),
                  pl.BlockSpec((_LANES, D), lambda i: (0, 0))],
        out_specs=[pl.BlockSpec((TB, _LANES), lambda i: (i, 0)),
                   pl.BlockSpec((TB, _LANES), lambda i: (i, 0))],
        out_shape=[jax.ShapeDtypeStruct((T, _LANES), jnp.float32),
                   jax.ShapeDtypeStruct((T, _LANES), jnp.float32)],
        interpret=False,
    )(xf, gwp)


def _dispatch_indices(meta, validf, E, S, P):
    T = meta.shape[0]
    e0 = meta[:, 0].astype(jnp.int32)
    e1 = meta[:, 1].astype(jnp.int32)
    eflat = jnp.stack([e0, e1], axis=1).reshape(-1)
    wflat = jnp.stack([meta[:, 2], meta[:, 3]], axis=1).reshape(-1)
    onehot = (eflat[:, None] == jnp.arange(E, dtype=jnp.int32)[None, :])
    csum = jnp.cumsum(onehot.astype(jnp.int32), axis=0)
    counts = csum[-1]
    counts_pad = jnp.maximum((counts + _BLK - 1) // _BLK, 1) * _BLK
    offs_pad = jnp.concatenate([jnp.zeros((1,), jnp.int32),
                                jnp.cumsum(counts_pad).astype(jnp.int32)])
    rank = jnp.take_along_axis(csum, eflat[:, None], axis=1)[:, 0] - 1
    pos = (offs_pad[eflat] + rank).astype(jnp.int32)
    slot_pair = jnp.full((P,), -1, jnp.int32).at[pos].set(
        jnp.arange(2 * T, dtype=jnp.int32))
    valid_slot = slot_pair >= 0
    sp = jnp.maximum(slot_pair, 0)
    dummy = jnp.arange(P, dtype=jnp.int32) % T
    tok = jnp.where(valid_slot, sp // 2, dummy)
    wslot = jnp.where(valid_slot, wflat[sp], 0.0)
    wlog = wslot * validf[tok]
    bid = (tok // S).astype(jnp.int32)
    nblk = P // _BLK
    blk_start = jnp.arange(nblk, dtype=jnp.int32) * _BLK
    be = jnp.sum((blk_start[:, None] >= offs_pad[1:][None, :]).astype(jnp.int32),
                 axis=1)
    be = jnp.clip(be, 0, E - 1).astype(jnp.int32)
    return tok.astype(jnp.int32), wslot, wlog, bid, be, pos


def _sc_gather(idx3, src, D, name):
    NCH, CH = idx3.shape[1], idx3.shape[2]
    n_out = _NW * NCH * CH
    dt = src.dtype
    mesh = plsc.VectorSubcoreMesh(core_axis_name="c", subcore_axis_name="s")

    @functools.partial(
        pl.kernel,
        out_type=jax.ShapeDtypeStruct((n_out, D), dt),
        mesh=mesh,
        scratch_types=[pltpu.VMEM((NCH, CH), jnp.int32),
                       pltpu.VMEM((CH, D), dt),
                       pltpu.VMEM((CH, D), dt),
                       pltpu.SemaphoreType.DMA,
                       pltpu.SemaphoreType.DMA,
                       pltpu.SemaphoreType.DMA,
                       pltpu.SemaphoreType.DMA],
        name=name,
    )
    def k(idx_hbm, src_hbm, out_hbm, idx_v, rows0, rows1, g0, g1, s0, s1):
        wid = lax.axis_index("s") * _NC + lax.axis_index("c")
        base = wid * (NCH * CH)
        pltpu.sync_copy(idx_hbm.at[wid], idx_v)
        bufs, gs, ss = (rows0, rows1), (g0, g1), (s0, s1)
        gc = [None] * NCH
        sc = [None] * NCH

        def store(ci):
            b = ci % 2
            gc[ci].wait()
            sc[ci] = pltpu.async_copy(
                bufs[b], out_hbm.at[pl.ds(base + ci * CH, CH)], ss[b])

        for ci in range(NCH):
            b = ci % 2
            if ci >= 2:
                sc[ci - 2].wait()
            gc[ci] = pltpu.async_copy(src_hbm.at[idx_v.at[ci]],
                                      bufs[b], gs[b])
            if ci >= 1:
                store(ci - 1)
        store(NCH - 1)
        if NCH >= 2:
            sc[NCH - 2].wait()
        sc[NCH - 1].wait()

    return k(idx3, src)


def _mlp_body(be_ref, xd_ref, w1_ref, w3_ref, w2_ref, clsw_ref,
              ws_ref, wl_ref, bid_ref, out_ref, acc_ref):
    i = pl.program_id(0)
    x = xd_ref[...].astype(jnp.bfloat16)
    w1 = w1_ref[0].astype(jnp.bfloat16)
    w3 = w3_ref[0].astype(jnp.bfloat16)
    w2 = w2_ref[0].astype(jnp.bfloat16)
    dn = (((1,), (1,)), ((), ()))
    h1 = lax.dot_general(x, w1, dn, preferred_element_type=jnp.float32)
    h3 = lax.dot_general(x, w3, dn, preferred_element_type=jnp.float32)
    h = (h1 * jax.nn.sigmoid(h1)) * h3
    out_unw = lax.dot_general(h.astype(jnp.bfloat16), w2, dn,
                              preferred_element_type=jnp.float32)
    ws = ws_ref[0, 0, :]
    out_ref[...] = out_unw * ws[:, None]
    rowdot = jnp.sum(out_unw * clsw_ref[0, :][None, :], axis=1)
    sl = rowdot * wl_ref[0, 0, :]
    b = bid_ref[0, 0, :]
    lane = lax.broadcasted_iota(jnp.int32, (sl.shape[0], _LANES), 1)
    contrib = jnp.sum(jnp.where(b[:, None] == lane, sl[:, None], 0.0), axis=0)
    prev = jnp.where(i == 0, jnp.int32(-1), be_ref[jnp.maximum(i - 1, 0)])
    first = prev != be_ref[i]

    @pl.when(first)
    def _():
        acc_ref[...] = jnp.zeros_like(acc_ref)

    acc_ref[...] += contrib[None, None, :]


def _grouped_mlp(be, xd, w1, w3, w2, clswp, ws3, wl3, bid3, E):
    P, D = xd.shape
    H = w1.shape[1]
    nblk = P // _BLK
    grid_spec = pltpu.PrefetchScalarGridSpec(
        num_scalar_prefetch=1,
        grid=(nblk,),
        in_specs=[
            pl.BlockSpec((_BLK, D), lambda i, be_r: (i, 0)),
            pl.BlockSpec((1, H, D), lambda i, be_r: (be_r[i], 0, 0)),
            pl.BlockSpec((1, H, D), lambda i, be_r: (be_r[i], 0, 0)),
            pl.BlockSpec((1, D, H), lambda i, be_r: (be_r[i], 0, 0)),
            pl.BlockSpec((8, D), lambda i, be_r: (0, 0)),
            pl.BlockSpec((1, 1, _BLK), lambda i, be_r: (i, 0, 0)),
            pl.BlockSpec((1, 1, _BLK), lambda i, be_r: (i, 0, 0)),
            pl.BlockSpec((1, 1, _BLK), lambda i, be_r: (i, 0, 0)),
        ],
        out_specs=[
            pl.BlockSpec((_BLK, D), lambda i, be_r: (i, 0)),
            pl.BlockSpec((1, 1, _LANES), lambda i, be_r: (be_r[i], 0, 0)),
        ],
    )
    return pl.pallas_call(
        _mlp_body,
        grid_spec=grid_spec,
        out_shape=[jax.ShapeDtypeStruct((P, D), jnp.float32),
                   jax.ShapeDtypeStruct((E, 1, _LANES), jnp.float32)],
        interpret=False,
    )(be, xd, w1, w3, w2, clswp, ws3, wl3, bid3)


def _add_body(a_ref, b_ref, o_ref):
    o_ref[...] = a_ref[...] + b_ref[...]


def _tc_add(ab, T, D, TB):
    return pl.pallas_call(
        _add_body,
        grid=(T // TB,),
        in_specs=[pl.BlockSpec((TB, D), lambda i: (2 * i, 0)),
                  pl.BlockSpec((TB, D), lambda i: (2 * i + 1, 0))],
        out_specs=pl.BlockSpec((TB, D), lambda i: (i, 0)),
        out_shape=jax.ShapeDtypeStruct((T, D), jnp.float32),
        interpret=False,
    )(ab, ab)


def kernel(x, tgt_pad, tgt_mask_id_bool, gate_W, cls_W, cls_b, w1, w2, w3):
    B, S, D = x.shape
    E, H = w1.shape[0], w1.shape[1]
    T = B * S
    P = 2 * T + E * _BLK

    xf = x.reshape(T, D)
    gwp = jnp.zeros((_LANES, D), jnp.float32).at[:E].set(gate_W)
    clswp = jnp.zeros((8, D), jnp.float32).at[0].set(cls_W[0])
    validf = (~(tgt_mask_id_bool | tgt_pad)).astype(jnp.float32).reshape(T)

    probs, meta = _router(xf, gwp, E)

    tok, wslot, wlog, bid, be, pair_pos = _dispatch_indices(meta, validf, E, S, P)

    CH = 48
    tok3 = tok.reshape(_NW, P // (_NW * CH), CH)
    xd = _sc_gather(tok3, xf, D, "sc_dispatch_gather")

    nblk = P // _BLK
    ws3 = wslot.reshape(nblk, 1, _BLK)
    wl3 = wlog.reshape(nblk, 1, _BLK)
    bid3 = bid.reshape(nblk, 1, _BLK)
    outd, acc = _grouped_mlp(be, xd, w1, w3, w2, clswp, ws3, wl3, bid3, E)

    CH2 = 32
    TB = T // _NW
    p0 = pair_pos[0::2].reshape(_NW, TB // CH2, CH2)
    p1 = pair_pos[1::2].reshape(_NW, TB // CH2, CH2)
    pos_all = jnp.concatenate([p0, p1], axis=1)
    ab = _sc_gather(pos_all, outd, D, "sc_combine_gather")
    final = _tc_add(ab, T, D, TB)

    cnt = jnp.maximum(jnp.sum(validf.reshape(B, S), axis=1), 1.0)
    logits = jnp.cumsum(acc[:, 0, :B], axis=0) / cnt[None, :] + cls_b[0]
    expert_logits = logits.reshape(E, B, 1)

    routing_weights = probs[:, :E].reshape(B, S, E)
    return final.reshape(B, S, D), expert_logits, routing_weights

# --- scband reference (transcript-rebuilt; emitter-appended) ---
"""Pipeline reference for scband-soft-gating-mo-e-49185965473964 (READ-ONLY COPY).

The authoritative reference and input builder live on the scoring server;
editing this copy changes nothing except your own understanding.
"""

import jax, jax.numpy as jnp
import numpy as np

B, S, D = 4, 2048, 1024
E, K, H = 8, 2, 1024
NUM_CLASSES = 8


def setup_inputs(seed: int = 0) -> dict:
    key = jax.random.key(seed)
    ks = jax.random.split(key, 8)
    x = jax.random.normal(ks[0], (B, S, D), dtype=jnp.float32)
    tgt_pad = jnp.zeros((B, S), dtype=bool)
    tgt_mask_id_bool = jnp.zeros((B, S), dtype=bool)
    sc = 0.02
    gate_W = jax.random.normal(ks[1], (E, D), dtype=jnp.float32) * sc
    cls_W = jax.random.normal(ks[2], (1, D), dtype=jnp.float32) * sc
    cls_b = jnp.zeros((1,), dtype=jnp.float32)
    w1 = jax.random.normal(ks[3], (E, H, D), dtype=jnp.float32) * sc
    w2 = jax.random.normal(ks[4], (E, D, H), dtype=jnp.float32) * sc
    w3 = jax.random.normal(ks[5], (E, H, D), dtype=jnp.float32) * sc
    return {"x": x, "tgt_pad": tgt_pad, "tgt_mask_id_bool": tgt_mask_id_bool,
            "gate_W": gate_W, "cls_W": cls_W, "cls_b": cls_b,
            "w1": w1, "w2": w2, "w3": w3}


def mean_nonpadding_embs(embs, pad):
    # pad: True where token is padding/masked; average over non-pad tokens
    mask = (~pad).astype(embs.dtype)  # [B, S]
    s = jnp.sum(embs * mask[:, :, None], axis=1)  # [B, D]
    cnt = jnp.maximum(jnp.sum(mask, axis=1), 1.0)  # [B]
    return s / cnt[:, None]


def reference(x, tgt_pad, tgt_mask_id_bool, gate_W, cls_W, cls_b, w1, w2, w3):
    batch_size, sequence_length, hidden_dim = x.shape
    xf = x.reshape(-1, hidden_dim)  # [T, D]
    T = xf.shape[0]
    gate_logits = xf @ gate_W.T  # [T, E] (temperature = 1.0)
    routing_weights_full = jax.nn.softmax(gate_logits.astype(jnp.float32), axis=1)
    routing_weights_ = routing_weights_full.reshape(batch_size, sequence_length, E)
    rw, selected_experts = jax.lax.top_k(routing_weights_full, K)  # [T, K]
    rw = rw / jnp.sum(rw, axis=-1, keepdims=True)
    rw = rw.astype(x.dtype)
    combined_mask = tgt_mask_id_bool | tgt_pad

    final_hidden = jnp.zeros((T, hidden_dim), dtype=x.dtype)
    expert_logits = []
    for e in range(E):
        # dense-equivalent of index_add over selected tokens:
        # per-token weight for expert e (0 if not selected)
        sel_mask = (selected_experts == e).astype(x.dtype)  # [T, K]
        w_tok = jnp.sum(rw * sel_mask, axis=-1)  # [T]
        h = jax.nn.silu(xf @ w1[e].T) * (xf @ w3[e].T)  # [T, H]
        out = h @ w2[e].T  # [T, D]
        final_hidden = final_hidden + out * w_tok[:, None]
        weighted_output = final_hidden.reshape(batch_size, sequence_length, hidden_dim)
        expert_embedding = mean_nonpadding_embs(weighted_output, combined_mask)  # [B, D]
        expert_logits.append(expert_embedding @ cls_W.T + cls_b)  # [B, 1]

    final_hidden = final_hidden.reshape(batch_size, sequence_length, hidden_dim)
    return (final_hidden, jnp.stack(expert_logits, axis=0), routing_weights_)

if __name__ == "__main__":
    import jax
    _d = setup_inputs()
    print(jax.jit(kernel)(*tuple(_d.values())))

</pallas_src>

<mosaic_0001>
#map = affine_map<(d0, d1) -> (0, 0, 0)>
#map1 = affine_map<(d0, d1) -> (0, 0)>
module attributes {stable_mosaic.version = 14 : i64} {
  func.func @sc_dispatch_gather(%arg0: i32, %arg1: i32, %arg2: memref<32x12x48xi32, #tpu.memory_space<hbm>>, %arg3: memref<8192x1024xf32, #tpu.memory_space<hbm>>, %arg4: memref<18432x1024xf32, #tpu.memory_space<hbm>>, %arg5: memref<12x48xi32, #tpu.memory_space<vmem>>, %arg6: memref<48x1024xf32, #tpu.memory_space<vmem>>, %arg7: memref<48x1024xf32, #tpu.memory_space<vmem>>, %arg8: memref<!tpu.dma_semaphore, #tpu.memory_space<semaphore_mem>>, %arg9: memref<!tpu.dma_semaphore, #tpu.memory_space<semaphore_mem>>, %arg10: memref<!tpu.dma_semaphore, #tpu.memory_space<semaphore_mem>>, %arg11: memref<!tpu.dma_semaphore, #tpu.memory_space<semaphore_mem>>) attributes {dimension_semantics = [#tpu.dimension_semantics<core_parallel>, #tpu.dimension_semantics<subcore_parallel>], iteration_bounds = array<i64: 2, 16>, scalar_prefetch = 0 : i64, scratch_operands = 7 : i64, tpu.core_type = #tpu.core_type<sc_vector_subcore>, window_params = [{transform_indices = #map}, {transform_indices = #map1}, {transform_indices = #map1}]} {
    %mul3A = arith.constant 2 : i32
    %mul3A_0 = arith.muli %arg1, %mul3A : i32
    %add3A = arith.addi %mul3A_0, %arg0 : i32
    %mul3A_1 = arith.constant 576 : i32
    %mul3A_2 = arith.muli %add3A, %mul3A_1 : i32
    "tpu.region"() ({
      %run_scoped3A = tpu.sem_alloc : memref<!tpu.dma_semaphore, #tpu.memory_space<semaphore_mem>>
      %dma_start3A_289 = arith.constant 0 : i32
      %dma_start3A_290 = arith.constant 0 : i32
      %dma_start3A_291 = tpu.memref_slice %arg2[%add3A, %dma_start3A_289, %dma_start3A_290] : memref<32x12x48xi32, #tpu.memory_space<hbm>> -> memref<1x12x48xi32, #tpu.memory_space<hbm>>
      %dma_start3A_292 = tpu.memref_squeeze %dma_start3A_291 : memref<1x12x48xi32, #tpu.memory_space<hbm>> -> memref<12x48xi32, #tpu.memory_space<hbm>>
      %dma_start3A_293 = arith.constant 0 : i32
      %dma_start3A_294 = arith.constant 0 : i32
      %dma_start3A_295 = tpu.memref_slice %arg2[%add3A, %dma_start3A_293, %dma_start3A_294] : memref<32x12x48xi32, #tpu.memory_space<hbm>> -> memref<1x12x48xi32, #tpu.memory_space<hbm>>
      %dma_start3A_296 = tpu.memref_squeeze %dma_start3A_295 : memref<1x12x48xi32, #tpu.memory_space<hbm>> -> memref<12x48xi32, #tpu.memory_space<hbm>>
      tpu.enqueue_dma source(%dma_start3A_296 : memref<12x48xi32, #tpu.memory_space<hbm>>) target(%arg5 : memref<12x48xi32, #tpu.memory_space<vmem>>) target_semaphore(%run_scoped3A : memref<!tpu.dma_semaphore, #tpu.memory_space<semaphore_mem>>)
      %dma_wait3A_297 = arith.constant 0 : i32
      %dma_wait3A_298 = arith.constant 0 : i32
      %dma_wait3A_299 = tpu.memref_slice %arg2[%add3A, %dma_wait3A_297, %dma_wait3A_298] : memref<32x12x48xi32, #tpu.memory_space<hbm>> -> memref<1x12x48xi32, #tpu.memory_space<hbm>>
      %dma_wait3A_300 = tpu.memref_squeeze %dma_wait3A_299 : memref<1x12x48xi32, #tpu.memory_space<hbm>> -> memref<12x48xi32, #tpu.memory_space<hbm>>
      %dma_wait3A_301 = arith.constant 0 : i32
      %dma_wait3A_302 = arith.constant 0 : i32
      %dma_wait3A_303 = tpu.memref_slice %arg2[%add3A, %dma_wait3A_301, %dma_wait3A_302] : memref<32x12x48xi32, #tpu.memory_space<hbm>> -> memref<1x12x48xi32, #tpu.memory_space<hbm>>
      %dma_wait3A_304 = tpu.memref_squeeze %dma_wait3A_303 : memref<1x12x48xi32, #tpu.memory_space<hbm>> -> memref<12x48xi32, #tpu.memory_space<hbm>>
      tpu.wait_dma2 semaphore(%run_scoped3A : memref<!tpu.dma_semaphore, #tpu.memory_space<semaphore_mem>>) src(%dma_wait3A_304 : memref<12x48xi32, #tpu.memory_space<hbm>>) dst(%arg5 : memref<12x48xi32, #tpu.memory_space<vmem>>)
      tpu.yield
    }) : () -> ()
    %dma_start3A = arith.constant 0 : i32
    %dma_start3A_3 = arith.constant 0 : i32
    %dma_start3A_4 = tpu.memref_slice %arg5[%dma_start3A, %dma_start3A_3] : memref<12x48xi32, #tpu.memory_space<vmem>> -> memref<1x48xi32, #tpu.memory_space<vmem>>
    %dma_start3A_5 = tpu.memref_squeeze %dma_start3A_4 : memref<1x48xi32, #tpu.memory_space<vmem>> -> memref<48xi32, #tpu.memory_space<vmem>>
    %dma_start3A_6 = arith.constant 0 : i32
    %dma_start3A_7 = arith.constant 0 : i32
    %dma_start3A_8 = tpu.memref_slice %arg3[%dma_start3A_6, %dma_start3A_7] : memref<8192x1024xf32, #tpu.memory_space<hbm>> -> memref<8192x1024xf32, #tpu.memory_space<hbm>>
    tpu.enqueue_indirect_dma source(%dma_start3A_8 : memref<8192x1024xf32, #tpu.memory_space<hbm>>) target(%arg6 : memref<48x1024xf32, #tpu.memory_space<vmem>>) offsets(%dma_start3A_5 : memref<48xi32, #tpu.memory_space<vmem>>) semaphore(%arg8 : memref<!tpu.dma_semaphore, #tpu.memory_space<semaphore_mem>>)
    %dma_start3A_9 = arith.constant 1 : i32
    %dma_start3A_10 = arith.constant 0 : i32
    %dma_start3A_11 = tpu.memref_slice %arg5[%dma_start3A_9, %dma_start3A_10] : memref<12x48xi32, #tpu.memory_space<vmem>> -> memref<1x48xi32, #tpu.memory_space<vmem>>
    %dma_start3A_12 = tpu.memref_squeeze %dma_start3A_11 : memref<1x48xi32, #tpu.memory_space<vmem>> -> memref<48xi32, #tpu.memory_space<vmem>>
    %dma_start3A_13 = arith.constant 0 : i32
    %dma_start3A_14 = arith.constant 0 : i32
    %dma_start3A_15 = tpu.memref_slice %arg3[%dma_start3A_13, %dma_start3A_14] : memref<8192x1024xf32, #tpu.memory_space<hbm>> -> memref<8192x1024xf32, #tpu.memory_space<hbm>>
    tpu.enqueue_indirect_dma source(%dma_start3A_15 : memref<8192x1024xf32, #tpu.memory_space<hbm>>) target(%arg7 : memref<48x1024xf32, #tpu.memory_space<vmem>>) offsets(%dma_start3A_12 : memref<48xi32, #tpu.memory_space<vmem>>) semaphore(%arg9 : memref<!tpu.dma_semaphore, #tpu.memory_space<semaphore_mem>>)
    %dma_wait3A = arith.constant 0 : i32
    %dma_wait3A_16 = arith.constant 0 : i32
    %dma_wait3A_17 = tpu.memref_slice %arg5[%dma_wait3A, %dma_wait3A_16] : memref<12x48xi32, #tpu.memory_space<vmem>> -> memref<1x48xi32, #tpu.memory_space<vmem>>
    %dma_wait3A_18 = tpu.memref_squeeze %dma_wait3A_17 : memref<1x48xi32, #tpu.memory_space<vmem>> -> memref<48xi32, #tpu.memory_space<vmem>>
    %dma_wait3A_19 = arith.constant 0 : i32
    %dma_wait3A_20 = arith.constant 0 : i32
    %dma_wait3A_21 = tpu.memref_slice %arg3[%dma_wait3A_19, %dma_wait3A_20] : memref<8192x1024xf32, #tpu.memory_space<hbm>> -> memref<8192x1024xf32, #tpu.memory_space<hbm>>
    tpu.wait_indirect_dma semaphore(%arg8 : memref<!tpu.dma_semaphore, #tpu.memory_space<semaphore_mem>>) src(%dma_wait3A_21 : memref<8192x1024xf32, #tpu.memory_space<hbm>>) dst(%arg6 : memref<48x1024xf32, #tpu.memory_space<vmem>>)
    %add3A_22 = arith.constant 0 : i32
    %add3A_23 = arith.addi %mul3A_2, %add3A_22 : i32
    %dma_start3A_24 = arith.constant 0 : i32
    %dma_start3A_25 = tpu.memref_slice %arg4[%add3A_23, %dma_start3A_24] : memref<18432x1024xf32, #tpu.memory_space<hbm>> -> memref<48x1024xf32, #tpu.memory_space<hbm>>
    %dma_start3A_26 = arith.constant 0 : i32
    %dma_start3A_27 = tpu.memref_slice %arg4[%add3A_23, %dma_start3A_26] : memref<18432x1024xf32, #tpu.memory_space<hbm>> -> memref<48x1024xf32, #tpu.memory_space<hbm>>
    tpu.enqueue_dma source(%arg6 : memref<48x1024xf32, #tpu.memory_space<vmem>>) target(%dma_start3A_27 : memref<48x1024xf32, #tpu.memory_space<hbm>>) target_semaphore(%arg10 : memref<!tpu.dma_semaphore, #tpu.memory_space<semaphore_mem>>)
    %dma_wait3A_28 = arith.constant 0 : i32
    %dma_wait3A_29 = tpu.memref_slice %arg4[%add3A_23, %dma_wait3A_28] : memref<18432x1024xf32, #tpu.memory_space<hbm>> -> memref<48x1024xf32, #tpu.memory_space<hbm>>
    %dma_wait3A_30 = arith.constant 0 : i32
    %dma_wait3A_31 = tpu.memref_slice %arg4[%add3A_23, %dma_wait3A_30] : memref<18432x1024xf32, #tpu.memory_space<hbm>> -> memref<48x1024xf32, #tpu.memory_space<hbm>>
    tpu.wait_dma2 semaphore(%arg10 : memref<!tpu.dma_semaphore, #tpu.memory_space<semaphore_mem>>) src(%arg6 : memref<48x1024xf32, #tpu.memory_space<vmem>>) dst(%dma_wait3A_31 : memref<48x1024xf32, #tpu.memory_space<hbm>>)
    %dma_start3A_32 = arith.constant 2 : i32
    %dma_start3A_33 = arith.constant 0 : i32
    %dma_start3A_34 = tpu.memref_slice %arg5[%dma_start3A_32, %dma_start3A_33] : memref<12x48xi32, #tpu.memory_space<vmem>> -> memref<1x48xi32, #tpu.memory_space<vmem>>
    %dma_start3A_35 = tpu.memref_squeeze %dma_start3A_34 : memref<1x48xi32, #tpu.memory_space<vmem>> -> memref<48xi32, #tpu.memory_space<vmem>>
    %dma_start3A_36 = arith.constant 0 : i32
    %dma_start3A_37 = arith.constant 0 : i32
    %dma_start3A_38 = tpu.memref_slice %arg3[%dma_start3A_36, %dma_start3A_37] : memref<8192x1024xf32, #tpu.memory_space<hbm>> -> memref<8192x1024xf32, #tpu.memory_space<hbm>>
    tpu.enqueue_indirect_dma source(%dma_start3A_38 : memref<8192x1024xf32, #tpu.memory_space<hbm>>) target(%arg6 : memref<48x1024xf32, #tpu.memory_space<vmem>>) offsets(%dma_start3A_35 : memref<48xi32, #tpu.memory_space<vmem>>) semaphore(%arg8 : memref<!tpu.dma_semaphore, #tpu.memory_space<semaphore_mem>>)
    %dma_wait3A_39 = arith.constant 1 : i32
    %dma_wait3A_40 = arith.constant 0 : i32
    %dma_wait3A_41 = tpu.memref_slice %arg5[%dma_wait3A_39, %dma_wait3A_40] : memref<12x48xi32, #tpu.memory_space<vmem>> -> memref<1x48xi32, #tpu.memory_space<vmem>>
    %dma_wait3A_42 = tpu.memref_squeeze %dma_wait3A_41 : memref<1x48xi32, #tpu.memory_space<vmem>> -> memref<48xi32, #tpu.memory_space<vmem>>
    %dma_wait3A_43 = arith.constant 0 : i32
    %dma_wait3A_44 = arith.constant 0 : i32
    %dma_wait3A_45 = tpu.memref_slice %arg3[%dma_wait3A_43, %dma_wait3A_44] : memref<8192x1024xf32, #tpu.memory_space<hbm>> -> memref<8192x1024xf32, #tpu.memory_space<hbm>>
    tpu.wait_indirect_dma semaphore(%arg9 : memref<!tpu.dma_semaphore, #tpu.memory_space<semaphore_mem>>) src(%dma_wait3A_45 : memref<8192x1024xf32, #tpu.memory_space<hbm>>) dst(%arg7 : memref<48x1024xf32, #tpu.memory_space<vmem>>)
    %add3A_46 = arith.constant 48 : i32
    %add3A_47 = arith.addi %mul3A_2, %add3A_46 : i32
    %dma_start3A_48 = arith.constant 0 : i32
    %dma_start3A_49 = tpu.memref_slice %arg4[%add3A_47, %dma_start3A_48] : memref<18432x1024xf32, #tpu.memory_space<hbm>> -> memref<48x1024xf32, #tpu.memory_space<hbm>>
    %dma_start3A_50 = arith.constant 0 : i32
    %dma_start3A_51 = tpu.memref_slice %arg4[%add3A_47, %dma_start3A_50] : memref<18432x1024xf32, #tpu.memory_space<hbm>> -> memref<48x1024xf32, #tpu.memory_space<hbm>>
    tpu.enqueue_dma source(%arg7 : memref<48x1024xf32, #tpu.memory_space<vmem>>) target(%dma_start3A_51 : memref<48x1024xf32, #tpu.memory_space<hbm>>) target_semaphore(%arg11 : memref<!tpu.dma_semaphore, #tpu.memory_space<semaphore_mem>>)
    %dma_wait3A_52 = arith.constant 0 : i32
    %dma_wait3A_53 = tpu.memref_slice %arg4[%add3A_47, %dma_wait3A_52] : memref<18432x1024xf32, #tpu.memory_space<hbm>> -> memref<48x1024xf32, #tpu.memory_space<hbm>>
    %dma_wait3A_54 = arith.constant 0 : i32
    %dma_wait3A_55 = tpu.memref_slice %arg4[%add3A_47, %dma_wait3A_54] : memref<18432x1024xf32, #tpu.memory_space<hbm>> -> memref<48x1024xf32, #tpu.memory_space<hbm>>
    tpu.wait_dma2 semaphore(%arg11 : memref<!tpu.dma_semaphore, #tpu.memory_space<semaphore_mem>>) src(%arg7 : memref<48x1024xf32, #tpu.memory_space<vmem>>) dst(%dma_wait3A_55 : memref<48x1024xf32, #tpu.memory_space<hbm>>)
    %dma_start3A_56 = arith.constant 3 : i32
    %dma_start3A_57 = arith.constant 0 : i32
    %dma_start3A_58 = tpu.memref_slice %arg5[%dma_start3A_56, %dma_start3A_57] : memref<12x48xi32, #tpu.memory_space<vmem>> -> memref<1x48xi32, #tpu.memory_space<vmem>>
    %dma_start3A_59 = tpu.memref_squeeze %dma_start3A_58 : memref<1x48xi32, #tpu.memory_space<vmem>> -> memref<48xi32, #tpu.memory_space<vmem>>
    %dma_start3A_60 = arith.constant 0 : i32
    %dma_start3A_61 = arith.constant 0 : i32
    %dma_start3A_62 = tpu.memref_slice %arg3[%dma_start3A_60, %dma_start3A_61] : memref<8192x1024xf32, #tpu.memory_space<hbm>> -> memref<8192x1024xf32, #tpu.memory_space<hbm>>
    tpu.enqueue_indirect_dma source(%dma_start3A_62 : memref<8192x1024xf32, #tpu.memory_space<hbm>>) target(%arg7 : memref<48x1024xf32, #tpu.memory_space<vmem>>) offsets(%dma_start3A_59 : memref<48xi32, #tpu.memory_space<vmem>>) semaphore(%arg9 : memref<!tpu.dma_semaphore, #tpu.memory_space<semaphore_mem>>)
    %dma_wait3A_63 = arith.constant 2 : i32
    %dma_wait3A_64 = arith.constant 0 : i32
    %dma_wait3A_65 = tpu.memref_slice %arg5[%dma_wait3A_63, %dma_wait3A_64] : memref<12x48xi32, #tpu.memory_space<vmem>> -> memref<1x48xi32, #tpu.memory_space<vmem>>
    %dma_wait3A_66 = tpu.memref_squeeze %dma_wait3A_65 : memref<1x48xi32, #tpu.memory_space<vmem>> -> memref<48xi32, #tpu.memory_space<vmem>>
    %dma_wait3A_67 = arith.constant 0 : i32
    %dma_wait3A_68 = arith.constant 0 : i32
    %dma_wait3A_69 = tpu.memref_slice %arg3[%dma_wait3A_67, %dma_wait3A_68] : memref<8192x1024xf32, #tpu.memory_space<hbm>> -> memref<8192x1024xf32, #tpu.memory_space<hbm>>
    tpu.wait_indirect_dma semaphore(%arg8 : memref<!tpu.dma_semaphore, #tpu.memory_space<semaphore_mem>>) src(%dma_wait3A_69 : memref<8192x1024xf32, #tpu.memory_space<hbm>>) dst(%arg6 : memref<48x1024xf32, #tpu.memory_space<vmem>>)
    %add3A_70 = arith.constant 96 : i32
    %add3A_71 = arith.addi %mul3A_2, %add3A_70 : i32
    %dma_start3A_72 = arith.constant 0 : i32
    %dma_start3A_73 = tpu.memref_slice %arg4[%add3A_71, %dma_start3A_72] : memref<18432x1024xf32, #tpu.memory_space<hbm>> -> memref<48x1024xf32, #tpu.memory_space<hbm>>
    %dma_start3A_74 = arith.constant 0 : i32
    %dma_start3A_75 = tpu.memref_slice %arg4[%add3A_71, %dma_start3A_74] : memref<18432x1024xf32, #tpu.memory_space<hbm>> -> memref<48x1024xf32, #tpu.memory_space<hbm>>
    tpu.enqueue_dma source(%arg6 : memref<48x1024xf32, #tpu.memory_space<vmem>>) target(%dma_start3A_75 : memref<48x1024xf32, #tpu.memory_space<hbm>>) target_semaphore(%arg10 : memref<!tpu.dma_semaphore, #tpu.memory_space<semaphore_mem>>)
    %dma_wait3A_76 = arith.constant 0 : i32
    %dma_wait3A_77 = tpu.memref_slice %arg4[%add3A_71, %dma_wait3A_76] : memref<18432x1024xf32, #tpu.memory_space<hbm>> -> memref<48x1024xf32, #tpu.memory_space<hbm>>
    %dma_wait3A_78 = arith.constant 0 : i32
    %dma_wait3A_79 = tpu.memref_slice %arg4[%add3A_71, %dma_wait3A_78] : memref<18432x1024xf32, #tpu.memory_space<hbm>> -> memref<48x1024xf32, #tpu.memory_space<hbm>>
    tpu.wait_dma2 semaphore(%arg10 : memref<!tpu.dma_semaphore, #tpu.memory_space<semaphore_mem>>) src(%arg6 : memref<48x1024xf32, #tpu.memory_space<vmem>>) dst(%dma_wait3A_79 : memref<48x1024xf32, #tpu.memory_space<hbm>>)
    %dma_start3A_80 = arith.constant 4 : i32
    %dma_start3A_81 = arith.constant 0 : i32
    %dma_start3A_82 = tpu.memref_slice %arg5[%dma_start3A_80, %dma_start3A_81] : memref<12x48xi32, #tpu.memory_space<vmem>> -> memref<1x48xi32, #tpu.memory_space<vmem>>
    %dma_start3A_83 = tpu.memref_squeeze %dma_start3A_82 : memref<1x48xi32, #tpu.memory_space<vmem>> -> memref<48xi32, #tpu.memory_space<vmem>>
    %dma_start3A_84 = arith.constant 0 : i32
    %dma_start3A_85 = arith.constant 0 : i32
    %dma_start3A_86 = tpu.memref_slice %arg3[%dma_start3A_84, %dma_start3A_85] : memref<8192x1024xf32, #tpu.memory_space<hbm>> -> memref<8192x1024xf32, #tpu.memory_space<hbm>>
    tpu.enqueue_indirect_dma source(%dma_start3A_86 : memref<8192x1024xf32, #tpu.memory_space<hbm>>) target(%arg6 : memref<48x1024xf32, #tpu.memory_space<vmem>>) offsets(%dma_start3A_83 : memref<48xi32, #tpu.memory_space<vmem>>) semaphore(%arg8 : memref<!tpu.dma_semaphore, #tpu.memory_space<semaphore_mem>>)
    %dma_wait3A_87 = arith.constant 3 : i32
    %dma_wait3A_88 = arith.constant 0 : i32
    %dma_wait3A_89 = tpu.memref_slice %arg5[%dma_wait3A_87, %dma_wait3A_88] : memref<12x48xi32, #tpu.memory_space<vmem>> -> memref<1x48xi32, #tpu.memory_space<vmem>>
    %dma_wait3A_90 = tpu.memref_squeeze %dma_wait3A_89 : memref<1x48xi32, #tpu.memory_space<vmem>> -> memref<48xi32, #tpu.memory_space<vmem>>
    %dma_wait3A_91 = arith.constant 0 : i32
    %dma_wait3A_92 = arith.constant 0 : i32
    %dma_wait3A_93 = tpu.memref_slice %arg3[%dma_wait3A_91, %dma_wait3A_92] : memref<8192x1024xf32, #tpu.memory_space<hbm>> -> memref<8192x1024xf32, #tpu.memory_space<hbm>>
    tpu.wait_indirect_dma semaphore(%arg9 : memref<!tpu.dma_semaphore, #tpu.memory_space<semaphore_mem>>) src(%dma_wait3A_93 : memref<8192x1024xf32, #tpu.memory_space<hbm>>) dst(%arg7 : memref<48x1024xf32, #tpu.memory_space<vmem>>)
    %add3A_94 = arith.constant 144 : i32
    %add3A_95 = arith.addi %mul3A_2, %add3A_94 : i32
    %dma_start3A_96 = arith.constant 0 : i32
    %dma_start3A_97 = tpu.memref_slice %arg4[%add3A_95, %dma_start3A_96] : memref<18432x1024xf32, #tpu.memory_space<hbm>> -> memref<48x1024xf32, #tpu.memory_space<hbm>>
    %dma_start3A_98 = arith.constant 0 : i32
    %dma_start3A_99 = tpu.memref_slice %arg4[%add3A_95, %dma_start3A_98] : memref<18432x1024xf32, #tpu.memory_space<hbm>> -> memref<48x1024xf32, #tpu.memory_space<hbm>>
    tpu.enqueue_dma source(%arg7 : memref<48x1024xf32, #tpu.memory_space<vmem>>) target(%dma_start3A_99 : memref<48x1024xf32, #tpu.memory_space<hbm>>) target_semaphore(%arg11 : memref<!tpu.dma_semaphore, #tpu.memory_space<semaphore_mem>>)
    %dma_wait3A_100 = arith.constant 0 : i32
    %dma_wait3A_101 = tpu.memref_slice %arg4[%add3A_95, %dma_wait3A_100] : memref<18432x1024xf32, #tpu.memory_space<hbm>> -> memref<48x1024xf32, #tpu.memory_space<hbm>>
    %dma_wait3A_102 = arith.constant 0 : i32
    %dma_wait3A_103 = tpu.memref_slice %arg4[%add3A_95, %dma_wait3A_102] : memref<18432x1024xf32, #tpu.memory_space<hbm>> -> memref<48x1024xf32, #tpu.memory_space<hbm>>
    tpu.wait_dma2 semaphore(%arg11 : memref<!tpu.dma_semaphore, #tpu.memory_space<semaphore_mem>>) src(%arg7 : memref<48x1024xf32, #tpu.memory_space<vmem>>) dst(%dma_wait3A_103 : memref<48x1024xf32, #tpu.memory_space<hbm>>)
    %dma_start3A_104 = arith.constant 5 : i32
    %dma_start3A_105 = arith.constant 0 : i32
    %dma_start3A_106 = tpu.memref_slice %arg5[%dma_start3A_104, %dma_start3A_105] : memref<12x48xi32, #tpu.memory_space<vmem>> -> memref<1x48xi32, #tpu.memory_space<vmem>>
    %dma_start3A_107 = tpu.memref_squeeze %dma_start3A_106 : memref<1x48xi32, #tpu.memory_space<vmem>> -> memref<48xi32, #tpu.memory_space<vmem>>
    %dma_start3A_108 = arith.constant 0 : i32
    %dma_start3A_109 = arith.constant 0 : i32
    %dma_start3A_110 = tpu.memref_slice %arg3[%dma_start3A_108, %dma_start3A_109] : memref<8192x1024xf32, #tpu.memory_space<hbm>> -> memref<8192x1024xf32, #tpu.memory_space<hbm>>
    tpu.enqueue_indirect_dma source(%dma_start3A_110 : memref<8192x1024xf32, #tpu.memory_space<hbm>>) target(%arg7 : memref<48x1024xf32, #tpu.memory_space<vmem>>) offsets(%dma_start3A_107 : memref<48xi32, #tpu.memory_space<vmem>>) semaphore(%arg9 : memref<!tpu.dma_semaphore, #tpu.memory_space<semaphore_mem>>)
    %dma_wait3A_111 = arith.constant 4 : i32
    %dma_wait3A_112 = arith.constant 0 : i32
    %dma_wait3A_113 = tpu.memref_slice %arg5[%dma_wait3A_111, %dma_wait3A_112] : memref<12x48xi32, #tpu.memory_space<vmem>> -> memref<1x48xi32, #tpu.memory_space<vmem>>
    %dma_wait3A_114 = tpu.memref_squeeze %dma_wait3A_113 : memref<1x48xi32, #tpu.memory_space<vmem>> -> memref<48xi32, #tpu.memory_space<vmem>>
    %dma_wait3A_115 = arith.constant 0 : i32
    %dma_wait3A_116 = arith.constant 0 : i32
    %dma_wait3A_117 = tpu.memref_slice %arg3[%dma_wait3A_115, %dma_wait3A_116] : memref<8192x1024xf32, #tpu.memory_space<hbm>> -> memref<8192x1024xf32, #tpu.memory_space<hbm>>
    tpu.wait_indirect_dma semaphore(%arg8 : memref<!tpu.dma_semaphore, #tpu.memory_space<semaphore_mem>>) src(%dma_wait3A_117 : memref<8192x1024xf32, #tpu.memory_space<hbm>>) dst(%arg6 : memref<48x1024xf32, #tpu.memory_space<vmem>>)
    %add3A_118 = arith.constant 192 : i32
    %add3A_119 = arith.addi %mul3A_2, %add3A_118 : i32
    %dma_start3A_120 = arith.constant 0 : i32
    %dma_start3A_121 = tpu.memref_slice %arg4[%add3A_119, %dma_start3A_120] : memref<18432x1024xf32, #tpu.memory_space<hbm>> -> memref<48x1024xf32, #tpu.memory_space<hbm>>
    %dma_start3A_122 = arith.constant 0 : i32
    %dma_start3A_123 = tpu.memref_slice %arg4[%add3A_119, %dma_start3A_122] : memref<18432x1024xf32, #tpu.memory_space<hbm>> -> memref<48x1024xf32, #tpu.memory_space<hbm>>
    tpu.enqueue_dma source(%arg6 : memref<48x1024xf32, #tpu.memory_space<vmem>>) target(%dma_start3A_123 : memref<48x1024xf32, #tpu.memory_space<hbm>>) target_semaphore(%arg10 : memref<!tpu.dma_semaphore, #tpu.memory_space<semaphore_mem>>)
    %dma_wait3A_124 = arith.constant 0 : i32
    %dma_wait3A_125 = tpu.memref_slice %arg4[%add3A_119, %dma_wait3A_124] : memref<18432x1024xf32, #tpu.memory_space<hbm>> -> memref<48x1024xf32, #tpu.memory_space<hbm>>
    %dma_wait3A_126 = arith.constant 0 : i32
    %dma_wait3A_127 = tpu.memref_slice %arg4[%add3A_119, %dma_wait3A_126] : memref<18432x1024xf32, #tpu.memory_space<hbm>> -> memref<48x1024xf32, #tpu.memory_space<hbm>>
    tpu.wait_dma2 semaphore(%arg10 : memref<!tpu.dma_semaphore, #tpu.memory_space<semaphore_mem>>) src(%arg6 : memref<48x1024xf32, #tpu.memory_space<vmem>>) dst(%dma_wait3A_127 : memref<48x1024xf32, #tpu.memory_space<hbm>>)
    %dma_start3A_128 = arith.constant 6 : i32
    %dma_start3A_129 = arith.constant 0 : i32
    %dma_start3A_130 = tpu.memref_slice %arg5[%dma_start3A_128, %dma_start3A_129] : memref<12x48xi32, #tpu.memory_space<vmem>> -> memref<1x48xi32, #tpu.memory_space<vmem>>
    %dma_start3A_131 = tpu.memref_squeeze %dma_start3A_130 : memref<1x48xi32, #tpu.memory_space<vmem>> -> memref<48xi32, #tpu.memory_space<vmem>>
    %dma_start3A_132 = arith.constant 0 : i32
    %dma_start3A_133 = arith.constant 0 : i32
    %dma_start3A_134 = tpu.memref_slice %arg3[%dma_start3A_132, %dma_start3A_133] : memref<8192x1024xf32, #tpu.memory_space<hbm>> -> memref<8192x1024xf32, #tpu.memory_space<hbm>>
    tpu.enqueue_indirect_dma source(%dma_start3A_134 : memref<8192x1024xf32, #tpu.memory_space<hbm>>) target(%arg6 : memref<48x1024xf32, #tpu.memory_space<vmem>>) offsets(%dma_start3A_131 : memref<48xi32, #tpu.memory_space<vmem>>) semaphore(%arg8 : memref<!tpu.dma_semaphore, #tpu.memory_space<semaphore_mem>>)
    %dma_wait3A_135 = arith.constant 5 : i32
    %dma_wait3A_136 = arith.constant 0 : i32
    %dma_wait3A_137 = tpu.memref_slice %arg5[%dma_wait3A_135, %dma_wait3A_136] : memref<12x48xi32, #tpu.memory_space<vmem>> -> memref<1x48xi32, #tpu.memory_space<vmem>>
    %dma_wait3A_138 = tpu.memref_squeeze %dma_wait3A_137 : memref<1x48xi32, #tpu.memory_space<vmem>> -> memref<48xi32, #tpu.memory_space<vmem>>
    %dma_wait3A_139 = arith.constant 0 : i32
    %dma_wait3A_140 = arith.constant 0 : i32
    %dma_wait3A_141 = tpu.memref_slice %arg3[%dma_wait3A_139, %dma_wait3A_140] : memref<8192x1024xf32, #tpu.memory_space<hbm>> -> memref<8192x1024xf32, #tpu.memory_space<hbm>>
    tpu.wait_indirect_dma semaphore(%arg9 : memref<!tpu.dma_semaphore, #tpu.memory_space<semaphore_mem>>) src(%dma_wait3A_141 : memref<8192x1024xf32, #tpu.memory_space<hbm>>) dst(%arg7 : memref<48x1024xf32, #tpu.memory_space<vmem>>)
    %add3A_142 = arith.constant 240 : i32
    %add3A_143 = arith.addi %mul3A_2, %add3A_142 : i32
    %dma_start3A_144 = arith.constant 0 : i32
    %dma_start3A_145 = tpu.memref_slice %arg4[%add3A_143, %dma_start3A_144] : memref<18432x1024xf32, #tpu.memory_space<hbm>> -> memref<48x1024xf32, #tpu.memory_space<hbm>>
    %dma_start3A_146 = arith.constant 0 : i32
    %dma_start3A_147 = tpu.memref_slice %arg4[%add3A_143, %dma_start3A_146] : memref<18432x1024xf32, #tpu.memory_space<hbm>> -> memref<48x1024xf32, #tpu.memory_space<hbm>>
    tpu.enqueue_dma source(%arg7 : memref<48x1024xf32, #tpu.memory_space<vmem>>) target(%dma_start3A_147 : memref<48x1024xf32, #tpu.memory_space<hbm>>) target_semaphore(%arg11 : memref<!tpu.dma_semaphore, #tpu.memory_space<semaphore_mem>>)
    %dma_wait3A_148 = arith.constant 0 : i32
    %dma_wait3A_149 = tpu.memref_slice %arg4[%add3A_143, %dma_wait3A_148] : memref<18432x1024xf32, #tpu.memory_space<hbm>> -> memref<48x1024xf32, #tpu.memory_space<hbm>>
    %dma_wait3A_150 = arith.constant 0 : i32
    %dma_wait3A_151 = tpu.memref_slice %arg4[%add3A_143, %dma_wait3A_150] : memref<18432x1024xf32, #tpu.memory_space<hbm>> -> memref<48x1024xf32, #tpu.memory_space<hbm>>
    tpu.wait_dma2 semaphore(%arg11 : memref<!tpu.dma_semaphore, #tpu.memory_space<semaphore_mem>>) src(%arg7 : memref<48x1024xf32, #tpu.memory_space<vmem>>) dst(%dma_wait3A_151 : memref<48x1024xf32, #tpu.memory_space<hbm>>)
    %dma_start3A_152 = arith.constant 7 : i32
    %dma_start3A_153 = arith.constant 0 : i32
    %dma_start3A_154 = tpu.memref_slice %arg5[%dma_start3A_152, %dma_start3A_153] : memref<12x48xi32, #tpu.memory_space<vmem>> -> memref<1x48xi32, #tpu.memory_space<vmem>>
    %dma_start3A_155 = tpu.memref_squeeze %dma_start3A_154 : memref<1x48xi32, #tpu.memory_space<vmem>> -> memref<48xi32, #tpu.memory_space<vmem>>
    %dma_start3A_156 = arith.constant 0 : i32
    %dma_start3A_157 = arith.constant 0 : i32
    %dma_start3A_158 = tpu.memref_slice %arg3[%dma_start3A_156, %dma_start3A_157] : memref<8192x1024xf32, #tpu.memory_space<hbm>> -> memref<8192x1024xf32, #tpu.memory_space<hbm>>
    tpu.enqueue_indirect_dma source(%dma_start3A_158 : memref<8192x1024xf32, #tpu.memory_space<hbm>>) target(%arg7 : memref<48x1024xf32, #tpu.memory_space<vmem>>) offsets(%dma_start3A_155 : memref<48xi32, #tpu.memory_space<vmem>>) semaphore(%arg9 : memref<!tpu.dma_semaphore, #tpu.memory_space<semaphore_mem>>)
    %dma_wait3A_159 = arith.constant 6 : i32
    %dma_wait3A_160 = arith.constant 0 : i32
    %dma_wait3A_161 = tpu.memref_slice %arg5[%dma_wait3A_159, %dma_wait3A_160] : memref<12x48xi32, #tpu.memory_space<vmem>> -> memref<1x48xi32, #tpu.memory_space<vmem>>
    %dma_wait3A_162 = tpu.memref_squeeze %dma_wait3A_161 : memref<1x48xi32, #tpu.memory_space<vmem>> -> memref<48xi32, #tpu.memory_space<vmem>>
    %dma_wait3A_163 = arith.constant 0 : i32
    %dma_wait3A_164 = arith.constant 0 : i32
    %dma_wait3A_165 = tpu.memref_slice %arg3[%dma_wait3A_163, %dma_wait3A_164] : memref<8192x1024xf32, #tpu.memory_space<hbm>> -> memref<8192x1024xf32, #tpu.memory_space<hbm>>
    tpu.wait_indirect_dma semaphore(%arg8 : memref<!tpu.dma_semaphore, #tpu.memory_space<semaphore_mem>>) src(%dma_wait3A_165 : memref<8192x1024xf32, #tpu.memory_space<hbm>>) dst(%arg6 : memref<48x1024xf32, #tpu.memory_space<vmem>>)
    %add3A_166 = arith.constant 288 : i32
    %add3A_167 = arith.addi %mul3A_2, %add3A_166 : i32
    %dma_start3A_168 = arith.constant 0 : i32
    %dma_start3A_169 = tpu.memref_slice %arg4[%add3A_167, %dma_start3A_168] : memref<18432x1024xf32, #tpu.memory_space<hbm>> -> memref<48x1024xf32, #tpu.memory_space<hbm>>
    %dma_start3A_170 = arith.constant 0 : i32
    %dma_start3A_171 = tpu.memref_slice %arg4[%add3A_167, %dma_start3A_170] : memref<18432x1024xf32, #tpu.memory_space<hbm>> -> memref<48x1024xf32, #tpu.memory_space<hbm>>
    tpu.enqueue_dma source(%arg6 : memref<48x1024xf32, #tpu.memory_space<vmem>>) target(%dma_start3A_171 : memref<48x1024xf32, #tpu.memory_space<hbm>>) target_semaphore(%arg10 : memref<!tpu.dma_semaphore, #tpu.memory_space<semaphore_mem>>)
    %dma_wait3A_172 = arith.constant 0 : i32
    %dma_wait3A_173 = tpu.memref_slice %arg4[%add3A_167, %dma_wait3A_172] : memref<18432x1024xf32, #tpu.memory_space<hbm>> -> memref<48x1024xf32, #tpu.memory_space<hbm>>
    %dma_wait3A_174 = arith.constant 0 : i32
    %dma_wait3A_175 = tpu.memref_slice %arg4[%add3A_167, %dma_wait3A_174] : memref<18432x1024xf32, #tpu.memory_space<hbm>> -> memref<48x1024xf32, #tpu.memory_space<hbm>>
    tpu.wait_dma2 semaphore(%arg10 : memref<!tpu.dma_semaphore, #tpu.memory_space<semaphore_mem>>) src(%arg6 : memref<48x1024xf32, #tpu.memory_space<vmem>>) dst(%dma_wait3A_175 : memref<48x1024xf32, #tpu.memory_space<hbm>>)
    %dma_start3A_176 = arith.constant 8 : i32
    %dma_start3A_177 = arith.constant 0 : i32
    %dma_start3A_178 = tpu.memref_slice %arg5[%dma_start3A_176, %dma_start3A_177] : memref<12x48xi32, #tpu.memory_space<vmem>> -> memref<1x48xi32, #tpu.memory_space<vmem>>
    %dma_start3A_179 = tpu.memref_squeeze %dma_start3A_178 : memref<1x48xi32, #tpu.memory_space<vmem>> -> memref<48xi32, #tpu.memory_space<vmem>>
    %dma_start3A_180 = arith.constant 0 : i32
    %dma_start3A_181 = arith.constant 0 : i32
    %dma_start3A_182 = tpu.memref_slice %arg3[%dma_start3A_180, %dma_start3A_181] : memref<8192x1024xf32, #tpu.memory_space<hbm>> -> memref<8192x1024xf32, #tpu.memory_space<hbm>>
    tpu.enqueue_indirect_dma source(%dma_start3A_182 : memref<8192x1024xf32, #tpu.memory_space<hbm>>) target(%arg6 : memref<48x1024xf32, #tpu.memory_space<vmem>>) offsets(%dma_start3A_179 : memref<48xi32, #tpu.memory_space<vmem>>) semaphore(%arg8 : memref<!tpu.dma_semaphore, #tpu.memory_space<semaphore_mem>>)
    %dma_wait3A_183 = arith.constant 7 : i32
    %dma_wait3A_184 = arith.constant 0 : i32
    %dma_wait3A_185 = tpu.memref_slice %arg5[%dma_wait3A_183, %dma_wait3A_184] : memref<12x48xi32, #tpu.memory_space<vmem>> -> memref<1x48xi32, #tpu.memory_space<vmem>>
    %dma_wait3A_186 = tpu.memref_squeeze %dma_wait3A_185 : memref<1x48xi32, #tpu.memory_space<vmem>> -> memref<48xi32, #tpu.memory_space<vmem>>
    %dma_wait3A_187 = arith.constant 0 : i32
    %dma_wait3A_188 = arith.constant 0 : i32
    %dma_wait3A_189 = tpu.memref_slice %arg3[%dma_wait3A_187, %dma_wait3A_188] : memref<8192x1024xf32, #tpu.memory_space<hbm>> -> memref<8192x1024xf32, #tpu.memory_space<hbm>>
    tpu.wait_indirect_dma semaphore(%arg9 : memref<!tpu.dma_semaphore, #tpu.memory_space<semaphore_mem>>) src(%dma_wait3A_189 : memref<8192x1024xf32, #tpu.memory_space<hbm>>) dst(%arg7 : memref<48x1024xf32, #tpu.memory_space<vmem>>)
    %add3A_190 = arith.constant 336 : i32
    %add3A_191 = arith.addi %mul3A_2, %add3A_190 : i32
    %dma_start3A_192 = arith.constant 0 : i32
    %dma_start3A_193 = tpu.memref_slice %arg4[%add3A_191, %dma_start3A_192] : memref<18432x1024xf32, #tpu.memory_space<hbm>> -> memref<48x1024xf32, #tpu.memory_space<hbm>>
    %dma_start3A_194 = arith.constant 0 : i32
    %dma_start3A_195 = tpu.memref_slice %arg4[%add3A_191, %dma_start3A_194] : memref<18432x1024xf32, #tpu.memory_space<hbm>> -> memref<48x1024xf32, #tpu.memory_space<hbm>>
    tpu.enqueue_dma source(%arg7 : memref<48x1024xf32, #tpu.memory_space<vmem>>) target(%dma_start3A_195 : memref<48x1024xf32, #tpu.memory_space<hbm>>) target_semaphore(%arg11 : memref<!tpu.dma_semaphore, #tpu.memory_space<semaphore_mem>>)
    %dma_wait3A_196 = arith.constant 0 : i32
    %dma_wait3A_197 = tpu.memref_slice %arg4[%add3A_191, %dma_wait3A_196] : memref<18432x1024xf32, #tpu.memory_space<hbm>> -> memref<48x1024xf32, #tpu.memory_space<hbm>>
    %dma_wait3A_198 = arith.constant 0 : i32
    %dma_wait3A_199 = tpu.memref_slice %arg4[%add3A_191, %dma_wait3A_198] : memref<18432x1024xf32, #tpu.memory_space<hbm>> -> memref<48x1024xf32, #tpu.memory_space<hbm>>
    tpu.wait_dma2 semaphore(%arg11 : memref<!tpu.dma_semaphore, #tpu.memory_space<semaphore_mem>>) src(%arg7 : memref<48x1024xf32, #tpu.memory_space<vmem>>) dst(%dma_wait3A_199 : memref<48x1024xf32, #tpu.memory_space<hbm>>)
    %dma_start3A_200 = arith.constant 9 : i32
    %dma_start3A_201 = arith.constant 0 : i32
    %dma_start3A_202 = tpu.memref_slice %arg5[%dma_start3A_200, %dma_start3A_201] : memref<12x48xi32, #tpu.memory_space<vmem>> -> memref<1x48xi32, #tpu.memory_space<vmem>>
    %dma_start3A_203 = tpu.memref_squeeze %dma_start3A_202 : memref<1x48xi32, #tpu.memory_space<vmem>> -> memref<48xi32, #tpu.memory_space<vmem>>
    %dma_start3A_204 = arith.constant 0 : i32
    %dma_start3A_205 = arith.constant 0 : i32
    %dma_start3A_206 = tpu.memref_slice %arg3[%dma_start3A_204, %dma_start3A_205] : memref<8192x1024xf32, #tpu.memory_space<hbm>> -> memref<8192x1024xf32, #tpu.memory_space<hbm>>
    tpu.enqueue_indirect_dma source(%dma_start3A_206 : memref<8192x1024xf32, #tpu.memory_space<hbm>>) target(%arg7 : memref<48x1024xf32, #tpu.memory_space<vmem>>) offsets(%dma_start3A_203 : memref<48xi32, #tpu.memory_space<vmem>>) semaphore(%arg9 : memref<!tpu.dma_semaphore, #tpu.memory_space<semaphore_mem>>)
    %dma_wait3A_207 = arith.constant 8 : i32
    %dma_wait3A_208 = arith.constant 0 : i32
    %dma_wait3A_209 = tpu.memref_slice %arg5[%dma_wait3A_207, %dma_wait3A_208] : memref<12x48xi32, #tpu.memory_space<vmem>> -> memref<1x48xi32, #tpu.memory_space<vmem>>
    %dma_wait3A_210 = tpu.memref_squeeze %dma_wait3A_209 : memref<1x48xi32, #tpu.memory_space<vmem>> -> memref<48xi32, #tpu.memory_space<vmem>>
    %dma_wait3A_211 = arith.constant 0 : i32
    %dma_wait3A_212 = arith.constant 0 : i32
    %dma_wait3A_213 = tpu.memref_slice %arg3[%dma_wait3A_211, %dma_wait3A_212] : memref<8192x1024xf32, #tpu.memory_space<hbm>> -> memref<8192x1024xf32, #tpu.memory_space<hbm>>
    tpu.wait_indirect_dma semaphore(%arg8 : memref<!tpu.dma_semaphore, #tpu.memory_space<semaphore_mem>>) src(%dma_wait3A_213 : memref<8192x1024xf32, #tpu.memory_space<hbm>>) dst(%arg6 : memref<48x1024xf32, #tpu.memory_space<vmem>>)
    %add3A_214 = arith.constant 384 : i32
    %add3A_215 = arith.addi %mul3A_2, %add3A_214 : i32
    %dma_start3A_216 = arith.constant 0 : i32
    %dma_start3A_217 = tpu.memref_slice %arg4[%add3A_215, %dma_start3A_216] : memref<18432x1024xf32, #tpu.memory_space<hbm>> -> memref<48x1024xf32, #tpu.memory_space<hbm>>
    %dma_start3A_218 = arith.constant 0 : i32
    %dma_start3A_219 = tpu.memref_slice %arg4[%add3A_215, %dma_start3A_218] : memref<18432x1024xf32, #tpu.memory_space<hbm>> -> memref<48x1024xf32, #tpu.memory_space<hbm>>
    tpu.enqueue_dma source(%arg6 : memref<48x1024xf32, #tpu.memory_space<vmem>>) target(%dma_start3A_219 : memref<48x1024xf32, #tpu.memory_space<hbm>>) target_semaphore(%arg10 : memref<!tpu.dma_semaphore, #tpu.memory_space<semaphore_mem>>)
    %dma_wait3A_220 = arith.constant 0 : i32
    %dma_wait3A_221 = tpu.memref_slice %arg4[%add3A_215, %dma_wait3A_220] : memref<18432x1024xf32, #tpu.memory_space<hbm>> -> memref<48x1024xf32, #tpu.memory_space<hbm>>
    %dma_wait3A_222 = arith.constant 0 : i32
    %dma_wait3A_223 = tpu.memref_slice %arg4[%add3A_215, %dma_wait3A_222] : memref<18432x1024xf32, #tpu.memory_space<hbm>> -> memref<48x1024xf32, #tpu.memory_space<hbm>>
    tpu.wait_dma2 semaphore(%arg10 : memref<!tpu.dma_semaphore, #tpu.memory_space<semaphore_mem>>) src(%arg6 : memref<48x1024xf32, #tpu.memory_space<vmem>>) dst(%dma_wait3A_223 : memref<48x1024xf32, #tpu.memory_space<hbm>>)
    %dma_start3A_224 = arith.constant 10 : i32
    %dma_start3A_225 = arith.constant 0 : i32
    %dma_start3A_226 = tpu.memref_slice %arg5[%dma_start3A_224, %dma_start3A_225] : memref<12x48xi32, #tpu.memory_space<vmem>> -> memref<1x48xi32, #tpu.memory_space<vmem>>
    %dma_start3A_227 = tpu.memref_squeeze %dma_start3A_226 : memref<1x48xi32, #tpu.memory_space<vmem>> -> memref<48xi32, #tpu.memory_space<vmem>>
    %dma_start3A_228 = arith.constant 0 : i32
    %dma_start3A_229 = arith.constant 0 : i32
    %dma_start3A_230 = tpu.memref_slice %arg3[%dma_start3A_228, %dma_start3A_229] : memref<8192x1024xf32, #tpu.memory_space<hbm>> -> memref<8192x1024xf32, #tpu.memory_space<hbm>>
    tpu.enqueue_indirect_dma source(%dma_start3A_230 : memref<8192x1024xf32, #tpu.memory_space<hbm>>) target(%arg6 : memref<48x1024xf32, #tpu.memory_space<vmem>>) offsets(%dma_start3A_227 : memref<48xi32, #tpu.memory_space<vmem>>) semaphore(%arg8 : memref<!tpu.dma_semaphore, #tpu.memory_space<semaphore_mem>>)
    %dma_wait3A_231 = arith.constant 9 : i32
    %dma_wait3A_232 = arith.constant 0 : i32
    %dma_wait3A_233 = tpu.memref_slice %arg5[%dma_wait3A_231, %dma_wait3A_232] : memref<12x48xi32, #tpu.memory_space<vmem>> -> memref<1x48xi32, #tpu.memory_space<vmem>>
    %dma_wait3A_234 = tpu.memref_squeeze %dma_wait3A_233 : memref<1x48xi32, #tpu.memory_space<vmem>> -> memref<48xi32, #tpu.memory_space<vmem>>
    %dma_wait3A_235 = arith.constant 0 : i32
    %dma_wait3A_236 = arith.constant 0 : i32
    %dma_wait3A_237 = tpu.memref_slice %arg3[%dma_wait3A_235, %dma_wait3A_236] : memref<8192x1024xf32, #tpu.memory_space<hbm>> -> memref<8192x1024xf32, #tpu.memory_space<hbm>>
    tpu.wait_indirect_dma semaphore(%arg9 : memref<!tpu.dma_semaphore, #tpu.memory_space<semaphore_mem>>) src(%dma_wait3A_237 : memref<8192x1024xf32, #tpu.memory_space<hbm>>) dst(%arg7 : memref<48x1024xf32, #tpu.memory_space<vmem>>)
    %add3A_238 = arith.constant 432 : i32
    %add3A_239 = arith.addi %mul3A_2, %add3A_238 : i32
    %dma_start3A_240 = arith.constant 0 : i32
    %dma_start3A_241 = tpu.memref_slice %arg4[%add3A_239, %dma_start3A_240] : memref<18432x1024xf32, #tpu.memory_space<hbm>> -> memref<48x1024xf32, #tpu.memory_space<hbm>>
    %dma_start3A_242 = arith.constant 0 : i32
    %dma_start3A_243 = tpu.memref_slice %arg4[%add3A_239, %dma_start3A_242] : memref<18432x1024xf32, #tpu.memory_space<hbm>> -> memref<48x1024xf32, #tpu.memory_space<hbm>>
    tpu.enqueue_dma source(%arg7 : memref<48x1024xf32, #tpu.memory_space<vmem>>) target(%dma_start3A_243 : memref<48x1024xf32, #tpu.memory_space<hbm>>) target_semaphore(%arg11 : memref<!tpu.dma_semaphore, #tpu.memory_space<semaphore_mem>>)
    %dma_wait3A_244 = arith.constant 0 : i32
    %dma_wait3A_245 = tpu.memref_slice %arg4[%add3A_239, %dma_wait3A_244] : memref<18432x1024xf32, #tpu.memory_space<hbm>> -> memref<48x1024xf32, #tpu.memory_space<hbm>>
    %dma_wait3A_246 = arith.constant 0 : i32
    %dma_wait3A_247 = tpu.memref_slice %arg4[%add3A_239, %dma_wait3A_246] : memref<18432x1024xf32, #tpu.memory_space<hbm>> -> memref<48x1024xf32, #tpu.memory_space<hbm>>
    tpu.wait_dma2 semaphore(%arg11 : memref<!tpu.dma_semaphore, #tpu.memory_space<semaphore_mem>>) src(%arg7 : memref<48x1024xf32, #tpu.memory_space<vmem>>) dst(%dma_wait3A_247 : memref<48x1024xf32, #tpu.memory_space<hbm>>)
    %dma_start3A_248 = arith.constant 11 : i32
    %dma_start3A_249 = arith.constant 0 : i32
    %dma_start3A_250 = tpu.memref_slice %arg5[%dma_start3A_248, %dma_start3A_249] : memref<12x48xi32, #tpu.memory_space<vmem>> -> memref<1x48xi32, #tpu.memory_space<vmem>>
    %dma_start3A_251 = tpu.memref_squeeze %dma_start3A_250 : memref<1x48xi32, #tpu.memory_space<vmem>> -> memref<48xi32, #tpu.memory_space<vmem>>
    %dma_start3A_252 = arith.constant 0 : i32
    %dma_start3A_253 = arith.constant 0 : i32
    %dma_start3A_254 = tpu.memref_slice %arg3[%dma_start3A_252, %dma_start3A_253] : memref<8192x1024xf32, #tpu.memory_space<hbm>> -> memref<8192x1024xf32, #tpu.memory_space<hbm>>
    tpu.enqueue_indirect_dma source(%dma_start3A_254 : memref<8192x1024xf32, #tpu.memory_space<hbm>>) target(%arg7 : memref<48x1024xf32, #tpu.memory_space<vmem>>) offsets(%dma_start3A_251 : memref<48xi32, #tpu.memory_space<vmem>>) semaphore(%arg9 : memref<!tpu.dma_semaphore, #tpu.memory_space<semaphore_mem>>)
    %dma_wait3A_255 = arith.constant 10 : i32
    %dma_wait3A_256 = arith.constant 0 : i32
    %dma_wait3A_257 = tpu.memref_slice %arg5[%dma_wait3A_255, %dma_wait3A_256] : memref<12x48xi32, #tpu.memory_space<vmem>> -> memref<1x48xi32, #tpu.memory_space<vmem>>
    %dma_wait3A_258 = tpu.memref_squeeze %dma_wait3A_257 : memref<1x48xi32, #tpu.memory_space<vmem>> -> memref<48xi32, #tpu.memory_space<vmem>>
    %dma_wait3A_259 = arith.constant 0 : i32
    %dma_wait3A_260 = arith.constant 0 : i32
    %dma_wait3A_261 = tpu.memref_slice %arg3[%dma_wait3A_259, %dma_wait3A_260] : memref<8192x1024xf32, #tpu.memory_space<hbm>> -> memref<8192x1024xf32, #tpu.memory_space<hbm>>
    tpu.wait_indirect_dma semaphore(%arg8 : memref<!tpu.dma_semaphore, #tpu.memory_space<semaphore_mem>>) src(%dma_wait3A_261 : memref<8192x1024xf32, #tpu.memory_space<hbm>>) dst(%arg6 : memref<48x1024xf32, #tpu.memory_space<vmem>>)
    %add3A_262 = arith.constant 480 : i32
    %add3A_263 = arith.addi %mul3A_2, %add3A_262 : i32
    %dma_start3A_264 = arith.constant 0 : i32
    %dma_start3A_265 = tpu.memref_slice %arg4[%add3A_263, %dma_start3A_264] : memref<18432x1024xf32, #tpu.memory_space<hbm>> -> memref<48x1024xf32, #tpu.memory_space<hbm>>
    %dma_start3A_266 = arith.constant 0 : i32
    %dma_start3A_267 = tpu.memref_slice %arg4[%add3A_263, %dma_start3A_266] : memref<18432x1024xf32, #tpu.memory_space<hbm>> -> memref<48x1024xf32, #tpu.memory_space<hbm>>
    tpu.enqueue_dma source(%arg6 : memref<48x1024xf32, #tpu.memory_space<vmem>>) target(%dma_start3A_267 : memref<48x1024xf32, #tpu.memory_space<hbm>>) target_semaphore(%arg10 : memref<!tpu.dma_semaphore, #tpu.memory_space<semaphore_mem>>)
    %dma_wait3A_268 = arith.constant 11 : i32
    %dma_wait3A_269 = arith.constant 0 : i32
    %dma_wait3A_270 = tpu.memref_slice %arg5[%dma_wait3A_268, %dma_wait3A_269] : memref<12x48xi32, #tpu.memory_space<vmem>> -> memref<1x48xi32, #tpu.memory_space<vmem>>
    %dma_wait3A_271 = tpu.memref_squeeze %dma_wait3A_270 : memref<1x48xi32, #tpu.memory_space<vmem>> -> memref<48xi32, #tpu.memory_space<vmem>>
    %dma_wait3A_272 = arith.constant 0 : i32
    %dma_wait3A_273 = arith.constant 0 : i32
    %dma_wait3A_274 = tpu.memref_slice %arg3[%dma_wait3A_272, %dma_wait3A_273] : memref<8192x1024xf32, #tpu.memory_space<hbm>> -> memref<8192x1024xf32, #tpu.memory_space<hbm>>
    tpu.wait_indirect_dma semaphore(%arg9 : memref<!tpu.dma_semaphore, #tpu.memory_space<semaphore_mem>>) src(%dma_wait3A_274 : memref<8192x1024xf32, #tpu.memory_space<hbm>>) dst(%arg7 : memref<48x1024xf32, #tpu.memory_space<vmem>>)
    %add3A_275 = arith.constant 528 : i32
    %add3A_276 = arith.addi %mul3A_2, %add3A_275 : i32
    %dma_start3A_277 = arith.constant 0 : i32
    %dma_start3A_278 = tpu.memref_slice %arg4[%add3A_276, %dma_start3A_277] : memref<18432x1024xf32, #tpu.memory_space<hbm>> -> memref<48x1024xf32, #tpu.memory_space<hbm>>
    %dma_start3A_279 = arith.constant 0 : i32
    %dma_start3A_280 = tpu.memref_slice %arg4[%add3A_276, %dma_start3A_279] : memref<18432x1024xf32, #tpu.memory_space<hbm>> -> memref<48x1024xf32, #tpu.memory_space<hbm>>
    tpu.enqueue_dma source(%arg7 : memref<48x1024xf32, #tpu.memory_space<vmem>>) target(%dma_start3A_280 : memref<48x1024xf32, #tpu.memory_space<hbm>>) target_semaphore(%arg11 : memref<!tpu.dma_semaphore, #tpu.memory_space<semaphore_mem>>)
    %dma_wait3A_281 = arith.constant 0 : i32
    %dma_wait3A_282 = tpu.memref_slice %arg4[%add3A_263, %dma_wait3A_281] : memref<18432x1024xf32, #tpu.memory_space<hbm>> -> memref<48x1024xf32, #tpu.memory_space<hbm>>
    %dma_wait3A_283 = arith.constant 0 : i32
    %dma_wait3A_284 = tpu.memref_slice %arg4[%add3A_263, %dma_wait3A_283] : memref<18432x1024xf32, #tpu.memory_space<hbm>> -> memref<48x1024xf32, #tpu.memory_space<hbm>>
    tpu.wait_dma2 semaphore(%arg10 : memref<!tpu.dma_semaphore, #tpu.memory_space<semaphore_mem>>) src(%arg6 : memref<48x1024xf32, #tpu.memory_space<vmem>>) dst(%dma_wait3A_284 : memref<48x1024xf32, #tpu.memory_space<hbm>>)
    %dma_wait3A_285 = arith.constant 0 : i32
    %dma_wait3A_286 = tpu.memref_slice %arg4[%add3A_276, %dma_wait3A_285] : memref<18432x1024xf32, #tpu.memory_space<hbm>> -> memref<48x1024xf32, #tpu.memory_space<hbm>>
    %dma_wait3A_287 = arith.constant 0 : i32
    %dma_wait3A_288 = tpu.memref_slice %arg4[%add3A_276, %dma_wait3A_287] : memref<18432x1024xf32, #tpu.memory_space<hbm>> -> memref<48x1024xf32, #tpu.memory_space<hbm>>
    tpu.wait_dma2 semaphore(%arg11 : memref<!tpu.dma_semaphore, #tpu.memory_space<semaphore_mem>>) src(%arg7 : memref<48x1024xf32, #tpu.memory_space<vmem>>) dst(%dma_wait3A_288 : memref<48x1024xf32, #tpu.memory_space<hbm>>)
    return
  }
}

#map = affine_map<(d0, d1) -> (0, 0, 0)>
#map1 = affine_map<(d0, d1) -> (0, 0)>
module attributes {stable_mosaic.version = 14 : i64} {
  func.func @sc_combine_gather(%arg0: i32, %arg1: i32, %arg2: memref<32x16x32xi32, #tpu.memory_space<hbm>>, %arg3: memref<18432x1024xf32, #tpu.memory_space<hbm>>, %arg4: memref<16384x1024xf32, #tpu.memory_space<hbm>>, %arg5: memref<16x32xi32, #tpu.memory_space<vmem>>, %arg6: memref<32x1024xf32, #tpu.memory_space<vmem>>, %arg7: memref<32x1024xf32, #tpu.memory_space<vmem>>, %arg8: memref<!tpu.dma_semaphore, #tpu.memory_space<semaphore_mem>>, %arg9: memref<!tpu.dma_semaphore, #tpu.memory_space<semaphore_mem>>, %arg10: memref<!tpu.dma_semaphore, #tpu.memory_space<semaphore_mem>>, %arg11: memref<!tpu.dma_semaphore, #tpu.memory_space<semaphore_mem>>) attributes {dimension_semantics = [#tpu.dimension_semantics<core_parallel>, #tpu.dimension_semantics<subcore_parallel>], iteration_bounds = array<i64: 2, 16>, scalar_prefetch = 0 : i64, scratch_operands = 7 : i64, tpu.core_type = #tpu.core_type<sc_vector_subcore>, window_params = [{transform_indices = #map}, {transform_indices = #map1}, {transform_indices = #map1}]} {
    %mul3A = arith.constant 2 : i32
    %mul3A_0 = arith.muli %arg1, %mul3A : i32
    %add3A = arith.addi %mul3A_0, %arg0 : i32
    %mul3A_1 = arith.constant 512 : i32
    %mul3A_2 = arith.muli %add3A, %mul3A_1 : i32
    "tpu.region"() ({
      %run_scoped3A = tpu.sem_alloc : memref<!tpu.dma_semaphore, #tpu.memory_space<semaphore_mem>>
      %dma_start3A_385 = arith.constant 0 : i32
      %dma_start3A_386 = arith.constant 0 : i32
      %dma_start3A_387 = tpu.memref_slice %arg2[%add3A, %dma_start3A_385, %dma_start3A_386] : memref<32x16x32xi32, #tpu.memory_space<hbm>> -> memref<1x16x32xi32, #tpu.memory_space<hbm>>
      %dma_start3A_388 = tpu.memref_squeeze %dma_start3A_387 : memref<1x16x32xi32, #tpu.memory_space<hbm>> -> memref<16x32xi32, #tpu.memory_space<hbm>>
      %dma_start3A_389 = arith.constant 0 : i32
      %dma_start3A_390 = arith.constant 0 : i32
      %dma_start3A_391 = tpu.memref_slice %arg2[%add3A, %dma_start3A_389, %dma_start3A_390] : memref<32x16x32xi32, #tpu.memory_space<hbm>> -> memref<1x16x32xi32, #tpu.memory_space<hbm>>
      %dma_start3A_392 = tpu.memref_squeeze %dma_start3A_391 : memref<1x16x32xi32, #tpu.memory_space<hbm>> -> memref<16x32xi32, #tpu.memory_space<hbm>>
      tpu.enqueue_dma source(%dma_start3A_392 : memref<16x32xi32, #tpu.memory_space<hbm>>) target(%arg5 : memref<16x32xi32, #tpu.memory_space<vmem>>) target_semaphore(%run_scoped3A : memref<!tpu.dma_semaphore, #tpu.memory_space<semaphore_mem>>)
      %dma_wait3A_393 = arith.constant 0 : i32
      %dma_wait3A_394 = arith.constant 0 : i32
      %dma_wait3A_395 = tpu.memref_slice %arg2[%add3A, %dma_wait3A_393, %dma_wait3A_394] : memref<32x16x32xi32, #tpu.memory_space<hbm>> -> memref<1x16x32xi32, #tpu.memory_space<hbm>>
      %dma_wait3A_396 = tpu.memref_squeeze %dma_wait3A_395 : memref<1x16x32xi32, #tpu.memory_space<hbm>> -> memref<16x32xi32, #tpu.memory_space<hbm>>
      %dma_wait3A_397 = arith.constant 0 : i32
      %dma_wait3A_398 = arith.constant 0 : i32
      %dma_wait3A_399 = tpu.memref_slice %arg2[%add3A, %dma_wait3A_397, %dma_wait3A_398] : memref<32x16x32xi32, #tpu.memory_space<hbm>> -> memref<1x16x32xi32, #tpu.memory_space<hbm>>
      %dma_wait3A_400 = tpu.memref_squeeze %dma_wait3A_399 : memref<1x16x32xi32, #tpu.memory_space<hbm>> -> memref<16x32xi32, #tpu.memory_space<hbm>>
      tpu.wait_dma2 semaphore(%run_scoped3A : memref<!tpu.dma_semaphore, #tpu.memory_space<semaphore_mem>>) src(%dma_wait3A_400 : memref<16x32xi32, #tpu.memory_space<hbm>>) dst(%arg5 : memref<16x32xi32, #tpu.memory_space<vmem>>)
      tpu.yield
    }) : () -> ()
    %dma_start3A = arith.constant 0 : i32
    %dma_start3A_3 = arith.constant 0 : i32
    %dma_start3A_4 = tpu.memref_slice %arg5[%dma_start3A, %dma_start3A_3] : memref<16x32xi32, #tpu.memory_space<vmem>> -> memref<1x32xi32, #tpu.memory_space<vmem>>
    %dma_start3A_5 = tpu.memref_squeeze %dma_start3A_4 : memref<1x32xi32, #tpu.memory_space<vmem>> -> memref<32xi32, #tpu.memory_space<vmem>>
    %dma_start3A_6 = arith.constant 0 : i32
    %dma_start3A_7 = arith.constant 0 : i32
    %dma_start3A_8 = tpu.memref_slice %arg3[%dma_start3A_6, %dma_start3A_7] : memref<18432x1024xf32, #tpu.memory_space<hbm>> -> memref<18432x1024xf32, #tpu.memory_space<hbm>>
    tpu.enqueue_indirect_dma source(%dma_start3A_8 : memref<18432x1024xf32, #tpu.memory_space<hbm>>) target(%arg6 : memref<32x1024xf32, #tpu.memory_space<vmem>>) offsets(%dma_start3A_5 : memref<32xi32, #tpu.memory_space<vmem>>) semaphore(%arg8 : memref<!tpu.dma_semaphore, #tpu.memory_space<semaphore_mem>>)
    %dma_start3A_9 = arith.constant 1 : i32
    %dma_start3A_10 = arith.constant 0 : i32
    %dma_start3A_11 = tpu.memref_slice %arg5[%dma_start3A_9, %dma_start3A_10] : memref<16x32xi32, #tpu.memory_space<vmem>> -> memref<1x32xi32, #tpu.memory_space<vmem>>
    %dma_start3A_12 = tpu.memref_squeeze %dma_start3A_11 : memref<1x32xi32, #tpu.memory_space<vmem>> -> memref<32xi32, #tpu.memory_space<vmem>>
    %dma_start3A_13 = arith.constant 0 : i32
    %dma_start3A_14 = arith.constant 0 : i32
    %dma_start3A_15 = tpu.memref_slice %arg3[%dma_start3A_13, %dma_start3A_14] : memref<18432x1024xf32, #tpu.memory_space<hbm>> -> memref<18432x1024xf32, #tpu.memory_space<hbm>>
    tpu.enqueue_indirect_dma source(%dma_start3A_15 : memref<18432x1024xf32, #tpu.memory_space<hbm>>) target(%arg7 : memref<32x1024xf32, #tpu.memory_space<vmem>>) offsets(%dma_start3A_12 : memref<32xi32, #tpu.memory_space<vmem>>) semaphore(%arg9 : memref<!tpu.dma_semaphore, #tpu.memory_space<semaphore_mem>>)
    %dma_wait3A = arith.constant 0 : i32
    %dma_wait3A_16 = arith.constant 0 : i32
    %dma_wait3A_17 = tpu.memref_slice %arg5[%dma_wait3A, %dma_wait3A_16] : memref<16x32xi32, #tpu.memory_space<vmem>> -> memref<1x32xi32, #tpu.memory_space<vmem>>
    %dma_wait3A_18 = tpu.memref_squeeze %dma_wait3A_17 : memref<1x32xi32, #tpu.memory_space<vmem>> -> memref<32xi32, #tpu.memory_space<vmem>>
    %dma_wait3A_19 = arith.constant 0 : i32
    %dma_wait3A_20 = arith.constant 0 : i32
    %dma_wait3A_21 = tpu.memref_slice %arg3[%dma_wait3A_19, %dma_wait3A_20] : memref<18432x1024xf32, #tpu.memory_space<hbm>> -> memref<18432x1024xf32, #tpu.memory_space<hbm>>
    tpu.wait_indirect_dma semaphore(%arg8 : memref<!tpu.dma_semaphore, #tpu.memory_space<semaphore_mem>>) src(%dma_wait3A_21 : memref<18432x1024xf32, #tpu.memory_space<hbm>>) dst(%arg6 : memref<32x1024xf32, #tpu.memory_space<vmem>>)
    %add3A_22 = arith.constant 0 : i32
    %add3A_23 = arith.addi %mul3A_2, %add3A_22 : i32
    %dma_start3A_24 = arith.constant 0 : i32
    %dma_start3A_25 = tpu.memref_slice %arg4[%add3A_23, %dma_start3A_24] : memref<16384x1024xf32, #tpu.memory_space<hbm>> -> memref<32x1024xf32, #tpu.memory_space<hbm>>
    %dma_start3A_26 = arith.constant 0 : i32
    %dma_start3A_27 = tpu.memref_slice %arg4[%add3A_23, %dma_start3A_26] : memref<16384x1024xf32, #tpu.memory_space<hbm>> -> memref<32x1024xf32, #tpu.memory_space<hbm>>
    tpu.enqueue_dma source(%arg6 : memref<32x1024xf32, #tpu.memory_space<vmem>>) target(%dma_start3A_27 : memref<32x1024xf32, #tpu.memory_space<hbm>>) target_semaphore(%arg10 : memref<!tpu.dma_semaphore, #tpu.memory_space<semaphore_mem>>)
    %dma_wait3A_28 = arith.constant 0 : i32
    %dma_wait3A_29 = tpu.memref_slice %arg4[%add3A_23, %dma_wait3A_28] : memref<16384x1024xf32, #tpu.memory_space<hbm>> -> memref<32x1024xf32, #tpu.memory_space<hbm>>
    %dma_wait3A_30 = arith.constant 0 : i32
    %dma_wait3A_31 = tpu.memref_slice %arg4[%add3A_23, %dma_wait3A_30] : memref<16384x1024xf32, #tpu.memory_space<hbm>> -> memref<32x1024xf32, #tpu.memory_space<hbm>>
    tpu.wait_dma2 semaphore(%arg10 : memref<!tpu.dma_semaphore, #tpu.memory_space<semaphore_mem>>) src(%arg6 : memref<32x1024xf32, #tpu.memory_space<vmem>>) dst(%dma_wait3A_31 : memref<32x1024xf32, #tpu.memory_space<hbm>>)
    %dma_start3A_32 = arith.constant 2 : i32
    %dma_start3A_33 = arith.constant 0 : i32
    %dma_start3A_34 = tpu.memref_slice %arg5[%dma_start3A_32, %dma_start3A_33] : memref<16x32xi32, #tpu.memory_space<vmem>> -> memref<1x32xi32, #tpu.memory_space<vmem>>
    %dma_start3A_35 = tpu.memref_squeeze %dma_start3A_34 : memref<1x32xi32, #tpu.memory_space<vmem>> -> memref<32xi32, #tpu.memory_space<vmem>>
    %dma_start3A_36 = arith.constant 0 : i32
    %dma_start3A_37 = arith.constant 0 : i32
    %dma_start3A_38 = tpu.memref_slice %arg3[%dma_start3A_36, %dma_start3A_37] : memref<18432x1024xf32, #tpu.memory_space<hbm>> -> memref<18432x1024xf32, #tpu.memory_space<hbm>>
    tpu.enqueue_indirect_dma source(%dma_start3A_38 : memref<18432x1024xf32, #tpu.memory_space<hbm>>) target(%arg6 : memref<32x1024xf32, #tpu.memory_space<vmem>>) offsets(%dma_start3A_35 : memref<32xi32, #tpu.memory_space<vmem>>) semaphore(%arg8 : memref<!tpu.dma_semaphore, #tpu.memory_space<semaphore_mem>>)
    %dma_wait3A_39 = arith.constant 1 : i32
    %dma_wait3A_40 = arith.constant 0 : i32
    %dma_wait3A_41 = tpu.memref_slice %arg5[%dma_wait3A_39, %dma_wait3A_40] : memref<16x32xi32, #tpu.memory_space<vmem>> -> memref<1x32xi32, #tpu.memory_space<vmem>>
    %dma_wait3A_42 = tpu.memref_squeeze %dma_wait3A_41 : memref<1x32xi32, #tpu.memory_space<vmem>> -> memref<32xi32, #tpu.memory_space<vmem>>
    %dma_wait3A_43 = arith.constant 0 : i32
    %dma_wait3A_44 = arith.constant 0 : i32
    %dma_wait3A_45 = tpu.memref_slice %arg3[%dma_wait3A_43, %dma_wait3A_44] : memref<18432x1024xf32, #tpu.memory_space<hbm>> -> memref<18432x1024xf32, #tpu.memory_space<hbm>>
    tpu.wait_indirect_dma semaphore(%arg9 : memref<!tpu.dma_semaphore, #tpu.memory_space<semaphore_mem>>) src(%dma_wait3A_45 : memref<18432x1024xf32, #tpu.memory_space<hbm>>) dst(%arg7 : memref<32x1024xf32, #tpu.memory_space<vmem>>)
    %add3A_46 = arith.constant 32 : i32
    %add3A_47 = arith.addi %mul3A_2, %add3A_46 : i32
    %dma_start3A_48 = arith.constant 0 : i32
    %dma_start3A_49 = tpu.memref_slice %arg4[%add3A_47, %dma_start3A_48] : memref<16384x1024xf32, #tpu.memory_space<hbm>> -> memref<32x1024xf32, #tpu.memory_space<hbm>>
    %dma_start3A_50 = arith.constant 0 : i32
    %dma_start3A_51 = tpu.memref_slice %arg4[%add3A_47, %dma_start3A_50] : memref<16384x1024xf32, #tpu.memory_space<hbm>> -> memref<32x1024xf32, #tpu.memory_space<hbm>>
    tpu.enqueue_dma source(%arg7 : memref<32x1024xf32, #tpu.memory_space<vmem>>) target(%dma_start3A_51 : memref<32x1024xf32, #tpu.memory_space<hbm>>) target_semaphore(%arg11 : memref<!tpu.dma_semaphore, #tpu.memory_space<semaphore_mem>>)
    %dma_wait3A_52 = arith.constant 0 : i32
    %dma_wait3A_53 = tpu.memref_slice %arg4[%add3A_47, %dma_wait3A_52] : memref<16384x1024xf32, #tpu.memory_space<hbm>> -> memref<32x1024xf32, #tpu.memory_space<hbm>>
    %dma_wait3A_54 = arith.constant 0 : i32
    %dma_wait3A_55 = tpu.memref_slice %arg4[%add3A_47, %dma_wait3A_54] : memref<16384x1024xf32, #tpu.memory_space<hbm>> -> memref<32x1024xf32, #tpu.memory_space<hbm>>
    tpu.wait_dma2 semaphore(%arg11 : memref<!tpu.dma_semaphore, #tpu.memory_space<semaphore_mem>>) src(%arg7 : memref<32x1024xf32, #tpu.memory_space<vmem>>) dst(%dma_wait3A_55 : memref<32x1024xf32, #tpu.memory_space<hbm>>)
    %dma_start3A_56 = arith.constant 3 : i32
    %dma_start3A_57 = arith.constant 0 : i32
    %dma_start3A_58 = tpu.memref_slice %arg5[%dma_start3A_56, %dma_start3A_57] : memref<16x32xi32, #tpu.memory_space<vmem>> -> memref<1x32xi32, #tpu.memory_space<vmem>>
    %dma_start3A_59 = tpu.memref_squeeze %dma_start3A_58 : memref<1x32xi32, #tpu.memory_space<vmem>> -> memref<32xi32, #tpu.memory_space<vmem>>
    %dma_start3A_60 = arith.constant 0 : i32
    %dma_start3A_61 = arith.constant 0 : i32
    %dma_start3A_62 = tpu.memref_slice %arg3[%dma_start3A_60, %dma_start3A_61] : memref<18432x1024xf32, #tpu.memory_space<hbm>> -> memref<18432x1024xf32, #tpu.memory_space<hbm>>
    tpu.enqueue_indirect_dma source(%dma_start3A_62 : memref<18432x1024xf32, #tpu.memory_space<hbm>>) target(%arg7 : memref<32x1024xf32, #tpu.memory_space<vmem>>) offsets(%dma_start3A_59 : memref<32xi32, #tpu.memory_space<vmem>>) semaphore(%arg9 : memref<!tpu.dma_semaphore, #tpu.memory_space<semaphore_mem>>)
    %dma_wait3A_63 = arith.constant 2 : i32
    %dma_wait3A_64 = arith.constant 0 : i32
    %dma_wait3A_65 = tpu.memref_slice %arg5[%dma_wait3A_63, %dma_wait3A_64] : memref<16x32xi32, #tpu.memory_space<vmem>> -> memref<1x32xi32, #tpu.memory_space<vmem>>
    %dma_wait3A_66 = tpu.memref_squeeze %dma_wait3A_65 : memref<1x32xi32, #tpu.memory_space<vmem>> -> memref<32xi32, #tpu.memory_space<vmem>>
    %dma_wait3A_67 = arith.constant 0 : i32
    %dma_wait3A_68 = arith.constant 0 : i32
    %dma_wait3A_69 = tpu.memref_slice %arg3[%dma_wait3A_67, %dma_wait3A_68] : memref<18432x1024xf32, #tpu.memory_space<hbm>> -> memref<18432x1024xf32, #tpu.memory_space<hbm>>
    tpu.wait_indirect_dma semaphore(%arg8 : memref<!tpu.dma_semaphore, #tpu.memory_space<semaphore_mem>>) src(%dma_wait3A_69 : memref<18432x1024xf32, #tpu.memory_space<hbm>>) dst(%arg6 : memref<32x1024xf32, #tpu.memory_space<vmem>>)
    %add3A_70 = arith.constant 64 : i32
    %add3A_71 = arith.addi %mul3A_2, %add3A_70 : i32
    %dma_start3A_72 = arith.constant 0 : i32
    %dma_start3A_73 = tpu.memref_slice %arg4[%add3A_71, %dma_start3A_72] : memref<16384x1024xf32, #tpu.memory_space<hbm>> -> memref<32x1024xf32, #tpu.memory_space<hbm>>
    %dma_start3A_74 = arith.constant 0 : i32
    %dma_start3A_75 = tpu.memref_slice %arg4[%add3A_71, %dma_start3A_74] : memref<16384x1024xf32, #tpu.memory_space<hbm>> -> memref<32x1024xf32, #tpu.memory_space<hbm>>
    tpu.enqueue_dma source(%arg6 : memref<32x1024xf32, #tpu.memory_space<vmem>>) target(%dma_start3A_75 : memref<32x1024xf32, #tpu.memory_space<hbm>>) target_semaphore(%arg10 : memref<!tpu.dma_semaphore, #tpu.memory_space<semaphore_mem>>)
    %dma_wait3A_76 = arith.constant 0 : i32
    %dma_wait3A_77 = tpu.memref_slice %arg4[%add3A_71, %dma_wait3A_76] : memref<16384x1024xf32, #tpu.memory_space<hbm>> -> memref<32x1024xf32, #tpu.memory_space<hbm>>
    %dma_wait3A_78 = arith.constant 0 : i32
    %dma_wait3A_79 = tpu.memref_slice %arg4[%add3A_71, %dma_wait3A_78] : memref<16384x1024xf32, #tpu.memory_space<hbm>> -> memref<32x1024xf32, #tpu.memory_space<hbm>>
    tpu.wait_dma2 semaphore(%arg10 : memref<!tpu.dma_semaphore, #tpu.memory_space<semaphore_mem>>) src(%arg6 : memref<32x1024xf32, #tpu.memory_space<vmem>>) dst(%dma_wait3A_79 : memref<32x1024xf32, #tpu.memory_space<hbm>>)
    %dma_start3A_80 = arith.constant 4 : i32
    %dma_start3A_81 = arith.constant 0 : i32
    %dma_start3A_82 = tpu.memref_slice %arg5[%dma_start3A_80, %dma_start3A_81] : memref<16x32xi32, #tpu.memory_space<vmem>> -> memref<1x32xi32, #tpu.memory_space<vmem>>
    %dma_start3A_83 = tpu.memref_squeeze %dma_start3A_82 : memref<1x32xi32, #tpu.memory_space<vmem>> -> memref<32xi32, #tpu.memory_space<vmem>>
    %dma_start3A_84 = arith.constant 0 : i32
    %dma_start3A_85 = arith.constant 0 : i32
    %dma_start3A_86 = tpu.memref_slice %arg3[%dma_start3A_84, %dma_start3A_85] : memref<18432x1024xf32, #tpu.memory_space<hbm>> -> memref<18432x1024xf32, #tpu.memory_space<hbm>>
    tpu.enqueue_indirect_dma source(%dma_start3A_86 : memref<18432x1024xf32, #tpu.memory_space<hbm>>) target(%arg6 : memref<32x1024xf32, #tpu.memory_space<vmem>>) offsets(%dma_start3A_83 : memref<32xi32, #tpu.memory_space<vmem>>) semaphore(%arg8 : memref<!tpu.dma_semaphore, #tpu.memory_space<semaphore_mem>>)
    %dma_wait3A_87 = arith.constant 3 : i32
    %dma_wait3A_88 = arith.constant 0 : i32
    %dma_wait3A_89 = tpu.memref_slice %arg5[%dma_wait3A_87, %dma_wait3A_88] : memref<16x32xi32, #tpu.memory_space<vmem>> -> memref<1x32xi32, #tpu.memory_space<vmem>>
    %dma_wait3A_90 = tpu.memref_squeeze %dma_wait3A_89 : memref<1x32xi32, #tpu.memory_space<vmem>> -> memref<32xi32, #tpu.memory_space<vmem>>
    %dma_wait3A_91 = arith.constant 0 : i32
    %dma_wait3A_92 = arith.constant 0 : i32
    %dma_wait3A_93 = tpu.memref_slice %arg3[%dma_wait3A_91, %dma_wait3A_92] : memref<18432x1024xf32, #tpu.memory_space<hbm>> -> memref<18432x1024xf32, #tpu.memory_space<hbm>>
    tpu.wait_indirect_dma semaphore(%arg9 : memref<!tpu.dma_semaphore, #tpu.memory_space<semaphore_mem>>) src(%dma_wait3A_93 : memref<18432x1024xf32, #tpu.memory_space<hbm>>) dst(%arg7 : memref<32x1024xf32, #tpu.memory_space<vmem>>)
    %add3A_94 = arith.constant 96 : i32
    %add3A_95 = arith.addi %mul3A_2, %add3A_94 : i32
    %dma_start3A_96 = arith.constant 0 : i32
    %dma_start3A_97 = tpu.memref_slice %arg4[%add3A_95, %dma_start3A_96] : memref<16384x1024xf32, #tpu.memory_space<hbm>> -> memref<32x1024xf32, #tpu.memory_space<hbm>>
    %dma_start3A_98 = arith.constant 0 : i32
    %dma_start3A_99 = tpu.memref_slice %arg4[%add3A_95, %dma_start3A_98] : memref<16384x1024xf32, #tpu.memory_space<hbm>> -> memref<32x1024xf32, #tpu.memory_space<hbm>>
    tpu.enqueue_dma source(%arg7 : memref<32x1024xf32, #tpu.memory_space<vmem>>) target(%dma_start3A_99 : memref<32x1024xf32, #tpu.memory_space<hbm>>) target_semaphore(%arg11 : memref<!tpu.dma_semaphore, #tpu.memory_space<semaphore_mem>>)
    %dma_wait3A_100 = arith.constant 0 : i32
    %dma_wait3A_101 = tpu.memref_slice %arg4[%add3A_95, %dma_wait3A_100] : memref<16384x1024xf32, #tpu.memory_space<hbm>> -> memref<32x1024xf32, #tpu.memory_space<hbm>>
    %dma_wait3A_102 = arith.constant 0 : i32
    %dma_wait3A_103 = tpu.memref_slice %arg4[%add3A_95, %dma_wait3A_102] : memref<16384x1024xf32, #tpu.memory_space<hbm>> -> memref<32x1024xf32, #tpu.memory_space<hbm>>
    tpu.wait_dma2 semaphore(%arg11 : memref<!tpu.dma_semaphore, #tpu.memory_space<semaphore_mem>>) src(%arg7 : memref<32x1024xf32, #tpu.memory_space<vmem>>) dst(%dma_wait3A_103 : memref<32x1024xf32, #tpu.memory_space<hbm>>)
    %dma_start3A_104 = arith.constant 5 : i32
    %dma_start3A_105 = arith.constant 0 : i32
    %dma_start3A_106 = tpu.memref_slice %arg5[%dma_start3A_104, %dma_start3A_105] : memref<16x32xi32, #tpu.memory_space<vmem>> -> memref<1x32xi32, #tpu.memory_space<vmem>>
    %dma_start3A_107 = tpu.memref_squeeze %dma_start3A_106 : memref<1x32xi32, #tpu.memory_space<vmem>> -> memref<32xi32, #tpu.memory_space<vmem>>
    %dma_start3A_108 = arith.constant 0 : i32
    %dma_start3A_109 = arith.constant 0 : i32
    %dma_start3A_110 = tpu.memref_slice %arg3[%dma_start3A_108, %dma_start3A_109] : memref<18432x1024xf32, #tpu.memory_space<hbm>> -> memref<18432x1024xf32, #tpu.memory_space<hbm>>
    tpu.enqueue_indirect_dma source(%dma_start3A_110 : memref<18432x1024xf32, #tpu.memory_space<hbm>>) target(%arg7 : memref<32x1024xf32, #tpu.memory_space<vmem>>) offsets(%dma_start3A_107 : memref<32xi32, #tpu.memory_space<vmem>>) semaphore(%arg9 : memref<!tpu.dma_semaphore, #tpu.memory_space<semaphore_mem>>)
    %dma_wait3A_111 = arith.constant 4 : i32
    %dma_wait3A_112 = arith.constant 0 : i32
    %dma_wait3A_113 = tpu.memref_slice %arg5[%dma_wait3A_111, %dma_wait3A_112] : memref<16x32xi32, #tpu.memory_space<vmem>> -> memref<1x32xi32, #tpu.memory_space<vmem>>
    %dma_wait3A_114 = tpu.memref_squeeze %dma_wait3A_113 : memref<1x32xi32, #tpu.memory_space<vmem>> -> memref<32xi32, #tpu.memory_space<vmem>>
    %dma_wait3A_115 = arith.constant 0 : i32
    %dma_wait3A_116 = arith.constant 0 : i32
    %dma_wait3A_117 = tpu.memref_slice %arg3[%dma_wait3A_115, %dma_wait3A_116] : memref<18432x1024xf32, #tpu.memory_space<hbm>> -> memref<18432x1024xf32, #tpu.memory_space<hbm>>
    tpu.wait_indirect_dma semaphore(%arg8 : memref<!tpu.dma_semaphore, #tpu.memory_space<semaphore_mem>>) src(%dma_wait3A_117 : memref<18432x1024xf32, #tpu.memory_space<hbm>>) dst(%arg6 : memref<32x1024xf32, #tpu.memory_space<vmem>>)
    %add3A_118 = arith.constant 128 : i32
    %add3A_119 = arith.addi %mul3A_2, %add3A_118 : i32
    %dma_start3A_120 = arith.constant 0 : i32
    %dma_start3A_121 = tpu.memref_slice %arg4[%add3A_119, %dma_start3A_120] : memref<16384x1024xf32, #tpu.memory_space<hbm>> -> memref<32x1024xf32, #tpu.memory_space<hbm>>
    %dma_start3A_122 = arith.constant 0 : i32
    %dma_start3A_123 = tpu.memref_slice %arg4[%add3A_119, %dma_start3A_122] : memref<16384x1024xf32, #tpu.memory_space<hbm>> -> memref<32x1024xf32, #tpu.memory_space<hbm>>
    tpu.enqueue_dma source(%arg6 : memref<32x1024xf32, #tpu.memory_space<vmem>>) target(%dma_start3A_123 : memref<32x1024xf32, #tpu.memory_space<hbm>>) target_semaphore(%arg10 : memref<!tpu.dma_semaphore, #tpu.memory_space<semaphore_mem>>)
    %dma_wait3A_124 = arith.constant 0 : i32
    %dma_wait3A_125 = tpu.memref_slice %arg4[%add3A_119, %dma_wait3A_124] : memref<16384x1024xf32, #tpu.memory_space<hbm>> -> memref<32x1024xf32, #tpu.memory_space<hbm>>
    %dma_wait3A_126 = arith.constant 0 : i32
    %dma_wait3A_127 = tpu.memref_slice %arg4[%add3A_119, %dma_wait3A_126] : memref<16384x1024xf32, #tpu.memory_space<hbm>> -> memref<32x1024xf32, #tpu.memory_space<hbm>>
    tpu.wait_dma2 semaphore(%arg10 : memref<!tpu.dma_semaphore, #tpu.memory_space<semaphore_mem>>) src(%arg6 : memref<32x1024xf32, #tpu.memory_space<vmem>>) dst(%dma_wait3A_127 : memref<32x1024xf32, #tpu.memory_space<hbm>>)
    %dma_start3A_128 = arith.constant 6 : i32
    %dma_start3A_129 = arith.constant 0 : i32
    %dma_start3A_130 = tpu.memref_slice %arg5[%dma_start3A_128, %dma_start3A_129] : memref<16x32xi32, #tpu.memory_space<vmem>> -> memref<1x32xi32, #tpu.memory_space<vmem>>
    %dma_start3A_131 = tpu.memref_squeeze %dma_start3A_130 : memref<1x32xi32, #tpu.memory_space<vmem>> -> memref<32xi32, #tpu.memory_space<vmem>>
    %dma_start3A_132 = arith.constant 0 : i32
    %dma_start3A_133 = arith.constant 0 : i32
    %dma_start3A_134 = tpu.memref_slice %arg3[%dma_start3A_132, %dma_start3A_133] : memref<18432x1024xf32, #tpu.memory_space<hbm>> -> memref<18432x1024xf32, #tpu.memory_space<hbm>>
    tpu.enqueue_indirect_dma source(%dma_start3A_134 : memref<18432x1024xf32, #tpu.memory_space<hbm>>) target(%arg6 : memref<32x1024xf32, #tpu.memory_space<vmem>>) offsets(%dma_start3A_131 : memref<32xi32, #tpu.memory_space<vmem>>) semaphore(%arg8 : memref<!tpu.dma_semaphore, #tpu.memory_space<semaphore_mem>>)
    %dma_wait3A_135 = arith.constant 5 : i32
    %dma_wait3A_136 = arith.constant 0 : i32
    %dma_wait3A_137 = tpu.memref_slice %arg5[%dma_wait3A_135, %dma_wait3A_136] : memref<16x32xi32, #tpu.memory_space<vmem>> -> memref<1x32xi32, #tpu.memory_space<vmem>>
    %dma_wait3A_138 = tpu.memref_squeeze %dma_wait3A_137 : memref<1x32xi32, #tpu.memory_space<vmem>> -> memref<32xi32, #tpu.memory_space<vmem>>
    %dma_wait3A_139 = arith.constant 0 : i32
    %dma_wait3A_140 = arith.constant 0 : i32
    %dma_wait3A_141 = tpu.memref_slice %arg3[%dma_wait3A_139, %dma_wait3A_140] : memref<18432x1024xf32, #tpu.memory_space<hbm>> -> memref<18432x1024xf32, #tpu.memory_space<hbm>>
    tpu.wait_indirect_dma semaphore(%arg9 : memref<!tpu.dma_semaphore, #tpu.memory_space<semaphore_mem>>) src(%dma_wait3A_141 : memref<18432x1024xf32, #tpu.memory_space<hbm>>) dst(%arg7 : memref<32x1024xf32, #tpu.memory_space<vmem>>)
    %add3A_142 = arith.constant 160 : i32
    %add3A_143 = arith.addi %mul3A_2, %add3A_142 : i32
    %dma_start3A_144 = arith.constant 0 : i32
    %dma_start3A_145 = tpu.memref_slice %arg4[%add3A_143, %dma_start3A_144] : memref<16384x1024xf32, #tpu.memory_space<hbm>> -> memref<32x1024xf32, #tpu.memory_space<hbm>>
    %dma_start3A_146 = arith.constant 0 : i32
    %dma_start3A_147 = tpu.memref_slice %arg4[%add3A_143, %dma_start3A_146] : memref<16384x1024xf32, #tpu.memory_space<hbm>> -> memref<32x1024xf32, #tpu.memory_space<hbm>>
    tpu.enqueue_dma source(%arg7 : memref<32x1024xf32, #tpu.memory_space<vmem>>) target(%dma_start3A_147 : memref<32x1024xf32, #tpu.memory_space<hbm>>) target_semaphore(%arg11 : memref<!tpu.dma_semaphore, #tpu.memory_space<semaphore_mem>>)
    %dma_wait3A_148 = arith.constant 0 : i32
    %dma_wait3A_149 = tpu.memref_slice %arg4[%add3A_143, %dma_wait3A_148] : memref<16384x1024xf32, #tpu.memory_space<hbm>> -> memref<32x1024xf32, #tpu.memory_space<hbm>>
    %dma_wait3A_150 = arith.constant 0 : i32
    %dma_wait3A_151 = tpu.memref_slice %arg4[%add3A_143, %dma_wait3A_150] : memref<16384x1024xf32, #tpu.memory_space<hbm>> -> memref<32x1024xf32, #tpu.memory_space<hbm>>
    tpu.wait_dma2 semaphore(%arg11 : memref<!tpu.dma_semaphore, #tpu.memory_space<semaphore_mem>>) src(%arg7 : memref<32x1024xf32, #tpu.memory_space<vmem>>) dst(%dma_wait3A_151 : memref<32x1024xf32, #tpu.memory_space<hbm>>)
    %dma_start3A_152 = arith.constant 7 : i32
    %dma_start3A_153 = arith.constant 0 : i32
    %dma_start3A_154 = tpu.memref_slice %arg5[%dma_start3A_152, %dma_start3A_153] : memref<16x32xi32, #tpu.memory_space<vmem>> -> memref<1x32xi32, #tpu.memory_space<vmem>>
    %dma_start3A_155 = tpu.memref_squeeze %dma_start3A_154 : memref<1x32xi32, #tpu.memory_space<vmem>> -> memref<32xi32, #tpu.memory_space<vmem>>
    %dma_start3A_156 = arith.constant 0 : i32
    %dma_start3A_157 = arith.constant 0 : i32
    %dma_start3A_158 = tpu.memref_slice %arg3[%dma_start3A_156, %dma_start3A_157] : memref<18432x1024xf32, #tpu.memory_space<hbm>> -> memref<18432x1024xf32, #tpu.memory_space<hbm>>
    tpu.enqueue_indirect_dma source(%dma_start3A_158 : memref<18432x1024xf32, #tpu.memory_space<hbm>>) target(%arg7 : memref<32x1024xf32, #tpu.memory_space<vmem>>) offsets(%dma_start3A_155 : memref<32xi32, #tpu.memory_space<vmem>>) semaphore(%arg9 : memref<!tpu.dma_semaphore, #tpu.memory_space<semaphore_mem>>)
    %dma_wait3A_159 = arith.constant 6 : i32
    %dma_wait3A_160 = arith.constant 0 : i32
    %dma_wait3A_161 = tpu.memref_slice %arg5[%dma_wait3A_159, %dma_wait3A_160] : memref<16x32xi32, #tpu.memory_space<vmem>> -> memref<1x32xi32, #tpu.memory_space<vmem>>
    %dma_wait3A_162 = tpu.memref_squeeze %dma_wait3A_161 : memref<1x32xi32, #tpu.memory_space<vmem>> -> memref<32xi32, #tpu.memory_space<vmem>>
    %dma_wait3A_163 = arith.constant 0 : i32
    %dma_wait3A_164 = arith.constant 0 : i32
    %dma_wait3A_165 = tpu.memref_slice %arg3[%dma_wait3A_163, %dma_wait3A_164] : memref<18432x1024xf32, #tpu.memory_space<hbm>> -> memref<18432x1024xf32, #tpu.memory_space<hbm>>
    tpu.wait_indirect_dma semaphore(%arg8 : memref<!tpu.dma_semaphore, #tpu.memory_space<semaphore_mem>>) src(%dma_wait3A_165 : memref<18432x1024xf32, #tpu.memory_space<hbm>>) dst(%arg6 : memref<32x1024xf32, #tpu.memory_space<vmem>>)
    %add3A_166 = arith.constant 192 : i32
    %add3A_167 = arith.addi %mul3A_2, %add3A_166 : i32
    %dma_start3A_168 = arith.constant 0 : i32
    %dma_start3A_169 = tpu.memref_slice %arg4[%add3A_167, %dma_start3A_168] : memref<16384x1024xf32, #tpu.memory_space<hbm>> -> memref<32x1024xf32, #tpu.memory_space<hbm>>
    %dma_start3A_170 = arith.constant 0 : i32
    %dma_start3A_171 = tpu.memref_slice %arg4[%add3A_167, %dma_start3A_170] : memref<16384x1024xf32, #tpu.memory_space<hbm>> -> memref<32x1024xf32, #tpu.memory_space<hbm>>
    tpu.enqueue_dma source(%arg6 : memref<32x1024xf32, #tpu.memory_space<vmem>>) target(%dma_start3A_171 : memref<32x1024xf32, #tpu.memory_space<hbm>>) target_semaphore(%arg10 : memref<!tpu.dma_semaphore, #tpu.memory_space<semaphore_mem>>)
    %dma_wait3A_172 = arith.constant 0 : i32
    %dma_wait3A_173 = tpu.memref_slice %arg4[%add3A_167, %dma_wait3A_172] : memref<16384x1024xf32, #tpu.memory_space<hbm>> -> memref<32x1024xf32, #tpu.memory_space<hbm>>
    %dma_wait3A_174 = arith.constant 0 : i32
    %dma_wait3A_175 = tpu.memref_slice %arg4[%add3A_167, %dma_wait3A_174] : memref<16384x1024xf32, #tpu.memory_space<hbm>> -> memref<32x1024xf32, #tpu.memory_space<hbm>>
    tpu.wait_dma2 semaphore(%arg10 : memref<!tpu.dma_semaphore, #tpu.memory_space<semaphore_mem>>) src(%arg6 : memref<32x1024xf32, #tpu.memory_space<vmem>>) dst(%dma_wait3A_175 : memref<32x1024xf32, #tpu.memory_space<hbm>>)
    %dma_start3A_176 = arith.constant 8 : i32
    %dma_start3A_177 = arith.constant 0 : i32
    %dma_start3A_178 = tpu.memref_slice %arg5[%dma_start3A_176, %dma_start3A_177] : memref<16x32xi32, #tpu.memory_space<vmem>> -> memref<1x32xi32, #tpu.memory_space<vmem>>
    %dma_start3A_179 = tpu.memref_squeeze %dma_start3A_178 : memref<1x32xi32, #tpu.memory_space<vmem>> -> memref<32xi32, #tpu.memory_space<vmem>>
    %dma_start3A_180 = arith.constant 0 : i32
    %dma_start3A_181 = arith.constant 0 : i32
    %dma_start3A_182 = tpu.memref_slice %arg3[%dma_start3A_180, %dma_start3A_181] : memref<18432x1024xf32, #tpu.memory_space<hbm>> -> memref<18432x1024xf32, #tpu.memory_space<hbm>>
    tpu.enqueue_indirect_dma source(%dma_start3A_182 : memref<18432x1024xf32, #tpu.memory_space<hbm>>) target(%arg6 : memref<32x1024xf32, #tpu.memory_space<vmem>>) offsets(%dma_start3A_179 : memref<32xi32, #tpu.memory_space<vmem>>) semaphore(%arg8 : memref<!tpu.dma_semaphore, #tpu.memory_space<semaphore_mem>>)
    %dma_wait3A_183 = arith.constant 7 : i32
    %dma_wait3A_184 = arith.constant 0 : i32
    %dma_wait3A_185 = tpu.memref_slice %arg5[%dma_wait3A_183, %dma_wait3A_184] : memref<16x32xi32, #tpu.memory_space<vmem>> -> memref<1x32xi32, #tpu.memory_space<vmem>>
    %dma_wait3A_186 = tpu.memref_squeeze %dma_wait3A_185 : memref<1x32xi32, #tpu.memory_space<vmem>> -> memref<32xi32, #tpu.memory_space<vmem>>
    %dma_wait3A_187 = arith.constant 0 : i32
    %dma_wait3A_188 = arith.constant 0 : i32
    %dma_wait3A_189 = tpu.memref_slice %arg3[%dma_wait3A_187, %dma_wait3A_188] : memref<18432x1024xf32, #tpu.memory_space<hbm>> -> memref<18432x1024xf32, #tpu.memory_space<hbm>>
    tpu.wait_indirect_dma semaphore(%arg9 : memref<!tpu.dma_semaphore, #tpu.memory_space<semaphore_mem>>) src(%dma_wait3A_189 : memref<18432x1024xf32, #tpu.memory_space<hbm>>) dst(%arg7 : memref<32x1024xf32, #tpu.memory_space<vmem>>)
    %add3A_190 = arith.constant 224 : i32
    %add3A_191 = arith.addi %mul3A_2, %add3A_190 : i32
    %dma_start3A_192 = arith.constant 0 : i32
    %dma_start3A_193 = tpu.memref_slice %arg4[%add3A_191, %dma_start3A_192] : memref<16384x1024xf32, #tpu.memory_space<hbm>> -> memref<32x1024xf32, #tpu.memory_space<hbm>>
    %dma_start3A_194 = arith.constant 0 : i32
    %dma_start3A_195 = tpu.memref_slice %arg4[%add3A_191, %dma_start3A_194] : memref<16384x1024xf32, #tpu.memory_space<hbm>> -> memref<32x1024xf32, #tpu.memory_space<hbm>>
    tpu.enqueue_dma source(%arg7 : memref<32x1024xf32, #tpu.memory_space<vmem>>) target(%dma_start3A_195 : memref<32x1024xf32, #tpu.memory_space<hbm>>) target_semaphore(%arg11 : memref<!tpu.dma_semaphore, #tpu.memory_space<semaphore_mem>>)
    %dma_wait3A_196 = arith.constant 0 : i32
    %dma_wait3A_197 = tpu.memref_slice %arg4[%add3A_191, %dma_wait3A_196] : memref<16384x1024xf32, #tpu.memory_space<hbm>> -> memref<32x1024xf32, #tpu.memory_space<hbm>>
    %dma_wait3A_198 = arith.constant 0 : i32
    %dma_wait3A_199 = tpu.memref_slice %arg4[%add3A_191, %dma_wait3A_198] : memref<16384x1024xf32, #tpu.memory_space<hbm>> -> memref<32x1024xf32, #tpu.memory_space<hbm>>
    tpu.wait_dma2 semaphore(%arg11 : memref<!tpu.dma_semaphore, #tpu.memory_space<semaphore_mem>>) src(%arg7 : memref<32x1024xf32, #tpu.memory_space<vmem>>) dst(%dma_wait3A_199 : memref<32x1024xf32, #tpu.memory_space<hbm>>)
    %dma_start3A_200 = arith.constant 9 : i32
    %dma_start3A_201 = arith.constant 0 : i32
    %dma_start3A_202 = tpu.memref_slice %arg5[%dma_start3A_200, %dma_start3A_201] : memref<16x32xi32, #tpu.memory_space<vmem>> -> memref<1x32xi32, #tpu.memory_space<vmem>>
    %dma_start3A_203 = tpu.memref_squeeze %dma_start3A_202 : memref<1x32xi32, #tpu.memory_space<vmem>> -> memref<32xi32, #tpu.memory_space<vmem>>
    %dma_start3A_204 = arith.constant 0 : i32
    %dma_start3A_205 = arith.constant 0 : i32
    %dma_start3A_206 = tpu.memref_slice %arg3[%dma_start3A_204, %dma_start3A_205] : memref<18432x1024xf32, #tpu.memory_space<hbm>> -> memref<18432x1024xf32, #tpu.memory_space<hbm>>
    tpu.enqueue_indirect_dma source(%dma_start3A_206 : memref<18432x1024xf32, #tpu.memory_space<hbm>>) target(%arg7 : memref<32x1024xf32, #tpu.memory_space<vmem>>) offsets(%dma_start3A_203 : memref<32xi32, #tpu.memory_space<vmem>>) semaphore(%arg9 : memref<!tpu.dma_semaphore, #tpu.memory_space<semaphore_mem>>)
    %dma_wait3A_207 = arith.constant 8 : i32
    %dma_wait3A_208 = arith.constant 0 : i32
    %dma_wait3A_209 = tpu.memref_slice %arg5[%dma_wait3A_207, %dma_wait3A_208] : memref<16x32xi32, #tpu.memory_space<vmem>> -> memref<1x32xi32, #tpu.memory_space<vmem>>
    %dma_wait3A_210 = tpu.memref_squeeze %dma_wait3A_209 : memref<1x32xi32, #tpu.memory_space<vmem>> -> memref<32xi32, #tpu.memory_space<vmem>>
    %dma_wait3A_211 = arith.constant 0 : i32
    %dma_wait3A_212 = arith.constant 0 : i32
    %dma_wait3A_213 = tpu.memref_slice %arg3[%dma_wait3A_211, %dma_wait3A_212] : memref<18432x1024xf32, #tpu.memory_space<hbm>> -> memref<18432x1024xf32, #tpu.memory_space<hbm>>
    tpu.wait_indirect_dma semaphore(%arg8 : memref<!tpu.dma_semaphore, #tpu.memory_space<semaphore_mem>>) src(%dma_wait3A_213 : memref<18432x1024xf32, #tpu.memory_space<hbm>>) dst(%arg6 : memref<32x1024xf32, #tpu.memory_space<vmem>>)
    %add3A_214 = arith.constant 256 : i32
    %add3A_215 = arith.addi %mul3A_2, %add3A_214 : i32
    %dma_start3A_216 = arith.constant 0 : i32
    %dma_start3A_217 = tpu.memref_slice %arg4[%add3A_215, %dma_start3A_216] : memref<16384x1024xf32, #tpu.memory_space<hbm>> -> memref<32x1024xf32, #tpu.memory_space<hbm>>
    %dma_start3A_218 = arith.constant 0 : i32
    %dma_start3A_219 = tpu.memref_slice %arg4[%add3A_215, %dma_start3A_218] : memref<16384x1024xf32, #tpu.memory_space<hbm>> -> memref<32x1024xf32, #tpu.memory_space<hbm>>
    tpu.enqueue_dma source(%arg6 : memref<32x1024xf32, #tpu.memory_space<vmem>>) target(%dma_start3A_219 : memref<32x1024xf32, #tpu.memory_space<hbm>>) target_semaphore(%arg10 : memref<!tpu.dma_semaphore, #tpu.memory_space<semaphore_mem>>)
    %dma_wait3A_220 = arith.constant 0 : i32
    %dma_wait3A_221 = tpu.memref_slice %arg4[%add3A_215, %dma_wait3A_220] : memref<16384x1024xf32, #tpu.memory_space<hbm>> -> memref<32x1024xf32, #tpu.memory_space<hbm>>
    %dma_wait3A_222 = arith.constant 0 : i32
    %dma_wait3A_223 = tpu.memref_slice %arg4[%add3A_215, %dma_wait3A_222] : memref<16384x1024xf32, #tpu.memory_space<hbm>> -> memref<32x1024xf32, #tpu.memory_space<hbm>>
    tpu.wait_dma2 semaphore(%arg10 : memref<!tpu.dma_semaphore, #tpu.memory_space<semaphore_mem>>) src(%arg6 : memref<32x1024xf32, #tpu.memory_space<vmem>>) dst(%dma_wait3A_223 : memref<32x1024xf32, #tpu.memory_space<hbm>>)
    %dma_start3A_224 = arith.constant 10 : i32
    %dma_start3A_225 = arith.constant 0 : i32
    %dma_start3A_226 = tpu.memref_slice %arg5[%dma_start3A_224, %dma_start3A_225] : memref<16x32xi32, #tpu.memory_space<vmem>> -> memref<1x32xi32, #tpu.memory_space<vmem>>
    %dma_start3A_227 = tpu.memref_squeeze %dma_start3A_226 : memref<1x32xi32, #tpu.memory_space<vmem>> -> memref<32xi32, #tpu.memory_space<vmem>>
    %dma_start3A_228 = arith.constant 0 : i32
    %dma_start3A_229 = arith.constant 0 : i32
    %dma_start3A_230 = tpu.memref_slice %arg3[%dma_start3A_228, %dma_start3A_229] : memref<18432x1024xf32, #tpu.memory_space<hbm>> -> memref<18432x1024xf32, #tpu.memory_space<hbm>>
    tpu.enqueue_indirect_dma source(%dma_start3A_230 : memref<18432x1024xf32, #tpu.memory_space<hbm>>) target(%arg6 : memref<32x1024xf32, #tpu.memory_space<vmem>>) offsets(%dma_start3A_227 : memref<32xi32, #tpu.memory_space<vmem>>) semaphore(%arg8 : memref<!tpu.dma_semaphore, #tpu.memory_space<semaphore_mem>>)
    %dma_wait3A_231 = arith.constant 9 : i32
    %dma_wait3A_232 = arith.constant 0 : i32
    %dma_wait3A_233 = tpu.memref_slice %arg5[%dma_wait3A_231, %dma_wait3A_232] : memref<16x32xi32, #tpu.memory_space<vmem>> -> memref<1x32xi32, #tpu.memory_space<vmem>>
    %dma_wait3A_234 = tpu.memref_squeeze %dma_wait3A_233 : memref<1x32xi32, #tpu.memory_space<vmem>> -> memref<32xi32, #tpu.memory_space<vmem>>
    %dma_wait3A_235 = arith.constant 0 : i32
    %dma_wait3A_236 = arith.constant 0 : i32
    %dma_wait3A_237 = tpu.memref_slice %arg3[%dma_wait3A_235, %dma_wait3A_236] : memref<18432x1024xf32, #tpu.memory_space<hbm>> -> memref<18432x1024xf32, #tpu.memory_space<hbm>>
    tpu.wait_indirect_dma semaphore(%arg9 : memref<!tpu.dma_semaphore, #tpu.memory_space<semaphore_mem>>) src(%dma_wait3A_237 : memref<18432x1024xf32, #tpu.memory_space<hbm>>) dst(%arg7 : memref<32x1024xf32, #tpu.memory_space<vmem>>)
    %add3A_238 = arith.constant 288 : i32
    %add3A_239 = arith.addi %mul3A_2, %add3A_238 : i32
    %dma_start3A_240 = arith.constant 0 : i32
    %dma_start3A_241 = tpu.memref_slice %arg4[%add3A_239, %dma_start3A_240] : memref<16384x1024xf32, #tpu.memory_space<hbm>> -> memref<32x1024xf32, #tpu.memory_space<hbm>>
    %dma_start3A_242 = arith.constant 0 : i32
    %dma_start3A_243 = tpu.memref_slice %arg4[%add3A_239, %dma_start3A_242] : memref<16384x1024xf32, #tpu.memory_space<hbm>> -> memref<32x1024xf32, #tpu.memory_space<hbm>>
    tpu.enqueue_dma source(%arg7 : memref<32x1024xf32, #tpu.memory_space<vmem>>) target(%dma_start3A_243 : memref<32x1024xf32, #tpu.memory_space<hbm>>) target_semaphore(%arg11 : memref<!tpu.dma_semaphore, #tpu.memory_space<semaphore_mem>>)
    %dma_wait3A_244 = arith.constant 0 : i32
    %dma_wait3A_245 = tpu.memref_slice %arg4[%add3A_239, %dma_wait3A_244] : memref<16384x1024xf32, #tpu.memory_space<hbm>> -> memref<32x1024xf32, #tpu.memory_space<hbm>>
    %dma_wait3A_246 = arith.constant 0 : i32
    %dma_wait3A_247 = tpu.memref_slice %arg4[%add3A_239, %dma_wait3A_246] : memref<16384x1024xf32, #tpu.memory_space<hbm>> -> memref<32x1024xf32, #tpu.memory_space<hbm>>
    tpu.wait_dma2 semaphore(%arg11 : memref<!tpu.dma_semaphore, #tpu.memory_space<semaphore_mem>>) src(%arg7 : memref<32x1024xf32, #tpu.memory_space<vmem>>) dst(%dma_wait3A_247 : memref<32x1024xf32, #tpu.memory_space<hbm>>)
    %dma_start3A_248 = arith.constant 11 : i32
    %dma_start3A_249 = arith.constant 0 : i32
    %dma_start3A_250 = tpu.memref_slice %arg5[%dma_start3A_248, %dma_start3A_249] : memref<16x32xi32, #tpu.memory_space<vmem>> -> memref<1x32xi32, #tpu.memory_space<vmem>>
    %dma_start3A_251 = tpu.memref_squeeze %dma_start3A_250 : memref<1x32xi32, #tpu.memory_space<vmem>> -> memref<32xi32, #tpu.memory_space<vmem>>
    %dma_start3A_252 = arith.constant 0 : i32
    %dma_start3A_253 = arith.constant 0 : i32
    %dma_start3A_254 = tpu.memref_slice %arg3[%dma_start3A_252, %dma_start3A_253] : memref<18432x1024xf32, #tpu.memory_space<hbm>> -> memref<18432x1024xf32, #tpu.memory_space<hbm>>
    tpu.enqueue_indirect_dma source(%dma_start3A_254 : memref<18432x1024xf32, #tpu.memory_space<hbm>>) target(%arg7 : memref<32x1024xf32, #tpu.memory_space<vmem>>) offsets(%dma_start3A_251 : memref<32xi32, #tpu.memory_space<vmem>>) semaphore(%arg9 : memref<!tpu.dma_semaphore, #tpu.memory_space<semaphore_mem>>)
    %dma_wait3A_255 = arith.constant 10 : i32
    %dma_wait3A_256 = arith.constant 0 : i32
    %dma_wait3A_257 = tpu.memref_slice %arg5[%dma_wait3A_255, %dma_wait3A_256] : memref<16x32xi32, #tpu.memory_space<vmem>> -> memref<1x32xi32, #tpu.memory_space<vmem>>
    %dma_wait3A_258 = tpu.memref_squeeze %dma_wait3A_257 : memref<1x32xi32, #tpu.memory_space<vmem>> -> memref<32xi32, #tpu.memory_space<vmem>>
    %dma_wait3A_259 = arith.constant 0 : i32
    %dma_wait3A_260 = arith.constant 0 : i32
    %dma_wait3A_261 = tpu.memref_slice %arg3[%dma_wait3A_259, %dma_wait3A_260] : memref<18432x1024xf32, #tpu.memory_space<hbm>> -> memref<18432x1024xf32, #tpu.memory_space<hbm>>
    tpu.wait_indirect_dma semaphore(%arg8 : memref<!tpu.dma_semaphore, #tpu.memory_space<semaphore_mem>>) src(%dma_wait3A_261 : memref<18432x1024xf32, #tpu.memory_space<hbm>>) dst(%arg6 : memref<32x1024xf32, #tpu.memory_space<vmem>>)
    %add3A_262 = arith.constant 320 : i32
    %add3A_263 = arith.addi %mul3A_2, %add3A_262 : i32
    %dma_start3A_264 = arith.constant 0 : i32
    %dma_start3A_265 = tpu.memref_slice %arg4[%add3A_263, %dma_start3A_264] : memref<16384x1024xf32, #tpu.memory_space<hbm>> -> memref<32x1024xf32, #tpu.memory_space<hbm>>
    %dma_start3A_266 = arith.constant 0 : i32
    %dma_start3A_267 = tpu.memref_slice %arg4[%add3A_263, %dma_start3A_266] : memref<16384x1024xf32, #tpu.memory_space<hbm>> -> memref<32x1024xf32, #tpu.memory_space<hbm>>
    tpu.enqueue_dma source(%arg6 : memref<32x1024xf32, #tpu.memory_space<vmem>>) target(%dma_start3A_267 : memref<32x1024xf32, #tpu.memory_space<hbm>>) target_semaphore(%arg10 : memref<!tpu.dma_semaphore, #tpu.memory_space<semaphore_mem>>)
    %dma_wait3A_268 = arith.constant 0 : i32
    %dma_wait3A_269 = tpu.memref_slice %arg4[%add3A_263, %dma_wait3A_268] : memref<16384x1024xf32, #tpu.memory_space<hbm>> -> memref<32x1024xf32, #tpu.memory_space<hbm>>
    %dma_wait3A_270 = arith.constant 0 : i32
    %dma_wait3A_271 = tpu.memref_slice %arg4[%add3A_263, %dma_wait3A_270] : memref<16384x1024xf32, #tpu.memory_space<hbm>> -> memref<32x1024xf32, #tpu.memory_space<hbm>>
    tpu.wait_dma2 semaphore(%arg10 : memref<!tpu.dma_semaphore, #tpu.memory_space<semaphore_mem>>) src(%arg6 : memref<32x1024xf32, #tpu.memory_space<vmem>>) dst(%dma_wait3A_271 : memref<32x1024xf32, #tpu.memory_space<hbm>>)
    %dma_start3A_272 = arith.constant 12 : i32
    %dma_start3A_273 = arith.constant 0 : i32
    %dma_start3A_274 = tpu.memref_slice %arg5[%dma_start3A_272, %dma_start3A_273] : memref<16x32xi32, #tpu.memory_space<vmem>> -> memref<1x32xi32, #tpu.memory_space<vmem>>
    %dma_start3A_275 = tpu.memref_squeeze %dma_start3A_274 : memref<1x32xi32, #tpu.memory_space<vmem>> -> memref<32xi32, #tpu.memory_space<vmem>>
    %dma_start3A_276 = arith.constant 0 : i32
    %dma_start3A_277 = arith.constant 0 : i32
    %dma_start3A_278 = tpu.memref_slice %arg3[%dma_start3A_276, %dma_start3A_277] : memref<18432x1024xf32, #tpu.memory_space<hbm>> -> memref<18432x1024xf32, #tpu.memory_space<hbm>>
    tpu.enqueue_indirect_dma source(%dma_start3A_278 : memref<18432x1024xf32, #tpu.memory_space<hbm>>) target(%arg6 : memref<32x1024xf32, #tpu.memory_space<vmem>>) offsets(%dma_start3A_275 : memref<32xi32, #tpu.memory_space<vmem>>) semaphore(%arg8 : memref<!tpu.dma_semaphore, #tpu.memory_space<semaphore_mem>>)
    %dma_wait3A_279 = arith.constant 11 : i32
    %dma_wait3A_280 = arith.constant 0 : i32
    %dma_wait3A_281 = tpu.memref_slice %arg5[%dma_wait3A_279, %dma_wait3A_280] : memref<16x32xi32, #tpu.memory_space<vmem>> -> memref<1x32xi32, #tpu.memory_space<vmem>>
    %dma_wait3A_282 = tpu.memref_squeeze %dma_wait3A_281 : memref<1x32xi32, #tpu.memory_space<vmem>> -> memref<32xi32, #tpu.memory_space<vmem>>
    %dma_wait3A_283 = arith.constant 0 : i32
    %dma_wait3A_284 = arith.constant 0 : i32
    %dma_wait3A_285 = tpu.memref_slice %arg3[%dma_wait3A_283, %dma_wait3A_284] : memref<18432x1024xf32, #tpu.memory_space<hbm>> -> memref<18432x1024xf32, #tpu.memory_space<hbm>>
    tpu.wait_indirect_dma semaphore(%arg9 : memref<!tpu.dma_semaphore, #tpu.memory_space<semaphore_mem>>) src(%dma_wait3A_285 : memref<18432x1024xf32, #tpu.memory_space<hbm>>) dst(%arg7 : memref<32x1024xf32, #tpu.memory_space<vmem>>)
    %add3A_286 = arith.constant 352 : i32
    %add3A_287 = arith.addi %mul3A_2, %add3A_286 : i32
    %dma_start3A_288 = arith.constant 0 : i32
    %dma_start3A_289 = tpu.memref_slice %arg4[%add3A_287, %dma_start3A_288] : memref<16384x1024xf32, #tpu.memory_space<hbm>> -> memref<32x1024xf32, #tpu.memory_space<hbm>>
    %dma_start3A_290 = arith.constant 0 : i32
    %dma_start3A_291 = tpu.memref_slice %arg4[%add3A_287, %dma_start3A_290] : memref<16384x1024xf32, #tpu.memory_space<hbm>> -> memref<32x1024xf32, #tpu.memory_space<hbm>>
    tpu.enqueue_dma source(%arg7 : memref<32x1024xf32, #tpu.memory_space<vmem>>) target(%dma_start3A_291 : memref<32x1024xf32, #tpu.memory_space<hbm>>) target_semaphore(%arg11 : memref<!tpu.dma_semaphore, #tpu.memory_space<semaphore_mem>>)
    %dma_wait3A_292 = arith.constant 0 : i32
    %dma_wait3A_293 = tpu.memref_slice %arg4[%add3A_287, %dma_wait3A_292] : memref<16384x1024xf32, #tpu.memory_space<hbm>> -> memref<32x1024xf32, #tpu.memory_space<hbm>>
    %dma_wait3A_294 = arith.constant 0 : i32
    %dma_wait3A_295 = tpu.memref_slice %arg4[%add3A_287, %dma_wait3A_294] : memref<16384x1024xf32, #tpu.memory_space<hbm>> -> memref<32x1024xf32, #tpu.memory_space<hbm>>
    tpu.wait_dma2 semaphore(%arg11 : memref<!tpu.dma_semaphore, #tpu.memory_space<semaphore_mem>>) src(%arg7 : memref<32x1024xf32, #tpu.memory_space<vmem>>) dst(%dma_wait3A_295 : memref<32x1024xf32, #tpu.memory_space<hbm>>)
    %dma_start3A_296 = arith.constant 13 : i32
    %dma_start3A_297 = arith.constant 0 : i32
    %dma_start3A_298 = tpu.memref_slice %arg5[%dma_start3A_296, %dma_start3A_297] : memref<16x32xi32, #tpu.memory_space<vmem>> -> memref<1x32xi32, #tpu.memory_space<vmem>>
    %dma_start3A_299 = tpu.memref_squeeze %dma_start3A_298 : memref<1x32xi32, #tpu.memory_space<vmem>> -> memref<32xi32, #tpu.memory_space<vmem>>
    %dma_start3A_300 = arith.constant 0 : i32
    %dma_start3A_301 = arith.constant 0 : i32
    %dma_start3A_302 = tpu.memref_slice %arg3[%dma_start3A_300, %dma_start3A_301] : memref<18432x1024xf32, #tpu.memory_space<hbm>> -> memref<18432x1024xf32, #tpu.memory_space<hbm>>
    tpu.enqueue_indirect_dma source(%dma_start3A_302 : memref<18432x1024xf32, #tpu.memory_space<hbm>>) target(%arg7 : memref<32x1024xf32, #tpu.memory_space<vmem>>) offsets(%dma_start3A_299 : memref<32xi32, #tpu.memory_space<vmem>>) semaphore(%arg9 : memref<!tpu.dma_semaphore, #tpu.memory_space<semaphore_mem>>)
    %dma_wait3A_303 = arith.constant 12 : i32
    %dma_wait3A_304 = arith.constant 0 : i32
    %dma_wait3A_305 = tpu.memref_slice %arg5[%dma_wait3A_303, %dma_wait3A_304] : memref<16x32xi32, #tpu.memory_space<vmem>> -> memref<1x32xi32, #tpu.memory_space<vmem>>
    %dma_wait3A_306 = tpu.memref_squeeze %dma_wait3A_305 : memref<1x32xi32, #tpu.memory_space<vmem>> -> memref<32xi32, #tpu.memory_space<vmem>>
    %dma_wait3A_307 = arith.constant 0 : i32
    %dma_wait3A_308 = arith.constant 0 : i32
    %dma_wait3A_309 = tpu.memref_slice %arg3[%dma_wait3A_307, %dma_wait3A_308] : memref<18432x1024xf32, #tpu.memory_space<hbm>> -> memref<18432x1024xf32, #tpu.memory_space<hbm>>
    tpu.wait_indirect_dma semaphore(%arg8 : memref<!tpu.dma_semaphore, #tpu.memory_space<semaphore_mem>>) src(%dma_wait3A_309 : memref<18432x1024xf32, #tpu.memory_space<hbm>>) dst(%arg6 : memref<32x1024xf32, #tpu.memory_space<vmem>>)
    %add3A_310 = arith.constant 384 : i32
    %add3A_311 = arith.addi %mul3A_2, %add3A_310 : i32
    %dma_start3A_312 = arith.constant 0 : i32
    %dma_start3A_313 = tpu.memref_slice %arg4[%add3A_311, %dma_start3A_312] : memref<16384x1024xf32, #tpu.memory_space<hbm>> -> memref<32x1024xf32, #tpu.memory_space<hbm>>
    %dma_start3A_314 = arith.constant 0 : i32
    %dma_start3A_315 = tpu.memref_slice %arg4[%add3A_311, %dma_start3A_314] : memref<16384x1024xf32, #tpu.memory_space<hbm>> -> memref<32x1024xf32, #tpu.memory_space<hbm>>
    tpu.enqueue_dma source(%arg6 : memref<32x1024xf32, #tpu.memory_space<vmem>>) target(%dma_start3A_315 : memref<32x1024xf32, #tpu.memory_space<hbm>>) target_semaphore(%arg10 : memref<!tpu.dma_semaphore, #tpu.memory_space<semaphore_mem>>)
    %dma_wait3A_316 = arith.constant 0 : i32
    %dma_wait3A_317 = tpu.memref_slice %arg4[%add3A_311, %dma_wait3A_316] : memref<16384x1024xf32, #tpu.memory_space<hbm>> -> memref<32x1024xf32, #tpu.memory_space<hbm>>
    %dma_wait3A_318 = arith.constant 0 : i32
    %dma_wait3A_319 = tpu.memref_slice %arg4[%add3A_311, %dma_wait3A_318] : memref<16384x1024xf32, #tpu.memory_space<hbm>> -> memref<32x1024xf32, #tpu.memory_space<hbm>>
    tpu.wait_dma2 semaphore(%arg10 : memref<!tpu.dma_semaphore, #tpu.memory_space<semaphore_mem>>) src(%arg6 : memref<32x1024xf32, #tpu.memory_space<vmem>>) dst(%dma_wait3A_319 : memref<32x1024xf32, #tpu.memory_space<hbm>>)
    %dma_start3A_320 = arith.constant 14 : i32
    %dma_start3A_321 = arith.constant 0 : i32
    %dma_start3A_322 = tpu.memref_slice %arg5[%dma_start3A_320, %dma_start3A_321] : memref<16x32xi32, #tpu.memory_space<vmem>> -> memref<1x32xi32, #tpu.memory_space<vmem>>
    %dma_start3A_323 = tpu.memref_squeeze %dma_start3A_322 : memref<1x32xi32, #tpu.memory_space<vmem>> -> memref<32xi32, #tpu.memory_space<vmem>>
    %dma_start3A_324 = arith.constant 0 : i32
    %dma_start3A_325 = arith.constant 0 : i32
    %dma_start3A_326 = tpu.memref_slice %arg3[%dma_start3A_324, %dma_start3A_325] : memref<18432x1024xf32, #tpu.memory_space<hbm>> -> memref<18432x1024xf32, #tpu.memory_space<hbm>>
    tpu.enqueue_indirect_dma source(%dma_start3A_326 : memref<18432x1024xf32, #tpu.memory_space<hbm>>) target(%arg6 : memref<32x1024xf32, #tpu.memory_space<vmem>>) offsets(%dma_start3A_323 : memref<32xi32, #tpu.memory_space<vmem>>) semaphore(%arg8 : memref<!tpu.dma_semaphore, #tpu.memory_space<semaphore_mem>>)
    %dma_wait3A_327 = arith.constant 13 : i32
    %dma_wait3A_328 = arith.constant 0 : i32
    %dma_wait3A_329 = tpu.memref_slice %arg5[%dma_wait3A_327, %dma_wait3A_328] : memref<16x32xi32, #tpu.memory_space<vmem>> -> memref<1x32xi32, #tpu.memory_space<vmem>>
    %dma_wait3A_330 = tpu.memref_squeeze %dma_wait3A_329 : memref<1x32xi32, #tpu.memory_space<vmem>> -> memref<32xi32, #tpu.memory_space<vmem>>
    %dma_wait3A_331 = arith.constant 0 : i32
    %dma_wait3A_332 = arith.constant 0 : i32
    %dma_wait3A_333 = tpu.memref_slice %arg3[%dma_wait3A_331, %dma_wait3A_332] : memref<18432x1024xf32, #tpu.memory_space<hbm>> -> memref<18432x1024xf32, #tpu.memory_space<hbm>>
    tpu.wait_indirect_dma semaphore(%arg9 : memref<!tpu.dma_semaphore, #tpu.memory_space<semaphore_mem>>) src(%dma_wait3A_333 : memref<18432x1024xf32, #tpu.memory_space<hbm>>) dst(%arg7 : memref<32x1024xf32, #tpu.memory_space<vmem>>)
    %add3A_334 = arith.constant 416 : i32
    %add3A_335 = arith.addi %mul3A_2, %add3A_334 : i32
    %dma_start3A_336 = arith.constant 0 : i32
    %dma_start3A_337 = tpu.memref_slice %arg4[%add3A_335, %dma_start3A_336] : memref<16384x1024xf32, #tpu.memory_space<hbm>> -> memref<32x1024xf32, #tpu.memory_space<hbm>>
    %dma_start3A_338 = arith.constant 0 : i32
    %dma_start3A_339 = tpu.memref_slice %arg4[%add3A_335, %dma_start3A_338] : memref<16384x1024xf32, #tpu.memory_space<hbm>> -> memref<32x1024xf32, #tpu.memory_space<hbm>>
    tpu.enqueue_dma source(%arg7 : memref<32x1024xf32, #tpu.memory_space<vmem>>) target(%dma_start3A_339 : memref<32x1024xf32, #tpu.memory_space<hbm>>) target_semaphore(%arg11 : memref<!tpu.dma_semaphore, #tpu.memory_space<semaphore_mem>>)
    %dma_wait3A_340 = arith.constant 0 : i32
    %dma_wait3A_341 = tpu.memref_slice %arg4[%add3A_335, %dma_wait3A_340] : memref<16384x1024xf32, #tpu.memory_space<hbm>> -> memref<32x1024xf32, #tpu.memory_space<hbm>>
    %dma_wait3A_342 = arith.constant 0 : i32
    %dma_wait3A_343 = tpu.memref_slice %arg4[%add3A_335, %dma_wait3A_342] : memref<16384x1024xf32, #tpu.memory_space<hbm>> -> memref<32x1024xf32, #tpu.memory_space<hbm>>
    tpu.wait_dma2 semaphore(%arg11 : memref<!tpu.dma_semaphore, #tpu.memory_space<semaphore_mem>>) src(%arg7 : memref<32x1024xf32, #tpu.memory_space<vmem>>) dst(%dma_wait3A_343 : memref<32x1024xf32, #tpu.memory_space<hbm>>)
    %dma_start3A_344 = arith.constant 15 : i32
    %dma_start3A_345 = arith.constant 0 : i32
    %dma_start3A_346 = tpu.memref_slice %arg5[%dma_start3A_344, %dma_start3A_345] : memref<16x32xi32, #tpu.memory_space<vmem>> -> memref<1x32xi32, #tpu.memory_space<vmem>>
    %dma_start3A_347 = tpu.memref_squeeze %dma_start3A_346 : memref<1x32xi32, #tpu.memory_space<vmem>> -> memref<32xi32, #tpu.memory_space<vmem>>
    %dma_start3A_348 = arith.constant 0 : i32
    %dma_start3A_349 = arith.constant 0 : i32
    %dma_start3A_350 = tpu.memref_slice %arg3[%dma_start3A_348, %dma_start3A_349] : memref<18432x1024xf32, #tpu.memory_space<hbm>> -> memref<18432x1024xf32, #tpu.memory_space<hbm>>
    tpu.enqueue_indirect_dma source(%dma_start3A_350 : memref<18432x1024xf32, #tpu.memory_space<hbm>>) target(%arg7 : memref<32x1024xf32, #tpu.memory_space<vmem>>) offsets(%dma_start3A_347 : memref<32xi32, #tpu.memory_space<vmem>>) semaphore(%arg9 : memref<!tpu.dma_semaphore, #tpu.memory_space<semaphore_mem>>)
    %dma_wait3A_351 = arith.constant 14 : i32
    %dma_wait3A_352 = arith.constant 0 : i32
    %dma_wait3A_353 = tpu.memref_slice %arg5[%dma_wait3A_351, %dma_wait3A_352] : memref<16x32xi32, #tpu.memory_space<vmem>> -> memref<1x32xi32, #tpu.memory_space<vmem>>
    %dma_wait3A_354 = tpu.memref_squeeze %dma_wait3A_353 : memref<1x32xi32, #tpu.memory_space<vmem>> -> memref<32xi32, #tpu.memory_space<vmem>>
    %dma_wait3A_355 = arith.constant 0 : i32
    %dma_wait3A_356 = arith.constant 0 : i32
    %dma_wait3A_357 = tpu.memref_slice %arg3[%dma_wait3A_355, %dma_wait3A_356] : memref<18432x1024xf32, #tpu.memory_space<hbm>> -> memref<18432x1024xf32, #tpu.memory_space<hbm>>
    tpu.wait_indirect_dma semaphore(%arg8 : memref<!tpu.dma_semaphore, #tpu.memory_space<semaphore_mem>>) src(%dma_wait3A_357 : memref<18432x1024xf32, #tpu.memory_space<hbm>>) dst(%arg6 : memref<32x1024xf32, #tpu.memory_space<vmem>>)
    %add3A_358 = arith.constant 448 : i32
    %add3A_359 = arith.addi %mul3A_2, %add3A_358 : i32
    %dma_start3A_360 = arith.constant 0 : i32
    %dma_start3A_361 = tpu.memref_slice %arg4[%add3A_359, %dma_start3A_360] : memref<16384x1024xf32, #tpu.memory_space<hbm>> -> memref<32x1024xf32, #tpu.memory_space<hbm>>
    %dma_start3A_362 = arith.constant 0 : i32
    %dma_start3A_363 = tpu.memref_slice %arg4[%add3A_359, %dma_start3A_362] : memref<16384x1024xf32, #tpu.memory_space<hbm>> -> memref<32x1024xf32, #tpu.memory_space<hbm>>
    tpu.enqueue_dma source(%arg6 : memref<32x1024xf32, #tpu.memory_space<vmem>>) target(%dma_start3A_363 : memref<32x1024xf32, #tpu.memory_space<hbm>>) target_semaphore(%arg10 : memref<!tpu.dma_semaphore, #tpu.memory_space<semaphore_mem>>)
    %dma_wait3A_364 = arith.constant 15 : i32
    %dma_wait3A_365 = arith.constant 0 : i32
    %dma_wait3A_366 = tpu.memref_slice %arg5[%dma_wait3A_364, %dma_wait3A_365] : memref<16x32xi32, #tpu.memory_space<vmem>> -> memref<1x32xi32, #tpu.memory_space<vmem>>
    %dma_wait3A_367 = tpu.memref_squeeze %dma_wait3A_366 : memref<1x32xi32, #tpu.memory_space<vmem>> -> memref<32xi32, #tpu.memory_space<vmem>>
    %dma_wait3A_368 = arith.constant 0 : i32
    %dma_wait3A_369 = arith.constant 0 : i32
    %dma_wait3A_370 = tpu.memref_slice %arg3[%dma_wait3A_368, %dma_wait3A_369] : memref<18432x1024xf32, #tpu.memory_space<hbm>> -> memref<18432x1024xf32, #tpu.memory_space<hbm>>
    tpu.wait_indirect_dma semaphore(%arg9 : memref<!tpu.dma_semaphore, #tpu.memory_space<semaphore_mem>>) src(%dma_wait3A_370 : memref<18432x1024xf32, #tpu.memory_space<hbm>>) dst(%arg7 : memref<32x1024xf32, #tpu.memory_space<vmem>>)
    %add3A_371 = arith.constant 480 : i32
    %add3A_372 = arith.addi %mul3A_2, %add3A_371 : i32
    %dma_start3A_373 = arith.constant 0 : i32
    %dma_start3A_374 = tpu.memref_slice %arg4[%add3A_372, %dma_start3A_373] : memref<16384x1024xf32, #tpu.memory_space<hbm>> -> memref<32x1024xf32, #tpu.memory_space<hbm>>
    %dma_start3A_375 = arith.constant 0 : i32
    %dma_start3A_376 = tpu.memref_slice %arg4[%add3A_372, %dma_start3A_375] : memref<16384x1024xf32, #tpu.memory_space<hbm>> -> memref<32x1024xf32, #tpu.memory_space<hbm>>
    tpu.enqueue_dma source(%arg7 : memref<32x1024xf32, #tpu.memory_space<vmem>>) target(%dma_start3A_376 : memref<32x1024xf32, #tpu.memory_space<hbm>>) target_semaphore(%arg11 : memref<!tpu.dma_semaphore, #tpu.memory_space<semaphore_mem>>)
    %dma_wait3A_377 = arith.constant 0 : i32
    %dma_wait3A_378 = tpu.memref_slice %arg4[%add3A_359, %dma_wait3A_377] : memref<16384x1024xf32, #tpu.memory_space<hbm>> -> memref<32x1024xf32, #tpu.memory_space<hbm>>
    %dma_wait3A_379 = arith.constant 0 : i32
    %dma_wait3A_380 = tpu.memref_slice %arg4[%add3A_359, %dma_wait3A_379] : memref<16384x1024xf32, #tpu.memory_space<hbm>> -> memref<32x1024xf32, #tpu.memory_space<hbm>>
    tpu.wait_dma2 semaphore(%arg10 : memref<!tpu.dma_semaphore, #tpu.memory_space<semaphore_mem>>) src(%arg6 : memref<32x1024xf32, #tpu.memory_space<vmem>>) dst(%dma_wait3A_380 : memref<32x1024xf32, #tpu.memory_space<hbm>>)
    %dma_wait3A_381 = arith.constant 0 : i32
    %dma_wait3A_382 = tpu.memref_slice %arg4[%add3A_372, %dma_wait3A_381] : memref<16384x1024xf32, #tpu.memory_space<hbm>> -> memref<32x1024xf32, #tpu.memory_space<hbm>>
    %dma_wait3A_383 = arith.constant 0 : i32
    %dma_wait3A_384 = tpu.memref_slice %arg4[%add3A_372, %dma_wait3A_383] : memref<16384x1024xf32, #tpu.memory_space<hbm>> -> memref<32x1024xf32, #tpu.memory_space<hbm>>
    tpu.wait_dma2 semaphore(%arg11 : memref<!tpu.dma_semaphore, #tpu.memory_space<semaphore_mem>>) src(%arg7 : memref<32x1024xf32, #tpu.memory_space<vmem>>) dst(%dma_wait3A_384 : memref<32x1024xf32, #tpu.memory_space<hbm>>)
    return
  }
}

module attributes {stable_mosaic.version = 14 : i64} {
  func.func @_router_body(%arg0: i32, %arg1: memref<1024x1024xf32, #tpu.memory_space<vmem>>, %arg2: memref<128x1024xf32, #tpu.memory_space<vmem>>, %arg3: memref<1024x128xf32, #tpu.memory_space<vmem>>, %arg4: memref<1024x128xf32, #tpu.memory_space<vmem>>) attributes {dimension_semantics = [#tpu.dimension_semantics<arbitrary>], iteration_bounds = array<i64: 8>, scalar_prefetch = 0 : i64, scratch_operands = 0 : i64, tpu.core_type = #tpu.core_type<tc>, window_params = [{transform_indices = @transform_0, window_bounds = array<i64: 1024, 1024>}, {pipeline_mode = #tpu.pipeline_mode<synchronous>, transform_indices = @transform_1, window_bounds = array<i64: 128, 1024>}, {transform_indices = @transform_2, window_bounds = array<i64: 1024, 128>}, {transform_indices = @transform_3, window_bounds = array<i64: 1024, 128>}]} {
    %get3A = arith.constant 0 : index
    %get3A_0 = arith.constant 0 : index
    %get3A_1 = vector.load %arg1[%get3A, %get3A_0] : memref<1024x1024xf32, #tpu.memory_space<vmem>>, vector<1024x1024xf32>
    %get3A_2 = arith.constant 0 : index
    %get3A_3 = arith.constant 0 : index
    %get3A_4 = vector.load %arg2[%get3A_2, %get3A_3] : memref<128x1024xf32, #tpu.memory_space<vmem>>, vector<128x1024xf32>
    %dot_general3A = arith.constant dense<0.000000e+00> : vector<1024x128xf32>
    %dot_general3A_5 = tpu.matmul %get3A_1, %get3A_4, %dot_general3A {dimension_numbers = #tpu.dot_dimension_numbers<[1], [1], [0], [0], [0, 0, 1, 0], [], []>, transpose_lhs_hint = false} : vector<1024x1024xf32>, vector<128x1024xf32>, vector<1024x128xf32> -> vector<1024x128xf32>
    %iota3A = tpu.iota {dimensions = array<i32: 1>} : vector<1024x128xi32>
    %lt3A = arith.constant 8 : i32
    %lt3A_6 = vector.broadcast %lt3A : i32 to vector<1024x128xi32>
    %lt3A_7 = arith.cmpi slt, %iota3A, %lt3A_6 : vector<1024x128xi32>
    %jit3A = arith.constant -1.000000e+30 : f32
    %broadcast_in_dim3A = vector.broadcast %jit3A : f32 to vector<1024x128xf32>
    %select_n3A = arith.select %lt3A_7, %dot_general3A_5, %broadcast_in_dim3A : vector<1024x128xi1>, vector<1024x128xf32>
    %reduce_max3A = arith.constant dense<0xFF800000> : vector<1024xf32>
    %reduce_max3A_8 = vector.multi_reduction <maximumf>, %select_n3A, %reduce_max3A [1] : vector<1024x128xf32> to vector<1024xf32>
    %broadcast_in_dim3A_9 = vector.shape_cast %reduce_max3A_8 : vector<1024xf32> to vector<1024x1xf32>
    %sub3A = vector.broadcast %broadcast_in_dim3A_9 : vector<1024x1xf32> to vector<1024x128xf32>
    %sub3A_10 = arith.subf %select_n3A, %sub3A : vector<1024x128xf32>
    %exp3A = math.exp %sub3A_10 : vector<1024x128xf32>
    %reduce_sum3A = arith.constant dense<0.000000e+00> : vector<1024xf32>
    %reduce_sum3A_11 = vector.multi_reduction <add>, %exp3A, %reduce_sum3A [1] : vector<1024x128xf32> to vector<1024xf32>
    %broadcast_in_dim3A_12 = vector.shape_cast %reduce_sum3A_11 : vector<1024xf32> to vector<1024x1xf32>
    %div3A = vector.broadcast %broadcast_in_dim3A_12 : vector<1024x1xf32> to vector<1024x128xf32>
    %div3A_13 = arith.divf %exp3A, %div3A : vector<1024x128xf32>
    %swap3A = arith.constant 0 : index
    %swap3A_14 = arith.constant 0 : index
    %swap3A_15 = vector.load %arg3[%swap3A, %swap3A_14] : memref<1024x128xf32, #tpu.memory_space<vmem>>, vector<1024x128xf32>
    tpu.vector_store %arg3[%swap3A, %swap3A_14], %div3A_13 {strides = array<i32>} : memref<1024x128xf32, #tpu.memory_space<vmem>>, vector<1024x128xf32>,
    %reduce_max3A_16 = arith.constant dense<0xFF800000> : vector<1024xf32>
    %reduce_max3A_17 = vector.multi_reduction <maximumf>, %div3A_13, %reduce_max3A_16 [1] : vector<1024x128xf32> to vector<1024xf32>
    %broadcast_in_dim3A_18 = vector.shape_cast %reduce_max3A_17 : vector<1024xf32> to vector<1024x1xf32>
    %eq3A = vector.broadcast %broadcast_in_dim3A_18 : vector<1024x1xf32> to vector<1024x128xf32>
    %eq3A_19 = arith.cmpf oeq, %div3A_13, %eq3A : vector<1024x128xf32>
    %jit3A_20 = arith.constant 128 : i32
    %broadcast_in_dim3A_21 = vector.broadcast %jit3A_20 : i32 to vector<1024x128xi32>
    %select_n3A_22 = arith.select %eq3A_19, %iota3A, %broadcast_in_dim3A_21 : vector<1024x128xi1>, vector<1024x128xi32>
    %reduce_min3A = arith.constant dense<2147483647> : vector<1024xi32>
    %reduce_min3A_23 = vector.multi_reduction <minsi>, %select_n3A_22, %reduce_min3A [1] : vector<1024x128xi32> to vector<1024xi32>
    %broadcast_in_dim3A_24 = vector.shape_cast %reduce_min3A_23 : vector<1024xi32> to vector<1024x1xi32>
    %eq3A_25 = vector.broadcast %broadcast_in_dim3A_24 : vector<1024x1xi32> to vector<1024x128xi32>
    %eq3A_26 = arith.cmpi eq, %iota3A, %eq3A_25 : vector<1024x128xi32>
    %jit3A_27 = arith.constant -1.000000e+00 : f32
    %broadcast_in_dim3A_28 = vector.broadcast %jit3A_27 : f32 to vector<1024x128xf32>
    %select_n3A_29 = arith.select %eq3A_26, %broadcast_in_dim3A_28, %div3A_13 : vector<1024x128xi1>, vector<1024x128xf32>
    %reduce_max3A_30 = arith.constant dense<0xFF800000> : vector<1024xf32>
    %reduce_max3A_31 = vector.multi_reduction <maximumf>, %select_n3A_29, %reduce_max3A_30 [1] : vector<1024x128xf32> to vector<1024xf32>
    %broadcast_in_dim3A_32 = vector.shape_cast %reduce_max3A_31 : vector<1024xf32> to vector<1024x1xf32>
    %eq3A_33 = vector.broadcast %broadcast_in_dim3A_32 : vector<1024x1xf32> to vector<1024x128xf32>
    %eq3A_34 = arith.cmpf oeq, %select_n3A_29, %eq3A_33 : vector<1024x128xf32>
    %jit3A_35 = arith.constant 128 : i32
    %broadcast_in_dim3A_36 = vector.broadcast %jit3A_35 : i32 to vector<1024x128xi32>
    %select_n3A_37 = arith.select %eq3A_34, %iota3A, %broadcast_in_dim3A_36 : vector<1024x128xi1>, vector<1024x128xi32>
    %reduce_min3A_38 = arith.constant dense<2147483647> : vector<1024xi32>
    %reduce_min3A_39 = vector.multi_reduction <minsi>, %select_n3A_37, %reduce_min3A_38 [1] : vector<1024x128xi32> to vector<1024xi32>
    %broadcast_in_dim3A_40 = vector.shape_cast %reduce_min3A_39 : vector<1024xi32> to vector<1024x1xi32>
    %add3A = arith.addf %broadcast_in_dim3A_18, %broadcast_in_dim3A_32 : vector<1024x1xf32>
    %eq3A_41 = arith.constant 0 : i32
    %eq3A_42 = vector.broadcast %eq3A_41 : i32 to vector<1024x128xi32>
    %eq3A_43 = arith.cmpi eq, %iota3A, %eq3A_42 : vector<1024x128xi32>
    %convert_element_type3A = arith.sitofp %broadcast_in_dim3A_24 : vector<1024x1xi32> to vector<1024x1xf32>
    %eq3A_44 = arith.constant 1 : i32
    %eq3A_45 = vector.broadcast %eq3A_44 : i32 to vector<1024x128xi32>
    %eq3A_46 = arith.cmpi eq, %iota3A, %eq3A_45 : vector<1024x128xi32>
    %convert_element_type3A_47 = arith.sitofp %broadcast_in_dim3A_40 : vector<1024x1xi32> to vector<1024x1xf32>
    %eq3A_48 = arith.constant 2 : i32
    %eq3A_49 = vector.broadcast %eq3A_48 : i32 to vector<1024x128xi32>
    %eq3A_50 = arith.cmpi eq, %iota3A, %eq3A_49 : vector<1024x128xi32>
    %div3A_51 = arith.divf %broadcast_in_dim3A_18, %add3A : vector<1024x1xf32>
    %div3A_52 = arith.divf %broadcast_in_dim3A_32, %add3A : vector<1024x1xf32>
    %broadcast_in_dim3A_53 = vector.shape_cast %div3A_51 : vector<1024x1xf32> to vector<1024x1xf32>
    %broadcast_in_dim3A_54 = vector.broadcast %broadcast_in_dim3A_53 : vector<1024x1xf32> to vector<1024x128xf32>
    %broadcast_in_dim3A_55 = vector.shape_cast %div3A_52 : vector<1024x1xf32> to vector<1024x1xf32>
    %broadcast_in_dim3A_56 = vector.broadcast %broadcast_in_dim3A_55 : vector<1024x1xf32> to vector<1024x128xf32>
    %select_n3A_57 = arith.select %eq3A_50, %broadcast_in_dim3A_54, %broadcast_in_dim3A_56 : vector<1024x128xi1>, vector<1024x128xf32>
    %broadcast_in_dim3A_58 = vector.shape_cast %convert_element_type3A_47 : vector<1024x1xf32> to vector<1024x1xf32>
    %broadcast_in_dim3A_59 = vector.broadcast %broadcast_in_dim3A_58 : vector<1024x1xf32> to vector<1024x128xf32>
    %select_n3A_60 = arith.select %eq3A_46, %broadcast_in_dim3A_59, %select_n3A_57 : vector<1024x128xi1>, vector<1024x128xf32>
    %broadcast_in_dim3A_61 = vector.shape_cast %convert_element_type3A : vector<1024x1xf32> to vector<1024x1xf32>
    %broadcast_in_dim3A_62 = vector.broadcast %broadcast_in_dim3A_61 : vector<1024x1xf32> to vector<1024x128xf32>
    %select_n3A_63 = arith.select %eq3A_43, %broadcast_in_dim3A_62, %select_n3A_60 : vector<1024x128xi1>, vector<1024x128xf32>
    %swap3A_64 = arith.constant 0 : index
    %swap3A_65 = arith.constant 0 : index
    %swap3A_66 = vector.load %arg4[%swap3A_64, %swap3A_65] : memref<1024x128xf32, #tpu.memory_space<vmem>>, vector<1024x128xf32>
    tpu.vector_store %arg4[%swap3A_64, %swap3A_65], %select_n3A_63 {strides = array<i32>} : memref<1024x128xf32, #tpu.memory_space<vmem>>, vector<1024x128xf32>,
    return
  }
  func.func @transform_0(%arg0: i32) -> (i32, i32) {
    %c0_i32 = arith.constant 0 : i32
    %c0_i32_0 = arith.constant 0 : i32
    return %arg0, %c0_i32 : i32, i32
  }
  func.func @transform_1(%arg0: i32) -> (i32, i32) {
    %c0_i32 = arith.constant 0 : i32
    %c0_i32_0 = arith.constant 0 : i32
    %c0_i32_1 = arith.constant 0 : i32
    return %c0_i32, %c0_i32_0 : i32, i32
  }
  func.func @transform_2(%arg0: i32) -> (i32, i32) {
    %c0_i32 = arith.constant 0 : i32
    %c0_i32_0 = arith.constant 0 : i32
    return %arg0, %c0_i32 : i32, i32
  }
  func.func @transform_3(%arg0: i32) -> (i32, i32) {
    %c0_i32 = arith.constant 0 : i32
    %c0_i32_0 = arith.constant 0 : i32
    return %arg0, %c0_i32 : i32, i32
  }
}

module attributes {stable_mosaic.version = 14 : i64} {
  func.func @_mlp_body(%arg0: i32, %arg1: memref<72xi32, #tpu.memory_space<smem>>, %arg2: memref<256x1024xf32, #tpu.memory_space<vmem>>, %arg3: memref<1x1024x1024xf32, #tpu.memory_space<vmem>>, %arg4: memref<1x1024x1024xf32, #tpu.memory_space<vmem>>, %arg5: memref<1x1024x1024xf32, #tpu.memory_space<vmem>>, %arg6: memref<8x1024xf32, #tpu.memory_space<vmem>>, %arg7: memref<1x1x256xf32, #tpu.memory_space<vmem>>, %arg8: memref<1x1x256xf32, #tpu.memory_space<vmem>>, %arg9: memref<1x1x256xi32, #tpu.memory_space<vmem>>, %arg10: memref<256x1024xf32, #tpu.memory_space<vmem>>, %arg11: memref<1x1x128xf32, #tpu.memory_space<vmem>>) attributes {dimension_semantics = [#tpu.dimension_semantics<arbitrary>], iteration_bounds = array<i64: 72>, scalar_prefetch = 1 : i64, scratch_operands = 0 : i64, tpu.core_type = #tpu.core_type<tc>, window_params = [{transform_indices = @transform_0, window_bounds = array<i64: 256, 1024>}, {transform_indices = @transform_1, window_bounds = array<i64: 1, 1024, 1024>}, {transform_indices = @transform_2, window_bounds = array<i64: 1, 1024, 1024>}, {transform_indices = @transform_3, window_bounds = array<i64: 1, 1024, 1024>}, {pipeline_mode = #tpu.pipeline_mode<synchronous>, transform_indices = @transform_4, window_bounds = array<i64: 8, 1024>}, {transform_indices = @transform_5, window_bounds = array<i64: 1, 1, 256>}, {transform_indices = @transform_6, window_bounds = array<i64: 1, 1, 256>}, {transform_indices = @transform_7, window_bounds = array<i64: 1, 1, 256>}, {transform_indices = @transform_8, window_bounds = array<i64: 256, 1024>}, {transform_indices = @transform_9, window_bounds = array<i64: 1, 1, 128>}]} {
    %get3A = arith.constant 0 : index
    %get3A_0 = arith.constant 0 : index
    %get3A_1 = vector.load %arg2[%get3A, %get3A_0] : memref<256x1024xf32, #tpu.memory_space<vmem>>, vector<256x1024xf32>
    %convert_element_type3A = arith.truncf %get3A_1 : vector<256x1024xf32> to vector<256x1024xbf16>
    %get3A_2 = arith.constant 0 : index
    %get3A_3 = arith.constant 0 : index
    %get3A_4 = arith.constant 0 : index
    %get3A_5 = vector.load %arg3[%get3A_2, %get3A_3, %get3A_4] : memref<1x1024x1024xf32, #tpu.memory_space<vmem>>, vector<1x1024x1024xf32>
    %get3A_6 = vector.shape_cast %get3A_5 : vector<1x1024x1024xf32> to vector<1024x1024xf32>
    %convert_element_type3A_7 = arith.truncf %get3A_6 : vector<1024x1024xf32> to vector<1024x1024xbf16>
    %get3A_8 = arith.constant 0 : index
    %get3A_9 = arith.constant 0 : index
    %get3A_10 = arith.constant 0 : index
    %get3A_11 = vector.load %arg4[%get3A_8, %get3A_9, %get3A_10] : memref<1x1024x1024xf32, #tpu.memory_space<vmem>>, vector<1x1024x1024xf32>
    %get3A_12 = vector.shape_cast %get3A_11 : vector<1x1024x1024xf32> to vector<1024x1024xf32>
    %convert_element_type3A_13 = arith.truncf %get3A_12 : vector<1024x1024xf32> to vector<1024x1024xbf16>
    %get3A_14 = arith.constant 0 : index
    %get3A_15 = arith.constant 0 : index
    %get3A_16 = arith.constant 0 : index
    %get3A_17 = vector.load %arg5[%get3A_14, %get3A_15, %get3A_16] : memref<1x1024x1024xf32, #tpu.memory_space<vmem>>, vector<1x1024x1024xf32>
    %get3A_18 = vector.shape_cast %get3A_17 : vector<1x1024x1024xf32> to vector<1024x1024xf32>
    %convert_element_type3A_19 = arith.truncf %get3A_18 : vector<1024x1024xf32> to vector<1024x1024xbf16>
    %dot_general3A = arith.constant dense<0.000000e+00> : vector<256x1024xf32>
    %dot_general3A_20 = tpu.matmul %convert_element_type3A, %convert_element_type3A_7, %dot_general3A {dimension_numbers = #tpu.dot_dimension_numbers<[1], [1], [0], [0], [0, 0, 1, 0], [], []>, transpose_lhs_hint = false} : vector<256x1024xbf16>, vector<1024x1024xbf16>, vector<256x1024xf32> -> vector<256x1024xf32>
    %dot_general3A_21 = arith.constant dense<0.000000e+00> : vector<256x1024xf32>
    %dot_general3A_22 = tpu.matmul %convert_element_type3A, %convert_element_type3A_13, %dot_general3A_21 {dimension_numbers = #tpu.dot_dimension_numbers<[1], [1], [0], [0], [0, 0, 1, 0], [], []>, transpose_lhs_hint = false} : vector<256x1024xbf16>, vector<1024x1024xbf16>, vector<256x1024xf32> -> vector<256x1024xf32>
    %logistic3A = arith.negf %dot_general3A_20 : vector<256x1024xf32>
    %logistic3A_23 = math.exp %logistic3A : vector<256x1024xf32>
    %logistic3A_24 = arith.constant 1.000000e+00 : f32
    %logistic3A_25 = vector.broadcast %logistic3A_24 : f32 to vector<256x1024xf32>
    %logistic3A_26 = arith.addf %logistic3A_25, %logistic3A_23 : vector<256x1024xf32>
    %logistic3A_27 = arith.divf %logistic3A_25, %logistic3A_26 : vector<256x1024xf32>
    %mul3A = arith.mulf %dot_general3A_20, %logistic3A_27 : vector<256x1024xf32>
    %mul3A_28 = arith.mulf %mul3A, %dot_general3A_22 : vector<256x1024xf32>
    %convert_element_type3A_29 = arith.truncf %mul3A_28 : vector<256x1024xf32> to vector<256x1024xbf16>
    %dot_general3A_30 = arith.constant dense<0.000000e+00> : vector<256x1024xf32>
    %dot_general3A_31 = tpu.matmul %convert_element_type3A_29, %convert_element_type3A_19, %dot_general3A_30 {dimension_numbers = #tpu.dot_dimension_numbers<[1], [1], [0], [0], [0, 0, 1, 0], [], []>, transpose_lhs_hint = false} : vector<256x1024xbf16>, vector<1024x1024xbf16>, vector<256x1024xf32> -> vector<256x1024xf32>
    %get3A_32 = arith.constant 0 : index
    %get3A_33 = arith.constant 0 : index
    %get3A_34 = arith.constant 0 : index
    %get3A_35 = vector.load %arg7[%get3A_32, %get3A_33, %get3A_34] : memref<1x1x256xf32, #tpu.memory_space<vmem>>, vector<1x1x256xf32>
    %get3A_36 = vector.shape_cast %get3A_35 : vector<1x1x256xf32> to vector<256xf32>
    %broadcast_in_dim3A = vector.shape_cast %get3A_36 : vector<256xf32> to vector<256x1xf32>
    %mul3A_37 = vector.broadcast %broadcast_in_dim3A : vector<256x1xf32> to vector<256x1024xf32>
    %mul3A_38 = arith.mulf %dot_general3A_31, %mul3A_37 : vector<256x1024xf32>
    %swap3A = arith.constant 0 : index
    %swap3A_39 = arith.constant 0 : index
    %swap3A_40 = vector.load %arg10[%swap3A, %swap3A_39] : memref<256x1024xf32, #tpu.memory_space<vmem>>, vector<256x1024xf32>
    tpu.vector_store %arg10[%swap3A, %swap3A_39], %mul3A_38 {strides = array<i32>} : memref<256x1024xf32, #tpu.memory_space<vmem>>, vector<256x1024xf32>,
    %get3A_41 = arith.constant 0 : index
    %get3A_42 = arith.constant 0 : index
    %get3A_43 = vector.load %arg6[%get3A_41, %get3A_42] : memref<8x1024xf32, #tpu.memory_space<vmem>>, vector<1x1024xf32>
    %get3A_44 = vector.shape_cast %get3A_43 : vector<1x1024xf32> to vector<1024xf32>
    %broadcast_in_dim3A_45 = vector.shape_cast %get3A_44 : vector<1024xf32> to vector<1x1024xf32>
    %mul3A_46 = vector.broadcast %broadcast_in_dim3A_45 : vector<1x1024xf32> to vector<256x1024xf32>
    %mul3A_47 = arith.mulf %dot_general3A_31, %mul3A_46 : vector<256x1024xf32>
    %reduce_sum3A = arith.constant dense<0.000000e+00> : vector<256xf32>
    %reduce_sum3A_48 = vector.multi_reduction <add>, %mul3A_47, %reduce_sum3A [1] : vector<256x1024xf32> to vector<256xf32>
    %get3A_49 = arith.constant 0 : index
    %get3A_50 = arith.constant 0 : index
    %get3A_51 = arith.constant 0 : index
    %get3A_52 = vector.load %arg8[%get3A_49, %get3A_50, %get3A_51] : memref<1x1x256xf32, #tpu.memory_space<vmem>>, vector<1x1x256xf32>
    %get3A_53 = vector.shape_cast %get3A_52 : vector<1x1x256xf32> to vector<256xf32>
    %mul3A_54 = arith.mulf %reduce_sum3A_48, %get3A_53 : vector<256xf32>
    %get3A_55 = arith.constant 0 : index
    %get3A_56 = arith.constant 0 : index
    %get3A_57 = arith.constant 0 : index
    %get3A_58 = vector.load %arg9[%get3A_55, %get3A_56, %get3A_57] : memref<1x1x256xi32, #tpu.memory_space<vmem>>, vector<1x1x256xi32>
    %get3A_59 = vector.shape_cast %get3A_58 : vector<1x1x256xi32> to vector<256xi32>
    %iota3A = tpu.iota {dimensions = array<i32: 1>} : vector<256x128xi32>
    %broadcast_in_dim3A_60 = vector.shape_cast %get3A_59 : vector<256xi32> to vector<256x1xi32>
    %eq3A = vector.broadcast %broadcast_in_dim3A_60 : vector<256x1xi32> to vector<256x128xi32>
    %eq3A_61 = arith.cmpi eq, %eq3A, %iota3A : vector<256x128xi32>
    %broadcast_in_dim3A_62 = vector.shape_cast %mul3A_54 : vector<256xf32> to vector<256x1xf32>
    %jit3A = arith.constant 0.000000e+00 : f32
    %broadcast_in_dim3A_63 = vector.shape_cast %broadcast_in_dim3A_62 : vector<256x1xf32> to vector<256x1xf32>
    %broadcast_in_dim3A_64 = vector.broadcast %broadcast_in_dim3A_63 : vector<256x1xf32> to vector<256x128xf32>
    %broadcast_in_dim3A_65 = vector.broadcast %jit3A : f32 to vector<256x128xf32>
    %select_n3A = arith.select %eq3A_61, %broadcast_in_dim3A_64, %broadcast_in_dim3A_65 : vector<256x128xi1>, vector<256x128xf32>
    %reduce_sum3A_66 = arith.constant dense<0.000000e+00> : vector<128xf32>
    %reduce_sum3A_67 = vector.multi_reduction <add>, %select_n3A, %reduce_sum3A_66 [0] : vector<256x128xf32> to vector<128xf32>
    %eq3A_68 = arith.constant 0 : i32
    %eq3A_69 = arith.cmpi eq, %arg0, %eq3A_68 : i32
    %sub3A = arith.constant 1 : i32
    %sub3A_70 = arith.subi %arg0, %sub3A : i32
    %max3A = arith.constant 0 : i32
    %max3A_71 = arith.maxsi %sub3A_70, %max3A : i32
    %get3A_72 = arith.index_cast %max3A_71 : i32 to index
    %get3A_73 = memref.load %arg1[%get3A_72] : memref<72xi32, #tpu.memory_space<smem>>
    %jit3A_74 = arith.constant -1 : i32
    %select_n3A_75 = arith.select %eq3A_69, %jit3A_74, %get3A_73 : i32
    %get3A_76 = arith.index_cast %arg0 : i32 to index
    %get3A_77 = memref.load %arg1[%get3A_76] : memref<72xi32, #tpu.memory_space<smem>>
    %ne3A = arith.cmpi ne, %select_n3A_75, %get3A_77 : i32
    %convert_element_type3A_78 = arith.extui %ne3A : i1 to i32
    %cond3A = arith.constant 0 : i32
    %cond3A_79 = arith.cmpi ne, %convert_element_type3A_78, %cond3A : i32
    scf.if %cond3A_79 {
      %broadcast_in_dim3A_89 = arith.constant 0.000000e+00 : f32
      %broadcast_in_dim3A_90 = vector.broadcast %broadcast_in_dim3A_89 : f32 to vector<1x1x128xf32>
      %swap3A_91 = arith.constant 0 : index
      %swap3A_92 = arith.constant 0 : index
      %swap3A_93 = arith.constant 0 : index
      %swap3A_94 = vector.load %arg11[%swap3A_91, %swap3A_92, %swap3A_93] : memref<1x1x128xf32, #tpu.memory_space<vmem>>, vector<1x1x128xf32>
      tpu.vector_store %arg11[%swap3A_91, %swap3A_92, %swap3A_93], %broadcast_in_dim3A_90 {strides = array<i32>} : memref<1x1x128xf32, #tpu.memory_space<vmem>>, vector<1x1x128xf32>,
    } else {
    }
    %get3A_80 = arith.constant 0 : index
    %get3A_81 = arith.constant 0 : index
    %get3A_82 = arith.constant 0 : index
    %get3A_83 = vector.load %arg11[%get3A_80, %get3A_81, %get3A_82] : memref<1x1x128xf32, #tpu.memory_space<vmem>>, vector<1x1x128xf32>
    %broadcast_in_dim3A_84 = vector.shape_cast %reduce_sum3A_67 : vector<128xf32> to vector<1x1x128xf32>
    %add3A = arith.addf %get3A_83, %broadcast_in_dim3A_84 : vector<1x1x128xf32>
    %swap3A_85 = arith.constant 0 : index
    %swap3A_86 = arith.constant 0 : index
    %swap3A_87 = arith.constant 0 : index
    %swap3A_88 = vector.load %arg11[%swap3A_85, %swap3A_86, %swap3A_87] : memref<1x1x128xf32, #tpu.memory_space<vmem>>, vector<1x1x128xf32>
    tpu.vector_store %arg11[%swap3A_85, %swap3A_86, %swap3A_87], %add3A {strides = array<i32>} : memref<1x1x128xf32, #tpu.memory_space<vmem>>, vector<1x1x128xf32>,
    return
  }
  func.func @transform_0(%arg0: i32, %arg1: memref<72xi32, #tpu.memory_space<smem>>) -> (i32, i32) {
    %c0_i32 = arith.constant 0 : i32
    %c0_i32_0 = arith.constant 0 : i32
    return %arg0, %c0_i32 : i32, i32
  }
  func.func @transform_1(%arg0: i32, %arg1: memref<72xi32, #tpu.memory_space<smem>>) -> (i32, i32, i32) {
    %get3A = arith.index_cast %arg0 : i32 to index
    %get3A_0 = memref.load %arg1[%get3A] : memref<72xi32, #tpu.memory_space<smem>>
    %c0_i32 = arith.constant 0 : i32
    %c0_i32_1 = arith.constant 0 : i32
    %c0_i32_2 = arith.constant 0 : i32
    return %get3A_0, %c0_i32, %c0_i32_1 : i32, i32, i32
  }
  func.func @transform_2(%arg0: i32, %arg1: memref<72xi32, #tpu.memory_space<smem>>) -> (i32, i32, i32) {
    %get3A = arith.index_cast %arg0 : i32 to index
    %get3A_0 = memref.load %arg1[%get3A] : memref<72xi32, #tpu.memory_space<smem>>
    %c0_i32 = arith.constant 0 : i32
    %c0_i32_1 = arith.constant 0 : i32
    %c0_i32_2 = arith.constant 0 : i32
    return %get3A_0, %c0_i32, %c0_i32_1 : i32, i32, i32
  }
  func.func @transform_3(%arg0: i32, %arg1: memref<72xi32, #tpu.memory_space<smem>>) -> (i32, i32, i32) {
    %get3A = arith.index_cast %arg0 : i32 to index
    %get3A_0 = memref.load %arg1[%get3A] : memref<72xi32, #tpu.memory_space<smem>>
    %c0_i32 = arith.constant 0 : i32
    %c0_i32_1 = arith.constant 0 : i32
    %c0_i32_2 = arith.constant 0 : i32
    return %get3A_0, %c0_i32, %c0_i32_1 : i32, i32, i32
  }
  func.func @transform_4(%arg0: i32, %arg1: memref<72xi32, #tpu.memory_space<smem>>) -> (i32, i32) {
    %c0_i32 = arith.constant 0 : i32
    %c0_i32_0 = arith.constant 0 : i32
    %c0_i32_1 = arith.constant 0 : i32
    return %c0_i32, %c0_i32_0 : i32, i32
  }
  func.func @transform_5(%arg0: i32, %arg1: memref<72xi32, #tpu.memory_space<smem>>) -> (i32, i32, i32) {
    %c0_i32 = arith.constant 0 : i32
    %c0_i32_0 = arith.constant 0 : i32
    %c0_i32_1 = arith.constant 0 : i32
    return %arg0, %c0_i32, %c0_i32_0 : i32, i32, i32
  }
  func.func @transform_6(%arg0: i32, %arg1: memref<72xi32, #tpu.memory_space<smem>>) -> (i32, i32, i32) {
    %c0_i32 = arith.constant 0 : i32
    %c0_i32_0 = arith.constant 0 : i32
    %c0_i32_1 = arith.constant 0 : i32
    return %arg0, %c0_i32, %c0_i32_0 : i32, i32, i32
  }
  func.func @transform_7(%arg0: i32, %arg1: memref<72xi32, #tpu.memory_space<smem>>) -> (i32, i32, i32) {
    %c0_i32 = arith.constant 0 : i32
    %c0_i32_0 = arith.constant 0 : i32
    %c0_i32_1 = arith.constant 0 : i32
    return %arg0, %c0_i32, %c0_i32_0 : i32, i32, i32
  }
  func.func @transform_8(%arg0: i32, %arg1: memref<72xi32, #tpu.memory_space<smem>>) -> (i32, i32) {
    %c0_i32 = arith.constant 0 : i32
    %c0_i32_0 = arith.constant 0 : i32
    return %arg0, %c0_i32 : i32, i32
  }
  func.func @transform_9(%arg0: i32, %arg1: memref<72xi32, #tpu.memory_space<smem>>) -> (i32, i32, i32) {
    %get3A = arith.index_cast %arg0 : i32 to index
    %get3A_0 = memref.load %arg1[%get3A] : memref<72xi32, #tpu.memory_space<smem>>
    %c0_i32 = arith.constant 0 : i32
    %c0_i32_1 = arith.constant 0 : i32
    %c0_i32_2 = arith.constant 0 : i32
    return %get3A_0, %c0_i32, %c0_i32_1 : i32, i32, i32
  }
}

module attributes {stable_mosaic.version = 14 : i64} {
  func.func @_add_body(%arg0: i32, %arg1: memref<256x1024xf32, #tpu.memory_space<vmem>>, %arg2: memref<256x1024xf32, #tpu.memory_space<vmem>>, %arg3: memref<256x1024xf32, #tpu.memory_space<vmem>>) attributes {dimension_semantics = [#tpu.dimension_semantics<arbitrary>], iteration_bounds = array<i64: 32>, scalar_prefetch = 0 : i64, scratch_operands = 0 : i64, tpu.core_type = #tpu.core_type<tc>, window_params = [{transform_indices = @transform_0, window_bounds = array<i64: 256, 1024>}, {transform_indices = @transform_1, window_bounds = array<i64: 256, 1024>}, {transform_indices = @transform_2, window_bounds = array<i64: 256, 1024>}]} {
    %get3A = arith.constant 0 : index
    %get3A_0 = arith.constant 0 : index
    %get3A_1 = vector.load %arg1[%get3A, %get3A_0] : memref<256x1024xf32, #tpu.memory_space<vmem>>, vector<256x1024xf32>
    %get3A_2 = arith.constant 0 : index
    %get3A_3 = arith.constant 0 : index
    %get3A_4 = vector.load %arg2[%get3A_2, %get3A_3] : memref<256x1024xf32, #tpu.memory_space<vmem>>, vector<256x1024xf32>
    %add3A = arith.addf %get3A_1, %get3A_4 : vector<256x1024xf32>
    %swap3A = arith.constant 0 : index
    %swap3A_5 = arith.constant 0 : index
    %swap3A_6 = vector.load %arg3[%swap3A, %swap3A_5] : memref<256x1024xf32, #tpu.memory_space<vmem>>, vector<256x1024xf32>
    tpu.vector_store %arg3[%swap3A, %swap3A_5], %add3A {strides = array<i32>} : memref<256x1024xf32, #tpu.memory_space<vmem>>, vector<256x1024xf32>,
    return
  }
  func.func @transform_0(%arg0: i32) -> (i32, i32) {
    %mul3A = arith.constant 2 : i32
    %mul3A_0 = arith.muli %mul3A, %arg0 : i32
    %c0_i32 = arith.constant 0 : i32
    %c0_i32_1 = arith.constant 0 : i32
    return %mul3A_0, %c0_i32 : i32, i32
  }
  func.func @transform_1(%arg0: i32) -> (i32, i32) {
    %mul3A = arith.constant 2 : i32
    %mul3A_0 = arith.muli %mul3A, %arg0 : i32
    %add3A = arith.constant 1 : i32
    %add3A_1 = arith.addi %mul3A_0, %add3A : i32
    %c0_i32 = arith.constant 0 : i32
    %c0_i32_2 = arith.constant 0 : i32
    return %add3A_1, %c0_i32 : i32, i32
  }
  func.func @transform_2(%arg0: i32) -> (i32, i32) {
    %c0_i32 = arith.constant 0 : i32
    %c0_i32_0 = arith.constant 0 : i32
    return %arg0, %c0_i32 : i32, i32
  }
}

</mosaic_0001>

<sc_bundles>
// kernel: gather_offload_async_start.1
scs
__scs_entry_jumppad:
0x0: {  	(pc) =	sbr.rel $0x88, $3  }
0x1: {  	(tag) =	ssettag $0x0;
	lr =	simm.s32 $0x1  }
0x2: {  	[smem:$0x3F98] =	sst lr;
	_ =	strace $0xD0000000  }
0x3: {  	_ = 	snop  }
0x4: {  	_ = 	snop  }
0x5: {  	_ = 	snop  }
0x6: {  	_ = 	snop  }
0x7: {  	_ = 	snop  }
__scs_overlays_trampoline_lowered:
0x8: {  	[smem:$0x3FA7] =	sst s0  }
0x9: {  	[smem:$0x3FA8] =	sst s1  }
0xa: {  	[smem:$0x3FA9] =	sst s2  }
0xb: {  	[smem:$0x3FAA] =	sst s3  }
0xc: {  	[smem:$0x3FAB] =	sst s4  }
0xd: {  	[smem:$0x3FAC] =	sst s5  }
0xe: {  	[smem:$0x3FAD] =	sst s6  }
0xf: {  	[smem:$0x3FAE] =	sst s7  }
0x10: {  	[smem:$0x3FAF] =	sst s8  }
0x11: {  	[smem:$0x3FB0] =	sst s9;
	s0 =	simm.s32 @!p0 $0x0  }
0x12: {  	s1 =	sld [smem:$0x3F96];
	s0 =	simm.s32 @p0 $0x1  }
0x13: {  	[smem:$0x3FB1] =	sst s0;
	s0 =	simm.s32 @!p1 $0x0  }
0x14: {  	s2 =	sld [smem:$0x3F95];
	s0 =	simm.s32 @p1 $0x1  }
0x15: {  	[smem:$0x3FB2] =	sst s0;
	s0 =	simm.s32 @!p2 $0x0  }
0x16: {  	s3 =	sld [smem:$0x3FDB];
	s0 =	simm.s32 @p2 $0x1  }
0x17: {  	s4 =	simm.s32 $0x1BF5;
	[smem:$0x3FB4] =	sst s0  }
0x18: {  	s0 =	sld [smem:$0x3F97];
	_ =	swait.ge [sflag:s4], $0x0  }
0x19: {  	s7 =	sld [smem:$0x3F98]  }
0x1a: {  	s8 =	sadd.s32 $0xFFFFE003, lr  }
0x1b: {  	s9 =	sadd.s32 $0xFFFFFEF7, lr;
	s5 =	simm.s32 $0xFFFFFFFF;
	p2 =	slt.u32 s8, $0xFFFFF086  }
0x1c: {  	p1 =	slt.u32 s9, $0xF7A;
	s5 =	simm.s32 @!p2 $0x0  }
0x1d: {  	s5 =	simm.s32 @p1 $0x1;
	p0 =	seq.s32 s7, s2  }
0x1e: {  	s7 =	smul.u32 @!p0 $0xF7A, s2;
	p2 =	seq.s32 @!p0 s5, $0x0  }
0x1f: {  	s9 =	smul.u32 $0xF7A, s1;
	s8 =	simm.s32 @!p0 $0x1BF5;
	p2 =	por !p2, p0  }
0x20: {  	[sflag:s8] =	ssyncset.s32 @!p0 $0xFFFFF086;
	s6 =	sadd.s32 @!p0 s3, s7;
	s7 =	simm.s32 @!p0 $0x108  }
0x21: {  	s3 =	sadd.s32 s3, s9;
	s6 =	sadd.s32 @!p0 $0x88, s6;
	s7 =	simm.s32 @p2 $0x1082  }
0x22: {  	[simem:s7], [sflag:s8] =	dma.local @!p0 [hbm:s6], $0xF7A  }
0x23: {  	s9 =	sor.u32 $0xD0000000, s2;
	s6 =	simm.s32 $0x108;
	_ =	swait.ge @!p0 [sflag:s8], $0x0  }
0x24: {  	s3 =	sadd.s32 $0x88, s3;
	s6 =	simm.s32 @!p1 $0x1082;
	[sflag:s4] =	ssyncset.s32 $0xFFFFF086  }
0x25: {  	[simem:s6], [sflag:s4] =	dma.local [hbm:s3], $0xF7A  }
0x26: {  	[smem:$0x3F98] =	sst s1;
	(tag) =	ssettag s2;
	_ =	strace s9  }
0x27: {  	s1 =	sld [smem:$0x3FA8]  }
0x28: {  	s2 =	sld [smem:$0x3FA9]  }
0x29: {  	s4 =	sld [smem:$0x3FAB]  }
0x2a: {  	p0 =	seq.s32 s5, $0x0;
	s5 =	sld [smem:$0x3FAC]  }
0x2b: {  	s6 =	sld [smem:$0x3FAD]  }
0x2c: {  	s7 =	sld [smem:$0x3FAE]  }
0x2d: {  	s3 =	simm.s32 $0x108;
	s8 =	sld [smem:$0x3FAF]  }
0x2e: {  	s3 =	simm.s32 @!p0 $0x1082;
	s9 =	sld [smem:$0x3FB0]  }
0x2f: {  	lr =	sadd.s32 s0, s3;
	s0 =	sld [smem:$0x3FA7]  }
0x30: {  	s3 =	sld [smem:$0x3FAA]  }
0x31: {  	[smem:$0x3FB3] =	sst s10  }
0x32: {  	s10 =	sld [smem:$0x3FB1];
	_ =	sdelay $0x3  }
0x33: {  	p0 =	seq.s32 s10, $0x1;
	s10 =	sld [smem:$0x3FB3];
	_ =	sdelay $0x3  }
0x34: {  	[smem:$0x3FB3] =	sst s10  }
0x35: {  	s10 =	sld [smem:$0x3FB2];
	_ =	sdelay $0x3  }
0x36: {  	p1 =	seq.s32 s10, $0x1;
	s10 =	sld [smem:$0x3FB3];
	_ =	sdelay $0x3  }
0x37: {  	[smem:$0x3FB3] =	sst s10  }
0x38: {  	s10 =	sld [smem:$0x3FB4]  }
0x39: {  	_ = 	snop;
	(pc) =	sbr.ind lr, $3  }
0x3a: {  	_ = 	snop  }
0x3b: {  	_ = 	snop  }
0x3c: {  	p2 =	seq.s32 s10, $0x1;
	s10 =	sld [smem:$0x3FB3]  }
0x3d: {  	_ =	shalt  }
0x3e: {  	_ =	shalt  }
0x3f: {  	_ =	shalt  }
0x40: {  	_ =	shalt  }
0x41: {  	_ =	shalt  }
0x42: {  	_ =	shalt  }
0x43: {  	_ =	shalt  }
0x44: {  	_ =	shalt  }
0x45: {  	_ =	shalt  }
0x46: {  	_ =	shalt  }
0x47: {  	_ =	shalt  }
0x48: {  	_ =	shalt  }
0x49: {  	_ =	shalt  }
0x4a: {  	_ =	shalt  }
0x4b: {  	_ =	shalt  }
0x4c: {  	_ =	shalt  }
0x4d: {  	_ =	shalt  }
0x4e: {  	_ =	shalt  }
0x4f: {  	_ =	shalt  }
0x50: {  	_ =	shalt  }
0x51: {  	_ =	shalt  }
0x52: {  	_ =	shalt  }
0x53: {  	_ =	shalt  }
0x54: {  	_ =	shalt  }
0x55: {  	_ =	shalt  }
0x56: {  	_ =	shalt  }
0x57: {  	_ =	shalt  }
0x58: {  	_ =	shalt  }
0x59: {  	_ =	shalt  }
0x5a: {  	_ =	shalt  }
0x5b: {  	_ =	shalt  }
0x5c: {  	_ =	shalt  }
0x5d: {  	_ =	shalt  }
0x5e: {  	_ =	shalt  }
0x5f: {  	_ =	shalt  }
0x60: {  	_ =	shalt  }
0x61: {  	_ =	shalt  }
0x62: {  	_ =	shalt  }
0x63: {  	_ =	shalt  }
0x64: {  	_ =	shalt  }
0x65: {  	_ =	shalt  }
0x66: {  	_ =	shalt  }
0x67: {  	_ =	shalt  }
0x68: {  	_ =	shalt  }
0x69: {  	_ =	shalt  }
0x6a: {  	_ =	shalt  }
0x6b: {  	_ =	shalt  }
0x6c: {  	_ =	shalt  }
0x6d: {  	_ =	shalt  }
0x6e: {  	_ =	shalt  }
0x6f: {  	_ =	shalt  }
0x70: {  	_ =	shalt  }
0x71: {  	_ =	shalt  }
0x72: {  	_ =	shalt  }
0x73: {  	_ =	shalt  }
0x74: {  	_ =	shalt  }
0x75: {  	_ =	shalt  }
0x76: {  	_ =	shalt  }
0x77: {  	_ =	shalt  }
0x78: {  	_ =	shalt  }
0x79: {  	_ =	shalt  }
0x7a: {  	_ =	shalt  }
0x7b: {  	_ =	shalt  }
0x7c: {  	_ =	shalt  }
0x7d: {  	_ =	shalt  }
0x7e: {  	_ =	shalt  }
0x7f: {  	_ =	shalt  }
0x80: {  	_ =	shalt  }
0x81: {  	_ =	shalt  }
0x82: {  	_ =	shalt  }
0x83: {  	_ =	shalt  }
0x84: {  	_ =	shalt  }
0x85: {  	_ =	shalt  }
0x86: {  	_ =	shalt  }
0x87: {  	_ =	shalt  }
.Lfunc_end0:
.L_simem_size_0:
called_computation.1_lowered:
.L_overlay_start_0:
0x88: {  	s2 =	sld [smem:$0x3FD9]  }
0x89: {  	s3 =	sld [smem:$0x3FFE];
	_ =	sdelay $0x1  }
0x8a: {  	s1 =	srdreg.scid  }
0x8b: {  	s0 =	sand.u32 $0x1, s1  }
0x8c: {  	s14 =	sshll.u32 s0, $0xA;
	s2 =	sadd.s32 s3, s2  }
0x8d: {  	s2 =	sadd.s32 s2, s14  }
0x8e: {  	[smem:$0x3FBF] =	sst s2  }
0x8f: {  	_ = 	snop  }
0x90: {  	s2 =	sld [smem:$0x3FD0];
	_ =	sdelay $0x2  }
0x91: {  	s15 =	simm.s32 $0xB;
	s4 =	simm.s32 $0x10  }
0x92: {  	[smem:s4], [sflag:s15] =	dma.local [hbm:s2], $0x1  }
0x93: {  	_ =	swait.eq [sflag:s15], $0x1  }
0x94: {  	[sflag:s15] =	ssyncset.done $0x0  }
0x95: {  	s16 =	sld [smem:$0x10];
	[sflag:s15] =	ssyncadd.s32 $0xFFFFFFFF  }
0x96: {  	s17 =	sld [smem:$0x12];
	(tm) =	ssettm $0x1  }
0x97: {  	s18 =	sld [smem:$0x3FFB];
	_ =	sdelay $0x3  }
0x98: {  	_ =	strace s18  }
0x99: {  	s4 =	sld [smem:$0x3FFC];
	_ =	sdelay $0x3  }
0x9a: {  	_ =	strace s4  }
0x9b: {  	s4 =	sld [smem:$0x3FFD];
	_ =	sdelay $0x3  }
0x9c: {  	_ =	strace s4  }
0x9d: {  	_ =	strace $0x8FFFFFFF  }
0x9e: {  	s19 =	sld [smem:$0x3FDB];
	_ =	sdelay $0x1  }
0x9f: {  	s5 =	simm.s32 $_scs_section_size  }
0xa0: {  	s6 =	simm.s32 $_size__tile_overlayer_lowered;
	s7 =	simm.s32 $_tile_overlayer_lowered  }
0xa1: {  	s22 =	simm.s32 $0x1BFF;
	s21 =	sshll.u32 s7, $0x1;
	s4 =	sadd.s32 s5, s19  }
0xa2: {  	s8 =	simm.s32 $0x0;
	s20 =	sshll.u32 s6, $0x1;
	s6 =	sadd.s32 s21, s4  }
0xa3: {  	[timem:s8], [sflag:s22] =	dma.local [hbm:s6], s20  }
0xa4: {  	_ =	swait.ge [sflag:s22], s20  }
0xa5: {  	s5 =	ssub.s32 $0x0, s20;
	[sflag:s22] =	ssyncset.done $0x0  }
0xa6: {  	[sflag:s22] =	ssyncadd.s32 s5;
	_ =	sdelay $0x1  }
0xa7: {  	s23 =	simm.s32 $0x1B8B  }
0xa8: {  	_ =	swait.ge [sflag:s23], $0x1  }
0xa9: {  	[sflag:s23] =	ssyncset.done $0x0  }
0xaa: {  	s25 =	simm.s32 $0x1B8E;
	s24 =	sld [smem:$0x3FFE];
	[sflag:s23] =	ssyncadd.s32 $0xFFFFFFFF  }
0xab: {  	s26 =	simm.s32 $execute0_lowered;
	[smem:$0x3FD2] =	sst s25  }
0xac: {  	s6 =	sshll.u32 s26, $0x1;
	_ =	strace $0x80000046;
	[dreg:$0x1] =	wrdreg $0xFFFFFFFF  }
0xad: {  	s28 =	simm.s32 $_size_execute0_lowered;
	s4 =	sadd.s32 s4, s6;
	[dreg:$0x0] =	wrdreg $0x0  }
0xae: {  	s6 =	sshll.u32 s28, $0x1;
	[dreg:$0x2] =	wrdreg s4  }
0xaf: {  	[dreg:$0x3] =	wrdreg s6  }
0xb0: {  	[dreg:$0x4] =	wrdreg $0xC0  }
0xb1: {  	_ =	task [dreg:s8], $0x5FFFF  }
0xb2: {  	[dreg:$0x1] =	wrdreg $0xFFFFFFFF  }
0xb3: {  	[dreg:$0x0] =	wrdreg $0x60  }
0xb4: {  	[dreg:$0x2] =	wrdreg s16  }
0xb5: {  	[dreg:$0x3] =	wrdreg s17  }
0xb6: {  	[dreg:$0x4] =	wrdreg s24  }
0xb7: {  	[dreg:$0x5] =	wrdreg $0x9  }
0xb8: {  	_ =	task.clear_ibuf [dreg:s8], $0x6FFFF;
	_ =	strace $0x90000046  }
0xb9: {  	s29 =	simm.s32 $0x9;
	_ =	strace $0x80000048  }
0xba: {  	_ =	swait.ge [sflag:s29], $0x1  }
0xbb: {  	[sflag:s29] =	ssyncadd.s32 $0xFFFFFFFF  }
0xbc: {  	_ =	strace $0x90000048  }
0xbd: {  	_ =	sfence  }
0xbe: {  	s30 =	sld [smem:$0x0];
	_ =	sdelay $0x2  }
0xbf: {  	s31 =	sshll.u32 s1, $0xD;
	s1 =	sshrl.u32 s1, $0x2  }
0xc0: {  	s3 =	sand.u32 $0x4000, s31;
	s1 =	sadd.s32 s1, s30  }
0xc1: {  	s0 =	sor.u32 s3, s0;
	s1 =	sshll.u32 s1, $0x11  }
0xc2: {  	s0 =	sor.u32 s1, s0  }
0xc3: {  	s0 =	sadd.s32 $0x8F2B, s0  }
0xc4: {  	[sflag:s0] =	ssyncadd.remote.s32 $0x1  }
0xc5: {  	_ =	sfence.sel $0xFFFF  }
0xc6: {  	[dreg:$0x0] =	wrdreg $0xFFFFFFFF;
	(pc) =	sbr.abs _section_cstart, $3  }
0xc7: {  	[dreg:$0x1] =	wrdreg $0xFFFFFFFF  }
0xc8: {  	_ =	task.clear_ibuf [dreg:s8], $0x2FFFF;
	_ =	strace $0x9FFFFFFF  }
0xc9: {  	(tm) =	ssettm $0x7FFFFFFF  }
tec
execute0_lowered:
.L_overlay_start_1:
0x0: {  	(tag) =	ssettag $0x1  }
0x1: {  	s2 =	rddreg [dreg:$0x0]  }
0x2: {  	s1 =	srdreg.scid;
	s3 =	rddreg [dreg:$0x1]  }
0x3: {  	s0 =	stileid.u32;
	s5 =	rddreg [dreg:$0x2]  }
0x4: {  	s9 =	simm.s32 $0x1;
	s10 =	simm.s32 $0x3;
	s1 =	sshll.u32 s1, $0x8  }
0x5: {  	s13 =	simm.s32 $0x0;
	s4 =	sshll.u32 s0, $0x9;
	s6 =	sand.u32 $0x100, s1  }
0x6: {  	s12 =	simm.s32 $0x0;
	s5 =	sadd.s32 $0x21A00, s5;
	s4 =	sor.u32 s4, s6  }
0x7: {  	s1 =	rddreg [dreg:$0x3];
	_ =	strace $0x80000047;
	s8 =	ssub.s32 $0x4000, s4  }
.Ltmp0:
0x8: {  	s6 =	simm.s32 $0x1;
	s7 =	sand.u32 $0x1F00, s8;
	(pc) =	sbr.rel .LBB2_1-.Ltmp0, $4  }
0x9: {  	[sflag:s6] =	ssyncpa.u1 $0x0;
	s11 =	smov.u32 s4;
	p0 =	sne.s32 s7, $0x0  }
0xa: {  	s8 =	sshrl.u32 s8, $0xD;
	s7 =	simm.s32 $0x2;
	s9 =	simm.s32 @!p0 $0x0  }
0xb: {  	[sflag:s7] =	ssyncpa.u1 $0x0;
	p0 =	por $0x0, $0x0;
	s8 =	sadd.s32 s9, s8  }
0xc: {  	vm0 =	vmmov $0xffff;
	[sflag:s10] =	ssyncpa.u1 $0x0;
	s10 =	simm.s32 $0x0;
	s9 =	sadd.s32 $0x1, s8  }
.LBB2_4:
0xd: {  	v5 =	vshrl.u32 v1, $0xE;
	v6 =	vshll.u32 v1, $0x7  }
0xe: {  	vm1 =	veq.s32 v1, $0x80000000;
	v58 =	vand.u32 $0x7, v5;
	v59 =	vand.u32 $0x1FFF80, v6  }
0xf: {  	v1 =	vsel vm1, $0xFFFFFFFF, v58;
	v5 =	vsel vm1, $0xFFFFFF80, v59  }
0x10: {  	v3 =	vor.u32 v4, v3;
	v60 =	vand.u32 $0xFFFFFC00, v5;
	v61 =	vand.u32 $0xFFFFFC00, v1  }
0x11: {  	v2 =	vor.u32 v2, v3;
	v63 =	vand.u32 $0x380, v5;
	v62 =	vadd.s32 v61, v60  }
0x12: {  	v1 =	vand.u32 $0x7F, v1;
	v3 =	vor.u32 v63, v62  }
0x13: {  	v1 =	vor.u32 v1, v3  }
0x14: {  	[tilespmem:s15], [sflag:$0x1] =	stream.indirect_vreg.gather [hbm4b:s2+s10], $0x1, v0, vm0, $0x4038;
	[tilespmem:$0x400] =	vst v63  }
0x15: {  	(ifvalue) =	ssetifvalue $0x7FFFFFFF  }
0x16: {  	[tilespmem:s16], [sflag:$0x1] =	stream.indirect_vreg.gather [hbm4b:s2+s10], $0x1, v2, vm0, $0x4038;
	[tilespmem:$0x400] =	vst v63  }
0x17: {  	s29 =	sadd.s32 $0x10, s16;
	(ifvalue) =	ssetifvalue $0x7FFFFFFF  }
0x18: {  	[tilespmem:s29], [sflag:$0x1] =	stream.indirect_vreg.gather [hbm4b:s2+s10], $0x1, v1, vm0, $0x4038;
	[tilespmem:$0x400] =	vst v63  }
0x19: {  	_ =	swait.ge [sflag:s6], $0x100  }
0x1a: {  	s30 =	sshrl.u32 s13, $0x3;
	[sflag:s6] =	ssyncset.done $0x0  }
0x1b: {  	s31 =	sand.u32 $0x7, s13;
	s15 =	sadd.s32 s5, s30;
	[sflag:s6] =	ssyncadd.s32 $0xFFFFFF00  }
0x1c: {  	[hbm4b:s15+s31] =	stream.linear.scatter [tilespmem:s14], [sflag:$0x3], $0x100, $0x38;
	[tilespmem:$0x400] =	vst v63  }
.LBB2_5:
0x1d: {  	s15 =	sadd.s32 $0x2000, s11  }
0x1e: {  	p2 =	sgt.s32 s15, $0x3FFF  }
0x1f: {  	s15 =	smov.u32 @p2 s4;
	p2 =	sne.s32 s12, s9  }
.Ltmp1:
0x20: {  	p1 =	slt.u32 s12, $0x2;
	(pc) =	sbr.rel @!p2 .LBB2_6-.Ltmp1, $4  }
0x21: {  	s14 =	simm.s32 @!p1 $0x3  }
0x22: {  	s16 =	sadd.s32 $0x1, s12;
	_ =	swait.ge @!p1 [sflag:s14], $0x100  }
0x23: {  	s13 =	smov.u32 s11;
	p0 =	por !p0, !p0;
	[sflag:s14] =	ssyncset.done @!p1 $0x0  }
0x24: {  	s12 =	smov.u32 s16;
	s11 =	smov.u32 s15;
	[sflag:s14] =	ssyncadd.s32 @!p1 $0xFFFFFF00  }
.LBB2_1:
0x25: {  	p1 =	sge.u32 s12, s8  }
0x26: {  	s14 =	sxor.u32 @!p1 $0xFFFFFFFF, s12  }
0x27: {  	s31 =	sadd.s32 $0xFFFFFFFF, s12;
	s15 =	sshrl.u32 @!p1 s11, $0x3;
	s14 =	sshll.u32 @!p1 s14, $0x8  }
0x28: {  	s16 =	sand.u32 @!p1 $0x7, s11;
	s15 =	sadd.s32 @!p1 s3, s15;
	s14 =	sand.u32 @!p1 $0x100, s14  }
0x29: {  	[tilespmem:s14], [sflag:$0x2] =	stream.linear.gather @!p1 [hbm4b:s15+s16], $0x100, $0x38;
	[tilespmem:$0x400] =	vst v63  }
0x2a: {  	p1 =	sge.u32 s31, s8  }
.Ltmp2:
0x2b: {  	_ = 	snop;
	(pc) =	sbr.rel @p1 .LBB2_5-.Ltmp2, $1  }
0x2c: {  	_ =	sdelay $0x3  }
0x2d: {  	s14 =	simm.s32 $0x1  }
0x2e: {  	_ =	swait.ge [sflag:s7], $0x100;
	s14 =	simm.s32 @!p0 $0x0  }
0x2f: {  	[sflag:s7] =	ssyncset.done $0x0;
	s14 =	sshll.u32 s14, $0x8  }
0x30: {  	[sflag:s7] =	ssyncadd.s32 $0xFFFFFF00;
	(ifvalue) =	ssetifvalue $0x7FFFFFFF;
	v0 =	vld.msk [tilespmem:s14+$0x0 ss:$0x1], $0xffff;
	_ =	sdelay $0x4  }
0x31: {  	s15 =	sadd.s32 $0x10, s14;
	v2 =	vshrl.u32 v0, $0xE;
	v3 =	vshll.u32 v0, $0x7  }
0x32: {  	v1 =	vld.msk [tilespmem:s15+$0x0 ss:$0x1], $0xffff;
	vm1 =	veq.s32 v0, $0x80000000;
	v0 =	vand.u32 $0x7, v2;
	v2 =	vand.u32 $0x1FFF80, v3  }
0x33: {  	v0 =	vsel vm1, $0xFFFFFFFF, v0;
	v2 =	vsel vm1, $0xFFFFFF80, v2  }
0x34: {  	v3 =	vand.u32 $0xFFFFFC00, v2;
	v4 =	vand.u32 $0xFFFFFC00, v0  }
0x35: {  	v2 =	vand.u32 $0x380, v2;
	v3 =	vadd.s32 v4, v3  }
0x36: {  	v0 =	vand.u32 $0x7F, v0;
	v2 =	vor.u32 v2, v3  }
0x37: {  	v5 =	vshll.u32 v1, $0x7;
	v4 =	vshrl.u32 v1, $0xE;
	v0 =	vor.u32 v0, v2  }
0x38: {  	s16 =	sshll.u32 s12, $0x8;
	vm1 =	veq.s32 v1, $0x80000000;
	v1 =	vand.u32 $0x7, v4;
	v4 =	vand.u32 $0x1FFF80, v5  }
0x39: {  	s16 =	sand.u32 $0x100, s16;
	s18 =	sadd.s32 $0x10, s15;
	v3 =	vsel vm1, $0xFFFFFFFF, v1;
	v4 =	vsel vm1, $0xFFFFFF80, v4  }
0x3a: {  	s17 =	simm.s32 $0x20;
	s15 =	sor.u32 $0x200, s14;
	s14 =	sor.u32 $0x200, s16;
	v1 =	vld.msk [tilespmem:s18+$0x0 ss:$0x1], $0xffff;
	v5 =	vand.u32 $0xFFFFFC00, v4;
	v6 =	vand.u32 $0xFFFFFC00, v3  }
0x3b: {  	s16 =	sadd.s32 $0x10, s15;
	s18 =	sadd.s32 $0x10, s18;
	(ifvalue) =	ssetifvalue $0x7FFFFFFF;
	v2 =	vand.u32 $0x7F, v3;
	v4 =	vand.u32 $0x380, v4;
	v3 =	vadd.s32 v6, v5  }
.LBB2_3:
0x3c: {  	[tilespmem:s15], [sflag:$0x1] =	stream.indirect_vreg.gather [hbm4b:s2+s10], $0x1, v0, vm0, $0x4038;
	[tilespmem:$0x400] =	vst v63  }
0x3d: {  	s17 =	sadd.s32 $0x10, s17  }
0x3e: {  	v3 =	vor.u32 v4, v3;
	p1 =	slt.u32 s17, $0xF0  }
.Ltmp3:
0x3f: {  	v4 =	vshrl.u32 v1, $0xE;
	v5 =	vshll.u32 v1, $0x7;
	s15 =	smov.u32 s16;
	v0 =	vor.u32 v2, v3;
	v2 =	vmovc v1;
	v1 =	vld.msk [tilespmem:s18+$0x0 ss:$0x1], $0xffff;
	(pc) =	sbr.rel @p1 .LBB2_3-.Ltmp3, $4  }
0x40: {  	v3 =	vand.u32 $0x1FFF80, v5;
	vm1 =	veq.s32 v2, $0x80000000;
	v2 =	vand.u32 $0x7, v4  }
0x41: {  	v4 =	vsel vm1, $0xFFFFFFFF, v2;
	v5 =	vsel vm1, $0xFFFFFF80, v3  }
0x42: {  	v2 =	vand.u32 $0x7F, v4;
	v3 =	vand.u32 $0xFFFFFC00, v5;
	v4 =	vand.u32 $0xFFFFFC00, v4  }
0x43: {  	s16 =	sadd.s32 $0x10, s16;
	s18 =	sadd.s32 $0x10, s18;
	v3 =	vadd.s32 v4, v3;
	v4 =	vand.u32 $0x380, v5;
	(ifvalue) =	ssetifvalue $0x7FFFFFFF  }
.Ltmp4:
0x44: {  	_ = 	snop;
	(pc) =	sbr.rel .LBB2_4-.Ltmp4, $1  }
0x45: {  	_ =	sdelay $0x3  }
.LBB2_6:
0x46: {  	_ =	sfence.sel $0x180000  }
0x47: {  	s2 =	simm.s32 $0x2;
	[bflag:$0x0] =	sbarrier.arrive $0xFFFF  }
0x48: {  	s30 =	simm.s32 $0x3;
	[sflag:s2] =	ssyncpa.u1 $0x1  }
0x49: {  	s31 =	simm.s32 $0x1;
	[sflag:s30] =	ssyncpa.u1 $0x1  }
0x4a: {  	[sflag:s31] =	ssyncpa.u1 $0x1  }
0x4b: {  	p0 =	sne.s32 s0, $0x0;
	_ =	strace $0x90000047  }
0x4c: {  	s0 =	sadd.s32 @!p0 $0x100000, s1;
	[bflag:$0x2] =	sbarrier.arrive $0xFFFF  }
0x4d: {  	[sflag:s0] =	ssyncadd.tile.s32 @!p0 $0x1;
	_ =	shalt  }
.Lfunc_end2:
_tile_overlayer_lowered:
.L_overlay_start_2:
0x4e: {  	(tag) =	ssettag $0x2  }
0x4f: {  	s0 =	rddreg [dreg:$0x0];
	s2 =	stileid.u32  }
0x50: {  	s1 =	rddreg [dreg:$0x1];
	p0 =	sne.s32 s2, $0x0  }
0x51: {  	s3 =	rddreg [dreg:$0x2];
	[bflag:$0x3] =	sbarrier.arrive $0xFFFF;
	s2 =	simm.s32 @!p0 $0x1C01  }
0x52: {  	[timem:s3], [sflag:s2] =	dma.local @!p0 [hbm:s0], s1  }
0x53: {  	s0 =	simm.s32 @!p0 $0x1  }
0x54: {  	_ =	swait.ge @!p0 [sflag:s0], s1  }
0x55: {  	s1 =	ssub.s32 @!p0 $0x0, s1;
	[sflag:s0] =	ssyncset.done @!p0 $0x0  }
0x56: {  	[sflag:s0] =	ssyncadd.s32 @!p0 s1  }
0x57: {  	[bflag:$0x3] =	sbarrier.arrive $0xFFFF  }
0x58: {  	_ =	shalt  }

// kernel: gather_offload_async_start
scs
__scs_entry_jumppad:
0x0: {  	(pc) =	sbr.rel $0x88, $3  }
0x1: {  	(tag) =	ssettag $0x0;
	lr =	simm.s32 $0x1  }
0x2: {  	[smem:$0x3F98] =	sst lr;
	_ =	strace $0xD0000000  }
0x3: {  	_ = 	snop  }
0x4: {  	_ = 	snop  }
0x5: {  	_ = 	snop  }
0x6: {  	_ = 	snop  }
0x7: {  	_ = 	snop  }
__scs_overlays_trampoline_lowered:
0x8: {  	[smem:$0x3FA7] =	sst s0  }
0x9: {  	[smem:$0x3FA8] =	sst s1  }
0xa: {  	[smem:$0x3FA9] =	sst s2  }
0xb: {  	[smem:$0x3FAA] =	sst s3  }
0xc: {  	[smem:$0x3FAB] =	sst s4  }
0xd: {  	[smem:$0x3FAC] =	sst s5  }
0xe: {  	[smem:$0x3FAD] =	sst s6  }
0xf: {  	[smem:$0x3FAE] =	sst s7  }
0x10: {  	[smem:$0x3FAF] =	sst s8  }
0x11: {  	[smem:$0x3FB0] =	sst s9;
	s0 =	simm.s32 @!p0 $0x0  }
0x12: {  	s1 =	sld [smem:$0x3F96];
	s0 =	simm.s32 @p0 $0x1  }
0x13: {  	[smem:$0x3FB1] =	sst s0;
	s0 =	simm.s32 @!p1 $0x0  }
0x14: {  	s2 =	sld [smem:$0x3F95];
	s0 =	simm.s32 @p1 $0x1  }
0x15: {  	[smem:$0x3FB2] =	sst s0;
	s0 =	simm.s32 @!p2 $0x0  }
0x16: {  	s3 =	sld [smem:$0x3FDB];
	s0 =	simm.s32 @p2 $0x1  }
0x17: {  	s4 =	simm.s32 $0x1BF5;
	[smem:$0x3FB4] =	sst s0  }
0x18: {  	s0 =	sld [smem:$0x3F97];
	_ =	swait.ge [sflag:s4], $0x0  }
0x19: {  	s7 =	sld [smem:$0x3F98]  }
0x1a: {  	s8 =	sadd.s32 $0xFFFFE003, lr  }
0x1b: {  	s9 =	sadd.s32 $0xFFFFFEF7, lr;
	s5 =	simm.s32 $0xFFFFFFFF;
	p2 =	slt.u32 s8, $0xFFFFF086  }
0x1c: {  	p1 =	slt.u32 s9, $0xF7A;
	s5 =	simm.s32 @!p2 $0x0  }
0x1d: {  	s5 =	simm.s32 @p1 $0x1;
	p0 =	seq.s32 s7, s2  }
0x1e: {  	s7 =	smul.u32 @!p0 $0xF7A, s2;
	p2 =	seq.s32 @!p0 s5, $0x0  }
0x1f: {  	s9 =	smul.u32 $0xF7A, s1;
	s8 =	simm.s32 @!p0 $0x1BF5;
	p2 =	por !p2, p0  }
0x20: {  	[sflag:s8] =	ssyncset.s32 @!p0 $0xFFFFF086;
	s6 =	sadd.s32 @!p0 s3, s7;
	s7 =	simm.s32 @!p0 $0x108  }
0x21: {  	s3 =	sadd.s32 s3, s9;
	s6 =	sadd.s32 @!p0 $0x88, s6;
	s7 =	simm.s32 @p2 $0x1082  }
0x22: {  	[simem:s7], [sflag:s8] =	dma.local @!p0 [hbm:s6], $0xF7A  }
0x23: {  	s9 =	sor.u32 $0xD0000000, s2;
	s6 =	simm.s32 $0x108;
	_ =	swait.ge @!p0 [sflag:s8], $0x0  }
0x24: {  	s3 =	sadd.s32 $0x88, s3;
	s6 =	simm.s32 @!p1 $0x1082;
	[sflag:s4] =	ssyncset.s32 $0xFFFFF086  }
0x25: {  	[simem:s6], [sflag:s4] =	dma.local [hbm:s3], $0xF7A  }
0x26: {  	[smem:$0x3F98] =	sst s1;
	(tag) =	ssettag s2;
	_ =	strace s9  }
0x27: {  	s1 =	sld [smem:$0x3FA8]  }
0x28: {  	s2 =	sld [smem:$0x3FA9]  }
0x29: {  	s4 =	sld [smem:$0x3FAB]  }
0x2a: {  	p0 =	seq.s32 s5, $0x0;
	s5 =	sld [smem:$0x3FAC]  }
0x2b: {  	s6 =	sld [smem:$0x3FAD]  }
0x2c: {  	s7 =	sld [smem:$0x3FAE]  }
0x2d: {  	s3 =	simm.s32 $0x108;
	s8 =	sld [smem:$0x3FAF]  }
0x2e: {  	s3 =	simm.s32 @!p0 $0x1082;
	s9 =	sld [smem:$0x3FB0]  }
0x2f: {  	lr =	sadd.s32 s0, s3;
	s0 =	sld [smem:$0x3FA7]  }
0x30: {  	s3 =	sld [smem:$0x3FAA]  }
0x31: {  	[smem:$0x3FB3] =	sst s10  }
0x32: {  	s10 =	sld [smem:$0x3FB1];
	_ =	sdelay $0x3  }
0x33: {  	p0 =	seq.s32 s10, $0x1;
	s10 =	sld [smem:$0x3FB3];
	_ =	sdelay $0x3  }
0x34: {  	[smem:$0x3FB3] =	sst s10  }
0x35: {  	s10 =	sld [smem:$0x3FB2];
	_ =	sdelay $0x3  }
0x36: {  	p1 =	seq.s32 s10, $0x1;
	s10 =	sld [smem:$0x3FB3];
	_ =	sdelay $0x3  }
0x37: {  	[smem:$0x3FB3] =	sst s10  }
0x38: {  	s10 =	sld [smem:$0x3FB4]  }
0x39: {  	_ = 	snop;
	(pc) =	sbr.ind lr, $3  }
0x3a: {  	_ = 	snop  }
0x3b: {  	_ = 	snop  }
0x3c: {  	p2 =	seq.s32 s10, $0x1;
	s10 =	sld [smem:$0x3FB3]  }
0x3d: {  	_ =	shalt  }
0x3e: {  	_ =	shalt  }
0x3f: {  	_ =	shalt  }
0x40: {  	_ =	shalt  }
0x41: {  	_ =	shalt  }
0x42: {  	_ =	shalt  }
0x43: {  	_ =	shalt  }
0x44: {  	_ =	shalt  }
0x45: {  	_ =	shalt  }
0x46: {  	_ =	shalt  }
0x47: {  	_ =	shalt  }
0x48: {  	_ =	shalt  }
0x49: {  	_ =	shalt  }
0x4a: {  	_ =	shalt  }
0x4b: {  	_ =	shalt  }
0x4c: {  	_ =	shalt  }
0x4d: {  	_ =	shalt  }
0x4e: {  	_ =	shalt  }
0x4f: {  	_ =	shalt  }
0x50: {  	_ =	shalt  }
0x51: {  	_ =	shalt  }
0x52: {  	_ =	shalt  }
0x53: {  	_ =	shalt  }
0x54: {  	_ =	shalt  }
0x55: {  	_ =	shalt  }
0x56: {  	_ =	shalt  }
0x57: {  	_ =	shalt  }
0x58: {  	_ =	shalt  }
0x59: {  	_ =	shalt  }
0x5a: {  	_ =	shalt  }
0x5b: {  	_ =	shalt  }
0x5c: {  	_ =	shalt  }
0x5d: {  	_ =	shalt  }
0x5e: {  	_ =	shalt  }
0x5f: {  	_ =	shalt  }
0x60: {  	_ =	shalt  }
0x61: {  	_ =	shalt  }
0x62: {  	_ =	shalt  }
0x63: {  	_ =	shalt  }
0x64: {  	_ =	shalt  }
0x65: {  	_ =	shalt  }
0x66: {  	_ =	shalt  }
0x67: {  	_ =	shalt  }
0x68: {  	_ =	shalt  }
0x69: {  	_ =	shalt  }
0x6a: {  	_ =	shalt  }
0x6b: {  	_ =	shalt  }
0x6c: {  	_ =	shalt  }
0x6d: {  	_ =	shalt  }
0x6e: {  	_ =	shalt  }
0x6f: {  	_ =	shalt  }
0x70: {  	_ =	shalt  }
0x71: {  	_ =	shalt  }
0x72: {  	_ =	shalt  }
0x73: {  	_ =	shalt  }
0x74: {  	_ =	shalt  }
0x75: {  	_ =	shalt  }
0x76: {  	_ =	shalt  }
0x77: {  	_ =	shalt  }
0x78: {  	_ =	shalt  }
0x79: {  	_ =	shalt  }
0x7a: {  	_ =	shalt  }
0x7b: {  	_ =	shalt  }
0x7c: {  	_ =	shalt  }
0x7d: {  	_ =	shalt  }
0x7e: {  	_ =	shalt  }
0x7f: {  	_ =	shalt  }
0x80: {  	_ =	shalt  }
0x81: {  	_ =	shalt  }
0x82: {  	_ =	shalt  }
0x83: {  	_ =	shalt  }
0x84: {  	_ =	shalt  }
0x85: {  	_ =	shalt  }
0x86: {  	_ =	shalt  }
0x87: {  	_ =	shalt  }
.Lfunc_end0:
.L_simem_size_0:
called_computation_lowered:
.L_overlay_start_0:
0x88: {  	s2 =	sld [smem:$0x3FD9]  }
0x89: {  	s3 =	sld [smem:$0x3FFE];
	_ =	sdelay $0x1  }
0x8a: {  	s1 =	srdreg.scid  }
0x8b: {  	s0 =	sand.u32 $0x1, s1  }
0x8c: {  	s16 =	sshll.u32 s0, $0xA;
	s2 =	sadd.s32 s3, s2  }
0x8d: {  	s2 =	sadd.s32 s2, s16  }
0x8e: {  	[smem:$0x3FBF] =	sst s2  }
0x8f: {  	_ = 	snop  }
0x90: {  	(tm) =	ssettm $0x1  }
0x91: {  	s17 =	sld [smem:$0x3FFB];
	_ =	sdelay $0x3  }
0x92: {  	_ =	strace s17  }
0x93: {  	s2 =	sld [smem:$0x3FFC];
	_ =	sdelay $0x3  }
0x94: {  	_ =	strace s2  }
0x95: {  	s2 =	sld [smem:$0x3FFD];
	_ =	sdelay $0x3  }
0x96: {  	_ =	strace s2  }
0x97: {  	_ =	strace $0x8FFFFFFF  }
0x98: {  	s18 =	sld [smem:$0x3FDB];
	_ =	sdelay $0x1  }
0x99: {  	s19 =	simm.s32 $_scs_section_size  }
0x9a: {  	s4 =	simm.s32 $_size__tile_overlayer_lowered;
	s5 =	simm.s32 $_tile_overlayer_lowered  }
0x9b: {  	s22 =	simm.s32 $0x1BFF;
	s21 =	sshll.u32 s5, $0x1;
	s2 =	sadd.s32 s19, s18  }
0x9c: {  	s6 =	simm.s32 $0x0;
	s20 =	sshll.u32 s4, $0x1;
	s4 =	sadd.s32 s21, s2  }
0x9d: {  	[timem:s6], [sflag:s22] =	dma.local [hbm:s4], s20  }
0x9e: {  	_ =	swait.ge [sflag:s22], s20  }
0x9f: {  	s3 =	ssub.s32 $0x0, s20;
	[sflag:s22] =	ssyncset.done $0x0  }
0xa0: {  	[sflag:s22] =	ssyncadd.s32 s3;
	_ =	sdelay $0x1  }
0xa1: {  	s23 =	simm.s32 $0x1B8B  }
0xa2: {  	_ =	swait.ge [sflag:s23], $0x1  }
0xa3: {  	[sflag:s23] =	ssyncset.done $0x0  }
0xa4: {  	s25 =	simm.s32 $0x1B8E;
	s24 =	sld [smem:$0x3FFE];
	[sflag:s23] =	ssyncadd.s32 $0xFFFFFFFF  }
0xa5: {  	s26 =	simm.s32 $execute0_lowered;
	[smem:$0x3FD2] =	sst s25  }
0xa6: {  	s4 =	sshll.u32 s26, $0x1;
	_ =	strace $0x80000049;
	[dreg:$0x1] =	wrdreg $0xFFFFFFFF  }
0xa7: {  	s28 =	simm.s32 $_size_execute0_lowered;
	s2 =	sadd.s32 s2, s4;
	[dreg:$0x0] =	wrdreg $0x0  }
0xa8: {  	s4 =	sshll.u32 s28, $0x1;
	[dreg:$0x2] =	wrdreg s2  }
0xa9: {  	[dreg:$0x3] =	wrdreg s4  }
0xaa: {  	[dreg:$0x4] =	wrdreg $0xC0  }
0xab: {  	_ =	task [dreg:s6], $0x5FFFF  }
0xac: {  	[dreg:$0x1] =	wrdreg $0xFFFFFFFF  }
0xad: {  	[dreg:$0x0] =	wrdreg $0x60  }
0xae: {  	[dreg:$0x2] =	wrdreg s24  }
0xaf: {  	[dreg:$0x3] =	wrdreg $0x9  }
0xb0: {  	_ =	task.clear_ibuf [dreg:s6], $0x4FFFF;
	_ =	strace $0x90000049  }
0xb1: {  	s29 =	simm.s32 $0x9;
	_ =	strace $0x8000004B  }
0xb2: {  	_ =	swait.ge [sflag:s29], $0x1  }
0xb3: {  	[sflag:s29] =	ssyncadd.s32 $0xFFFFFFFF  }
0xb4: {  	_ =	strace $0x9000004B  }
0xb5: {  	_ =	sfence  }
0xb6: {  	s30 =	sld [smem:$0x0];
	_ =	sdelay $0x2  }
0xb7: {  	s31 =	sshll.u32 s1, $0xD;
	s1 =	sshrl.u32 s1, $0x2  }
0xb8: {  	s3 =	sand.u32 $0x4000, s31;
	s1 =	sadd.s32 s1, s30  }
0xb9: {  	s0 =	sor.u32 s3, s0;
	s1 =	sshll.u32 s1, $0x11  }
0xba: {  	s0 =	sor.u32 s1, s0  }
0xbb: {  	s0 =	sadd.s32 $0x8F2B, s0  }
0xbc: {  	[sflag:s0] =	ssyncadd.remote.s32 $0x1  }
0xbd: {  	_ =	sfence.sel $0xFFFF  }
0xbe: {  	[dreg:$0x0] =	wrdreg $0xFFFFFFFF;
	(pc) =	sbr.abs _section_cstart, $3  }
0xbf: {  	[dreg:$0x1] =	wrdreg $0xFFFFFFFF  }
0xc0: {  	_ =	task.clear_ibuf [dreg:s6], $0x2FFFF;
	_ =	strace $0x9FFFFFFF  }
0xc1: {  	(tm) =	ssettm $0x7FFFFFFF  }
tec
execute0_lowered:
.L_overlay_start_1:
0x0: {  	(tag) =	ssettag $0x1  }
0x1: {  	s0 =	srdreg.scid;
	s5 =	rddreg [dreg:$0x0]  }
0x2: {  	s1 =	stileid.u32;
	s6 =	simm.s32 $0x1;
	s9 =	simm.s32 $0x1  }
0x3: {  	s10 =	simm.s32 $0x3;
	s13 =	simm.s32 $0x0;
	s2 =	sshll.u32 s0, $0x9  }
0x4: {  	s12 =	simm.s32 $0x0;
	s3 =	sshll.u32 s1, $0xA;
	s2 =	sand.u32 $0x200, s2  }
0x5: {  	s0 =	rddreg [dreg:$0x1];
	_ =	strace $0x8000004A;
	s2 =	sor.u32 s3, s2  }
0x6: {  	s4 =	sadd.s32 $0x22E00, s5;
	[sflag:s6] =	ssyncpa.u1 $0x0;
	s8 =	ssub.s32 $0x4800, s2  }
.Ltmp0:
0x7: {  	s3 =	sadd.s32 $0x21000, s5;
	s7 =	sand.u32 $0x3E00, s8;
	(pc) =	sbr.rel .LBB2_1-.Ltmp0, $4  }
0x8: {  	s5 =	sadd.s32 $0x24200, s5;
	s11 =	smov.u32 s2;
	p0 =	sne.s32 s7, $0x0  }
0x9: {  	s8 =	sshrl.u32 s8, $0xE;
	s7 =	simm.s32 $0x2;
	s9 =	simm.s32 @!p0 $0x0  }
0xa: {  	[sflag:s7] =	ssyncpa.u1 $0x0;
	p0 =	por $0x0, $0x0;
	s8 =	sadd.s32 s9, s8  }
0xb: {  	vm0 =	vmmov $0xffff;
	[sflag:s10] =	ssyncpa.u1 $0x0;
	s10 =	simm.s32 $0x0;
	s9 =	sadd.s32 $0x1, s8  }
.LBB2_4:
0xc: {  	v2 =	vnsel vm1, $0x0, v2  }
0xd: {  	vm1 =	vgt.s32 v0, $0x0;
	v2 =	vmin.u32 v2, $0x3FFF  }
0xe: {  	v0 =	vnsel vm1, $0x0, v0  }
0xf: {  	v0 =	vmin.u32 v0, $0x3FFF  }
0x10: {  	[tilespmem:s15], [sflag:$0x1] =	stream.indirect_vreg.gather [hbm4b:s3+s10], $0x1, v1, vm0, $0x4038;
	[tilespmem:$0x800] =	vst v63  }
0x11: {  	(ifvalue) =	ssetifvalue $0x7FFFFFFF  }
0x12: {  	[tilespmem:s16], [sflag:$0x1] =	stream.indirect_vreg.gather [hbm4b:s3+s10], $0x1, v2, vm0, $0x4038;
	[tilespmem:$0x800] =	vst v63  }
0x13: {  	s29 =	sadd.s32 $0x10, s16;
	(ifvalue) =	ssetifvalue $0x7FFFFFFF  }
0x14: {  	[tilespmem:s29], [sflag:$0x1] =	stream.indirect_vreg.gather [hbm4b:s3+s10], $0x1, v0, vm0, $0x4038;
	[tilespmem:$0x800] =	vst v63  }
0x15: {  	_ =	swait.ge [sflag:s6], $0x200  }
0x16: {  	s30 =	sshrl.u32 s13, $0x3;
	[sflag:s6] =	ssyncset.done $0x0  }
0x17: {  	s31 =	sand.u32 $0x7, s13;
	s15 =	sadd.s32 s5, s30;
	[sflag:s6] =	ssyncadd.s32 $0xFFFFFE00  }
0x18: {  	[hbm4b:s15+s31] =	stream.linear.scatter [tilespmem:s14], [sflag:$0x3], $0x200, $0x38;
	[tilespmem:$0x800] =	vst v63  }
.LBB2_5:
0x19: {  	s15 =	sadd.s32 $0x4000, s11  }
0x1a: {  	p2 =	sgt.s32 s15, $0x47FF  }
0x1b: {  	s15 =	smov.u32 @p2 s2;
	p2 =	sne.s32 s12, s9  }
.Ltmp1:
0x1c: {  	p1 =	slt.u32 s12, $0x2;
	(pc) =	sbr.rel @!p2 .LBB2_6-.Ltmp1, $4  }
0x1d: {  	s14 =	simm.s32 @!p1 $0x3  }
0x1e: {  	s16 =	sadd.s32 $0x1, s12;
	_ =	swait.ge @!p1 [sflag:s14], $0x200  }
0x1f: {  	s13 =	smov.u32 s11;
	p0 =	por !p0, !p0;
	[sflag:s14] =	ssyncset.done @!p1 $0x0  }
0x20: {  	s12 =	smov.u32 s16;
	s11 =	smov.u32 s15;
	[sflag:s14] =	ssyncadd.s32 @!p1 $0xFFFFFE00  }
.LBB2_1:
0x21: {  	p1 =	sge.u32 s12, s8  }
0x22: {  	s14 =	sxor.u32 @!p1 $0xFFFFFFFF, s12  }
0x23: {  	s31 =	sadd.s32 $0xFFFFFFFF, s12;
	s15 =	sshrl.u32 @!p1 s11, $0x3;
	s14 =	sshll.u32 @!p1 s14, $0x9  }
0x24: {  	s16 =	sand.u32 @!p1 $0x7, s11;
	s15 =	sadd.s32 @!p1 s4, s15;
	s14 =	sand.u32 @!p1 $0x200, s14  }
0x25: {  	[tilespmem:s14], [sflag:$0x2] =	stream.linear.gather @!p1 [hbm4b:s15+s16], $0x200, $0x38;
	[tilespmem:$0x800] =	vst v63  }
0x26: {  	p1 =	sge.u32 s31, s8  }
.Ltmp2:
0x27: {  	_ = 	snop;
	(pc) =	sbr.rel @p1 .LBB2_5-.Ltmp2, $1  }
0x28: {  	_ =	sdelay $0x3  }
0x29: {  	s14 =	simm.s32 $0x1  }
0x2a: {  	_ =	swait.ge [sflag:s7], $0x200;
	s14 =	simm.s32 @!p0 $0x0  }
0x2b: {  	[sflag:s7] =	ssyncset.done $0x0;
	s14 =	sshll.u32 s14, $0x9  }
0x2c: {  	[sflag:s7] =	ssyncadd.s32 $0xFFFFFE00;
	(ifvalue) =	ssetifvalue $0x7FFFFFFF;
	v0 =	vld.msk [tilespmem:s14+$0x0 ss:$0x1], $0xffff;
	_ =	sdelay $0x4  }
0x2d: {  	s15 =	sadd.s32 $0x10, s14;
	vm1 =	vgt.s32 v0, $0x0  }
0x2e: {  	v2 =	vld.msk [tilespmem:s15+$0x0 ss:$0x1], $0xffff;
	v1 =	vnsel vm1, $0x0, v0  }
0x2f: {  	v1 =	vmin.u32 v1, $0x3FFF;
	_ =	sdelay $0x1  }
0x30: {  	s16 =	sshll.u32 s12, $0x9;
	s18 =	simm.s32 $0x20  }
0x31: {  	s16 =	sand.u32 $0x200, s16;
	s17 =	sadd.s32 $0x10, s15;
	s15 =	sor.u32 $0x400, s14  }
0x32: {  	s14 =	sor.u32 $0x400, s16;
	s16 =	sadd.s32 $0x10, s15;
	v0 =	vld.msk [tilespmem:s17+$0x0 ss:$0x1], $0xffff;
	vm1 =	vgt.s32 v2, $0x0;
	(ifvalue) =	ssetifvalue $0x7FFFFFFF  }
.LBB2_3:
0x33: {  	[tilespmem:s15], [sflag:$0x1] =	stream.indirect_vreg.gather [hbm4b:s3+s10], $0x1, v1, vm0, $0x4038;
	[tilespmem:$0x800] =	vst v63  }
0x34: {  	s18 =	sadd.s32 $0x10, s18  }
0x35: {  	v2 =	vnsel vm1, $0x0, v2;
	p1 =	slt.u32 s18, $0x1F0  }
.Ltmp3:
0x36: {  	s15 =	smov.u32 s16;
	v1 =	vmin.u32 v2, $0x3FFF;
	(pc) =	sbr.rel @p1 .LBB2_3-.Ltmp3, $3  }
0x37: {  	_ =	sdelay $0x1  }
0x38: {  	s17 =	sadd.s32 $0x10, s17  }
0x39: {  	vm1 =	vgt.s32 v0, $0x0;
	s16 =	sadd.s32 $0x10, s16;
	v2 =	vmov v0;
	(ifvalue) =	ssetifvalue $0x7FFFFFFF;
	v0 =	vld.msk [tilespmem:s17+$0x0 ss:$0x1], $0xffff  }
.Ltmp4:
0x3a: {  	_ = 	snop;
	(pc) =	sbr.rel .LBB2_4-.Ltmp4, $1  }
0x3b: {  	_ =	sdelay $0x3  }
.LBB2_6:
0x3c: {  	_ =	sfence.sel $0x180000  }
0x3d: {  	s2 =	simm.s32 $0x2;
	[bflag:$0x0] =	sbarrier.arrive $0xFFFF  }
0x3e: {  	s30 =	simm.s32 $0x3;
	[sflag:s2] =	ssyncpa.u1 $0x1  }
0x3f: {  	s31 =	simm.s32 $0x1;
	[sflag:s30] =	ssyncpa.u1 $0x1  }
0x40: {  	[sflag:s31] =	ssyncpa.u1 $0x1  }
0x41: {  	p0 =	sne.s32 s1, $0x0;
	_ =	strace $0x9000004A  }
0x42: {  	s0 =	sadd.s32 @!p0 $0x100000, s0;
	[bflag:$0x2] =	sbarrier.arrive $0xFFFF  }
0x43: {  	[sflag:s0] =	ssyncadd.tile.s32 @!p0 $0x1;
	_ =	shalt  }
.Lfunc_end2:
_tile_overlayer_lowered:
.L_overlay_start_2:
0x44: {  	(tag) =	ssettag $0x2  }
0x45: {  	s0 =	rddreg [dreg:$0x0];
	s2 =	stileid.u32  }
0x46: {  	s1 =	rddreg [dreg:$0x1];
	p0 =	sne.s32 s2, $0x0  }
0x47: {  	s3 =	rddreg [dreg:$0x2];
	[bflag:$0x3] =	sbarrier.arrive $0xFFFF;
	s2 =	simm.s32 @!p0 $0x1C01  }
0x48: {  	[timem:s3], [sflag:s2] =	dma.local @!p0 [hbm:s0], s1  }
0x49: {  	s0 =	simm.s32 @!p0 $0x1  }
0x4a: {  	_ =	swait.ge @!p0 [sflag:s0], s1  }
0x4b: {  	s1 =	ssub.s32 @!p0 $0x0, s1;
	[sflag:s0] =	ssyncset.done @!p0 $0x0  }
0x4c: {  	[sflag:s0] =	ssyncadd.s32 @!p0 s1  }
0x4d: {  	[bflag:$0x3] =	sbarrier.arrive $0xFFFF  }
0x4e: {  	_ =	shalt  }

// kernel: sc_combine_gather.3.cloned.1.call-start
scs
__scs_entry_jumppad:
0x0: {  	(pc) =	sbr.rel $0x88, $3  }
0x1: {  	(tag) =	ssettag $0x0;
	lr =	simm.s32 $0x1  }
0x2: {  	[smem:$0x3F98] =	sst lr;
	_ =	strace $0xD0000000  }
0x3: {  	_ = 	snop  }
0x4: {  	_ = 	snop  }
0x5: {  	_ = 	snop  }
0x6: {  	_ = 	snop  }
0x7: {  	_ = 	snop  }
__scs_overlays_trampoline_lowered:
0x8: {  	[smem:$0x3FA7] =	sst s0  }
0x9: {  	[smem:$0x3FA8] =	sst s1  }
0xa: {  	[smem:$0x3FA9] =	sst s2  }
0xb: {  	[smem:$0x3FAA] =	sst s3  }
0xc: {  	[smem:$0x3FAB] =	sst s4  }
0xd: {  	[smem:$0x3FAC] =	sst s5  }
0xe: {  	[smem:$0x3FAD] =	sst s6  }
0xf: {  	[smem:$0x3FAE] =	sst s7  }
0x10: {  	[smem:$0x3FAF] =	sst s8  }
0x11: {  	[smem:$0x3FB0] =	sst s9;
	s0 =	simm.s32 @!p0 $0x0  }
0x12: {  	s1 =	sld [smem:$0x3F96];
	s0 =	simm.s32 @p0 $0x1  }
0x13: {  	[smem:$0x3FB1] =	sst s0;
	s0 =	simm.s32 @!p1 $0x0  }
0x14: {  	s2 =	sld [smem:$0x3F95];
	s0 =	simm.s32 @p1 $0x1  }
0x15: {  	[smem:$0x3FB2] =	sst s0;
	s0 =	simm.s32 @!p2 $0x0  }
0x16: {  	s3 =	sld [smem:$0x3FDB];
	s0 =	simm.s32 @p2 $0x1  }
0x17: {  	s4 =	simm.s32 $0x1BF5;
	[smem:$0x3FB4] =	sst s0  }
0x18: {  	s0 =	sld [smem:$0x3F97];
	_ =	swait.ge [sflag:s4], $0x0  }
0x19: {  	s7 =	sld [smem:$0x3F98]  }
0x1a: {  	s8 =	sadd.s32 $0xFFFFE003, lr  }
0x1b: {  	s9 =	sadd.s32 $0xFFFFFEF7, lr;
	s5 =	simm.s32 $0xFFFFFFFF;
	p2 =	slt.u32 s8, $0xFFFFF086  }
0x1c: {  	p1 =	slt.u32 s9, $0xF7A;
	s5 =	simm.s32 @!p2 $0x0  }
0x1d: {  	s5 =	simm.s32 @p1 $0x1;
	p0 =	seq.s32 s7, s2  }
0x1e: {  	s7 =	smul.u32 @!p0 $0xF7A, s2;
	p2 =	seq.s32 @!p0 s5, $0x0  }
0x1f: {  	s9 =	smul.u32 $0xF7A, s1;
	s8 =	simm.s32 @!p0 $0x1BF5;
	p2 =	por !p2, p0  }
0x20: {  	[sflag:s8] =	ssyncset.s32 @!p0 $0xFFFFF086;
	s6 =	sadd.s32 @!p0 s3, s7;
	s7 =	simm.s32 @!p0 $0x108  }
0x21: {  	s3 =	sadd.s32 s3, s9;
	s6 =	sadd.s32 @!p0 $0x88, s6;
	s7 =	simm.s32 @p2 $0x1082  }
0x22: {  	[simem:s7], [sflag:s8] =	dma.local @!p0 [hbm:s6], $0xF7A  }
0x23: {  	s9 =	sor.u32 $0xD0000000, s2;
	s6 =	simm.s32 $0x108;
	_ =	swait.ge @!p0 [sflag:s8], $0x0  }
0x24: {  	s3 =	sadd.s32 $0x88, s3;
	s6 =	simm.s32 @!p1 $0x1082;
	[sflag:s4] =	ssyncset.s32 $0xFFFFF086  }
0x25: {  	[simem:s6], [sflag:s4] =	dma.local [hbm:s3], $0xF7A  }
0x26: {  	[smem:$0x3F98] =	sst s1;
	(tag) =	ssettag s2;
	_ =	strace s9  }
0x27: {  	s1 =	sld [smem:$0x3FA8]  }
0x28: {  	s2 =	sld [smem:$0x3FA9]  }
0x29: {  	s4 =	sld [smem:$0x3FAB]  }
0x2a: {  	p0 =	seq.s32 s5, $0x0;
	s5 =	sld [smem:$0x3FAC]  }
0x2b: {  	s6 =	sld [smem:$0x3FAD]  }
0x2c: {  	s7 =	sld [smem:$0x3FAE]  }
0x2d: {  	s3 =	simm.s32 $0x108;
	s8 =	sld [smem:$0x3FAF]  }
0x2e: {  	s3 =	simm.s32 @!p0 $0x1082;
	s9 =	sld [smem:$0x3FB0]  }
0x2f: {  	lr =	sadd.s32 s0, s3;
	s0 =	sld [smem:$0x3FA7]  }
0x30: {  	s3 =	sld [smem:$0x3FAA]  }
0x31: {  	[smem:$0x3FB3] =	sst s10  }
0x32: {  	s10 =	sld [smem:$0x3FB1];
	_ =	sdelay $0x3  }
0x33: {  	p0 =	seq.s32 s10, $0x1;
	s10 =	sld [smem:$0x3FB3];
	_ =	sdelay $0x3  }
0x34: {  	[smem:$0x3FB3] =	sst s10  }
0x35: {  	s10 =	sld [smem:$0x3FB2];
	_ =	sdelay $0x3  }
0x36: {  	p1 =	seq.s32 s10, $0x1;
	s10 =	sld [smem:$0x3FB3];
	_ =	sdelay $0x3  }
0x37: {  	[smem:$0x3FB3] =	sst s10  }
0x38: {  	s10 =	sld [smem:$0x3FB4]  }
0x39: {  	_ = 	snop;
	(pc) =	sbr.ind lr, $3  }
0x3a: {  	_ = 	snop  }
0x3b: {  	_ = 	snop  }
0x3c: {  	p2 =	seq.s32 s10, $0x1;
	s10 =	sld [smem:$0x3FB3]  }
0x3d: {  	_ =	shalt  }
0x3e: {  	_ =	shalt  }
0x3f: {  	_ =	shalt  }
0x40: {  	_ =	shalt  }
0x41: {  	_ =	shalt  }
0x42: {  	_ =	shalt  }
0x43: {  	_ =	shalt  }
0x44: {  	_ =	shalt  }
0x45: {  	_ =	shalt  }
0x46: {  	_ =	shalt  }
0x47: {  	_ =	shalt  }
0x48: {  	_ =	shalt  }
0x49: {  	_ =	shalt  }
0x4a: {  	_ =	shalt  }
0x4b: {  	_ =	shalt  }
0x4c: {  	_ =	shalt  }
0x4d: {  	_ =	shalt  }
0x4e: {  	_ =	shalt  }
0x4f: {  	_ =	shalt  }
0x50: {  	_ =	shalt  }
0x51: {  	_ =	shalt  }
0x52: {  	_ =	shalt  }
0x53: {  	_ =	shalt  }
0x54: {  	_ =	shalt  }
0x55: {  	_ =	shalt  }
0x56: {  	_ =	shalt  }
0x57: {  	_ =	shalt  }
0x58: {  	_ =	shalt  }
0x59: {  	_ =	shalt  }
0x5a: {  	_ =	shalt  }
0x5b: {  	_ =	shalt  }
0x5c: {  	_ =	shalt  }
0x5d: {  	_ =	shalt  }
0x5e: {  	_ =	shalt  }
0x5f: {  	_ =	shalt  }
0x60: {  	_ =	shalt  }
0x61: {  	_ =	shalt  }
0x62: {  	_ =	shalt  }
0x63: {  	_ =	shalt  }
0x64: {  	_ =	shalt  }
0x65: {  	_ =	shalt  }
0x66: {  	_ =	shalt  }
0x67: {  	_ =	shalt  }
0x68: {  	_ =	shalt  }
0x69: {  	_ =	shalt  }
0x6a: {  	_ =	shalt  }
0x6b: {  	_ =	shalt  }
0x6c: {  	_ =	shalt  }
0x6d: {  	_ =	shalt  }
0x6e: {  	_ =	shalt  }
0x6f: {  	_ =	shalt  }
0x70: {  	_ =	shalt  }
0x71: {  	_ =	shalt  }
0x72: {  	_ =	shalt  }
0x73: {  	_ =	shalt  }
0x74: {  	_ =	shalt  }
0x75: {  	_ =	shalt  }
0x76: {  	_ =	shalt  }
0x77: {  	_ =	shalt  }
0x78: {  	_ =	shalt  }
0x79: {  	_ =	shalt  }
0x7a: {  	_ =	shalt  }
0x7b: {  	_ =	shalt  }
0x7c: {  	_ =	shalt  }
0x7d: {  	_ =	shalt  }
0x7e: {  	_ =	shalt  }
0x7f: {  	_ =	shalt  }
0x80: {  	_ =	shalt  }
0x81: {  	_ =	shalt  }
0x82: {  	_ =	shalt  }
0x83: {  	_ =	shalt  }
0x84: {  	_ =	shalt  }
0x85: {  	_ =	shalt  }
0x86: {  	_ =	shalt  }
0x87: {  	_ =	shalt  }
.Lfunc_end0:
.L_simem_size_0:
called_computation.3_lowered:
.L_overlay_start_0:
0x88: {  	s2 =	sld [smem:$0x3FD9]  }
0x89: {  	s3 =	sld [smem:$0x3FFE];
	_ =	sdelay $0x1  }
0x8a: {  	s1 =	srdreg.scid  }
0x8b: {  	s0 =	sand.u32 $0x1, s1  }
0x8c: {  	s14 =	sshll.u32 s0, $0xA;
	s2 =	sadd.s32 s3, s2  }
0x8d: {  	s2 =	sadd.s32 s2, s14  }
0x8e: {  	[smem:$0x3FBF] =	sst s2  }
0x8f: {  	_ = 	snop  }
0x90: {  	s2 =	sld [smem:$0x3FD0];
	_ =	sdelay $0x2  }
0x91: {  	s15 =	simm.s32 $0xB;
	s4 =	simm.s32 $0x10  }
0x92: {  	[smem:s4], [sflag:s15] =	dma.local [hbm:s2], $0x1  }
0x93: {  	_ =	swait.eq [sflag:s15], $0x1  }
0x94: {  	[sflag:s15] =	ssyncset.done $0x0  }
0x95: {  	[sflag:s15] =	ssyncadd.s32 $0xFFFFFFFF  }
0x96: {  	s16 =	sld [smem:$0x10];
	(tm) =	ssettm $0x1  }
0x97: {  	s17 =	sld [smem:$0x3FFB];
	_ =	sdelay $0x3  }
0x98: {  	_ =	strace s17  }
0x99: {  	s3 =	sld [smem:$0x3FFC];
	_ =	sdelay $0x3  }
0x9a: {  	_ =	strace s3  }
0x9b: {  	s3 =	sld [smem:$0x3FFD];
	_ =	sdelay $0x3  }
0x9c: {  	_ =	strace s3  }
0x9d: {  	_ =	strace $0x8FFFFFFF  }
0x9e: {  	s18 =	sld [smem:$0x3FDB];
	_ =	sdelay $0x1  }
0x9f: {  	s19 =	simm.s32 $_scs_section_size  }
0xa0: {  	s5 =	simm.s32 $_size__tile_overlayer_lowered;
	s6 =	simm.s32 $_tile_overlayer_lowered  }
0xa1: {  	s22 =	simm.s32 $0x1BFF;
	s21 =	sshll.u32 s6, $0x1;
	s3 =	sadd.s32 s19, s18  }
0xa2: {  	s7 =	simm.s32 $0x0;
	s20 =	sshll.u32 s5, $0x1;
	s5 =	sadd.s32 s21, s3  }
0xa3: {  	[timem:s7], [sflag:s22] =	dma.local [hbm:s5], s20  }
0xa4: {  	_ =	swait.ge [sflag:s22], s20  }
0xa5: {  	s4 =	ssub.s32 $0x0, s20;
	[sflag:s22] =	ssyncset.done $0x0  }
0xa6: {  	[sflag:s22] =	ssyncadd.s32 s4;
	_ =	sdelay $0x1  }
0xa7: {  	s23 =	simm.s32 $0x1B8B  }
0xa8: {  	_ =	swait.ge [sflag:s23], $0x1  }
0xa9: {  	[sflag:s23] =	ssyncset.done $0x0  }
0xaa: {  	s25 =	simm.s32 $0x1B8E;
	s24 =	sld [smem:$0x3FFE];
	[sflag:s23] =	ssyncadd.s32 $0xFFFFFFFF  }
0xab: {  	s26 =	simm.s32 $execute0_lowered;
	[smem:$0x3FD2] =	sst s25  }
0xac: {  	s5 =	sshll.u32 s26, $0x1;
	_ =	strace $0x8000004F;
	[dreg:$0x1] =	wrdreg $0xFFFFFFFF  }
0xad: {  	s28 =	simm.s32 $_size_execute0_lowered;
	s3 =	sadd.s32 s3, s5;
	[dreg:$0x0] =	wrdreg $0x0  }
0xae: {  	s5 =	sshll.u32 s28, $0x1;
	[dreg:$0x2] =	wrdreg s3  }
0xaf: {  	[dreg:$0x3] =	wrdreg s5  }
0xb0: {  	[dreg:$0x4] =	wrdreg $0xC0  }
0xb1: {  	_ =	task [dreg:s7], $0x5FFFF  }
0xb2: {  	[dreg:$0x1] =	wrdreg $0xFFFFFFFF  }
0xb3: {  	[dreg:$0x0] =	wrdreg $0x60  }
0xb4: {  	[dreg:$0x2] =	wrdreg s16  }
0xb5: {  	[dreg:$0x3] =	wrdreg s24  }
0xb6: {  	[dreg:$0x4] =	wrdreg $0x9  }
0xb7: {  	_ =	task.clear_ibuf [dreg:s7], $0x5FFFF;
	_ =	strace $0x9000004F  }
0xb8: {  	s29 =	simm.s32 $0x9;
	_ =	strace $0x80000051  }
0xb9: {  	_ =	swait.ge [sflag:s29], $0x1  }
0xba: {  	[sflag:s29] =	ssyncadd.s32 $0xFFFFFFFF  }
0xbb: {  	_ =	strace $0x90000051  }
0xbc: {  	_ =	sfence  }
0xbd: {  	s30 =	sld [smem:$0x0];
	_ =	sdelay $0x2  }
0xbe: {  	s31 =	sshll.u32 s1, $0xD;
	s1 =	sshrl.u32 s1, $0x2  }
0xbf: {  	s3 =	sand.u32 $0x4000, s31;
	s1 =	sadd.s32 s1, s30  }
0xc0: {  	s0 =	sor.u32 s3, s0;
	s1 =	sshll.u32 s1, $0x11  }
0xc1: {  	s0 =	sor.u32 s1, s0  }
0xc2: {  	s0 =	sadd.s32 $0x8F2B, s0  }
0xc3: {  	[sflag:s0] =	ssyncadd.remote.s32 $0x1  }
0xc4: {  	_ =	sfence.sel $0xFFFF  }
0xc5: {  	[dreg:$0x0] =	wrdreg $0xFFFFFFFF;
	(pc) =	sbr.abs _section_cstart, $3  }
0xc6: {  	[dreg:$0x1] =	wrdreg $0xFFFFFFFF  }
0xc7: {  	_ =	task.clear_ibuf [dreg:s7], $0x2FFFF;
	_ =	strace $0x9FFFFFFF  }
0xc8: {  	(tm) =	ssettm $0x7FFFFFFF  }
0xc9: {  	_ =	shalt  }
tec
execute0_lowered:
.L_overlay_start_1:
0x0: {  	(tag) =	ssettag $0x1  }
0x1: {  	s1 =	srdreg.scid;
	s2 =	stileid.u32  }
0x2: {  	s0 =	rddreg [dreg:$0x0];
	s1 =	sand.u32 $0x1, s1;
	s3 =	sshll.u32 s2, $0x1  }
0x3: {  	s6 =	rddreg [dreg:$0x1];
	s3 =	sor.u32 s1, s3  }
0x4: {  	s2 =	simm.s32 $0x0;
	s4 =	sshll.u32 s3, $0x10;
	s3 =	sshll.u32 s3, $0x8  }
0x5: {  	[smem:$0x7FF] =	sst s2;
	s7 =	sadd.s32 s4, s6;
	s0 =	sadd.s32 s0, s3  }
0x6: {  	_ =	strace $0x80000050;
	[dreg:$0x3] =	wrdreg s0;
	s14 =	sadd.s32 $0x21000, s7  }
0x7: {  	s15 =	sadd.s32 $0x22000, s7;
	[dreg:$0x4] =	wrdreg s14  }
0x8: {  	s16 =	sadd.s32 $0x23000, s7;
	[dreg:$0x5] =	wrdreg s15  }
0x9: {  	s17 =	sadd.s32 $0x24000, s7;
	[dreg:$0x6] =	wrdreg s16  }
0xa: {  	s18 =	sadd.s32 $0x25000, s7;
	[dreg:$0x7] =	wrdreg s17  }
0xb: {  	s19 =	sadd.s32 $0x26000, s7;
	[dreg:$0x8] =	wrdreg s18  }
0xc: {  	s20 =	sadd.s32 $0x27000, s7;
	[dreg:$0x9] =	wrdreg s19  }
0xd: {  	s9 =	simm.s32 $0x800;
	s21 =	sadd.s32 $0x28000, s7;
	[dreg:$0xa] =	wrdreg s20  }
0xe: {  	s5 =	sadd.s32 $0x264E00, s6;
	s22 =	sadd.s32 $0x29000, s7;
	[dreg:$0xb] =	wrdreg s21  }
0xf: {  	s1 =	ssub.s32 $0x2, s1;
	s23 =	sadd.s32 $0x2A000, s7;
	[dreg:$0xc] =	wrdreg s22  }
0x10: {  	s25 =	sshrl.u32 s1, $0x1;
	s24 =	sadd.s32 $0x2B000, s7;
	[dreg:$0xd] =	wrdreg s23  }
0x11: {  	s3 =	sadd.s32 $0x264C00, s6;
	s26 =	sadd.s32 $0x2C000, s7;
	[dreg:$0xe] =	wrdreg s24  }
0x12: {  	s1 =	ssub.s32 s1, s25;
	s28 =	sadd.s32 $0x2D000, s7;
	[dreg:$0xf] =	wrdreg s26  }
0x13: {  	s4 =	sadd.s32 $0x264D00, s6;
	s29 =	sadd.s32 $0x2E000, s7;
	[dreg:$0x10] =	wrdreg s28  }
0x14: {  	s6 =	sadd.s32 $0x264F00, s6;
	s30 =	sadd.s32 $0x2F000, s7;
	[dreg:$0x11] =	wrdreg s29  }
0x15: {  	v2 =	vlaneseq.u32;
	s25 =	simm.s32 $0x8800;
	s31 =	sadd.s32 $0x30000, s7;
	[dreg:$0x12] =	wrdreg s30  }
0x16: {  	vm0 =	vmmov $0xffff;
	v1 =	vshrl.u32 v2, $0x3;
	[dreg:$0x13] =	wrdreg s31;
	s24 =	smax.u32 s1, $0x1;
	s17 =	simm.s32 $0x1  }
0x17: {  	v0 =	vand.u32 $0x7, v2;
	v2 =	vor.u32 $0x8, v2;
	v1 =	vmul.u32 $0x8, v1;
	s18 =	simm.s32 $0x3;
	s19 =	simm.s32 $0x2;
	s20 =	simm.s32 $0x4  }
.LBB2_1:
0x18: {  	s21 =	rddreg [dreg:$0x3];
	s16 =	simm.s32 $0x5  }
0x19: {  	[tilespmem:s2], [sflag:$0x5] =	stream.linear.gather [hbm4b:s21+s2], $0x800, $0x38;
	[tilespmem:$0x10800] =	vst v63  }
0x1a: {  	_ =	swait.ge [sflag:s16], $0x800  }
0x1b: {  	[sflag:s16] =	ssyncset.done $0x0  }
0x1c: {  	[sflag:s16] =	ssyncadd.s32 $0xFFFFF800  }
0x1d: {  	v3 =	vld [tilespmem:$0x0];
	_ =	sdelay $0x4  }
0x1e: {  	v4 =	vshll.u32 v3, $0x3  }
0x1f: {  	v3 =	vand.u32 $0x7, v3;
	v4 =	vand.u32 $0xFFFFFFC0, v4  }
0x20: {  	v3 =	vor.u32 v3, v4  }
0x21: {  	v4 =	vperm.xlane v3, v0;
	_ =	sdelay $0x1  }
0x22: {  	v4 =	vadd.s32 v1, v4;
	_ =	sdelay $0x4  }
0x23: {  	[tilespmem:s9], [sflag:$0x1] =	stream.indirect_vreg.gather [hbm4b:s3+s2], $0x80, v4, vm0, $0xb8;
	[tilespmem:$0x10800] =	vst v63  }
0x24: {  	s0 =	simm.s32 $0x1000;
	v3 =	vperm.xlane v3, v2  }
0x25: {  	[tilespmem:s0], [sflag:$0x1] =	stream.indirect_vreg.gather [hbm4b:s4+s2], $0x80, v4, vm0, $0xb8;
	[tilespmem:$0x10800] =	vst v63  }
0x26: {  	s21 =	simm.s32 $0x1800;
	v3 =	vadd.s32 v1, v3  }
0x27: {  	[tilespmem:s21], [sflag:$0x1] =	stream.indirect_vreg.gather [hbm4b:s5+s2], $0x80, v4, vm0, $0xb8;
	[tilespmem:$0x10800] =	vst v63  }
0x28: {  	s22 =	simm.s32 $0x2000  }
0x29: {  	[tilespmem:s22], [sflag:$0x1] =	stream.indirect_vreg.gather [hbm4b:s6+s2], $0x80, v4, vm0, $0xb8;
	[tilespmem:$0x10800] =	vst v63  }
0x2a: {  	s23 =	simm.s32 $0x2800  }
0x2b: {  	[tilespmem:s23], [sflag:$0x1] =	stream.indirect_vreg.gather [hbm4b:s3+s2], $0x80, v3, vm0, $0xb8;
	[tilespmem:$0x10800] =	vst v63  }
0x2c: {  	s26 =	simm.s32 $0x3000  }
0x2d: {  	[tilespmem:s26], [sflag:$0x1] =	stream.indirect_vreg.gather [hbm4b:s4+s2], $0x80, v3, vm0, $0xb8;
	[tilespmem:$0x10800] =	vst v63  }
0x2e: {  	s28 =	simm.s32 $0x3800  }
0x2f: {  	[tilespmem:s28], [sflag:$0x1] =	stream.indirect_vreg.gather [hbm4b:s5+s2], $0x80, v3, vm0, $0xb8;
	[tilespmem:$0x10800] =	vst v63  }
0x30: {  	s29 =	simm.s32 $0x4000  }
0x31: {  	[tilespmem:s29], [sflag:$0x1] =	stream.indirect_vreg.gather [hbm4b:s6+s2], $0x80, v3, vm0, $0xb8;
	[tilespmem:$0x10800] =	vst v63  }
0x32: {  	v3 =	vld [tilespmem:$0x10];
	_ =	sdelay $0x4  }
0x33: {  	v33 =	vshll.u32 v3, $0x3  }
0x34: {  	v3 =	vand.u32 $0x7, v3;
	v4 =	vand.u32 $0xFFFFFFC0, v33  }
0x35: {  	v3 =	vor.u32 v3, v4  }
0x36: {  	v4 =	vperm.xlane v3, v0;
	_ =	sdelay $0x1  }
0x37: {  	v4 =	vadd.s32 v1, v4;
	_ =	sdelay $0x3  }
0x38: {  	s30 =	simm.s32 $0x4800  }
0x39: {  	[tilespmem:s30], [sflag:$0x1] =	stream.indirect_vreg.gather [hbm4b:s3+s2], $0x80, v4, vm0, $0xb8;
	[tilespmem:$0x10800] =	vst v63  }
0x3a: {  	s31 =	simm.s32 $0x5000;
	v3 =	vperm.xlane v3, v2  }
0x3b: {  	[tilespmem:s31], [sflag:$0x1] =	stream.indirect_vreg.gather [hbm4b:s4+s2], $0x80, v4, vm0, $0xb8;
	[tilespmem:$0x10800] =	vst v63  }
0x3c: {  	s11 =	simm.s32 $0x5800;
	v3 =	vadd.s32 v1, v3  }
0x3d: {  	[tilespmem:s11], [sflag:$0x1] =	stream.indirect_vreg.gather [hbm4b:s5+s2], $0x80, v4, vm0, $0xb8;
	[tilespmem:$0x10800] =	vst v63  }
0x3e: {  	s12 =	simm.s32 $0x6000  }
0x3f: {  	[tilespmem:s12], [sflag:$0x1] =	stream.indirect_vreg.gather [hbm4b:s6+s2], $0x80, v4, vm0, $0xb8;
	[tilespmem:$0x10800] =	vst v63  }
0x40: {  	s13 =	simm.s32 $0x6800  }
0x41: {  	[tilespmem:s13], [sflag:$0x1] =	stream.indirect_vreg.gather [hbm4b:s3+s2], $0x80, v3, vm0, $0xb8;
	[tilespmem:$0x10800] =	vst v63  }
0x42: {  	s14 =	simm.s32 $0x7000  }
0x43: {  	[tilespmem:s14], [sflag:$0x1] =	stream.indirect_vreg.gather [hbm4b:s4+s2], $0x80, v3, vm0, $0xb8;
	[tilespmem:$0x10800] =	vst v63  }
0x44: {  	s21 =	simm.s32 $0x7800  }
0x45: {  	[tilespmem:s21], [sflag:$0x1] =	stream.indirect_vreg.gather [hbm4b:s5+s2], $0x80, v3, vm0, $0xb8;
	[tilespmem:$0x10800] =	vst v63  }
0x46: {  	s23 =	simm.s32 $0x8000  }
0x47: {  	[tilespmem:s23], [sflag:$0x1] =	stream.indirect_vreg.gather [hbm4b:s6+s2], $0x80, v3, vm0, $0xb8;
	[tilespmem:$0x10800] =	vst v63  }
0x48: {  	v3 =	vld [tilespmem:$0x80];
	_ =	sdelay $0x4  }
0x49: {  	v34 =	vshll.u32 v3, $0x3  }
0x4a: {  	v3 =	vand.u32 $0x7, v3;
	v4 =	vand.u32 $0xFFFFFFC0, v34  }
0x4b: {  	v3 =	vor.u32 v3, v4  }
0x4c: {  	v4 =	vperm.xlane v3, v0;
	_ =	sdelay $0x1  }
0x4d: {  	v4 =	vadd.s32 v1, v4;
	_ =	sdelay $0x4  }
0x4e: {  	[tilespmem:s25], [sflag:$0x2] =	stream.indirect_vreg.gather [hbm4b:s3+s2], $0x80, v4, vm0, $0xb8;
	[tilespmem:$0x10800] =	vst v63  }
0x4f: {  	s26 =	simm.s32 $0x9000;
	v3 =	vperm.xlane v3, v2  }
0x50: {  	[tilespmem:s26], [sflag:$0x2] =	stream.indirect_vreg.gather [hbm4b:s4+s2], $0x80, v4, vm0, $0xb8;
	[tilespmem:$0x10800] =	vst v63  }
0x51: {  	s28 =	simm.s32 $0x9800;
	v3 =	vadd.s32 v1, v3  }
0x52: {  	[tilespmem:s28], [sflag:$0x2] =	stream.indirect_vreg.gather [hbm4b:s5+s2], $0x80, v4, vm0, $0xb8;
	[tilespmem:$0x10800] =	vst v63  }
0x53: {  	s30 =	simm.s32 $0xA000  }
0x54: {  	[tilespmem:s30], [sflag:$0x2] =	stream.indirect_vreg.gather [hbm4b:s6+s2], $0x80, v4, vm0, $0xb8;
	[tilespmem:$0x10800] =	vst v63  }
0x55: {  	s31 =	simm.s32 $0xA800  }
0x56: {  	[tilespmem:s31], [sflag:$0x2] =	stream.indirect_vreg.gather [hbm4b:s3+s2], $0x80, v3, vm0, $0xb8;
	[tilespmem:$0x10800] =	vst v63  }
0x57: {  	s0 =	simm.s32 $0xB000  }
0x58: {  	[tilespmem:s0], [sflag:$0x2] =	stream.indirect_vreg.gather [hbm4b:s4+s2], $0x80, v3, vm0, $0xb8;
	[tilespmem:$0x10800] =	vst v63  }
0x59: {  	s11 =	simm.s32 $0xB800  }
0x5a: {  	[tilespmem:s11], [sflag:$0x2] =	stream.indirect_vreg.gather [hbm4b:s5+s2], $0x80, v3, vm0, $0xb8;
	[tilespmem:$0x10800] =	vst v63  }
0x5b: {  	s12 =	simm.s32 $0xC000  }
0x5c: {  	[tilespmem:s12], [sflag:$0x2] =	stream.indirect_vreg.gather [hbm4b:s6+s2], $0x80, v3, vm0, $0xb8;
	[tilespmem:$0x10800] =	vst v63  }
0x5d: {  	v3 =	vld [tilespmem:$0x90];
	_ =	sdelay $0x4  }
0x5e: {  	v35 =	vshll.u32 v3, $0x3  }
0x5f: {  	v3 =	vand.u32 $0x7, v3;
	v4 =	vand.u32 $0xFFFFFFC0, v35  }
0x60: {  	v3 =	vor.u32 v3, v4  }
0x61: {  	v4 =	vperm.xlane v3, v0;
	_ =	sdelay $0x1  }
0x62: {  	v4 =	vadd.s32 v1, v4;
	_ =	sdelay $0x3  }
0x63: {  	s13 =	simm.s32 $0xC800  }
0x64: {  	[tilespmem:s13], [sflag:$0x2] =	stream.indirect_vreg.gather [hbm4b:s3+s2], $0x80, v4, vm0, $0xb8;
	[tilespmem:$0x10800] =	vst v63  }
0x65: {  	s14 =	simm.s32 $0xD000;
	v3 =	vperm.xlane v3, v2  }
0x66: {  	[tilespmem:s14], [sflag:$0x2] =	stream.indirect_vreg.gather [hbm4b:s4+s2], $0x80, v4, vm0, $0xb8;
	[tilespmem:$0x10800] =	vst v63  }
0x67: {  	s23 =	simm.s32 $0xD800;
	v3 =	vadd.s32 v1, v3  }
0x68: {  	[tilespmem:s23], [sflag:$0x2] =	stream.indirect_vreg.gather [hbm4b:s5+s2], $0x80, v4, vm0, $0xb8;
	[tilespmem:$0x10800] =	vst v63  }
0x69: {  	s30 =	simm.s32 $0xE000  }
0x6a: {  	[tilespmem:s30], [sflag:$0x2] =	stream.indirect_vreg.gather [hbm4b:s6+s2], $0x80, v4, vm0, $0xb8;
	[tilespmem:$0x10800] =	vst v63  }
0x6b: {  	s31 =	simm.s32 $0xE800  }
0x6c: {  	[tilespmem:s31], [sflag:$0x2] =	stream.indirect_vreg.gather [hbm4b:s3+s2], $0x80, v3, vm0, $0xb8;
	[tilespmem:$0x10800] =	vst v63  }
0x6d: {  	s0 =	simm.s32 $0xF000  }
0x6e: {  	[tilespmem:s0], [sflag:$0x2] =	stream.indirect_vreg.gather [hbm4b:s4+s2], $0x80, v3, vm0, $0xb8;
	[tilespmem:$0x10800] =	vst v63  }
0x6f: {  	s11 =	simm.s32 $0xF800  }
0x70: {  	[tilespmem:s11], [sflag:$0x2] =	stream.indirect_vreg.gather [hbm4b:s5+s2], $0x80, v3, vm0, $0xb8;
	[tilespmem:$0x10800] =	vst v63  }
0x71: {  	s23 =	simm.s32 $0x10000  }
0x72: {  	[tilespmem:s23], [sflag:$0x2] =	stream.indirect_vreg.gather [hbm4b:s6+s2], $0x80, v3, vm0, $0xb8;
	[tilespmem:$0x10800] =	vst v63  }
0x73: {  	_ =	swait.ge [sflag:s17], $0x8000  }
0x74: {  	[sflag:s17] =	ssyncset.done $0x0  }
0x75: {  	s0 =	rddreg [dreg:$0x4];
	[sflag:s17] =	ssyncadd.s32 $0xFFFF8000  }
0x76: {  	[hbm4b:s0+s2] =	stream.linear.scatter [tilespmem:s9], [sflag:$0x3], $0x8000, $0x38;
	[tilespmem:$0x10800] =	vst v63  }
0x77: {  	_ =	swait.ge [sflag:s18], $0x8000  }
0x78: {  	[sflag:s18] =	ssyncset.done $0x0  }
0x79: {  	[sflag:s18] =	ssyncadd.s32 $0xFFFF8000  }
0x7a: {  	v3 =	vld [tilespmem:$0x100];
	_ =	sdelay $0x4  }
0x7b: {  	v36 =	vshll.u32 v3, $0x3  }
0x7c: {  	v3 =	vand.u32 $0x7, v3;
	v4 =	vand.u32 $0xFFFFFFC0, v36  }
0x7d: {  	v3 =	vor.u32 v3, v4  }
0x7e: {  	v4 =	vperm.xlane v3, v0;
	_ =	sdelay $0x1  }
0x7f: {  	v4 =	vadd.s32 v1, v4;
	_ =	sdelay $0x4  }
0x80: {  	[tilespmem:s9], [sflag:$0x1] =	stream.indirect_vreg.gather [hbm4b:s3+s2], $0x80, v4, vm0, $0xb8;
	[tilespmem:$0x10800] =	vst v63  }
0x81: {  	s16 =	simm.s32 $0x1000;
	v3 =	vperm.xlane v3, v2  }
0x82: {  	[tilespmem:s16], [sflag:$0x1] =	stream.indirect_vreg.gather [hbm4b:s4+s2], $0x80, v4, vm0, $0xb8;
	[tilespmem:$0x10800] =	vst v63  }
0x83: {  	s1 =	simm.s32 $0x1800;
	v3 =	vadd.s32 v1, v3  }
0x84: {  	[tilespmem:s1], [sflag:$0x1] =	stream.indirect_vreg.gather [hbm4b:s5+s2], $0x80, v4, vm0, $0xb8;
	[tilespmem:$0x10800] =	vst v63  }
0x85: {  	s7 =	simm.s32 $0x2000  }
0x86: {  	[tilespmem:s7], [sflag:$0x1] =	stream.indirect_vreg.gather [hbm4b:s6+s2], $0x80, v4, vm0, $0xb8;
	[tilespmem:$0x10800] =	vst v63  }
0x87: {  	s8 =	simm.s32 $0x2800  }
0x88: {  	[tilespmem:s8], [sflag:$0x1] =	stream.indirect_vreg.gather [hbm4b:s3+s2], $0x80, v3, vm0, $0xb8;
	[tilespmem:$0x10800] =	vst v63  }
0x89: {  	s10 =	simm.s32 $0x3000  }
0x8a: {  	[tilespmem:s10], [sflag:$0x1] =	stream.indirect_vreg.gather [hbm4b:s4+s2], $0x80, v3, vm0, $0xb8;
	[tilespmem:$0x10800] =	vst v63  }
0x8b: {  	s15 =	simm.s32 $0x3800  }
0x8c: {  	[tilespmem:s15], [sflag:$0x1] =	stream.indirect_vreg.gather [hbm4b:s5+s2], $0x80, v3, vm0, $0xb8;
	[tilespmem:$0x10800] =	vst v63  }
0x8d: {  	s22 =	simm.s32 $0x4000  }
0x8e: {  	[tilespmem:s22], [sflag:$0x1] =	stream.indirect_vreg.gather [hbm4b:s6+s2], $0x80, v3, vm0, $0xb8;
	[tilespmem:$0x10800] =	vst v63  }
0x8f: {  	v3 =	vld [tilespmem:$0x110];
	_ =	sdelay $0x4  }
0x90: {  	v37 =	vshll.u32 v3, $0x3  }
0x91: {  	v3 =	vand.u32 $0x7, v3;
	v4 =	vand.u32 $0xFFFFFFC0, v37  }
0x92: {  	v3 =	vor.u32 v3, v4  }
0x93: {  	v4 =	vperm.xlane v3, v0;
	_ =	sdelay $0x1  }
0x94: {  	v4 =	vadd.s32 v1, v4;
	_ =	sdelay $0x3  }
0x95: {  	s23 =	simm.s32 $0x4800  }
0x96: {  	[tilespmem:s23], [sflag:$0x1] =	stream.indirect_vreg.gather [hbm4b:s3+s2], $0x80, v4, vm0, $0xb8;
	[tilespmem:$0x10800] =	vst v63  }
0x97: {  	s29 =	simm.s32 $0x5000;
	v3 =	vperm.xlane v3, v2  }
0x98: {  	[tilespmem:s29], [sflag:$0x1] =	stream.indirect_vreg.gather [hbm4b:s4+s2], $0x80, v4, vm0, $0xb8;
	[tilespmem:$0x10800] =	vst v63  }
0x99: {  	s7 =	simm.s32 $0x5800;
	v3 =	vadd.s32 v1, v3  }
0x9a: {  	[tilespmem:s7], [sflag:$0x1] =	stream.indirect_vreg.gather [hbm4b:s5+s2], $0x80, v4, vm0, $0xb8;
	[tilespmem:$0x10800] =	vst v63  }
0x9b: {  	s8 =	simm.s32 $0x6000  }
0x9c: {  	[tilespmem:s8], [sflag:$0x1] =	stream.indirect_vreg.gather [hbm4b:s6+s2], $0x80, v4, vm0, $0xb8;
	[tilespmem:$0x10800] =	vst v63  }
0x9d: {  	s29 =	simm.s32 $0x6800  }
0x9e: {  	[tilespmem:s29], [sflag:$0x1] =	stream.indirect_vreg.gather [hbm4b:s3+s2], $0x80, v3, vm0, $0xb8;
	[tilespmem:$0x10800] =	vst v63  }
0x9f: {  	s15 =	simm.s32 $0x7000  }
0xa0: {  	[tilespmem:s15], [sflag:$0x1] =	stream.indirect_vreg.gather [hbm4b:s4+s2], $0x80, v3, vm0, $0xb8;
	[tilespmem:$0x10800] =	vst v63  }
0xa1: {  	s16 =	simm.s32 $0x7800  }
0xa2: {  	[tilespmem:s16], [sflag:$0x1] =	stream.indirect_vreg.gather [hbm4b:s5+s2], $0x80, v3, vm0, $0xb8;
	[tilespmem:$0x10800] =	vst v63  }
0xa3: {  	s22 =	simm.s32 $0x8000  }
0xa4: {  	[tilespmem:s22], [sflag:$0x1] =	stream.indirect_vreg.gather [hbm4b:s6+s2], $0x80, v3, vm0, $0xb8;
	[tilespmem:$0x10800] =	vst v63  }
0xa5: {  	_ =	swait.ge [sflag:s19], $0x8000  }
0xa6: {  	[sflag:s19] =	ssyncset.done $0x0  }
0xa7: {  	s10 =	rddreg [dreg:$0x5];
	[sflag:s19] =	ssyncadd.s32 $0xFFFF8000  }
0xa8: {  	[hbm4b:s10+s2] =	stream.linear.scatter [tilespmem:s25], [sflag:$0x4], $0x8000, $0x38;
	[tilespmem:$0x10800] =	vst v63  }
0xa9: {  	_ =	swait.ge [sflag:s20], $0x8000  }
0xaa: {  	[sflag:s20] =	ssyncset.done $0x0  }
0xab: {  	[sflag:s20] =	ssyncadd.s32 $0xFFFF8000  }
0xac: {  	v3 =	vld [tilespmem:$0x180];
	_ =	sdelay $0x4  }
0xad: {  	v38 =	vshll.u32 v3, $0x3  }
0xae: {  	v3 =	vand.u32 $0x7, v3;
	v4 =	vand.u32 $0xFFFFFFC0, v38  }
0xaf: {  	v3 =	vor.u32 v3, v4  }
0xb0: {  	v4 =	vperm.xlane v3, v0;
	_ =	sdelay $0x1  }
0xb1: {  	v4 =	vadd.s32 v1, v4;
	_ =	sdelay $0x4  }
0xb2: {  	[tilespmem:s25], [sflag:$0x2] =	stream.indirect_vreg.gather [hbm4b:s3+s2], $0x80, v4, vm0, $0xb8;
	[tilespmem:$0x10800] =	vst v63  }
0xb3: {  	s1 =	simm.s32 $0x9000;
	v3 =	vperm.xlane v3, v2  }
0xb4: {  	[tilespmem:s1], [sflag:$0x2] =	stream.indirect_vreg.gather [hbm4b:s4+s2], $0x80, v4, vm0, $0xb8;
	[tilespmem:$0x10800] =	vst v63  }
0xb5: {  	s0 =	simm.s32 $0x9800;
	v3 =	vadd.s32 v1, v3  }
0xb6: {  	[tilespmem:s0], [sflag:$0x2] =	stream.indirect_vreg.gather [hbm4b:s5+s2], $0x80, v4, vm0, $0xb8;
	[tilespmem:$0x10800] =	vst v63  }
0xb7: {  	s21 =	simm.s32 $0xA000  }
0xb8: {  	[tilespmem:s21], [sflag:$0x2] =	stream.indirect_vreg.gather [hbm4b:s6+s2], $0x80, v4, vm0, $0xb8;
	[tilespmem:$0x10800] =	vst v63  }
0xb9: {  	s26 =	simm.s32 $0xA800  }
0xba: {  	[tilespmem:s26], [sflag:$0x2] =	stream.indirect_vreg.gather [hbm4b:s3+s2], $0x80, v3, vm0, $0xb8;
	[tilespmem:$0x10800] =	vst v63  }
0xbb: {  	s28 =	simm.s32 $0xB000  }
0xbc: {  	[tilespmem:s28], [sflag:$0x2] =	stream.indirect_vreg.gather [hbm4b:s4+s2], $0x80, v3, vm0, $0xb8;
	[tilespmem:$0x10800] =	vst v63  }
0xbd: {  	s28 =	simm.s32 $0xB800  }
0xbe: {  	[tilespmem:s28], [sflag:$0x2] =	stream.indirect_vreg.gather [hbm4b:s5+s2], $0x80, v3, vm0, $0xb8;
	[tilespmem:$0x10800] =	vst v63  }
0xbf: {  	s12 =	simm.s32 $0xC000  }
0xc0: {  	[tilespmem:s12], [sflag:$0x2] =	stream.indirect_vreg.gather [hbm4b:s6+s2], $0x80, v3, vm0, $0xb8;
	[tilespmem:$0x10800] =	vst v63  }
0xc1: {  	v3 =	vld [tilespmem:$0x190];
	_ =	sdelay $0x4  }
0xc2: {  	v39 =	vshll.u32 v3, $0x3  }
0xc3: {  	v3 =	vand.u32 $0x7, v3;
	v4 =	vand.u32 $0xFFFFFFC0, v39  }
0xc4: {  	v3 =	vor.u32 v3, v4  }
0xc5: {  	v4 =	vperm.xlane v3, v0;
	_ =	sdelay $0x1  }
0xc6: {  	v4 =	vadd.s32 v1, v4;
	_ =	sdelay $0x3  }
0xc7: {  	s13 =	simm.s32 $0xC800  }
0xc8: {  	[tilespmem:s13], [sflag:$0x2] =	stream.indirect_vreg.gather [hbm4b:s3+s2], $0x80, v4, vm0, $0xb8;
	[tilespmem:$0x10800] =	vst v63  }
0xc9: {  	s14 =	simm.s32 $0xD000;
	v3 =	vperm.xlane v3, v2  }
0xca: {  	[tilespmem:s14], [sflag:$0x2] =	stream.indirect_vreg.gather [hbm4b:s4+s2], $0x80, v4, vm0, $0xb8;
	[tilespmem:$0x10800] =	vst v63  }
0xcb: {  	v3 =	vadd.s32 v1, v3;
	s13 =	simm.s32 $0xD800  }
0xcc: {  	[tilespmem:s13], [sflag:$0x2] =	stream.indirect_vreg.gather [hbm4b:s5+s2], $0x80, v4, vm0, $0xb8;
	[tilespmem:$0x10800] =	vst v63  }
0xcd: {  	s14 =	simm.s32 $0xE000  }
0xce: {  	[tilespmem:s14], [sflag:$0x2] =	stream.indirect_vreg.gather [hbm4b:s6+s2], $0x80, v4, vm0, $0xb8;
	[tilespmem:$0x10800] =	vst v63  }
0xcf: {  	s21 =	simm.s32 $0xE800  }
0xd0: {  	[tilespmem:s21], [sflag:$0x2] =	stream.indirect_vreg.gather [hbm4b:s3+s2], $0x80, v3, vm0, $0xb8;
	[tilespmem:$0x10800] =	vst v63  }
0xd1: {  	s30 =	simm.s32 $0xF000  }
0xd2: {  	[tilespmem:s30], [sflag:$0x2] =	stream.indirect_vreg.gather [hbm4b:s4+s2], $0x80, v3, vm0, $0xb8;
	[tilespmem:$0x10800] =	vst v63  }
0xd3: {  	s31 =	simm.s32 $0xF800  }
0xd4: {  	[tilespmem:s31], [sflag:$0x2] =	stream.indirect_vreg.gather [hbm4b:s5+s2], $0x80, v3, vm0, $0xb8;
	[tilespmem:$0x10800] =	vst v63  }
0xd5: {  	s11 =	simm.s32 $0x10000  }
0xd6: {  	[tilespmem:s11], [sflag:$0x2] =	stream.indirect_vreg.gather [hbm4b:s6+s2], $0x80, v3, vm0, $0xb8;
	[tilespmem:$0x10800] =	vst v63  }
0xd7: {  	_ =	swait.ge [sflag:s17], $0x8000  }
0xd8: {  	[sflag:s17] =	ssyncset.done $0x0  }
0xd9: {  	s21 =	rddreg [dreg:$0x6];
	[sflag:s17] =	ssyncadd.s32 $0xFFFF8000  }
0xda: {  	[hbm4b:s21+s2] =	stream.linear.scatter [tilespmem:s9], [sflag:$0x3], $0x8000, $0x38;
	[tilespmem:$0x10800] =	vst v63  }
0xdb: {  	_ =	swait.ge [sflag:s18], $0x8000  }
0xdc: {  	[sflag:s18] =	ssyncset.done $0x0  }
0xdd: {  	[sflag:s18] =	ssyncadd.s32 $0xFFFF8000  }
0xde: {  	v3 =	vld [tilespmem:$0x200];
	_ =	sdelay $0x4  }
0xdf: {  	v40 =	vshll.u32 v3, $0x3  }
0xe0: {  	v3 =	vand.u32 $0x7, v3;
	v4 =	vand.u32 $0xFFFFFFC0, v40  }
0xe1: {  	v3 =	vor.u32 v3, v4  }
0xe2: {  	v4 =	vperm.xlane v3, v0;
	_ =	sdelay $0x1  }
0xe3: {  	v4 =	vadd.s32 v1, v4;
	_ =	sdelay $0x4  }
0xe4: {  	[tilespmem:s9], [sflag:$0x1] =	stream.indirect_vreg.gather [hbm4b:s3+s2], $0x80, v4, vm0, $0xb8;
	[tilespmem:$0x10800] =	vst v63  }
0xe5: {  	s21 =	simm.s32 $0x1000;
	v3 =	vperm.xlane v3, v2  }
0xe6: {  	[tilespmem:s21], [sflag:$0x1] =	stream.indirect_vreg.gather [hbm4b:s4+s2], $0x80, v4, vm0, $0xb8;
	[tilespmem:$0x10800] =	vst v63  }
0xe7: {  	v3 =	vadd.s32 v1, v3;
	s21 =	simm.s32 $0x1800  }
0xe8: {  	[tilespmem:s21], [sflag:$0x1] =	stream.indirect_vreg.gather [hbm4b:s5+s2], $0x80, v4, vm0, $0xb8;
	[tilespmem:$0x10800] =	vst v63  }
0xe9: {  	s21 =	simm.s32 $0x2000  }
0xea: {  	[tilespmem:s21], [sflag:$0x1] =	stream.indirect_vreg.gather [hbm4b:s6+s2], $0x80, v4, vm0, $0xb8;
	[tilespmem:$0x10800] =	vst v63  }
0xeb: {  	s21 =	simm.s32 $0x2800  }
0xec: {  	[tilespmem:s21], [sflag:$0x1] =	stream.indirect_vreg.gather [hbm4b:s3+s2], $0x80, v3, vm0, $0xb8;
	[tilespmem:$0x10800] =	vst v63  }
0xed: {  	s21 =	simm.s32 $0x3000  }
0xee: {  	[tilespmem:s21], [sflag:$0x1] =	stream.indirect_vreg.gather [hbm4b:s4+s2], $0x80, v3, vm0, $0xb8;
	[tilespmem:$0x10800] =	vst v63  }
0xef: {  	s21 =	simm.s32 $0x3800  }
0xf0: {  	[tilespmem:s21], [sflag:$0x1] =	stream.indirect_vreg.gather [hbm4b:s5+s2], $0x80, v3, vm0, $0xb8;
	[tilespmem:$0x10800] =	vst v63  }
0xf1: {  	s21 =	simm.s32 $0x4000  }
0xf2: {  	[tilespmem:s21], [sflag:$0x1] =	stream.indirect_vreg.gather [hbm4b:s6+s2], $0x80, v3, vm0, $0xb8;
	[tilespmem:$0x10800] =	vst v63  }
0xf3: {  	v3 =	vld [tilespmem:$0x210];
	_ =	sdelay $0x4  }
0xf4: {  	v41 =	vshll.u32 v3, $0x3  }
0xf5: {  	v3 =	vand.u32 $0x7, v3;
	v4 =	vand.u32 $0xFFFFFFC0, v41  }
0xf6: {  	v3 =	vor.u32 v3, v4  }
0xf7: {  	v4 =	vperm.xlane v3, v0;
	_ =	sdelay $0x1  }
0xf8: {  	v4 =	vadd.s32 v1, v4;
	_ =	sdelay $0x4  }
0xf9: {  	[tilespmem:s23], [sflag:$0x1] =	stream.indirect_vreg.gather [hbm4b:s3+s2], $0x80, v4, vm0, $0xb8;
	[tilespmem:$0x10800] =	vst v63  }
0xfa: {  	s21 =	simm.s32 $0x5000;
	v3 =	vperm.xlane v3, v2  }
0xfb: {  	[tilespmem:s21], [sflag:$0x1] =	stream.indirect_vreg.gather [hbm4b:s4+s2], $0x80, v4, vm0, $0xb8;
	[tilespmem:$0x10800] =	vst v63  }
0xfc: {  	v3 =	vadd.s32 v1, v3  }
0xfd: {  	[tilespmem:s7], [sflag:$0x1] =	stream.indirect_vreg.gather [hbm4b:s5+s2], $0x80, v4, vm0, $0xb8;
	[tilespmem:$0x10800] =	vst v63  }
0xfe: {  	_ = 	snop  }
0xff: {  	[tilespmem:s8], [sflag:$0x1] =	stream.indirect_vreg.gather [hbm4b:s6+s2], $0x80, v4, vm0, $0xb8;
	[tilespmem:$0x10800] =	vst v63  }
0x100: {  	_ = 	snop  }
0x101: {  	[tilespmem:s29], [sflag:$0x1] =	stream.indirect_vreg.gather [hbm4b:s3+s2], $0x80, v3, vm0, $0xb8;
	[tilespmem:$0x10800] =	vst v63  }
0x102: {  	_ = 	snop  }
0x103: {  	[tilespmem:s15], [sflag:$0x1] =	stream.indirect_vreg.gather [hbm4b:s4+s2], $0x80, v3, vm0, $0xb8;
	[tilespmem:$0x10800] =	vst v63  }
0x104: {  	_ = 	snop  }
0x105: {  	[tilespmem:s16], [sflag:$0x1] =	stream.indirect_vreg.gather [hbm4b:s5+s2], $0x80, v3, vm0, $0xb8;
	[tilespmem:$0x10800] =	vst v63  }
0x106: {  	_ = 	snop  }
0x107: {  	[tilespmem:s22], [sflag:$0x1] =	stream.indirect_vreg.gather [hbm4b:s6+s2], $0x80, v3, vm0, $0xb8;
	[tilespmem:$0x10800] =	vst v63  }
0x108: {  	_ =	swait.ge [sflag:s19], $0x8000  }
0x109: {  	[sflag:s19] =	ssyncset.done $0x0  }
0x10a: {  	s21 =	rddreg [dreg:$0x7];
	[sflag:s19] =	ssyncadd.s32 $0xFFFF8000  }
0x10b: {  	[hbm4b:s21+s2] =	stream.linear.scatter [tilespmem:s25], [sflag:$0x4], $0x8000, $0x38;
	[tilespmem:$0x10800] =	vst v63  }
0x10c: {  	_ =	swait.ge [sflag:s20], $0x8000  }
0x10d: {  	[sflag:s20] =	ssyncset.done $0x0  }
0x10e: {  	[sflag:s20] =	ssyncadd.s32 $0xFFFF8000  }
0x10f: {  	v3 =	vld [tilespmem:$0x280];
	_ =	sdelay $0x4  }
0x110: {  	v42 =	vshll.u32 v3, $0x3  }
0x111: {  	v3 =	vand.u32 $0x7, v3;
	v4 =	vand.u32 $0xFFFFFFC0, v42  }
0x112: {  	v3 =	vor.u32 v3, v4  }
0x113: {  	v4 =	vperm.xlane v3, v0;
	_ =	sdelay $0x1  }
0x114: {  	v4 =	vadd.s32 v1, v4;
	_ =	sdelay $0x4  }
0x115: {  	[tilespmem:s25], [sflag:$0x2] =	stream.indirect_vreg.gather [hbm4b:s3+s2], $0x80, v4, vm0, $0xb8;
	[tilespmem:$0x10800] =	vst v63  }
0x116: {  	v3 =	vperm.xlane v3, v2  }
0x117: {  	[tilespmem:s1], [sflag:$0x2] =	stream.indirect_vreg.gather [hbm4b:s4+s2], $0x80, v4, vm0, $0xb8;
	[tilespmem:$0x10800] =	vst v63  }
0x118: {  	v3 =	vadd.s32 v1, v3  }
0x119: {  	[tilespmem:s0], [sflag:$0x2] =	stream.indirect_vreg.gather [hbm4b:s5+s2], $0x80, v4, vm0, $0xb8;
	[tilespmem:$0x10800] =	vst v63  }
0x11a: {  	s21 =	simm.s32 $0xA000  }
0x11b: {  	[tilespmem:s21], [sflag:$0x2] =	stream.indirect_vreg.gather [hbm4b:s6+s2], $0x80, v4, vm0, $0xb8;
	[tilespmem:$0x10800] =	vst v63  }
0x11c: {  	s10 =	simm.s32 $0xA800  }
0x11d: {  	[tilespmem:s10], [sflag:$0x2] =	stream.indirect_vreg.gather [hbm4b:s3+s2], $0x80, v3, vm0, $0xb8;
	[tilespmem:$0x10800] =	vst v63  }
0x11e: {  	s26 =	simm.s32 $0xB000  }
0x11f: {  	[tilespmem:s26], [sflag:$0x2] =	stream.indirect_vreg.gather [hbm4b:s4+s2], $0x80, v3, vm0, $0xb8;
	[tilespmem:$0x10800] =	vst v63  }
0x120: {  	s28 =	simm.s32 $0xB800  }
0x121: {  	[tilespmem:s28], [sflag:$0x2] =	stream.indirect_vreg.gather [hbm4b:s5+s2], $0x80, v3, vm0, $0xb8;
	[tilespmem:$0x10800] =	vst v63  }
0x122: {  	s21 =	simm.s32 $0xC000  }
0x123: {  	[tilespmem:s21], [sflag:$0x2] =	stream.indirect_vreg.gather [hbm4b:s6+s2], $0x80, v3, vm0, $0xb8;
	[tilespmem:$0x10800] =	vst v63  }
0x124: {  	v3 =	vld [tilespmem:$0x290];
	_ =	sdelay $0x4  }
0x125: {  	v43 =	vshll.u32 v3, $0x3  }
0x126: {  	v3 =	vand.u32 $0x7, v3;
	v4 =	vand.u32 $0xFFFFFFC0, v43  }
0x127: {  	v3 =	vor.u32 v3, v4  }
0x128: {  	v4 =	vperm.xlane v3, v0;
	_ =	sdelay $0x1  }
0x129: {  	v4 =	vadd.s32 v1, v4;
	_ =	sdelay $0x3  }
0x12a: {  	s21 =	simm.s32 $0xC800  }
0x12b: {  	[tilespmem:s21], [sflag:$0x2] =	stream.indirect_vreg.gather [hbm4b:s3+s2], $0x80, v4, vm0, $0xb8;
	[tilespmem:$0x10800] =	vst v63  }
0x12c: {  	v3 =	vperm.xlane v3, v2;
	s21 =	simm.s32 $0xD000  }
0x12d: {  	[tilespmem:s21], [sflag:$0x2] =	stream.indirect_vreg.gather [hbm4b:s4+s2], $0x80, v4, vm0, $0xb8;
	[tilespmem:$0x10800] =	vst v63  }
0x12e: {  	s12 =	simm.s32 $0xD800;
	v3 =	vadd.s32 v1, v3  }
0x12f: {  	[tilespmem:s12], [sflag:$0x2] =	stream.indirect_vreg.gather [hbm4b:s5+s2], $0x80, v4, vm0, $0xb8;
	[tilespmem:$0x10800] =	vst v63  }
0x130: {  	s13 =	simm.s32 $0xE000  }
0x131: {  	[tilespmem:s13], [sflag:$0x2] =	stream.indirect_vreg.gather [hbm4b:s6+s2], $0x80, v4, vm0, $0xb8;
	[tilespmem:$0x10800] =	vst v63  }
0x132: {  	s14 =	simm.s32 $0xE800  }
0x133: {  	[tilespmem:s14], [sflag:$0x2] =	stream.indirect_vreg.gather [hbm4b:s3+s2], $0x80, v3, vm0, $0xb8;
	[tilespmem:$0x10800] =	vst v63  }
0x134: {  	s30 =	simm.s32 $0xF000  }
0x135: {  	[tilespmem:s30], [sflag:$0x2] =	stream.indirect_vreg.gather [hbm4b:s4+s2], $0x80, v3, vm0, $0xb8;
	[tilespmem:$0x10800] =	vst v63  }
0x136: {  	s31 =	simm.s32 $0xF800  }
0x137: {  	[tilespmem:s31], [sflag:$0x2] =	stream.indirect_vreg.gather [hbm4b:s5+s2], $0x80, v3, vm0, $0xb8;
	[tilespmem:$0x10800] =	vst v63  }
0x138: {  	s11 =	simm.s32 $0x10000  }
0x139: {  	[tilespmem:s11], [sflag:$0x2] =	stream.indirect_vreg.gather [hbm4b:s6+s2], $0x80, v3, vm0, $0xb8;
	[tilespmem:$0x10800] =	vst v63  }
0x13a: {  	_ =	swait.ge [sflag:s17], $0x8000  }
0x13b: {  	[sflag:s17] =	ssyncset.done $0x0  }
0x13c: {  	s21 =	rddreg [dreg:$0x8];
	[sflag:s17] =	ssyncadd.s32 $0xFFFF8000  }
0x13d: {  	[hbm4b:s21+s2] =	stream.linear.scatter [tilespmem:s9], [sflag:$0x3], $0x8000, $0x38;
	[tilespmem:$0x10800] =	vst v63  }
0x13e: {  	_ =	swait.ge [sflag:s18], $0x8000  }
0x13f: {  	[sflag:s18] =	ssyncset.done $0x0  }
0x140: {  	[sflag:s18] =	ssyncadd.s32 $0xFFFF8000  }
0x141: {  	v3 =	vld [tilespmem:$0x300];
	_ =	sdelay $0x4  }
0x142: {  	v44 =	vshll.u32 v3, $0x3  }
0x143: {  	v3 =	vand.u32 $0x7, v3;
	v4 =	vand.u32 $0xFFFFFFC0, v44  }
0x144: {  	v3 =	vor.u32 v3, v4  }
0x145: {  	v4 =	vperm.xlane v3, v0;
	_ =	sdelay $0x1  }
0x146: {  	v4 =	vadd.s32 v1, v4;
	_ =	sdelay $0x4  }
0x147: {  	[tilespmem:s9], [sflag:$0x1] =	stream.indirect_vreg.gather [hbm4b:s3+s2], $0x80, v4, vm0, $0xb8;
	[tilespmem:$0x10800] =	vst v63  }
0x148: {  	s21 =	simm.s32 $0x1000;
	v3 =	vperm.xlane v3, v2  }
0x149: {  	[tilespmem:s21], [sflag:$0x1] =	stream.indirect_vreg.gather [hbm4b:s4+s2], $0x80, v4, vm0, $0xb8;
	[tilespmem:$0x10800] =	vst v63  }
0x14a: {  	v3 =	vadd.s32 v1, v3;
	s21 =	simm.s32 $0x1800  }
0x14b: {  	[tilespmem:s21], [sflag:$0x1] =	stream.indirect_vreg.gather [hbm4b:s5+s2], $0x80, v4, vm0, $0xb8;
	[tilespmem:$0x10800] =	vst v63  }
0x14c: {  	s21 =	simm.s32 $0x2000  }
0x14d: {  	[tilespmem:s21], [sflag:$0x1] =	stream.indirect_vreg.gather [hbm4b:s6+s2], $0x80, v4, vm0, $0xb8;
	[tilespmem:$0x10800] =	vst v63  }
0x14e: {  	s21 =	simm.s32 $0x2800  }
0x14f: {  	[tilespmem:s21], [sflag:$0x1] =	stream.indirect_vreg.gather [hbm4b:s3+s2], $0x80, v3, vm0, $0xb8;
	[tilespmem:$0x10800] =	vst v63  }
0x150: {  	s21 =	simm.s32 $0x3000  }
0x151: {  	[tilespmem:s21], [sflag:$0x1] =	stream.indirect_vreg.gather [hbm4b:s4+s2], $0x80, v3, vm0, $0xb8;
	[tilespmem:$0x10800] =	vst v63  }
0x152: {  	s21 =	simm.s32 $0x3800  }
0x153: {  	[tilespmem:s21], [sflag:$0x1] =	stream.indirect_vreg.gather [hbm4b:s5+s2], $0x80, v3, vm0, $0xb8;
	[tilespmem:$0x10800] =	vst v63  }
0x154: {  	s21 =	simm.s32 $0x4000  }
0x155: {  	[tilespmem:s21], [sflag:$0x1] =	stream.indirect_vreg.gather [hbm4b:s6+s2], $0x80, v3, vm0, $0xb8;
	[tilespmem:$0x10800] =	vst v63  }
0x156: {  	v3 =	vld [tilespmem:$0x310];
	_ =	sdelay $0x4  }
0x157: {  	v45 =	vshll.u32 v3, $0x3  }
0x158: {  	v3 =	vand.u32 $0x7, v3;
	v4 =	vand.u32 $0xFFFFFFC0, v45  }
0x159: {  	v3 =	vor.u32 v3, v4  }
0x15a: {  	v4 =	vperm.xlane v3, v0;
	_ =	sdelay $0x1  }
0x15b: {  	v4 =	vadd.s32 v1, v4;
	_ =	sdelay $0x3  }
0x15c: {  	s23 =	simm.s32 $0x4800  }
0x15d: {  	[tilespmem:s23], [sflag:$0x1] =	stream.indirect_vreg.gather [hbm4b:s3+s2], $0x80, v4, vm0, $0xb8;
	[tilespmem:$0x10800] =	vst v63  }
0x15e: {  	s21 =	simm.s32 $0x5000;
	v3 =	vperm.xlane v3, v2  }
0x15f: {  	[tilespmem:s21], [sflag:$0x1] =	stream.indirect_vreg.gather [hbm4b:s4+s2], $0x80, v4, vm0, $0xb8;
	[tilespmem:$0x10800] =	vst v63  }
0x160: {  	s7 =	simm.s32 $0x5800;
	v3 =	vadd.s32 v1, v3  }
0x161: {  	[tilespmem:s7], [sflag:$0x1] =	stream.indirect_vreg.gather [hbm4b:s5+s2], $0x80, v4, vm0, $0xb8;
	[tilespmem:$0x10800] =	vst v63  }
0x162: {  	s8 =	simm.s32 $0x6000  }
0x163: {  	[tilespmem:s8], [sflag:$0x1] =	stream.indirect_vreg.gather [hbm4b:s6+s2], $0x80, v4, vm0, $0xb8;
	[tilespmem:$0x10800] =	vst v63  }
0x164: {  	s29 =	simm.s32 $0x6800  }
0x165: {  	[tilespmem:s29], [sflag:$0x1] =	stream.indirect_vreg.gather [hbm4b:s3+s2], $0x80, v3, vm0, $0xb8;
	[tilespmem:$0x10800] =	vst v63  }
0x166: {  	s15 =	simm.s32 $0x7000  }
0x167: {  	[tilespmem:s15], [sflag:$0x1] =	stream.indirect_vreg.gather [hbm4b:s4+s2], $0x80, v3, vm0, $0xb8;
	[tilespmem:$0x10800] =	vst v63  }
0x168: {  	s16 =	simm.s32 $0x7800  }
0x169: {  	[tilespmem:s16], [sflag:$0x1] =	stream.indirect_vreg.gather [hbm4b:s5+s2], $0x80, v3, vm0, $0xb8;
	[tilespmem:$0x10800] =	vst v63  }
0x16a: {  	s22 =	simm.s32 $0x8000  }
0x16b: {  	[tilespmem:s22], [sflag:$0x1] =	stream.indirect_vreg.gather [hbm4b:s6+s2], $0x80, v3, vm0, $0xb8;
	[tilespmem:$0x10800] =	vst v63  }
0x16c: {  	_ =	swait.ge [sflag:s19], $0x8000  }
0x16d: {  	[sflag:s19] =	ssyncset.done $0x0  }
0x16e: {  	s21 =	rddreg [dreg:$0x9];
	[sflag:s19] =	ssyncadd.s32 $0xFFFF8000  }
0x16f: {  	[hbm4b:s21+s2] =	stream.linear.scatter [tilespmem:s25], [sflag:$0x4], $0x8000, $0x38;
	[tilespmem:$0x10800] =	vst v63  }
0x170: {  	_ =	swait.ge [sflag:s20], $0x8000  }
0x171: {  	[sflag:s20] =	ssyncset.done $0x0  }
0x172: {  	[sflag:s20] =	ssyncadd.s32 $0xFFFF8000  }
0x173: {  	v3 =	vld [tilespmem:$0x380];
	_ =	sdelay $0x4  }
0x174: {  	v46 =	vshll.u32 v3, $0x3  }
0x175: {  	v3 =	vand.u32 $0x7, v3;
	v4 =	vand.u32 $0xFFFFFFC0, v46  }
0x176: {  	v3 =	vor.u32 v3, v4  }
0x177: {  	v4 =	vperm.xlane v3, v0;
	_ =	sdelay $0x1  }
0x178: {  	v4 =	vadd.s32 v1, v4;
	_ =	sdelay $0x4  }
0x179: {  	[tilespmem:s25], [sflag:$0x2] =	stream.indirect_vreg.gather [hbm4b:s3+s2], $0x80, v4, vm0, $0xb8;
	[tilespmem:$0x10800] =	vst v63  }
0x17a: {  	s1 =	simm.s32 $0x9000;
	v3 =	vperm.xlane v3, v2  }
0x17b: {  	[tilespmem:s1], [sflag:$0x2] =	stream.indirect_vreg.gather [hbm4b:s4+s2], $0x80, v4, vm0, $0xb8;
	[tilespmem:$0x10800] =	vst v63  }
0x17c: {  	s0 =	simm.s32 $0x9800;
	v3 =	vadd.s32 v1, v3  }
0x17d: {  	[tilespmem:s0], [sflag:$0x2] =	stream.indirect_vreg.gather [hbm4b:s5+s2], $0x80, v4, vm0, $0xb8;
	[tilespmem:$0x10800] =	vst v63  }
0x17e: {  	s21 =	simm.s32 $0xA000  }
0x17f: {  	[tilespmem:s21], [sflag:$0x2] =	stream.indirect_vreg.gather [hbm4b:s6+s2], $0x80, v4, vm0, $0xb8;
	[tilespmem:$0x10800] =	vst v63  }
0x180: {  	s10 =	simm.s32 $0xA800  }
0x181: {  	[tilespmem:s10], [sflag:$0x2] =	stream.indirect_vreg.gather [hbm4b:s3+s2], $0x80, v3, vm0, $0xb8;
	[tilespmem:$0x10800] =	vst v63  }
0x182: {  	s26 =	simm.s32 $0xB000  }
0x183: {  	[tilespmem:s26], [sflag:$0x2] =	stream.indirect_vreg.gather [hbm4b:s4+s2], $0x80, v3, vm0, $0xb8;
	[tilespmem:$0x10800] =	vst v63  }
0x184: {  	s28 =	simm.s32 $0xB800  }
0x185: {  	[tilespmem:s28], [sflag:$0x2] =	stream.indirect_vreg.gather [hbm4b:s5+s2], $0x80, v3, vm0, $0xb8;
	[tilespmem:$0x10800] =	vst v63  }
0x186: {  	s21 =	simm.s32 $0xC000  }
0x187: {  	[tilespmem:s21], [sflag:$0x2] =	stream.indirect_vreg.gather [hbm4b:s6+s2], $0x80, v3, vm0, $0xb8;
	[tilespmem:$0x10800] =	vst v63  }
0x188: {  	v3 =	vld [tilespmem:$0x390];
	_ =	sdelay $0x4  }
0x189: {  	v47 =	vshll.u32 v3, $0x3  }
0x18a: {  	v3 =	vand.u32 $0x7, v3;
	v4 =	vand.u32 $0xFFFFFFC0, v47  }
0x18b: {  	v3 =	vor.u32 v3, v4  }
0x18c: {  	v4 =	vperm.xlane v3, v0;
	_ =	sdelay $0x1  }
0x18d: {  	v4 =	vadd.s32 v1, v4;
	_ =	sdelay $0x3  }
0x18e: {  	s21 =	simm.s32 $0xC800  }
0x18f: {  	[tilespmem:s21], [sflag:$0x2] =	stream.indirect_vreg.gather [hbm4b:s3+s2], $0x80, v4, vm0, $0xb8;
	[tilespmem:$0x10800] =	vst v63  }
0x190: {  	v3 =	vperm.xlane v3, v2;
	s21 =	simm.s32 $0xD000  }
0x191: {  	[tilespmem:s21], [sflag:$0x2] =	stream.indirect_vreg.gather [hbm4b:s4+s2], $0x80, v4, vm0, $0xb8;
	[tilespmem:$0x10800] =	vst v63  }
0x192: {  	s12 =	simm.s32 $0xD800;
	v3 =	vadd.s32 v1, v3  }
0x193: {  	[tilespmem:s12], [sflag:$0x2] =	stream.indirect_vreg.gather [hbm4b:s5+s2], $0x80, v4, vm0, $0xb8;
	[tilespmem:$0x10800] =	vst v63  }
0x194: {  	s13 =	simm.s32 $0xE000  }
0x195: {  	[tilespmem:s13], [sflag:$0x2] =	stream.indirect_vreg.gather [hbm4b:s6+s2], $0x80, v4, vm0, $0xb8;
	[tilespmem:$0x10800] =	vst v63  }
0x196: {  	s14 =	simm.s32 $0xE800  }
0x197: {  	[tilespmem:s14], [sflag:$0x2] =	stream.indirect_vreg.gather [hbm4b:s3+s2], $0x80, v3, vm0, $0xb8;
	[tilespmem:$0x10800] =	vst v63  }
0x198: {  	s30 =	simm.s32 $0xF000  }
0x199: {  	[tilespmem:s30], [sflag:$0x2] =	stream.indirect_vreg.gather [hbm4b:s4+s2], $0x80, v3, vm0, $0xb8;
	[tilespmem:$0x10800] =	vst v63  }
0x19a: {  	s31 =	simm.s32 $0xF800  }
0x19b: {  	[tilespmem:s31], [sflag:$0x2] =	stream.indirect_vreg.gather [hbm4b:s5+s2], $0x80, v3, vm0, $0xb8;
	[tilespmem:$0x10800] =	vst v63  }
0x19c: {  	s11 =	simm.s32 $0x10000  }
0x19d: {  	[tilespmem:s11], [sflag:$0x2] =	stream.indirect_vreg.gather [hbm4b:s6+s2], $0x80, v3, vm0, $0xb8;
	[tilespmem:$0x10800] =	vst v63  }
0x19e: {  	_ =	swait.ge [sflag:s17], $0x8000  }
0x19f: {  	[sflag:s17] =	ssyncset.done $0x0  }
0x1a0: {  	s21 =	rddreg [dreg:$0xa];
	[sflag:s17] =	ssyncadd.s32 $0xFFFF8000  }
0x1a1: {  	[hbm4b:s21+s2] =	stream.linear.scatter [tilespmem:s9], [sflag:$0x3], $0x8000, $0x38;
	[tilespmem:$0x10800] =	vst v63  }
0x1a2: {  	_ =	swait.ge [sflag:s18], $0x8000  }
0x1a3: {  	[sflag:s18] =	ssyncset.done $0x0  }
0x1a4: {  	[sflag:s18] =	ssyncadd.s32 $0xFFFF8000  }
0x1a5: {  	v3 =	vld [tilespmem:$0x400];
	_ =	sdelay $0x4  }
0x1a6: {  	v48 =	vshll.u32 v3, $0x3  }
0x1a7: {  	v3 =	vand.u32 $0x7, v3;
	v4 =	vand.u32 $0xFFFFFFC0, v48  }
0x1a8: {  	v3 =	vor.u32 v3, v4  }
0x1a9: {  	v4 =	vperm.xlane v3, v0;
	_ =	sdelay $0x1  }
0x1aa: {  	v4 =	vadd.s32 v1, v4;
	_ =	sdelay $0x4  }
0x1ab: {  	[tilespmem:s9], [sflag:$0x1] =	stream.indirect_vreg.gather [hbm4b:s3+s2], $0x80, v4, vm0, $0xb8;
	[tilespmem:$0x10800] =	vst v63  }
0x1ac: {  	s21 =	simm.s32 $0x1000;
	v3 =	vperm.xlane v3, v2  }
0x1ad: {  	[tilespmem:s21], [sflag:$0x1] =	stream.indirect_vreg.gather [hbm4b:s4+s2], $0x80, v4, vm0, $0xb8;
	[tilespmem:$0x10800] =	vst v63  }
0x1ae: {  	v3 =	vadd.s32 v1, v3;
	s21 =	simm.s32 $0x1800  }
0x1af: {  	[tilespmem:s21], [sflag:$0x1] =	stream.indirect_vreg.gather [hbm4b:s5+s2], $0x80, v4, vm0, $0xb8;
	[tilespmem:$0x10800] =	vst v63  }
0x1b0: {  	s21 =	simm.s32 $0x2000  }
0x1b1: {  	[tilespmem:s21], [sflag:$0x1] =	stream.indirect_vreg.gather [hbm4b:s6+s2], $0x80, v4, vm0, $0xb8;
	[tilespmem:$0x10800] =	vst v63  }
0x1b2: {  	s21 =	simm.s32 $0x2800  }
0x1b3: {  	[tilespmem:s21], [sflag:$0x1] =	stream.indirect_vreg.gather [hbm4b:s3+s2], $0x80, v3, vm0, $0xb8;
	[tilespmem:$0x10800] =	vst v63  }
0x1b4: {  	s21 =	simm.s32 $0x3000  }
0x1b5: {  	[tilespmem:s21], [sflag:$0x1] =	stream.indirect_vreg.gather [hbm4b:s4+s2], $0x80, v3, vm0, $0xb8;
	[tilespmem:$0x10800] =	vst v63  }
0x1b6: {  	s21 =	simm.s32 $0x3800  }
0x1b7: {  	[tilespmem:s21], [sflag:$0x1] =	stream.indirect_vreg.gather [hbm4b:s5+s2], $0x80, v3, vm0, $0xb8;
	[tilespmem:$0x10800] =	vst v63  }
0x1b8: {  	s21 =	simm.s32 $0x4000  }
0x1b9: {  	[tilespmem:s21], [sflag:$0x1] =	stream.indirect_vreg.gather [hbm4b:s6+s2], $0x80, v3, vm0, $0xb8;
	[tilespmem:$0x10800] =	vst v63  }
0x1ba: {  	v3 =	vld [tilespmem:$0x410];
	_ =	sdelay $0x4  }
0x1bb: {  	v49 =	vshll.u32 v3, $0x3  }
0x1bc: {  	v3 =	vand.u32 $0x7, v3;
	v4 =	vand.u32 $0xFFFFFFC0, v49  }
0x1bd: {  	v3 =	vor.u32 v3, v4  }
0x1be: {  	v4 =	vperm.xlane v3, v0;
	_ =	sdelay $0x1  }
0x1bf: {  	v4 =	vadd.s32 v1, v4;
	_ =	sdelay $0x3  }
0x1c0: {  	s23 =	simm.s32 $0x4800  }
0x1c1: {  	[tilespmem:s23], [sflag:$0x1] =	stream.indirect_vreg.gather [hbm4b:s3+s2], $0x80, v4, vm0, $0xb8;
	[tilespmem:$0x10800] =	vst v63  }
0x1c2: {  	s21 =	simm.s32 $0x5000;
	v3 =	vperm.xlane v3, v2  }
0x1c3: {  	[tilespmem:s21], [sflag:$0x1] =	stream.indirect_vreg.gather [hbm4b:s4+s2], $0x80, v4, vm0, $0xb8;
	[tilespmem:$0x10800] =	vst v63  }
0x1c4: {  	s7 =	simm.s32 $0x5800;
	v3 =	vadd.s32 v1, v3  }
0x1c5: {  	[tilespmem:s7], [sflag:$0x1] =	stream.indirect_vreg.gather [hbm4b:s5+s2], $0x80, v4, vm0, $0xb8;
	[tilespmem:$0x10800] =	vst v63  }
0x1c6: {  	s8 =	simm.s32 $0x6000  }
0x1c7: {  	[tilespmem:s8], [sflag:$0x1] =	stream.indirect_vreg.gather [hbm4b:s6+s2], $0x80, v4, vm0, $0xb8;
	[tilespmem:$0x10800] =	vst v63  }
0x1c8: {  	s29 =	simm.s32 $0x6800  }
0x1c9: {  	[tilespmem:s29], [sflag:$0x1] =	stream.indirect_vreg.gather [hbm4b:s3+s2], $0x80, v3, vm0, $0xb8;
	[tilespmem:$0x10800] =	vst v63  }
0x1ca: {  	s15 =	simm.s32 $0x7000  }
0x1cb: {  	[tilespmem:s15], [sflag:$0x1] =	stream.indirect_vreg.gather [hbm4b:s4+s2], $0x80, v3, vm0, $0xb8;
	[tilespmem:$0x10800] =	vst v63  }
0x1cc: {  	s16 =	simm.s32 $0x7800  }
0x1cd: {  	[tilespmem:s16], [sflag:$0x1] =	stream.indirect_vreg.gather [hbm4b:s5+s2], $0x80, v3, vm0, $0xb8;
	[tilespmem:$0x10800] =	vst v63  }
0x1ce: {  	s22 =	simm.s32 $0x8000  }
0x1cf: {  	[tilespmem:s22], [sflag:$0x1] =	stream.indirect_vreg.gather [hbm4b:s6+s2], $0x80, v3, vm0, $0xb8;
	[tilespmem:$0x10800] =	vst v63  }
0x1d0: {  	_ =	swait.ge [sflag:s19], $0x8000  }
0x1d1: {  	[sflag:s19] =	ssyncset.done $0x0  }
0x1d2: {  	s21 =	rddreg [dreg:$0xb];
	[sflag:s19] =	ssyncadd.s32 $0xFFFF8000  }
0x1d3: {  	[hbm4b:s21+s2] =	stream.linear.scatter [tilespmem:s25], [sflag:$0x4], $0x8000, $0x38;
	[tilespmem:$0x10800] =	vst v63  }
0x1d4: {  	_ =	swait.ge [sflag:s20], $0x8000  }
0x1d5: {  	[sflag:s20] =	ssyncset.done $0x0  }
0x1d6: {  	[sflag:s20] =	ssyncadd.s32 $0xFFFF8000  }
0x1d7: {  	v3 =	vld [tilespmem:$0x480];
	_ =	sdelay $0x4  }
0x1d8: {  	v50 =	vshll.u32 v3, $0x3  }
0x1d9: {  	v3 =	vand.u32 $0x7, v3;
	v4 =	vand.u32 $0xFFFFFFC0, v50  }
0x1da: {  	v3 =	vor.u32 v3, v4  }
0x1db: {  	v4 =	vperm.xlane v3, v0;
	_ =	sdelay $0x1  }
0x1dc: {  	v4 =	vadd.s32 v1, v4;
	_ =	sdelay $0x4  }
0x1dd: {  	[tilespmem:s25], [sflag:$0x2] =	stream.indirect_vreg.gather [hbm4b:s3+s2], $0x80, v4, vm0, $0xb8;
	[tilespmem:$0x10800] =	vst v63  }
0x1de: {  	s1 =	simm.s32 $0x9000;
	v3 =	vperm.xlane v3, v2  }
0x1df: {  	[tilespmem:s1], [sflag:$0x2] =	stream.indirect_vreg.gather [hbm4b:s4+s2], $0x80, v4, vm0, $0xb8;
	[tilespmem:$0x10800] =	vst v63  }
0x1e0: {  	s0 =	simm.s32 $0x9800;
	v3 =	vadd.s32 v1, v3  }
0x1e1: {  	[tilespmem:s0], [sflag:$0x2] =	stream.indirect_vreg.gather [hbm4b:s5+s2], $0x80, v4, vm0, $0xb8;
	[tilespmem:$0x10800] =	vst v63  }
0x1e2: {  	s21 =	simm.s32 $0xA000  }
0x1e3: {  	[tilespmem:s21], [sflag:$0x2] =	stream.indirect_vreg.gather [hbm4b:s6+s2], $0x80, v4, vm0, $0xb8;
	[tilespmem:$0x10800] =	vst v63  }
0x1e4: {  	s10 =	simm.s32 $0xA800  }
0x1e5: {  	[tilespmem:s10], [sflag:$0x2] =	stream.indirect_vreg.gather [hbm4b:s3+s2], $0x80, v3, vm0, $0xb8;
	[tilespmem:$0x10800] =	vst v63  }
0x1e6: {  	s26 =	simm.s32 $0xB000  }
0x1e7: {  	[tilespmem:s26], [sflag:$0x2] =	stream.indirect_vreg.gather [hbm4b:s4+s2], $0x80, v3, vm0, $0xb8;
	[tilespmem:$0x10800] =	vst v63  }
0x1e8: {  	s28 =	simm.s32 $0xB800  }
0x1e9: {  	[tilespmem:s28], [sflag:$0x2] =	stream.indirect_vreg.gather [hbm4b:s5+s2], $0x80, v3, vm0, $0xb8;
	[tilespmem:$0x10800] =	vst v63  }
0x1ea: {  	s21 =	simm.s32 $0xC000  }
0x1eb: {  	[tilespmem:s21], [sflag:$0x2] =	stream.indirect_vreg.gather [hbm4b:s6+s2], $0x80, v3, vm0, $0xb8;
	[tilespmem:$0x10800] =	vst v63  }
0x1ec: {  	v3 =	vld [tilespmem:$0x490];
	_ =	sdelay $0x4  }
0x1ed: {  	v51 =	vshll.u32 v3, $0x3  }
0x1ee: {  	v3 =	vand.u32 $0x7, v3;
	v4 =	vand.u32 $0xFFFFFFC0, v51  }
0x1ef: {  	v3 =	vor.u32 v3, v4  }
0x1f0: {  	v4 =	vperm.xlane v3, v0;
	_ =	sdelay $0x1  }
0x1f1: {  	v4 =	vadd.s32 v1, v4;
	_ =	sdelay $0x3  }
0x1f2: {  	s21 =	simm.s32 $0xC800  }
0x1f3: {  	[tilespmem:s21], [sflag:$0x2] =	stream.indirect_vreg.gather [hbm4b:s3+s2], $0x80, v4, vm0, $0xb8;
	[tilespmem:$0x10800] =	vst v63  }
0x1f4: {  	v3 =	vperm.xlane v3, v2;
	s21 =	simm.s32 $0xD000  }
0x1f5: {  	[tilespmem:s21], [sflag:$0x2] =	stream.indirect_vreg.gather [hbm4b:s4+s2], $0x80, v4, vm0, $0xb8;
	[tilespmem:$0x10800] =	vst v63  }
0x1f6: {  	s12 =	simm.s32 $0xD800;
	v3 =	vadd.s32 v1, v3  }
0x1f7: {  	[tilespmem:s12], [sflag:$0x2] =	stream.indirect_vreg.gather [hbm4b:s5+s2], $0x80, v4, vm0, $0xb8;
	[tilespmem:$0x10800] =	vst v63  }
0x1f8: {  	s13 =	simm.s32 $0xE000  }
0x1f9: {  	[tilespmem:s13], [sflag:$0x2] =	stream.indirect_vreg.gather [hbm4b:s6+s2], $0x80, v4, vm0, $0xb8;
	[tilespmem:$0x10800] =	vst v63  }
0x1fa: {  	s14 =	simm.s32 $0xE800  }
0x1fb: {  	[tilespmem:s14], [sflag:$0x2] =	stream.indirect_vreg.gather [hbm4b:s3+s2], $0x80, v3, vm0, $0xb8;
	[tilespmem:$0x10800] =	vst v63  }
0x1fc: {  	s30 =	simm.s32 $0xF000  }
0x1fd: {  	[tilespmem:s30], [sflag:$0x2] =	stream.indirect_vreg.gather [hbm4b:s4+s2], $0x80, v3, vm0, $0xb8;
	[tilespmem:$0x10800] =	vst v63  }
0x1fe: {  	s31 =	simm.s32 $0xF800  }
0x1ff: {  	[tilespmem:s31], [sflag:$0x2] =	stream.indirect_vreg.gather [hbm4b:s5+s2], $0x80, v3, vm0, $0xb8;
	[tilespmem:$0x10800] =	vst v63  }
0x200: {  	s11 =	simm.s32 $0x10000  }
0x201: {  	[tilespmem:s11], [sflag:$0x2] =	stream.indirect_vreg.gather [hbm4b:s6+s2], $0x80, v3, vm0, $0xb8;
	[tilespmem:$0x10800] =	vst v63  }
0x202: {  	_ =	swait.ge [sflag:s17], $0x8000  }
0x203: {  	[sflag:s17] =	ssyncset.done $0x0  }
0x204: {  	s21 =	rddreg [dreg:$0xc];
	[sflag:s17] =	ssyncadd.s32 $0xFFFF8000  }
0x205: {  	[hbm4b:s21+s2] =	stream.linear.scatter [tilespmem:s9], [sflag:$0x3], $0x8000, $0x38;
	[tilespmem:$0x10800] =	vst v63  }
0x206: {  	_ =	swait.ge [sflag:s18], $0x8000  }
0x207: {  	[sflag:s18] =	ssyncset.done $0x0  }
0x208: {  	[sflag:s18] =	ssyncadd.s32 $0xFFFF8000  }
0x209: {  	v3 =	vld [tilespmem:$0x500];
	_ =	sdelay $0x4  }
0x20a: {  	v52 =	vshll.u32 v3, $0x3  }
0x20b: {  	v3 =	vand.u32 $0x7, v3;
	v4 =	vand.u32 $0xFFFFFFC0, v52  }
0x20c: {  	v3 =	vor.u32 v3, v4  }
0x20d: {  	v4 =	vperm.xlane v3, v0;
	_ =	sdelay $0x1  }
0x20e: {  	v4 =	vadd.s32 v1, v4;
	_ =	sdelay $0x4  }
0x20f: {  	[tilespmem:s9], [sflag:$0x1] =	stream.indirect_vreg.gather [hbm4b:s3+s2], $0x80, v4, vm0, $0xb8;
	[tilespmem:$0x10800] =	vst v63  }
0x210: {  	s21 =	simm.s32 $0x1000;
	v3 =	vperm.xlane v3, v2  }
0x211: {  	[tilespmem:s21], [sflag:$0x1] =	stream.indirect_vreg.gather [hbm4b:s4+s2], $0x80, v4, vm0, $0xb8;
	[tilespmem:$0x10800] =	vst v63  }
0x212: {  	v3 =	vadd.s32 v1, v3;
	s21 =	simm.s32 $0x1800  }
0x213: {  	[tilespmem:s21], [sflag:$0x1] =	stream.indirect_vreg.gather [hbm4b:s5+s2], $0x80, v4, vm0, $0xb8;
	[tilespmem:$0x10800] =	vst v63  }
0x214: {  	s21 =	simm.s32 $0x2000  }
0x215: {  	[tilespmem:s21], [sflag:$0x1] =	stream.indirect_vreg.gather [hbm4b:s6+s2], $0x80, v4, vm0, $0xb8;
	[tilespmem:$0x10800] =	vst v63  }
0x216: {  	s21 =	simm.s32 $0x2800  }
0x217: {  	[tilespmem:s21], [sflag:$0x1] =	stream.indirect_vreg.gather [hbm4b:s3+s2], $0x80, v3, vm0, $0xb8;
	[tilespmem:$0x10800] =	vst v63  }
0x218: {  	s21 =	simm.s32 $0x3000  }
0x219: {  	[tilespmem:s21], [sflag:$0x1] =	stream.indirect_vreg.gather [hbm4b:s4+s2], $0x80, v3, vm0, $0xb8;
	[tilespmem:$0x10800] =	vst v63  }
0x21a: {  	s21 =	simm.s32 $0x3800  }
0x21b: {  	[tilespmem:s21], [sflag:$0x1] =	stream.indirect_vreg.gather [hbm4b:s5+s2], $0x80, v3, vm0, $0xb8;
	[tilespmem:$0x10800] =	vst v63  }
0x21c: {  	s21 =	simm.s32 $0x4000  }
0x21d: {  	[tilespmem:s21], [sflag:$0x1] =	stream.indirect_vreg.gather [hbm4b:s6+s2], $0x80, v3, vm0, $0xb8;
	[tilespmem:$0x10800] =	vst v63  }
0x21e: {  	v3 =	vld [tilespmem:$0x510];
	_ =	sdelay $0x4  }
0x21f: {  	v53 =	vshll.u32 v3, $0x3  }
0x220: {  	v3 =	vand.u32 $0x7, v3;
	v4 =	vand.u32 $0xFFFFFFC0, v53  }
0x221: {  	v3 =	vor.u32 v3, v4  }
0x222: {  	v4 =	vperm.xlane v3, v0;
	_ =	sdelay $0x1  }
0x223: {  	v4 =	vadd.s32 v1, v4;
	_ =	sdelay $0x3  }
0x224: {  	s23 =	simm.s32 $0x4800  }
0x225: {  	[tilespmem:s23], [sflag:$0x1] =	stream.indirect_vreg.gather [hbm4b:s3+s2], $0x80, v4, vm0, $0xb8;
	[tilespmem:$0x10800] =	vst v63  }
0x226: {  	s21 =	simm.s32 $0x5000;
	v3 =	vperm.xlane v3, v2  }
0x227: {  	[tilespmem:s21], [sflag:$0x1] =	stream.indirect_vreg.gather [hbm4b:s4+s2], $0x80, v4, vm0, $0xb8;
	[tilespmem:$0x10800] =	vst v63  }
0x228: {  	s7 =	simm.s32 $0x5800;
	v3 =	vadd.s32 v1, v3  }
0x229: {  	[tilespmem:s7], [sflag:$0x1] =	stream.indirect_vreg.gather [hbm4b:s5+s2], $0x80, v4, vm0, $0xb8;
	[tilespmem:$0x10800] =	vst v63  }
0x22a: {  	s8 =	simm.s32 $0x6000  }
0x22b: {  	[tilespmem:s8], [sflag:$0x1] =	stream.indirect_vreg.gather [hbm4b:s6+s2], $0x80, v4, vm0, $0xb8;
	[tilespmem:$0x10800] =	vst v63  }
0x22c: {  	s29 =	simm.s32 $0x6800  }
0x22d: {  	[tilespmem:s29], [sflag:$0x1] =	stream.indirect_vreg.gather [hbm4b:s3+s2], $0x80, v3, vm0, $0xb8;
	[tilespmem:$0x10800] =	vst v63  }
0x22e: {  	s15 =	simm.s32 $0x7000  }
0x22f: {  	[tilespmem:s15], [sflag:$0x1] =	stream.indirect_vreg.gather [hbm4b:s4+s2], $0x80, v3, vm0, $0xb8;
	[tilespmem:$0x10800] =	vst v63  }
0x230: {  	s16 =	simm.s32 $0x7800  }
0x231: {  	[tilespmem:s16], [sflag:$0x1] =	stream.indirect_vreg.gather [hbm4b:s5+s2], $0x80, v3, vm0, $0xb8;
	[tilespmem:$0x10800] =	vst v63  }
0x232: {  	s22 =	simm.s32 $0x8000  }
0x233: {  	[tilespmem:s22], [sflag:$0x1] =	stream.indirect_vreg.gather [hbm4b:s6+s2], $0x80, v3, vm0, $0xb8;
	[tilespmem:$0x10800] =	vst v63  }
0x234: {  	_ =	swait.ge [sflag:s19], $0x8000  }
0x235: {  	[sflag:s19] =	ssyncset.done $0x0  }
0x236: {  	s7 =	rddreg [dreg:$0xd];
	[sflag:s19] =	ssyncadd.s32 $0xFFFF8000  }
0x237: {  	[hbm4b:s7+s2] =	stream.linear.scatter [tilespmem:s25], [sflag:$0x4], $0x8000, $0x38;
	[tilespmem:$0x10800] =	vst v63  }
0x238: {  	_ =	swait.ge [sflag:s20], $0x8000  }
0x239: {  	[sflag:s20] =	ssyncset.done $0x0  }
0x23a: {  	[sflag:s20] =	ssyncadd.s32 $0xFFFF8000  }
0x23b: {  	v3 =	vld [tilespmem:$0x580];
	_ =	sdelay $0x4  }
0x23c: {  	v54 =	vshll.u32 v3, $0x3  }
0x23d: {  	v3 =	vand.u32 $0x7, v3;
	v4 =	vand.u32 $0xFFFFFFC0, v54  }
0x23e: {  	v3 =	vor.u32 v3, v4  }
0x23f: {  	v4 =	vperm.xlane v3, v0;
	_ =	sdelay $0x1  }
0x240: {  	v4 =	vadd.s32 v1, v4;
	_ =	sdelay $0x4  }
0x241: {  	[tilespmem:s25], [sflag:$0x2] =	stream.indirect_vreg.gather [hbm4b:s3+s2], $0x80, v4, vm0, $0xb8;
	[tilespmem:$0x10800] =	vst v63  }
0x242: {  	s1 =	simm.s32 $0x9000;
	v3 =	vperm.xlane v3, v2  }
0x243: {  	[tilespmem:s1], [sflag:$0x2] =	stream.indirect_vreg.gather [hbm4b:s4+s2], $0x80, v4, vm0, $0xb8;
	[tilespmem:$0x10800] =	vst v63  }
0x244: {  	s0 =	simm.s32 $0x9800;
	v3 =	vadd.s32 v1, v3  }
0x245: {  	[tilespmem:s0], [sflag:$0x2] =	stream.indirect_vreg.gather [hbm4b:s5+s2], $0x80, v4, vm0, $0xb8;
	[tilespmem:$0x10800] =	vst v63  }
0x246: {  	s21 =	simm.s32 $0xA000  }
0x247: {  	[tilespmem:s21], [sflag:$0x2] =	stream.indirect_vreg.gather [hbm4b:s6+s2], $0x80, v4, vm0, $0xb8;
	[tilespmem:$0x10800] =	vst v63  }
0x248: {  	s10 =	simm.s32 $0xA800  }
0x249: {  	[tilespmem:s10], [sflag:$0x2] =	stream.indirect_vreg.gather [hbm4b:s3+s2], $0x80, v3, vm0, $0xb8;
	[tilespmem:$0x10800] =	vst v63  }
0x24a: {  	s26 =	simm.s32 $0xB000  }
0x24b: {  	[tilespmem:s26], [sflag:$0x2] =	stream.indirect_vreg.gather [hbm4b:s4+s2], $0x80, v3, vm0, $0xb8;
	[tilespmem:$0x10800] =	vst v63  }
0x24c: {  	s28 =	simm.s32 $0xB800  }
0x24d: {  	[tilespmem:s28], [sflag:$0x2] =	stream.indirect_vreg.gather [hbm4b:s5+s2], $0x80, v3, vm0, $0xb8;
	[tilespmem:$0x10800] =	vst v63  }
0x24e: {  	s21 =	simm.s32 $0xC000  }
0x24f: {  	[tilespmem:s21], [sflag:$0x2] =	stream.indirect_vreg.gather [hbm4b:s6+s2], $0x80, v3, vm0, $0xb8;
	[tilespmem:$0x10800] =	vst v63  }
0x250: {  	v3 =	vld [tilespmem:$0x590];
	_ =	sdelay $0x4  }
0x251: {  	v55 =	vshll.u32 v3, $0x3  }
0x252: {  	v3 =	vand.u32 $0x7, v3;
	v4 =	vand.u32 $0xFFFFFFC0, v55  }
0x253: {  	v3 =	vor.u32 v3, v4  }
0x254: {  	v4 =	vperm.xlane v3, v0;
	_ =	sdelay $0x1  }
0x255: {  	v4 =	vadd.s32 v1, v4;
	_ =	sdelay $0x3  }
0x256: {  	s10 =	simm.s32 $0xC800  }
0x257: {  	[tilespmem:s10], [sflag:$0x2] =	stream.indirect_vreg.gather [hbm4b:s3+s2], $0x80, v4, vm0, $0xb8;
	[tilespmem:$0x10800] =	vst v63  }
0x258: {  	s21 =	simm.s32 $0xD000;
	v3 =	vperm.xlane v3, v2  }
0x259: {  	[tilespmem:s21], [sflag:$0x2] =	stream.indirect_vreg.gather [hbm4b:s4+s2], $0x80, v4, vm0, $0xb8;
	[tilespmem:$0x10800] =	vst v63  }
0x25a: {  	s12 =	simm.s32 $0xD800;
	v3 =	vadd.s32 v1, v3  }
0x25b: {  	[tilespmem:s12], [sflag:$0x2] =	stream.indirect_vreg.gather [hbm4b:s5+s2], $0x80, v4, vm0, $0xb8;
	[tilespmem:$0x10800] =	vst v63  }
0x25c: {  	s13 =	simm.s32 $0xE000  }
0x25d: {  	[tilespmem:s13], [sflag:$0x2] =	stream.indirect_vreg.gather [hbm4b:s6+s2], $0x80, v4, vm0, $0xb8;
	[tilespmem:$0x10800] =	vst v63  }
0x25e: {  	s14 =	simm.s32 $0xE800  }
0x25f: {  	[tilespmem:s14], [sflag:$0x2] =	stream.indirect_vreg.gather [hbm4b:s3+s2], $0x80, v3, vm0, $0xb8;
	[tilespmem:$0x10800] =	vst v63  }
0x260: {  	s30 =	simm.s32 $0xF000  }
0x261: {  	[tilespmem:s30], [sflag:$0x2] =	stream.indirect_vreg.gather [hbm4b:s4+s2], $0x80, v3, vm0, $0xb8;
	[tilespmem:$0x10800] =	vst v63  }
0x262: {  	s31 =	simm.s32 $0xF800  }
0x263: {  	[tilespmem:s31], [sflag:$0x2] =	stream.indirect_vreg.gather [hbm4b:s5+s2], $0x80, v3, vm0, $0xb8;
	[tilespmem:$0x10800] =	vst v63  }
0x264: {  	s11 =	simm.s32 $0x10000  }
0x265: {  	[tilespmem:s11], [sflag:$0x2] =	stream.indirect_vreg.gather [hbm4b:s6+s2], $0x80, v3, vm0, $0xb8;
	[tilespmem:$0x10800] =	vst v63  }
0x266: {  	_ =	swait.ge [sflag:s17], $0x8000  }
0x267: {  	[sflag:s17] =	ssyncset.done $0x0  }
0x268: {  	s7 =	rddreg [dreg:$0xe];
	[sflag:s17] =	ssyncadd.s32 $0xFFFF8000  }
0x269: {  	[hbm4b:s7+s2] =	stream.linear.scatter [tilespmem:s9], [sflag:$0x3], $0x8000, $0x38;
	[tilespmem:$0x10800] =	vst v63  }
0x26a: {  	_ =	swait.ge [sflag:s18], $0x8000  }
0x26b: {  	[sflag:s18] =	ssyncset.done $0x0  }
0x26c: {  	[sflag:s18] =	ssyncadd.s32 $0xFFFF8000  }
0x26d: {  	v3 =	vld [tilespmem:$0x600];
	_ =	sdelay $0x4  }
0x26e: {  	v56 =	vshll.u32 v3, $0x3  }
0x26f: {  	v3 =	vand.u32 $0x7, v3;
	v4 =	vand.u32 $0xFFFFFFC0, v56  }
0x270: {  	v3 =	vor.u32 v3, v4  }
0x271: {  	v4 =	vperm.xlane v3, v0;
	_ =	sdelay $0x1  }
0x272: {  	v4 =	vadd.s32 v1, v4;
	_ =	sdelay $0x4  }
0x273: {  	[tilespmem:s9], [sflag:$0x1] =	stream.indirect_vreg.gather [hbm4b:s3+s2], $0x80, v4, vm0, $0xb8;
	[tilespmem:$0x10800] =	vst v63  }
0x274: {  	s10 =	simm.s32 $0x1000;
	v3 =	vperm.xlane v3, v2  }
0x275: {  	[tilespmem:s10], [sflag:$0x1] =	stream.indirect_vreg.gather [hbm4b:s4+s2], $0x80, v4, vm0, $0xb8;
	[tilespmem:$0x10800] =	vst v63  }
0x276: {  	s11 =	simm.s32 $0x1800;
	v3 =	vadd.s32 v1, v3  }
0x277: {  	[tilespmem:s11], [sflag:$0x1] =	stream.indirect_vreg.gather [hbm4b:s5+s2], $0x80, v4, vm0, $0xb8;
	[tilespmem:$0x10800] =	vst v63  }
0x278: {  	s21 =	simm.s32 $0x2000  }
0x279: {  	[tilespmem:s21], [sflag:$0x1] =	stream.indirect_vreg.gather [hbm4b:s6+s2], $0x80, v4, vm0, $0xb8;
	[tilespmem:$0x10800] =	vst v63  }
0x27a: {  	s31 =	simm.s32 $0x2800  }
0x27b: {  	[tilespmem:s31], [sflag:$0x1] =	stream.indirect_vreg.gather [hbm4b:s3+s2], $0x80, v3, vm0, $0xb8;
	[tilespmem:$0x10800] =	vst v63  }
0x27c: {  	s10 =	simm.s32 $0x3000  }
0x27d: {  	[tilespmem:s10], [sflag:$0x1] =	stream.indirect_vreg.gather [hbm4b:s4+s2], $0x80, v3, vm0, $0xb8;
	[tilespmem:$0x10800] =	vst v63  }
0x27e: {  	s11 =	simm.s32 $0x3800  }
0x27f: {  	[tilespmem:s11], [sflag:$0x1] =	stream.indirect_vreg.gather [hbm4b:s5+s2], $0x80, v3, vm0, $0xb8;
	[tilespmem:$0x10800] =	vst v63  }
0x280: {  	s21 =	simm.s32 $0x4000  }
0x281: {  	[tilespmem:s21], [sflag:$0x1] =	stream.indirect_vreg.gather [hbm4b:s6+s2], $0x80, v3, vm0, $0xb8;
	[tilespmem:$0x10800] =	vst v63  }
0x282: {  	v3 =	vld [tilespmem:$0x610];
	_ =	sdelay $0x4  }
0x283: {  	v57 =	vshll.u32 v3, $0x3  }
0x284: {  	v3 =	vand.u32 $0x7, v3;
	v4 =	vand.u32 $0xFFFFFFC0, v57  }
0x285: {  	v3 =	vor.u32 v3, v4  }
0x286: {  	v4 =	vperm.xlane v3, v0;
	_ =	sdelay $0x1  }
0x287: {  	v4 =	vadd.s32 v1, v4;
	_ =	sdelay $0x3  }
0x288: {  	s23 =	simm.s32 $0x4800  }
0x289: {  	[tilespmem:s23], [sflag:$0x1] =	stream.indirect_vreg.gather [hbm4b:s3+s2], $0x80, v4, vm0, $0xb8;
	[tilespmem:$0x10800] =	vst v63  }
0x28a: {  	s31 =	simm.s32 $0x5000;
	v3 =	vperm.xlane v3, v2  }
0x28b: {  	[tilespmem:s31], [sflag:$0x1] =	stream.indirect_vreg.gather [hbm4b:s4+s2], $0x80, v4, vm0, $0xb8;
	[tilespmem:$0x10800] =	vst v63  }
0x28c: {  	s10 =	simm.s32 $0x5800;
	v3 =	vadd.s32 v1, v3  }
0x28d: {  	[tilespmem:s10], [sflag:$0x1] =	stream.indirect_vreg.gather [hbm4b:s5+s2], $0x80, v4, vm0, $0xb8;
	[tilespmem:$0x10800] =	vst v63  }
0x28e: {  	s8 =	simm.s32 $0x6000  }
0x28f: {  	[tilespmem:s8], [sflag:$0x1] =	stream.indirect_vreg.gather [hbm4b:s6+s2], $0x80, v4, vm0, $0xb8;
	[tilespmem:$0x10800] =	vst v63  }
0x290: {  	s29 =	simm.s32 $0x6800  }
0x291: {  	[tilespmem:s29], [sflag:$0x1] =	stream.indirect_vreg.gather [hbm4b:s3+s2], $0x80, v3, vm0, $0xb8;
	[tilespmem:$0x10800] =	vst v63  }
0x292: {  	s15 =	simm.s32 $0x7000  }
0x293: {  	[tilespmem:s15], [sflag:$0x1] =	stream.indirect_vreg.gather [hbm4b:s4+s2], $0x80, v3, vm0, $0xb8;
	[tilespmem:$0x10800] =	vst v63  }
0x294: {  	s16 =	simm.s32 $0x7800  }
0x295: {  	[tilespmem:s16], [sflag:$0x1] =	stream.indirect_vreg.gather [hbm4b:s5+s2], $0x80, v3, vm0, $0xb8;
	[tilespmem:$0x10800] =	vst v63  }
0x296: {  	s22 =	simm.s32 $0x8000  }
0x297: {  	[tilespmem:s22], [sflag:$0x1] =	stream.indirect_vreg.gather [hbm4b:s6+s2], $0x80, v3, vm0, $0xb8;
	[tilespmem:$0x10800] =	vst v63  }
0x298: {  	_ =	swait.ge [sflag:s19], $0x8000  }
0x299: {  	[sflag:s19] =	ssyncset.done $0x0  }
0x29a: {  	s11 =	rddreg [dreg:$0xf];
	[sflag:s19] =	ssyncadd.s32 $0xFFFF8000  }
0x29b: {  	[hbm4b:s11+s2] =	stream.linear.scatter [tilespmem:s25], [sflag:$0x4], $0x8000, $0x38;
	[tilespmem:$0x10800] =	vst v63  }
0x29c: {  	_ =	swait.ge [sflag:s20], $0x8000  }
0x29d: {  	[sflag:s20] =	ssyncset.done $0x0  }
0x29e: {  	[sflag:s20] =	ssyncadd.s32 $0xFFFF8000  }
0x29f: {  	v3 =	vld [tilespmem:$0x680];
	_ =	sdelay $0x4  }
0x2a0: {  	v58 =	vshll.u32 v3, $0x3  }
0x2a1: {  	v3 =	vand.u32 $0x7, v3;
	v4 =	vand.u32 $0xFFFFFFC0, v58  }
0x2a2: {  	v3 =	vor.u32 v3, v4  }
0x2a3: {  	v4 =	vperm.xlane v3, v0;
	_ =	sdelay $0x1  }
0x2a4: {  	v4 =	vadd.s32 v1, v4;
	_ =	sdelay $0x4  }
0x2a5: {  	[tilespmem:s25], [sflag:$0x2] =	stream.indirect_vreg.gather [hbm4b:s3+s2], $0x80, v4, vm0, $0xb8;
	[tilespmem:$0x10800] =	vst v63  }
0x2a6: {  	s1 =	simm.s32 $0x9000;
	v3 =	vperm.xlane v3, v2  }
0x2a7: {  	[tilespmem:s1], [sflag:$0x2] =	stream.indirect_vreg.gather [hbm4b:s4+s2], $0x80, v4, vm0, $0xb8;
	[tilespmem:$0x10800] =	vst v63  }
0x2a8: {  	s0 =	simm.s32 $0x9800;
	v3 =	vadd.s32 v1, v3  }
0x2a9: {  	[tilespmem:s0], [sflag:$0x2] =	stream.indirect_vreg.gather [hbm4b:s5+s2], $0x80, v4, vm0, $0xb8;
	[tilespmem:$0x10800] =	vst v63  }
0x2aa: {  	s21 =	simm.s32 $0xA000  }
0x2ab: {  	[tilespmem:s21], [sflag:$0x2] =	stream.indirect_vreg.gather [hbm4b:s6+s2], $0x80, v4, vm0, $0xb8;
	[tilespmem:$0x10800] =	vst v63  }
0x2ac: {  	s22 =	simm.s32 $0xA800  }
0x2ad: {  	[tilespmem:s22], [sflag:$0x2] =	stream.indirect_vreg.gather [hbm4b:s3+s2], $0x80, v3, vm0, $0xb8;
	[tilespmem:$0x10800] =	vst v63  }
0x2ae: {  	s26 =	simm.s32 $0xB000  }
0x2af: {  	[tilespmem:s26], [sflag:$0x2] =	stream.indirect_vreg.gather [hbm4b:s4+s2], $0x80, v3, vm0, $0xb8;
	[tilespmem:$0x10800] =	vst v63  }
0x2b0: {  	s28 =	simm.s32 $0xB800  }
0x2b1: {  	[tilespmem:s28], [sflag:$0x2] =	stream.indirect_vreg.gather [hbm4b:s5+s2], $0x80, v3, vm0, $0xb8;
	[tilespmem:$0x10800] =	vst v63  }
0x2b2: {  	s26 =	simm.s32 $0xC000  }
0x2b3: {  	[tilespmem:s26], [sflag:$0x2] =	stream.indirect_vreg.gather [hbm4b:s6+s2], $0x80, v3, vm0, $0xb8;
	[tilespmem:$0x10800] =	vst v63  }
0x2b4: {  	v3 =	vld [tilespmem:$0x690];
	_ =	sdelay $0x4  }
0x2b5: {  	v59 =	vshll.u32 v3, $0x3  }
0x2b6: {  	v3 =	vand.u32 $0x7, v3;
	v4 =	vand.u32 $0xFFFFFFC0, v59  }
0x2b7: {  	v3 =	vor.u32 v3, v4  }
0x2b8: {  	v4 =	vperm.xlane v3, v0;
	_ =	sdelay $0x1  }
0x2b9: {  	v4 =	vadd.s32 v1, v4;
	_ =	sdelay $0x3  }
0x2ba: {  	s28 =	simm.s32 $0xC800  }
0x2bb: {  	[tilespmem:s28], [sflag:$0x2] =	stream.indirect_vreg.gather [hbm4b:s3+s2], $0x80, v4, vm0, $0xb8;
	[tilespmem:$0x10800] =	vst v63  }
0x2bc: {  	s26 =	simm.s32 $0xD000;
	v3 =	vperm.xlane v3, v2  }
0x2bd: {  	[tilespmem:s26], [sflag:$0x2] =	stream.indirect_vreg.gather [hbm4b:s4+s2], $0x80, v4, vm0, $0xb8;
	[tilespmem:$0x10800] =	vst v63  }
0x2be: {  	s12 =	simm.s32 $0xD800;
	v3 =	vadd.s32 v1, v3  }
0x2bf: {  	[tilespmem:s12], [sflag:$0x2] =	stream.indirect_vreg.gather [hbm4b:s5+s2], $0x80, v4, vm0, $0xb8;
	[tilespmem:$0x10800] =	vst v63  }
0x2c0: {  	s13 =	simm.s32 $0xE000  }
0x2c1: {  	[tilespmem:s13], [sflag:$0x2] =	stream.indirect_vreg.gather [hbm4b:s6+s2], $0x80, v4, vm0, $0xb8;
	[tilespmem:$0x10800] =	vst v63  }
0x2c2: {  	s14 =	simm.s32 $0xE800  }
0x2c3: {  	[tilespmem:s14], [sflag:$0x2] =	stream.indirect_vreg.gather [hbm4b:s3+s2], $0x80, v3, vm0, $0xb8;
	[tilespmem:$0x10800] =	vst v63  }
0x2c4: {  	s30 =	simm.s32 $0xF000  }
0x2c5: {  	[tilespmem:s30], [sflag:$0x2] =	stream.indirect_vreg.gather [hbm4b:s4+s2], $0x80, v3, vm0, $0xb8;
	[tilespmem:$0x10800] =	vst v63  }
0x2c6: {  	s28 =	simm.s32 $0xF800  }
0x2c7: {  	[tilespmem:s28], [sflag:$0x2] =	stream.indirect_vreg.gather [hbm4b:s5+s2], $0x80, v3, vm0, $0xb8;
	[tilespmem:$0x10800] =	vst v63  }
0x2c8: {  	s30 =	simm.s32 $0x10000  }
0x2c9: {  	[tilespmem:s30], [sflag:$0x2] =	stream.indirect_vreg.gather [hbm4b:s6+s2], $0x80, v3, vm0, $0xb8;
	[tilespmem:$0x10800] =	vst v63  }
0x2ca: {  	_ =	swait.ge [sflag:s17], $0x8000  }
0x2cb: {  	[sflag:s17] =	ssyncset.done $0x0  }
0x2cc: {  	s21 =	rddreg [dreg:$0x10];
	[sflag:s17] =	ssyncadd.s32 $0xFFFF8000  }
0x2cd: {  	[hbm4b:s21+s2] =	stream.linear.scatter [tilespmem:s9], [sflag:$0x3], $0x8000, $0x38;
	[tilespmem:$0x10800] =	vst v63  }
0x2ce: {  	_ =	swait.ge [sflag:s18], $0x8000  }
0x2cf: {  	[sflag:s18] =	ssyncset.done $0x0  }
0x2d0: {  	[sflag:s18] =	ssyncadd.s32 $0xFFFF8000  }
0x2d1: {  	v3 =	vld [tilespmem:$0x700];
	_ =	sdelay $0x4  }
0x2d2: {  	v60 =	vshll.u32 v3, $0x3  }
0x2d3: {  	v3 =	vand.u32 $0x7, v3;
	v4 =	vand.u32 $0xFFFFFFC0, v60  }
0x2d4: {  	v3 =	vor.u32 v3, v4  }
0x2d5: {  	v4 =	vperm.xlane v3, v0;
	_ =	sdelay $0x1  }
0x2d6: {  	v4 =	vadd.s32 v1, v4;
	_ =	sdelay $0x4  }
0x2d7: {  	[tilespmem:s9], [sflag:$0x1] =	stream.indirect_vreg.gather [hbm4b:s3+s2], $0x80, v4, vm0, $0xb8;
	[tilespmem:$0x10800] =	vst v63  }
0x2d8: {  	s21 =	simm.s32 $0x1000;
	v3 =	vperm.xlane v3, v2  }
0x2d9: {  	[tilespmem:s21], [sflag:$0x1] =	stream.indirect_vreg.gather [hbm4b:s4+s2], $0x80, v4, vm0, $0xb8;
	[tilespmem:$0x10800] =	vst v63  }
0x2da: {  	v3 =	vadd.s32 v1, v3;
	s21 =	simm.s32 $0x1800  }
0x2db: {  	[tilespmem:s21], [sflag:$0x1] =	stream.indirect_vreg.gather [hbm4b:s5+s2], $0x80, v4, vm0, $0xb8;
	[tilespmem:$0x10800] =	vst v63  }
0x2dc: {  	s21 =	simm.s32 $0x2000  }
0x2dd: {  	[tilespmem:s21], [sflag:$0x1] =	stream.indirect_vreg.gather [hbm4b:s6+s2], $0x80, v4, vm0, $0xb8;
	[tilespmem:$0x10800] =	vst v63  }
0x2de: {  	s21 =	simm.s32 $0x2800  }
0x2df: {  	[tilespmem:s21], [sflag:$0x1] =	stream.indirect_vreg.gather [hbm4b:s3+s2], $0x80, v3, vm0, $0xb8;
	[tilespmem:$0x10800] =	vst v63  }
0x2e0: {  	s21 =	simm.s32 $0x3000  }
0x2e1: {  	[tilespmem:s21], [sflag:$0x1] =	stream.indirect_vreg.gather [hbm4b:s4+s2], $0x80, v3, vm0, $0xb8;
	[tilespmem:$0x10800] =	vst v63  }
0x2e2: {  	s21 =	simm.s32 $0x3800  }
0x2e3: {  	[tilespmem:s21], [sflag:$0x1] =	stream.indirect_vreg.gather [hbm4b:s5+s2], $0x80, v3, vm0, $0xb8;
	[tilespmem:$0x10800] =	vst v63  }
0x2e4: {  	s21 =	simm.s32 $0x4000  }
0x2e5: {  	[tilespmem:s21], [sflag:$0x1] =	stream.indirect_vreg.gather [hbm4b:s6+s2], $0x80, v3, vm0, $0xb8;
	[tilespmem:$0x10800] =	vst v63  }
0x2e6: {  	v3 =	vld [tilespmem:$0x710];
	_ =	sdelay $0x4  }
0x2e7: {  	v61 =	vshll.u32 v3, $0x3  }
0x2e8: {  	v3 =	vand.u32 $0x7, v3;
	v4 =	vand.u32 $0xFFFFFFC0, v61  }
0x2e9: {  	v3 =	vor.u32 v3, v4  }
0x2ea: {  	v4 =	vperm.xlane v3, v0;
	_ =	sdelay $0x1  }
0x2eb: {  	v4 =	vadd.s32 v1, v4;
	_ =	sdelay $0x3  }
0x2ec: {  	s7 =	simm.s32 $0x4800  }
0x2ed: {  	[tilespmem:s7], [sflag:$0x1] =	stream.indirect_vreg.gather [hbm4b:s3+s2], $0x80, v4, vm0, $0xb8;
	[tilespmem:$0x10800] =	vst v63  }
0x2ee: {  	s21 =	simm.s32 $0x5000;
	v3 =	vperm.xlane v3, v2  }
0x2ef: {  	[tilespmem:s21], [sflag:$0x1] =	stream.indirect_vreg.gather [hbm4b:s4+s2], $0x80, v4, vm0, $0xb8;
	[tilespmem:$0x10800] =	vst v63  }
0x2f0: {  	s23 =	simm.s32 $0x5800;
	v3 =	vadd.s32 v1, v3  }
0x2f1: {  	[tilespmem:s23], [sflag:$0x1] =	stream.indirect_vreg.gather [hbm4b:s5+s2], $0x80, v4, vm0, $0xb8;
	[tilespmem:$0x10800] =	vst v63  }
0x2f2: {  	s8 =	simm.s32 $0x6000  }
0x2f3: {  	[tilespmem:s8], [sflag:$0x1] =	stream.indirect_vreg.gather [hbm4b:s6+s2], $0x80, v4, vm0, $0xb8;
	[tilespmem:$0x10800] =	vst v63  }
0x2f4: {  	s10 =	simm.s32 $0x6800  }
0x2f5: {  	[tilespmem:s10], [sflag:$0x1] =	stream.indirect_vreg.gather [hbm4b:s3+s2], $0x80, v3, vm0, $0xb8;
	[tilespmem:$0x10800] =	vst v63  }
0x2f6: {  	s29 =	simm.s32 $0x7000  }
0x2f7: {  	[tilespmem:s29], [sflag:$0x1] =	stream.indirect_vreg.gather [hbm4b:s4+s2], $0x80, v3, vm0, $0xb8;
	[tilespmem:$0x10800] =	vst v63  }
0x2f8: {  	s15 =	simm.s32 $0x7800  }
0x2f9: {  	[tilespmem:s15], [sflag:$0x1] =	stream.indirect_vreg.gather [hbm4b:s5+s2], $0x80, v3, vm0, $0xb8;
	[tilespmem:$0x10800] =	vst v63  }
0x2fa: {  	s16 =	simm.s32 $0x8000  }
0x2fb: {  	[tilespmem:s16], [sflag:$0x1] =	stream.indirect_vreg.gather [hbm4b:s6+s2], $0x80, v3, vm0, $0xb8;
	[tilespmem:$0x10800] =	vst v63  }
0x2fc: {  	_ =	swait.ge [sflag:s19], $0x8000  }
0x2fd: {  	[sflag:s19] =	ssyncset.done $0x0  }
0x2fe: {  	s16 =	rddreg [dreg:$0x11];
	[sflag:s19] =	ssyncadd.s32 $0xFFFF8000  }
0x2ff: {  	[hbm4b:s16+s2] =	stream.linear.scatter [tilespmem:s25], [sflag:$0x4], $0x8000, $0x38;
	[tilespmem:$0x10800] =	vst v63  }
0x300: {  	_ =	swait.ge [sflag:s20], $0x8000  }
0x301: {  	[sflag:s20] =	ssyncset.done $0x0  }
0x302: {  	[sflag:s20] =	ssyncadd.s32 $0xFFFF8000  }
0x303: {  	v3 =	vld [tilespmem:$0x780];
	_ =	sdelay $0x4  }
0x304: {  	v62 =	vshll.u32 v3, $0x3  }
0x305: {  	v3 =	vand.u32 $0x7, v3;
	v4 =	vand.u32 $0xFFFFFFC0, v62  }
0x306: {  	v3 =	vor.u32 v3, v4  }
0x307: {  	v4 =	vperm.xlane v3, v0;
	_ =	sdelay $0x1  }
0x308: {  	v4 =	vadd.s32 v1, v4;
	_ =	sdelay $0x4  }
0x309: {  	[tilespmem:s25], [sflag:$0x2] =	stream.indirect_vreg.gather [hbm4b:s3+s2], $0x80, v4, vm0, $0xb8;
	[tilespmem:$0x10800] =	vst v63  }
0x30a: {  	s31 =	simm.s32 $0x9000;
	v3 =	vperm.xlane v3, v2  }
0x30b: {  	[tilespmem:s31], [sflag:$0x2] =	stream.indirect_vreg.gather [hbm4b:s4+s2], $0x80, v4, vm0, $0xb8;
	[tilespmem:$0x10800] =	vst v63  }
0x30c: {  	s11 =	simm.s32 $0x9800;
	v3 =	vadd.s32 v1, v3  }
0x30d: {  	[tilespmem:s11], [sflag:$0x2] =	stream.indirect_vreg.gather [hbm4b:s5+s2], $0x80, v4, vm0, $0xb8;
	[tilespmem:$0x10800] =	vst v63  }
0x30e: {  	s21 =	simm.s32 $0xA000  }
0x30f: {  	[tilespmem:s21], [sflag:$0x2] =	stream.indirect_vreg.gather [hbm4b:s6+s2], $0x80, v4, vm0, $0xb8;
	[tilespmem:$0x10800] =	vst v63  }
0x310: {  	s0 =	simm.s32 $0xA800  }
0x311: {  	[tilespmem:s0], [sflag:$0x2] =	stream.indirect_vreg.gather [hbm4b:s3+s2], $0x80, v3, vm0, $0xb8;
	[tilespmem:$0x10800] =	vst v63  }
0x312: {  	s1 =	simm.s32 $0xB000  }
0x313: {  	[tilespmem:s1], [sflag:$0x2] =	stream.indirect_vreg.gather [hbm4b:s4+s2], $0x80, v3, vm0, $0xb8;
	[tilespmem:$0x10800] =	vst v63  }
0x314: {  	s22 =	simm.s32 $0xB800  }
0x315: {  	[tilespmem:s22], [sflag:$0x2] =	stream.indirect_vreg.gather [hbm4b:s5+s2], $0x80, v3, vm0, $0xb8;
	[tilespmem:$0x10800] =	vst v63  }
0x316: {  	s22 =	simm.s32 $0xC000  }
0x317: {  	[tilespmem:s22], [sflag:$0x2] =	stream.indirect_vreg.gather [hbm4b:s6+s2], $0x80, v3, vm0, $0xb8;
	[tilespmem:$0x10800] =	vst v63  }
0x318: {  	v3 =	vld [tilespmem:$0x790];
	_ =	sdelay $0x4  }
0x319: {  	v63 =	vshll.u32 v3, $0x3  }
0x31a: {  	v3 =	vand.u32 $0x7, v3;
	v4 =	vand.u32 $0xFFFFFFC0, v63  }
0x31b: {  	v3 =	vor.u32 v3, v4  }
0x31c: {  	v4 =	vperm.xlane v3, v0;
	_ =	sdelay $0x1  }
0x31d: {  	v4 =	vadd.s32 v1, v4;
	_ =	sdelay $0x3  }
0x31e: {  	s23 =	simm.s32 $0xC800  }
0x31f: {  	[tilespmem:s23], [sflag:$0x2] =	stream.indirect_vreg.gather [hbm4b:s3+s2], $0x80, v4, vm0, $0xb8;
	[tilespmem:$0x10800] =	vst v63  }
0x320: {  	s29 =	simm.s32 $0xD000;
	v3 =	vperm.xlane v3, v2  }
0x321: {  	[tilespmem:s29], [sflag:$0x2] =	stream.indirect_vreg.gather [hbm4b:s4+s2], $0x80, v4, vm0, $0xb8;
	[tilespmem:$0x10800] =	vst v63  }
0x322: {  	s26 =	simm.s32 $0xD800;
	v3 =	vadd.s32 v1, v3  }
0x323: {  	[tilespmem:s26], [sflag:$0x2] =	stream.indirect_vreg.gather [hbm4b:s5+s2], $0x80, v4, vm0, $0xb8;
	[tilespmem:$0x10800] =	vst v63  }
0x324: {  	s12 =	simm.s32 $0xE000  }
0x325: {  	[tilespmem:s12], [sflag:$0x2] =	stream.indirect_vreg.gather [hbm4b:s6+s2], $0x80, v4, vm0, $0xb8;
	[tilespmem:$0x10800] =	vst v63  }
0x326: {  	s13 =	simm.s32 $0xE800  }
0x327: {  	[tilespmem:s13], [sflag:$0x2] =	stream.indirect_vreg.gather [hbm4b:s3+s2], $0x80, v3, vm0, $0xb8;
	[tilespmem:$0x10800] =	vst v63  }
0x328: {  	s14 =	simm.s32 $0xF000  }
0x329: {  	[tilespmem:s14], [sflag:$0x2] =	stream.indirect_vreg.gather [hbm4b:s4+s2], $0x80, v3, vm0, $0xb8;
	[tilespmem:$0x10800] =	vst v63  }
0x32a: {  	s28 =	simm.s32 $0xF800  }
0x32b: {  	[tilespmem:s28], [sflag:$0x2] =	stream.indirect_vreg.gather [hbm4b:s5+s2], $0x80, v3, vm0, $0xb8;
	[tilespmem:$0x10800] =	vst v63  }
0x32c: {  	s30 =	simm.s32 $0x10000  }
0x32d: {  	[tilespmem:s30], [sflag:$0x2] =	stream.indirect_vreg.gather [hbm4b:s6+s2], $0x80, v3, vm0, $0xb8;
	[tilespmem:$0x10800] =	vst v63  }
0x32e: {  	_ =	swait.ge [sflag:s17], $0x8000  }
0x32f: {  	[sflag:s17] =	ssyncset.done $0x0  }
0x330: {  	s30 =	rddreg [dreg:$0x12];
	[sflag:s17] =	ssyncadd.s32 $0xFFFF8000  }
0x331: {  	[hbm4b:s30+s2] =	stream.linear.scatter [tilespmem:s9], [sflag:$0x3], $0x8000, $0x38;
	[tilespmem:$0x10800] =	vst v63  }
0x332: {  	_ =	swait.ge [sflag:s19], $0x8000  }
0x333: {  	[sflag:s19] =	ssyncset.done $0x0  }
0x334: {  	s31 =	rddreg [dreg:$0x13];
	[sflag:s19] =	ssyncadd.s32 $0xFFFF8000  }
0x335: {  	[hbm4b:s31+s2] =	stream.linear.scatter [tilespmem:s25], [sflag:$0x4], $0x8000, $0x38;
	[tilespmem:$0x10800] =	vst v63  }
0x336: {  	p0 =	sne.s32 s24, $0x1;
	_ =	swait.ge [sflag:s18], $0x8000  }
.Ltmp0:
0x337: {  	[sflag:s18] =	ssyncset.done $0x0;
	(pc) =	sbr.rel @p0 .LBB2_1-.Ltmp0, $4  }
0x338: {  	[sflag:s18] =	ssyncadd.s32 $0xFFFF8000  }
0x339: {  	_ =	swait.ge [sflag:s20], $0x8000  }
0x33a: {  	[sflag:s20] =	ssyncset.done $0x0  }
0x33b: {  	s24 =	sadd.s32 $0xFFFFFFFF, s24;
	[sflag:s20] =	ssyncadd.s32 $0xFFFF8000  }
0x33c: {  	_ =	sfence.sel $0x180000  }
0x33d: {  	[bflag:$0x0] =	sbarrier.arrive $0xFFFF  }
0x33e: {  	_ =	strace $0x90000050  }
0x33f: {  	s0 =	stileid.u32;
	[bflag:$0x2] =	sbarrier.arrive $0xFFFF  }
0x340: {  	p0 =	sne.s32 s0, $0x0;
	s0 =	rddreg [dreg:$0x2]  }
0x341: {  	s0 =	sadd.s32 @!p0 $0x100000, s0  }
0x342: {  	[sflag:s0] =	ssyncadd.tile.s32 @!p0 $0x1;
	_ =	shalt  }
.Lfunc_end2:
_tile_overlayer_lowered:
.L_overlay_start_2:
0x343: {  	(tag) =	ssettag $0x2  }
0x344: {  	s0 =	rddreg [dreg:$0x0];
	s2 =	stileid.u32  }
0x345: {  	s1 =	rddreg [dreg:$0x1];
	p0 =	sne.s32 s2, $0x0  }
0x346: {  	s3 =	rddreg [dreg:$0x2];
	[bflag:$0x3] =	sbarrier.arrive $0xFFFF;
	s2 =	simm.s32 @!p0 $0x1C05  }
0x347: {  	[timem:s3], [sflag:s2] =	dma.local @!p0 [hbm:s0], s1  }
0x348: {  	s0 =	simm.s32 @!p0 $0x5  }
0x349: {  	_ =	swait.ge @!p0 [sflag:s0], s1  }
0x34a: {  	s1 =	ssub.s32 @!p0 $0x0, s1;
	[sflag:s0] =	ssyncset.done @!p0 $0x0  }
0x34b: {  	[sflag:s0] =	ssyncadd.s32 @!p0 s1  }
0x34c: {  	[bflag:$0x3] =	sbarrier.arrive $0xFFFF  }
0x34d: {  	_ =	shalt  }

// kernel: sc_dispatch_gather.3.cloned.1.call-start
scs
__scs_entry_jumppad:
0x0: {  	(pc) =	sbr.rel $0x88, $3  }
0x1: {  	(tag) =	ssettag $0x0;
	lr =	simm.s32 $0x1  }
0x2: {  	[smem:$0x3F98] =	sst lr;
	_ =	strace $0xD0000000  }
0x3: {  	_ = 	snop  }
0x4: {  	_ = 	snop  }
0x5: {  	_ = 	snop  }
0x6: {  	_ = 	snop  }
0x7: {  	_ = 	snop  }
__scs_overlays_trampoline_lowered:
0x8: {  	[smem:$0x3FA7] =	sst s0  }
0x9: {  	[smem:$0x3FA8] =	sst s1  }
0xa: {  	[smem:$0x3FA9] =	sst s2  }
0xb: {  	[smem:$0x3FAA] =	sst s3  }
0xc: {  	[smem:$0x3FAB] =	sst s4  }
0xd: {  	[smem:$0x3FAC] =	sst s5  }
0xe: {  	[smem:$0x3FAD] =	sst s6  }
0xf: {  	[smem:$0x3FAE] =	sst s7  }
0x10: {  	[smem:$0x3FAF] =	sst s8  }
0x11: {  	[smem:$0x3FB0] =	sst s9;
	s0 =	simm.s32 @!p0 $0x0  }
0x12: {  	s1 =	sld [smem:$0x3F96];
	s0 =	simm.s32 @p0 $0x1  }
0x13: {  	[smem:$0x3FB1] =	sst s0;
	s0 =	simm.s32 @!p1 $0x0  }
0x14: {  	s2 =	sld [smem:$0x3F95];
	s0 =	simm.s32 @p1 $0x1  }
0x15: {  	[smem:$0x3FB2] =	sst s0;
	s0 =	simm.s32 @!p2 $0x0  }
0x16: {  	s3 =	sld [smem:$0x3FDB];
	s0 =	simm.s32 @p2 $0x1  }
0x17: {  	s4 =	simm.s32 $0x1BF5;
	[smem:$0x3FB4] =	sst s0  }
0x18: {  	s0 =	sld [smem:$0x3F97];
	_ =	swait.ge [sflag:s4], $0x0  }
0x19: {  	s7 =	sld [smem:$0x3F98]  }
0x1a: {  	s8 =	sadd.s32 $0xFFFFE003, lr  }
0x1b: {  	s9 =	sadd.s32 $0xFFFFFEF7, lr;
	s5 =	simm.s32 $0xFFFFFFFF;
	p2 =	slt.u32 s8, $0xFFFFF086  }
0x1c: {  	p1 =	slt.u32 s9, $0xF7A;
	s5 =	simm.s32 @!p2 $0x0  }
0x1d: {  	s5 =	simm.s32 @p1 $0x1;
	p0 =	seq.s32 s7, s2  }
0x1e: {  	s7 =	smul.u32 @!p0 $0xF7A, s2;
	p2 =	seq.s32 @!p0 s5, $0x0  }
0x1f: {  	s9 =	smul.u32 $0xF7A, s1;
	s8 =	simm.s32 @!p0 $0x1BF5;
	p2 =	por !p2, p0  }
0x20: {  	[sflag:s8] =	ssyncset.s32 @!p0 $0xFFFFF086;
	s6 =	sadd.s32 @!p0 s3, s7;
	s7 =	simm.s32 @!p0 $0x108  }
0x21: {  	s3 =	sadd.s32 s3, s9;
	s6 =	sadd.s32 @!p0 $0x88, s6;
	s7 =	simm.s32 @p2 $0x1082  }
0x22: {  	[simem:s7], [sflag:s8] =	dma.local @!p0 [hbm:s6], $0xF7A  }
0x23: {  	s9 =	sor.u32 $0xD0000000, s2;
	s6 =	simm.s32 $0x108;
	_ =	swait.ge @!p0 [sflag:s8], $0x0  }
0x24: {  	s3 =	sadd.s32 $0x88, s3;
	s6 =	simm.s32 @!p1 $0x1082;
	[sflag:s4] =	ssyncset.s32 $0xFFFFF086  }
0x25: {  	[simem:s6], [sflag:s4] =	dma.local [hbm:s3], $0xF7A  }
0x26: {  	[smem:$0x3F98] =	sst s1;
	(tag) =	ssettag s2;
	_ =	strace s9  }
0x27: {  	s1 =	sld [smem:$0x3FA8]  }
0x28: {  	s2 =	sld [smem:$0x3FA9]  }
0x29: {  	s4 =	sld [smem:$0x3FAB]  }
0x2a: {  	p0 =	seq.s32 s5, $0x0;
	s5 =	sld [smem:$0x3FAC]  }
0x2b: {  	s6 =	sld [smem:$0x3FAD]  }
0x2c: {  	s7 =	sld [smem:$0x3FAE]  }
0x2d: {  	s3 =	simm.s32 $0x108;
	s8 =	sld [smem:$0x3FAF]  }
0x2e: {  	s3 =	simm.s32 @!p0 $0x1082;
	s9 =	sld [smem:$0x3FB0]  }
0x2f: {  	lr =	sadd.s32 s0, s3;
	s0 =	sld [smem:$0x3FA7]  }
0x30: {  	s3 =	sld [smem:$0x3FAA]  }
0x31: {  	[smem:$0x3FB3] =	sst s10  }
0x32: {  	s10 =	sld [smem:$0x3FB1];
	_ =	sdelay $0x3  }
0x33: {  	p0 =	seq.s32 s10, $0x1;
	s10 =	sld [smem:$0x3FB3];
	_ =	sdelay $0x3  }
0x34: {  	[smem:$0x3FB3] =	sst s10  }
0x35: {  	s10 =	sld [smem:$0x3FB2];
	_ =	sdelay $0x3  }
0x36: {  	p1 =	seq.s32 s10, $0x1;
	s10 =	sld [smem:$0x3FB3];
	_ =	sdelay $0x3  }
0x37: {  	[smem:$0x3FB3] =	sst s10  }
0x38: {  	s10 =	sld [smem:$0x3FB4]  }
0x39: {  	_ = 	snop;
	(pc) =	sbr.ind lr, $3  }
0x3a: {  	_ = 	snop  }
0x3b: {  	_ = 	snop  }
0x3c: {  	p2 =	seq.s32 s10, $0x1;
	s10 =	sld [smem:$0x3FB3]  }
0x3d: {  	_ =	shalt  }
0x3e: {  	_ =	shalt  }
0x3f: {  	_ =	shalt  }
0x40: {  	_ =	shalt  }
0x41: {  	_ =	shalt  }
0x42: {  	_ =	shalt  }
0x43: {  	_ =	shalt  }
0x44: {  	_ =	shalt  }
0x45: {  	_ =	shalt  }
0x46: {  	_ =	shalt  }
0x47: {  	_ =	shalt  }
0x48: {  	_ =	shalt  }
0x49: {  	_ =	shalt  }
0x4a: {  	_ =	shalt  }
0x4b: {  	_ =	shalt  }
0x4c: {  	_ =	shalt  }
0x4d: {  	_ =	shalt  }
0x4e: {  	_ =	shalt  }
0x4f: {  	_ =	shalt  }
0x50: {  	_ =	shalt  }
0x51: {  	_ =	shalt  }
0x52: {  	_ =	shalt  }
0x53: {  	_ =	shalt  }
0x54: {  	_ =	shalt  }
0x55: {  	_ =	shalt  }
0x56: {  	_ =	shalt  }
0x57: {  	_ =	shalt  }
0x58: {  	_ =	shalt  }
0x59: {  	_ =	shalt  }
0x5a: {  	_ =	shalt  }
0x5b: {  	_ =	shalt  }
0x5c: {  	_ =	shalt  }
0x5d: {  	_ =	shalt  }
0x5e: {  	_ =	shalt  }
0x5f: {  	_ =	shalt  }
0x60: {  	_ =	shalt  }
0x61: {  	_ =	shalt  }
0x62: {  	_ =	shalt  }
0x63: {  	_ =	shalt  }
0x64: {  	_ =	shalt  }
0x65: {  	_ =	shalt  }
0x66: {  	_ =	shalt  }
0x67: {  	_ =	shalt  }
0x68: {  	_ =	shalt  }
0x69: {  	_ =	shalt  }
0x6a: {  	_ =	shalt  }
0x6b: {  	_ =	shalt  }
0x6c: {  	_ =	shalt  }
0x6d: {  	_ =	shalt  }
0x6e: {  	_ =	shalt  }
0x6f: {  	_ =	shalt  }
0x70: {  	_ =	shalt  }
0x71: {  	_ =	shalt  }
0x72: {  	_ =	shalt  }
0x73: {  	_ =	shalt  }
0x74: {  	_ =	shalt  }
0x75: {  	_ =	shalt  }
0x76: {  	_ =	shalt  }
0x77: {  	_ =	shalt  }
0x78: {  	_ =	shalt  }
0x79: {  	_ =	shalt  }
0x7a: {  	_ =	shalt  }
0x7b: {  	_ =	shalt  }
0x7c: {  	_ =	shalt  }
0x7d: {  	_ =	shalt  }
0x7e: {  	_ =	shalt  }
0x7f: {  	_ =	shalt  }
0x80: {  	_ =	shalt  }
0x81: {  	_ =	shalt  }
0x82: {  	_ =	shalt  }
0x83: {  	_ =	shalt  }
0x84: {  	_ =	shalt  }
0x85: {  	_ =	shalt  }
0x86: {  	_ =	shalt  }
0x87: {  	_ =	shalt  }
.Lfunc_end0:
.L_simem_size_0:
called_computation.2_lowered:
.L_overlay_start_0:
0x88: {  	s2 =	sld [smem:$0x3FD9]  }
0x89: {  	s3 =	sld [smem:$0x3FFE];
	_ =	sdelay $0x1  }
0x8a: {  	s1 =	srdreg.scid  }
0x8b: {  	s0 =	sand.u32 $0x1, s1  }
0x8c: {  	s15 =	sshll.u32 s0, $0xA;
	s2 =	sadd.s32 s3, s2  }
0x8d: {  	s2 =	sadd.s32 s2, s15  }
0x8e: {  	[smem:$0x3FBF] =	sst s2  }
0x8f: {  	_ = 	snop  }
0x90: {  	s16 =	sld [smem:$0x3FD0];
	_ =	sdelay $0x2  }
0x91: {  	s4 =	simm.s32 $0xB;
	s5 =	simm.s32 $0x10;
	s2 =	sld [smem:$0x3FC9]  }
0x92: {  	[smem:s5], [sflag:s4] =	dma.local [hbm:s16], $0x1  }
0x93: {  	_ =	swait.eq [sflag:s4], $0x1  }
0x94: {  	[sflag:s4] =	ssyncset.done $0x0  }
0x95: {  	[sflag:s4] =	ssyncadd.s32 $0xFFFFFFFF  }
0x96: {  	s17 =	sld [smem:$0x12];
	(tm) =	ssettm $0x1  }
0x97: {  	s18 =	sld [smem:$0x3FFB];
	_ =	sdelay $0x3  }
0x98: {  	_ =	strace s18  }
0x99: {  	s3 =	sld [smem:$0x3FFC];
	_ =	sdelay $0x3  }
0x9a: {  	_ =	strace s3  }
0x9b: {  	s3 =	sld [smem:$0x3FFD];
	_ =	sdelay $0x3  }
0x9c: {  	_ =	strace s3  }
0x9d: {  	_ =	strace $0x8FFFFFFF  }
0x9e: {  	s19 =	sld [smem:$0x3FDB];
	_ =	sdelay $0x1  }
0x9f: {  	s20 =	simm.s32 $_scs_section_size  }
0xa0: {  	s6 =	simm.s32 $_size__tile_overlayer_lowered;
	s7 =	simm.s32 $_tile_overlayer_lowered  }
0xa1: {  	s8 =	simm.s32 $0x1BFF;
	s21 =	sshll.u32 s7, $0x1;
	s5 =	sadd.s32 s20, s19  }
0xa2: {  	s22 =	simm.s32 $0x0;
	s6 =	sshll.u32 s6, $0x1;
	s7 =	sadd.s32 s21, s5  }
0xa3: {  	[timem:s22], [sflag:s8] =	dma.local [hbm:s7], s6  }
0xa4: {  	_ =	swait.ge [sflag:s8], s6  }
0xa5: {  	s6 =	ssub.s32 $0x0, s6;
	[sflag:s8] =	ssyncset.done $0x0  }
0xa6: {  	[sflag:s8] =	ssyncadd.s32 s6;
	_ =	sdelay $0x1  }
0xa7: {  	s23 =	simm.s32 $0x1B8B  }
0xa8: {  	_ =	swait.ge [sflag:s23], $0x1  }
0xa9: {  	[sflag:s23] =	ssyncset.done $0x0  }
0xaa: {  	[sflag:s23] =	ssyncadd.s32 $0xFFFFFFFF  }
0xab: {  	s6 =	sld [smem:$0x0]  }
0xac: {  	s7 =	sand.u32 $0xFFFFFFFE, s1  }
0xad: {  	p0 =	sne.s32 s1, s7  }
0xae: {  	s7 =	sshll.u32 @p0 s7, $0xE  }
0xaf: {  	s7 =	sadd.s32 @p0 $0x11B8D, s7;
	s8 =	sshll.u32 @p0 s6, $0x11  }
0xb0: {  	s7 =	sor.u32 @p0 s8, s7  }
0xb1: {  	[sflag:s7] =	ssyncadd.remote.s32 @p0 $0x1;
	_ =	sdelay $0x1  }
0xb2: {  	s7 =	simm.s32 @p0 $0x1B8D  }
0xb3: {  	_ =	swait.eq @p0 [sflag:s7], $0x1  }
0xb4: {  	[sflag:s7] =	ssyncadd.s32 @p0 $0xFFFFFFFF  }
0xb5: {  	s8 =	sshll.u32 @!p0 s1, $0xE  }
0xb6: {  	s8 =	sor.u32 @!p0 $0x4000, s8;
	s7 =	simm.s32 @!p0 $0x1B8D  }
0xb7: {  	s6 =	sshll.u32 @!p0 s6, $0x11;
	s8 =	sadd.s32 @!p0 $0x11B8D, s8;
	_ =	swait.eq @!p0 [sflag:s7], $0x1  }
0xb8: {  	s6 =	sor.u32 @!p0 s6, s8;
	[sflag:s7] =	ssyncadd.s32 @!p0 $0xFFFFFFFF  }
0xb9: {  	s25 =	simm.s32 $0x1B8E;
	s24 =	sld [smem:$0x3FFE];
	[sflag:s6] =	ssyncadd.remote.s32 @!p0 $0x1  }
0xba: {  	s26 =	simm.s32 $execute0_lowered;
	[smem:$0x3FD2] =	sst s25  }
0xbb: {  	s7 =	sshll.u32 s26, $0x1;
	_ =	strace $0x8000004C;
	[dreg:$0x1] =	wrdreg $0xFFFFFFFF  }
0xbc: {  	s28 =	simm.s32 $_size_execute0_lowered;
	s5 =	sadd.s32 s5, s7;
	[dreg:$0x0] =	wrdreg $0x0  }
0xbd: {  	s7 =	sshll.u32 s28, $0x1;
	[dreg:$0x2] =	wrdreg s5  }
0xbe: {  	[dreg:$0x3] =	wrdreg s7  }
0xbf: {  	[dreg:$0x4] =	wrdreg $0xC0  }
0xc0: {  	_ =	task [dreg:s22], $0x5FFFF  }
0xc1: {  	[dreg:$0x1] =	wrdreg $0xFFFFFFFF  }
0xc2: {  	[dreg:$0x0] =	wrdreg $0x60  }
0xc3: {  	[dreg:$0x2] =	wrdreg s17  }
0xc4: {  	[dreg:$0x3] =	wrdreg s2  }
0xc5: {  	[dreg:$0x4] =	wrdreg s24  }
0xc6: {  	[dreg:$0x5] =	wrdreg $0xA  }
0xc7: {  	_ =	task.clear_ibuf [dreg:s22], $0x6FFFF;
	_ =	strace $0x9000004C  }
0xc8: {  	s29 =	simm.s32 $0xA;
	_ =	strace $0x8000004E  }
0xc9: {  	_ =	swait.ge [sflag:s29], $0x1  }
0xca: {  	[sflag:s29] =	ssyncadd.s32 $0xFFFFFFFF  }
0xcb: {  	_ =	strace $0x9000004E  }
0xcc: {  	_ =	sfence  }
0xcd: {  	s30 =	sld [smem:$0x0];
	_ =	sdelay $0x2  }
0xce: {  	s31 =	sshll.u32 s1, $0xD;
	s1 =	sshrl.u32 s1, $0x2  }
0xcf: {  	s4 =	sand.u32 $0x4000, s31;
	s1 =	sadd.s32 s1, s30  }
0xd0: {  	s0 =	sor.u32 s4, s0;
	s1 =	sshll.u32 s1, $0x11  }
0xd1: {  	s0 =	sor.u32 s1, s0  }
0xd2: {  	s0 =	sadd.s32 $0x8F2B, s0  }
0xd3: {  	[sflag:s0] =	ssyncadd.remote.s32 $0x1  }
0xd4: {  	_ =	sfence.sel $0xFFFF  }
0xd5: {  	[dreg:$0x0] =	wrdreg $0xFFFFFFFF;
	(pc) =	sbr.abs _section_cstart, $3  }
0xd6: {  	[dreg:$0x1] =	wrdreg $0xFFFFFFFF  }
0xd7: {  	_ =	task.clear_ibuf [dreg:s22], $0x2FFFF;
	_ =	strace $0x9FFFFFFF  }
0xd8: {  	(tm) =	ssettm $0x7FFFFFFF  }
0xd9: {  	_ =	shalt  }
tec
execute0_lowered:
.L_overlay_start_1:
0x0: {  	(tag) =	ssettag $0x1  }
0x1: {  	s0 =	rddreg [dreg:$0x0]  }
0x2: {  	s1 =	srdreg.scid;
	s3 =	stileid.u32  }
0x3: {  	s2 =	rddreg [dreg:$0x1];
	s1 =	sand.u32 $0x1, s1;
	s3 =	sshll.u32 s3, $0x1  }
0x4: {  	s4 =	rddreg [dreg:$0x2];
	s5 =	sor.u32 s1, s3  }
0x5: {  	s9 =	simm.s32 $0xC800;
	s3 =	simm.s32 $0x0;
	s6 =	smul.u32 $0x12000, s5  }
0x6: {  	[smem:$0x7FF] =	sst s3;
	s7 =	smul.u32 $0x90000, s5;
	s5 =	sshll.u32 s5, $0x8  }
0x7: {  	s4 =	sadd.s32 $0x24C00, s4;
	_ =	strace $0x8000004D;
	s0 =	sadd.s32 s0, s5  }
0x8: {  	s6 =	sadd.s32 s4, s6;
	s18 =	sshrl.u32 s7, $0x3;
	[dreg:$0x4] =	wrdreg s0  }
0x9: {  	[dreg:$0x10] =	wrdreg s6;
	s19 =	sadd.s32 $0x1800, s6;
	s4 =	sadd.s32 s4, s18  }
0xa: {  	s11 =	simm.s32 $0x1;
	[dreg:$0x5] =	wrdreg s19;
	s20 =	sadd.s32 $0x3000, s4  }
0xb: {  	s12 =	simm.s32 $0x3;
	s21 =	sadd.s32 $0x4800, s4;
	[dreg:$0x6] =	wrdreg s20  }
0xc: {  	s13 =	simm.s32 $0x2;
	s22 =	sadd.s32 $0x6000, s4;
	[dreg:$0x7] =	wrdreg s21  }
0xd: {  	s14 =	simm.s32 $0x4;
	s23 =	sadd.s32 $0x7800, s4;
	[dreg:$0x8] =	wrdreg s22  }
0xe: {  	s1 =	ssub.s32 $0x2, s1;
	s24 =	sadd.s32 $0x9000, s4;
	[dreg:$0x9] =	wrdreg s23  }
0xf: {  	s28 =	sshrl.u32 s1, $0x1;
	s25 =	sadd.s32 $0xA800, s4;
	[dreg:$0xa] =	wrdreg s24  }
0x10: {  	s1 =	ssub.s32 s1, s28;
	s26 =	sadd.s32 $0xC000, s4;
	[dreg:$0xb] =	wrdreg s25  }
0x11: {  	s5 =	sadd.s32 $0x100, s2;
	s29 =	sadd.s32 $0xD800, s4;
	[dreg:$0xc] =	wrdreg s26  }
0x12: {  	v2 =	vlaneseq.u32;
	s7 =	sadd.s32 $0x300, s2;
	s30 =	sadd.s32 $0xF000, s4;
	[dreg:$0xd] =	wrdreg s29  }
0x13: {  	vm0 =	vmmov $0xffff;
	v1 =	vshrl.u32 v2, $0x3;
	s8 =	smax.u32 s1, $0x1;
	s31 =	sadd.s32 $0x10800, s4;
	[dreg:$0xe] =	wrdreg s30  }
0x14: {  	v0 =	vand.u32 $0x7, v2;
	v2 =	vor.u32 $0x8, v2;
	v1 =	vmul.u32 $0x8, v1;
	s6 =	sadd.s32 $0x200, s2;
	[dreg:$0xf] =	wrdreg s31;
	s21 =	simm.s32 $0x800  }
.LBB2_1:
0x15: {  	s15 =	rddreg [dreg:$0x4];
	s20 =	simm.s32 $0x5  }
0x16: {  	[tilespmem:s3], [sflag:$0x5] =	stream.linear.gather [hbm4b:s15+s3], $0x600, $0x38;
	[tilespmem:$0x18800] =	vst v63  }
0x17: {  	_ =	swait.ge [sflag:s20], $0x600  }
0x18: {  	[sflag:s20] =	ssyncset.done $0x0  }
0x19: {  	[sflag:s20] =	ssyncadd.s32 $0xFFFFFA00  }
0x1a: {  	v3 =	vld [tilespmem:$0x0];
	_ =	sdelay $0x4  }
0x1b: {  	v4 =	vshll.u32 v3, $0x3  }
0x1c: {  	v3 =	vand.u32 $0x7, v3;
	v4 =	vand.u32 $0xFFFFFFC0, v4  }
0x1d: {  	v3 =	vor.u32 v3, v4  }
0x1e: {  	v4 =	vperm.xlane v3, v0;
	_ =	sdelay $0x1  }
0x1f: {  	v4 =	vadd.s32 v1, v4;
	_ =	sdelay $0x4  }
0x20: {  	[tilespmem:s21], [sflag:$0x1] =	stream.indirect_vreg.gather [hbm4b:s2+s3], $0x80, v4, vm0, $0xb8;
	[tilespmem:$0x18800] =	vst v63  }
0x21: {  	s0 =	simm.s32 $0x1000;
	v3 =	vperm.xlane v3, v2  }
0x22: {  	[tilespmem:s0], [sflag:$0x1] =	stream.indirect_vreg.gather [hbm4b:s5+s3], $0x80, v4, vm0, $0xb8;
	[tilespmem:$0x18800] =	vst v63  }
0x23: {  	s22 =	simm.s32 $0x1800;
	v3 =	vadd.s32 v1, v3  }
0x24: {  	[tilespmem:s22], [sflag:$0x1] =	stream.indirect_vreg.gather [hbm4b:s6+s3], $0x80, v4, vm0, $0xb8;
	[tilespmem:$0x18800] =	vst v63  }
0x25: {  	s23 =	simm.s32 $0x2000  }
0x26: {  	[tilespmem:s23], [sflag:$0x1] =	stream.indirect_vreg.gather [hbm4b:s7+s3], $0x80, v4, vm0, $0xb8;
	[tilespmem:$0x18800] =	vst v63  }
0x27: {  	s24 =	simm.s32 $0x2800  }
0x28: {  	[tilespmem:s24], [sflag:$0x1] =	stream.indirect_vreg.gather [hbm4b:s2+s3], $0x80, v3, vm0, $0xb8;
	[tilespmem:$0x18800] =	vst v63  }
0x29: {  	s25 =	simm.s32 $0x3000  }
0x2a: {  	[tilespmem:s25], [sflag:$0x1] =	stream.indirect_vreg.gather [hbm4b:s5+s3], $0x80, v3, vm0, $0xb8;
	[tilespmem:$0x18800] =	vst v63  }
0x2b: {  	s26 =	simm.s32 $0x3800  }
0x2c: {  	[tilespmem:s26], [sflag:$0x1] =	stream.indirect_vreg.gather [hbm4b:s6+s3], $0x80, v3, vm0, $0xb8;
	[tilespmem:$0x18800] =	vst v63  }
0x2d: {  	s28 =	simm.s32 $0x4000  }
0x2e: {  	[tilespmem:s28], [sflag:$0x1] =	stream.indirect_vreg.gather [hbm4b:s7+s3], $0x80, v3, vm0, $0xb8;
	[tilespmem:$0x18800] =	vst v63  }
0x2f: {  	v3 =	vld [tilespmem:$0x10];
	_ =	sdelay $0x4  }
0x30: {  	v29 =	vshll.u32 v3, $0x3  }
0x31: {  	v3 =	vand.u32 $0x7, v3;
	v4 =	vand.u32 $0xFFFFFFC0, v29  }
0x32: {  	v3 =	vor.u32 v3, v4  }
0x33: {  	v4 =	vperm.xlane v3, v0;
	_ =	sdelay $0x1  }
0x34: {  	v4 =	vadd.s32 v1, v4;
	_ =	sdelay $0x3  }
0x35: {  	s29 =	simm.s32 $0x4800  }
0x36: {  	[tilespmem:s29], [sflag:$0x1] =	stream.indirect_vreg.gather [hbm4b:s2+s3], $0x80, v4, vm0, $0xb8;
	[tilespmem:$0x18800] =	vst v63  }
0x37: {  	s30 =	simm.s32 $0x5000;
	v3 =	vperm.xlane v3, v2  }
0x38: {  	[tilespmem:s30], [sflag:$0x1] =	stream.indirect_vreg.gather [hbm4b:s5+s3], $0x80, v4, vm0, $0xb8;
	[tilespmem:$0x18800] =	vst v63  }
0x39: {  	s31 =	simm.s32 $0x5800;
	v3 =	vadd.s32 v1, v3  }
0x3a: {  	[tilespmem:s31], [sflag:$0x1] =	stream.indirect_vreg.gather [hbm4b:s6+s3], $0x80, v4, vm0, $0xb8;
	[tilespmem:$0x18800] =	vst v63  }
0x3b: {  	s4 =	simm.s32 $0x6000  }
0x3c: {  	[tilespmem:s4], [sflag:$0x1] =	stream.indirect_vreg.gather [hbm4b:s7+s3], $0x80, v4, vm0, $0xb8;
	[tilespmem:$0x18800] =	vst v63  }
0x3d: {  	s10 =	simm.s32 $0x6800  }
0x3e: {  	[tilespmem:s10], [sflag:$0x1] =	stream.indirect_vreg.gather [hbm4b:s2+s3], $0x80, v3, vm0, $0xb8;
	[tilespmem:$0x18800] =	vst v63  }
0x3f: {  	s15 =	simm.s32 $0x7000  }
0x40: {  	[tilespmem:s15], [sflag:$0x1] =	stream.indirect_vreg.gather [hbm4b:s5+s3], $0x80, v3, vm0, $0xb8;
	[tilespmem:$0x18800] =	vst v63  }
0x41: {  	s19 =	simm.s32 $0x7800  }
0x42: {  	[tilespmem:s19], [sflag:$0x1] =	stream.indirect_vreg.gather [hbm4b:s6+s3], $0x80, v3, vm0, $0xb8;
	[tilespmem:$0x18800] =	vst v63  }
0x43: {  	s20 =	simm.s32 $0x8000  }
0x44: {  	[tilespmem:s20], [sflag:$0x1] =	stream.indirect_vreg.gather [hbm4b:s7+s3], $0x80, v3, vm0, $0xb8;
	[tilespmem:$0x18800] =	vst v63  }
0x45: {  	v3 =	vld [tilespmem:$0x20];
	_ =	sdelay $0x4  }
0x46: {  	v30 =	vshll.u32 v3, $0x3  }
0x47: {  	v3 =	vand.u32 $0x7, v3;
	v4 =	vand.u32 $0xFFFFFFC0, v30  }
0x48: {  	v3 =	vor.u32 v3, v4  }
0x49: {  	v4 =	vperm.xlane v3, v0;
	_ =	sdelay $0x1  }
0x4a: {  	v4 =	vadd.s32 v1, v4;
	_ =	sdelay $0x3  }
0x4b: {  	s22 =	simm.s32 $0x8800  }
0x4c: {  	[tilespmem:s22], [sflag:$0x1] =	stream.indirect_vreg.gather [hbm4b:s2+s3], $0x80, v4, vm0, $0xb8;
	[tilespmem:$0x18800] =	vst v63  }
0x4d: {  	s23 =	simm.s32 $0x9000;
	v3 =	vperm.xlane v3, v2  }
0x4e: {  	[tilespmem:s23], [sflag:$0x1] =	stream.indirect_vreg.gather [hbm4b:s5+s3], $0x80, v4, vm0, $0xb8;
	[tilespmem:$0x18800] =	vst v63  }
0x4f: {  	s24 =	simm.s32 $0x9800;
	v3 =	vadd.s32 v1, v3  }
0x50: {  	[tilespmem:s24], [sflag:$0x1] =	stream.indirect_vreg.gather [hbm4b:s6+s3], $0x80, v4, vm0, $0xb8;
	[tilespmem:$0x18800] =	vst v63  }
0x51: {  	s25 =	simm.s32 $0xA000  }
0x52: {  	[tilespmem:s25], [sflag:$0x1] =	stream.indirect_vreg.gather [hbm4b:s7+s3], $0x80, v4, vm0, $0xb8;
	[tilespmem:$0x18800] =	vst v63  }
0x53: {  	s26 =	simm.s32 $0xA800  }
0x54: {  	[tilespmem:s26], [sflag:$0x1] =	stream.indirect_vreg.gather [hbm4b:s2+s3], $0x80, v3, vm0, $0xb8;
	[tilespmem:$0x18800] =	vst v63  }
0x55: {  	s28 =	simm.s32 $0xB000  }
0x56: {  	[tilespmem:s28], [sflag:$0x1] =	stream.indirect_vreg.gather [hbm4b:s5+s3], $0x80, v3, vm0, $0xb8;
	[tilespmem:$0x18800] =	vst v63  }
0x57: {  	s29 =	simm.s32 $0xB800  }
0x58: {  	[tilespmem:s29], [sflag:$0x1] =	stream.indirect_vreg.gather [hbm4b:s6+s3], $0x80, v3, vm0, $0xb8;
	[tilespmem:$0x18800] =	vst v63  }
0x59: {  	s30 =	simm.s32 $0xC000  }
0x5a: {  	[tilespmem:s30], [sflag:$0x1] =	stream.indirect_vreg.gather [hbm4b:s7+s3], $0x80, v3, vm0, $0xb8;
	[tilespmem:$0x18800] =	vst v63  }
0x5b: {  	v3 =	vld [tilespmem:$0x80];
	_ =	sdelay $0x4  }
0x5c: {  	v31 =	vshll.u32 v3, $0x3  }
0x5d: {  	v3 =	vand.u32 $0x7, v3;
	v4 =	vand.u32 $0xFFFFFFC0, v31  }
0x5e: {  	v3 =	vor.u32 v3, v4  }
0x5f: {  	v4 =	vperm.xlane v3, v0;
	_ =	sdelay $0x1  }
0x60: {  	v4 =	vadd.s32 v1, v4;
	_ =	sdelay $0x4  }
0x61: {  	[tilespmem:s9], [sflag:$0x2] =	stream.indirect_vreg.gather [hbm4b:s2+s3], $0x80, v4, vm0, $0xb8;
	[tilespmem:$0x18800] =	vst v63  }
0x62: {  	s4 =	simm.s32 $0xD000;
	v3 =	vperm.xlane v3, v2  }
0x63: {  	[tilespmem:s4], [sflag:$0x2] =	stream.indirect_vreg.gather [hbm4b:s5+s3], $0x80, v4, vm0, $0xb8;
	[tilespmem:$0x18800] =	vst v63  }
0x64: {  	s10 =	simm.s32 $0xD800;
	v3 =	vadd.s32 v1, v3  }
0x65: {  	[tilespmem:s10], [sflag:$0x2] =	stream.indirect_vreg.gather [hbm4b:s6+s3], $0x80, v4, vm0, $0xb8;
	[tilespmem:$0x18800] =	vst v63  }
0x66: {  	s20 =	simm.s32 $0xE000  }
0x67: {  	[tilespmem:s20], [sflag:$0x2] =	stream.indirect_vreg.gather [hbm4b:s7+s3], $0x80, v4, vm0, $0xb8;
	[tilespmem:$0x18800] =	vst v63  }
0x68: {  	s23 =	simm.s32 $0xE800  }
0x69: {  	[tilespmem:s23], [sflag:$0x2] =	stream.indirect_vreg.gather [hbm4b:s2+s3], $0x80, v3, vm0, $0xb8;
	[tilespmem:$0x18800] =	vst v63  }
0x6a: {  	s24 =	simm.s32 $0xF000  }
0x6b: {  	[tilespmem:s24], [sflag:$0x2] =	stream.indirect_vreg.gather [hbm4b:s5+s3], $0x80, v3, vm0, $0xb8;
	[tilespmem:$0x18800] =	vst v63  }
0x6c: {  	s25 =	simm.s32 $0xF800  }
0x6d: {  	[tilespmem:s25], [sflag:$0x2] =	stream.indirect_vreg.gather [hbm4b:s6+s3], $0x80, v3, vm0, $0xb8;
	[tilespmem:$0x18800] =	vst v63  }
0x6e: {  	s26 =	simm.s32 $0x10000  }
0x6f: {  	[tilespmem:s26], [sflag:$0x2] =	stream.indirect_vreg.gather [hbm4b:s7+s3], $0x80, v3, vm0, $0xb8;
	[tilespmem:$0x18800] =	vst v63  }
0x70: {  	v3 =	vld [tilespmem:$0x90];
	_ =	sdelay $0x4  }
0x71: {  	v32 =	vshll.u32 v3, $0x3  }
0x72: {  	v3 =	vand.u32 $0x7, v3;
	v4 =	vand.u32 $0xFFFFFFC0, v32  }
0x73: {  	v3 =	vor.u32 v3, v4  }
0x74: {  	v4 =	vperm.xlane v3, v0;
	_ =	sdelay $0x1  }
0x75: {  	v4 =	vadd.s32 v1, v4;
	_ =	sdelay $0x3  }
0x76: {  	s28 =	simm.s32 $0x10800  }
0x77: {  	[tilespmem:s28], [sflag:$0x2] =	stream.indirect_vreg.gather [hbm4b:s2+s3], $0x80, v4, vm0, $0xb8;
	[tilespmem:$0x18800] =	vst v63  }
0x78: {  	s29 =	simm.s32 $0x11000;
	v3 =	vperm.xlane v3, v2  }
0x79: {  	[tilespmem:s29], [sflag:$0x2] =	stream.indirect_vreg.gather [hbm4b:s5+s3], $0x80, v4, vm0, $0xb8;
	[tilespmem:$0x18800] =	vst v63  }
0x7a: {  	s30 =	simm.s32 $0x11800;
	v3 =	vadd.s32 v1, v3  }
0x7b: {  	[tilespmem:s30], [sflag:$0x2] =	stream.indirect_vreg.gather [hbm4b:s6+s3], $0x80, v4, vm0, $0xb8;
	[tilespmem:$0x18800] =	vst v63  }
0x7c: {  	s0 =	simm.s32 $0x12000  }
0x7d: {  	[tilespmem:s0], [sflag:$0x2] =	stream.indirect_vreg.gather [hbm4b:s7+s3], $0x80, v4, vm0, $0xb8;
	[tilespmem:$0x18800] =	vst v63  }
0x7e: {  	s4 =	simm.s32 $0x12800  }
0x7f: {  	[tilespmem:s4], [sflag:$0x2] =	stream.indirect_vreg.gather [hbm4b:s2+s3], $0x80, v3, vm0, $0xb8;
	[tilespmem:$0x18800] =	vst v63  }
0x80: {  	s10 =	simm.s32 $0x13000  }
0x81: {  	[tilespmem:s10], [sflag:$0x2] =	stream.indirect_vreg.gather [hbm4b:s5+s3], $0x80, v3, vm0, $0xb8;
	[tilespmem:$0x18800] =	vst v63  }
0x82: {  	s20 =	simm.s32 $0x13800  }
0x83: {  	[tilespmem:s20], [sflag:$0x2] =	stream.indirect_vreg.gather [hbm4b:s6+s3], $0x80, v3, vm0, $0xb8;
	[tilespmem:$0x18800] =	vst v63  }
0x84: {  	s24 =	simm.s32 $0x14000  }
0x85: {  	[tilespmem:s24], [sflag:$0x2] =	stream.indirect_vreg.gather [hbm4b:s7+s3], $0x80, v3, vm0, $0xb8;
	[tilespmem:$0x18800] =	vst v63  }
0x86: {  	v3 =	vld [tilespmem:$0xA0];
	_ =	sdelay $0x4  }
0x87: {  	v33 =	vshll.u32 v3, $0x3  }
0x88: {  	v3 =	vand.u32 $0x7, v3;
	v4 =	vand.u32 $0xFFFFFFC0, v33  }
0x89: {  	v3 =	vor.u32 v3, v4  }
0x8a: {  	v4 =	vperm.xlane v3, v0;
	_ =	sdelay $0x1  }
0x8b: {  	v4 =	vadd.s32 v1, v4;
	_ =	sdelay $0x3  }
0x8c: {  	s25 =	simm.s32 $0x14800  }
0x8d: {  	[tilespmem:s25], [sflag:$0x2] =	stream.indirect_vreg.gather [hbm4b:s2+s3], $0x80, v4, vm0, $0xb8;
	[tilespmem:$0x18800] =	vst v63  }
0x8e: {  	s26 =	simm.s32 $0x15000;
	v3 =	vperm.xlane v3, v2  }
0x8f: {  	[tilespmem:s26], [sflag:$0x2] =	stream.indirect_vreg.gather [hbm4b:s5+s3], $0x80, v4, vm0, $0xb8;
	[tilespmem:$0x18800] =	vst v63  }
0x90: {  	s28 =	simm.s32 $0x15800;
	v3 =	vadd.s32 v1, v3  }
0x91: {  	[tilespmem:s28], [sflag:$0x2] =	stream.indirect_vreg.gather [hbm4b:s6+s3], $0x80, v4, vm0, $0xb8;
	[tilespmem:$0x18800] =	vst v63  }
0x92: {  	s29 =	simm.s32 $0x16000  }
0x93: {  	[tilespmem:s29], [sflag:$0x2] =	stream.indirect_vreg.gather [hbm4b:s7+s3], $0x80, v4, vm0, $0xb8;
	[tilespmem:$0x18800] =	vst v63  }
0x94: {  	s30 =	simm.s32 $0x16800  }
0x95: {  	[tilespmem:s30], [sflag:$0x2] =	stream.indirect_vreg.gather [hbm4b:s2+s3], $0x80, v3, vm0, $0xb8;
	[tilespmem:$0x18800] =	vst v63  }
0x96: {  	s0 =	simm.s32 $0x17000  }
0x97: {  	[tilespmem:s0], [sflag:$0x2] =	stream.indirect_vreg.gather [hbm4b:s5+s3], $0x80, v3, vm0, $0xb8;
	[tilespmem:$0x18800] =	vst v63  }
0x98: {  	s4 =	simm.s32 $0x17800  }
0x99: {  	[tilespmem:s4], [sflag:$0x2] =	stream.indirect_vreg.gather [hbm4b:s6+s3], $0x80, v3, vm0, $0xb8;
	[tilespmem:$0x18800] =	vst v63  }
0x9a: {  	s10 =	simm.s32 $0x18000  }
0x9b: {  	[tilespmem:s10], [sflag:$0x2] =	stream.indirect_vreg.gather [hbm4b:s7+s3], $0x80, v3, vm0, $0xb8;
	[tilespmem:$0x18800] =	vst v63  }
0x9c: {  	_ =	swait.ge [sflag:s11], $0xC000  }
0x9d: {  	[sflag:s11] =	ssyncset.done $0x0  }
0x9e: {  	s20 =	rddreg [dreg:$0x10];
	[sflag:s11] =	ssyncadd.s32 $0xFFFF4000  }
0x9f: {  	[hbm4b:s20+s3] =	stream.linear.scatter [tilespmem:s21], [sflag:$0x3], $0xC000, $0x38;
	[tilespmem:$0x18800] =	vst v63  }
0xa0: {  	_ =	swait.ge [sflag:s12], $0xC000  }
0xa1: {  	[sflag:s12] =	ssyncset.done $0x0  }
0xa2: {  	[sflag:s12] =	ssyncadd.s32 $0xFFFF4000  }
0xa3: {  	v3 =	vld [tilespmem:$0x100];
	_ =	sdelay $0x4  }
0xa4: {  	v34 =	vshll.u32 v3, $0x3  }
0xa5: {  	v3 =	vand.u32 $0x7, v3;
	v4 =	vand.u32 $0xFFFFFFC0, v34  }
0xa6: {  	v3 =	vor.u32 v3, v4  }
0xa7: {  	v4 =	vperm.xlane v3, v0;
	_ =	sdelay $0x1  }
0xa8: {  	v4 =	vadd.s32 v1, v4;
	_ =	sdelay $0x4  }
0xa9: {  	[tilespmem:s21], [sflag:$0x1] =	stream.indirect_vreg.gather [hbm4b:s2+s3], $0x80, v4, vm0, $0xb8;
	[tilespmem:$0x18800] =	vst v63  }
0xaa: {  	s1 =	simm.s32 $0x1000;
	v3 =	vperm.xlane v3, v2  }
0xab: {  	[tilespmem:s1], [sflag:$0x1] =	stream.indirect_vreg.gather [hbm4b:s5+s3], $0x80, v4, vm0, $0xb8;
	[tilespmem:$0x18800] =	vst v63  }
0xac: {  	s0 =	simm.s32 $0x1800;
	v3 =	vadd.s32 v1, v3  }
0xad: {  	[tilespmem:s0], [sflag:$0x1] =	stream.indirect_vreg.gather [hbm4b:s6+s3], $0x80, v4, vm0, $0xb8;
	[tilespmem:$0x18800] =	vst v63  }
0xae: {  	s1 =	simm.s32 $0x2000  }
0xaf: {  	[tilespmem:s1], [sflag:$0x1] =	stream.indirect_vreg.gather [hbm4b:s7+s3], $0x80, v4, vm0, $0xb8;
	[tilespmem:$0x18800] =	vst v63  }
0xb0: {  	s4 =	simm.s32 $0x2800  }
0xb1: {  	[tilespmem:s4], [sflag:$0x1] =	stream.indirect_vreg.gather [hbm4b:s2+s3], $0x80, v3, vm0, $0xb8;
	[tilespmem:$0x18800] =	vst v63  }
0xb2: {  	s10 =	simm.s32 $0x3000  }
0xb3: {  	[tilespmem:s10], [sflag:$0x1] =	stream.indirect_vreg.gather [hbm4b:s5+s3], $0x80, v3, vm0, $0xb8;
	[tilespmem:$0x18800] =	vst v63  }
0xb4: {  	s24 =	simm.s32 $0x3800  }
0xb5: {  	[tilespmem:s24], [sflag:$0x1] =	stream.indirect_vreg.gather [hbm4b:s6+s3], $0x80, v3, vm0, $0xb8;
	[tilespmem:$0x18800] =	vst v63  }
0xb6: {  	s16 =	simm.s32 $0x4000  }
0xb7: {  	[tilespmem:s16], [sflag:$0x1] =	stream.indirect_vreg.gather [hbm4b:s7+s3], $0x80, v3, vm0, $0xb8;
	[tilespmem:$0x18800] =	vst v63  }
0xb8: {  	v3 =	vld [tilespmem:$0x110];
	_ =	sdelay $0x4  }
0xb9: {  	v35 =	vshll.u32 v3, $0x3  }
0xba: {  	v3 =	vand.u32 $0x7, v3;
	v4 =	vand.u32 $0xFFFFFFC0, v35  }
0xbb: {  	v3 =	vor.u32 v3, v4  }
0xbc: {  	v4 =	vperm.xlane v3, v0;
	_ =	sdelay $0x1  }
0xbd: {  	v4 =	vadd.s32 v1, v4;
	_ =	sdelay $0x3  }
0xbe: {  	s17 =	simm.s32 $0x4800  }
0xbf: {  	[tilespmem:s17], [sflag:$0x1] =	stream.indirect_vreg.gather [hbm4b:s2+s3], $0x80, v4, vm0, $0xb8;
	[tilespmem:$0x18800] =	vst v63  }
0xc0: {  	s18 =	simm.s32 $0x5000;
	v3 =	vperm.xlane v3, v2  }
0xc1: {  	[tilespmem:s18], [sflag:$0x1] =	stream.indirect_vreg.gather [hbm4b:s5+s3], $0x80, v4, vm0, $0xb8;
	[tilespmem:$0x18800] =	vst v63  }
0xc2: {  	s25 =	simm.s32 $0x5800;
	v3 =	vadd.s32 v1, v3  }
0xc3: {  	[tilespmem:s25], [sflag:$0x1] =	stream.indirect_vreg.gather [hbm4b:s6+s3], $0x80, v4, vm0, $0xb8;
	[tilespmem:$0x18800] =	vst v63  }
0xc4: {  	s26 =	simm.s32 $0x6000  }
0xc5: {  	[tilespmem:s26], [sflag:$0x1] =	stream.indirect_vreg.gather [hbm4b:s7+s3], $0x80, v4, vm0, $0xb8;
	[tilespmem:$0x18800] =	vst v63  }
0xc6: {  	s28 =	simm.s32 $0x6800  }
0xc7: {  	[tilespmem:s28], [sflag:$0x1] =	stream.indirect_vreg.gather [hbm4b:s2+s3], $0x80, v3, vm0, $0xb8;
	[tilespmem:$0x18800] =	vst v63  }
0xc8: {  	s29 =	simm.s32 $0x7000  }
0xc9: {  	[tilespmem:s29], [sflag:$0x1] =	stream.indirect_vreg.gather [hbm4b:s5+s3], $0x80, v3, vm0, $0xb8;
	[tilespmem:$0x18800] =	vst v63  }
0xca: {  	s30 =	simm.s32 $0x7800  }
0xcb: {  	[tilespmem:s30], [sflag:$0x1] =	stream.indirect_vreg.gather [hbm4b:s6+s3], $0x80, v3, vm0, $0xb8;
	[tilespmem:$0x18800] =	vst v63  }
0xcc: {  	s19 =	simm.s32 $0x8000  }
0xcd: {  	[tilespmem:s19], [sflag:$0x1] =	stream.indirect_vreg.gather [hbm4b:s7+s3], $0x80, v3, vm0, $0xb8;
	[tilespmem:$0x18800] =	vst v63  }
0xce: {  	v3 =	vld [tilespmem:$0x120];
	_ =	sdelay $0x4  }
0xcf: {  	v36 =	vshll.u32 v3, $0x3  }
0xd0: {  	v3 =	vand.u32 $0x7, v3;
	v4 =	vand.u32 $0xFFFFFFC0, v36  }
0xd1: {  	v3 =	vor.u32 v3, v4  }
0xd2: {  	v4 =	vperm.xlane v3, v0;
	_ =	sdelay $0x1  }
0xd3: {  	v4 =	vadd.s32 v1, v4;
	_ =	sdelay $0x3  }
0xd4: {  	s31 =	simm.s32 $0x8800  }
0xd5: {  	[tilespmem:s31], [sflag:$0x1] =	stream.indirect_vreg.gather [hbm4b:s2+s3], $0x80, v4, vm0, $0xb8;
	[tilespmem:$0x18800] =	vst v63  }
0xd6: {  	s20 =	simm.s32 $0x9000;
	v3 =	vperm.xlane v3, v2  }
0xd7: {  	[tilespmem:s20], [sflag:$0x1] =	stream.indirect_vreg.gather [hbm4b:s5+s3], $0x80, v4, vm0, $0xb8;
	[tilespmem:$0x18800] =	vst v63  }
0xd8: {  	v3 =	vadd.s32 v1, v3;
	s31 =	simm.s32 $0x9800  }
0xd9: {  	[tilespmem:s31], [sflag:$0x1] =	stream.indirect_vreg.gather [hbm4b:s6+s3], $0x80, v4, vm0, $0xb8;
	[tilespmem:$0x18800] =	vst v63  }
0xda: {  	s16 =	simm.s32 $0xA000  }
0xdb: {  	[tilespmem:s16], [sflag:$0x1] =	stream.indirect_vreg.gather [hbm4b:s7+s3], $0x80, v4, vm0, $0xb8;
	[tilespmem:$0x18800] =	vst v63  }
0xdc: {  	s17 =	simm.s32 $0xA800  }
0xdd: {  	[tilespmem:s17], [sflag:$0x1] =	stream.indirect_vreg.gather [hbm4b:s2+s3], $0x80, v3, vm0, $0xb8;
	[tilespmem:$0x18800] =	vst v63  }
0xde: {  	s18 =	simm.s32 $0xB000  }
0xdf: {  	[tilespmem:s18], [sflag:$0x1] =	stream.indirect_vreg.gather [hbm4b:s5+s3], $0x80, v3, vm0, $0xb8;
	[tilespmem:$0x18800] =	vst v63  }
0xe0: {  	s19 =	simm.s32 $0xB800  }
0xe1: {  	[tilespmem:s19], [sflag:$0x1] =	stream.indirect_vreg.gather [hbm4b:s6+s3], $0x80, v3, vm0, $0xb8;
	[tilespmem:$0x18800] =	vst v63  }
0xe2: {  	s22 =	simm.s32 $0xC000  }
0xe3: {  	[tilespmem:s22], [sflag:$0x1] =	stream.indirect_vreg.gather [hbm4b:s7+s3], $0x80, v3, vm0, $0xb8;
	[tilespmem:$0x18800] =	vst v63  }
0xe4: {  	_ =	swait.ge [sflag:s13], $0xC000  }
0xe5: {  	[sflag:s13] =	ssyncset.done $0x0  }
0xe6: {  	s22 =	rddreg [dreg:$0x5];
	[sflag:s13] =	ssyncadd.s32 $0xFFFF4000  }
0xe7: {  	[hbm4b:s22+s3] =	stream.linear.scatter [tilespmem:s9], [sflag:$0x4], $0xC000, $0x38;
	[tilespmem:$0x18800] =	vst v63  }
0xe8: {  	_ =	swait.ge [sflag:s14], $0xC000  }
0xe9: {  	[sflag:s14] =	ssyncset.done $0x0  }
0xea: {  	[sflag:s14] =	ssyncadd.s32 $0xFFFF4000  }
0xeb: {  	v3 =	vld [tilespmem:$0x180];
	_ =	sdelay $0x4  }
0xec: {  	v37 =	vshll.u32 v3, $0x3  }
0xed: {  	v3 =	vand.u32 $0x7, v3;
	v4 =	vand.u32 $0xFFFFFFC0, v37  }
0xee: {  	v3 =	vor.u32 v3, v4  }
0xef: {  	v4 =	vperm.xlane v3, v0;
	_ =	sdelay $0x1  }
0xf0: {  	v4 =	vadd.s32 v1, v4;
	_ =	sdelay $0x4  }
0xf1: {  	[tilespmem:s9], [sflag:$0x2] =	stream.indirect_vreg.gather [hbm4b:s2+s3], $0x80, v4, vm0, $0xb8;
	[tilespmem:$0x18800] =	vst v63  }
0xf2: {  	s22 =	simm.s32 $0xD000;
	v3 =	vperm.xlane v3, v2  }
0xf3: {  	[tilespmem:s22], [sflag:$0x2] =	stream.indirect_vreg.gather [hbm4b:s5+s3], $0x80, v4, vm0, $0xb8;
	[tilespmem:$0x18800] =	vst v63  }
0xf4: {  	v3 =	vadd.s32 v1, v3;
	s22 =	simm.s32 $0xD800  }
0xf5: {  	[tilespmem:s22], [sflag:$0x2] =	stream.indirect_vreg.gather [hbm4b:s6+s3], $0x80, v4, vm0, $0xb8;
	[tilespmem:$0x18800] =	vst v63  }
0xf6: {  	s15 =	simm.s32 $0xE000  }
0xf7: {  	[tilespmem:s15], [sflag:$0x2] =	stream.indirect_vreg.gather [hbm4b:s7+s3], $0x80, v4, vm0, $0xb8;
	[tilespmem:$0x18800] =	vst v63  }
0xf8: {  	s15 =	simm.s32 $0xE800  }
0xf9: {  	[tilespmem:s15], [sflag:$0x2] =	stream.indirect_vreg.gather [hbm4b:s2+s3], $0x80, v3, vm0, $0xb8;
	[tilespmem:$0x18800] =	vst v63  }
0xfa: {  	s15 =	simm.s32 $0xF000  }
0xfb: {  	[tilespmem:s15], [sflag:$0x2] =	stream.indirect_vreg.gather [hbm4b:s5+s3], $0x80, v3, vm0, $0xb8;
	[tilespmem:$0x18800] =	vst v63  }
0xfc: {  	s15 =	simm.s32 $0xF800  }
0xfd: {  	[tilespmem:s15], [sflag:$0x2] =	stream.indirect_vreg.gather [hbm4b:s6+s3], $0x80, v3, vm0, $0xb8;
	[tilespmem:$0x18800] =	vst v63  }
0xfe: {  	s15 =	simm.s32 $0x10000  }
0xff: {  	[tilespmem:s15], [sflag:$0x2] =	stream.indirect_vreg.gather [hbm4b:s7+s3], $0x80, v3, vm0, $0xb8;
	[tilespmem:$0x18800] =	vst v63  }
0x100: {  	v3 =	vld [tilespmem:$0x190];
	_ =	sdelay $0x4  }
0x101: {  	v38 =	vshll.u32 v3, $0x3  }
0x102: {  	v3 =	vand.u32 $0x7, v3;
	v4 =	vand.u32 $0xFFFFFFC0, v38  }
0x103: {  	v3 =	vor.u32 v3, v4  }
0x104: {  	v4 =	vperm.xlane v3, v0;
	_ =	sdelay $0x1  }
0x105: {  	v4 =	vadd.s32 v1, v4;
	_ =	sdelay $0x3  }
0x106: {  	s23 =	simm.s32 $0x10800  }
0x107: {  	[tilespmem:s23], [sflag:$0x2] =	stream.indirect_vreg.gather [hbm4b:s2+s3], $0x80, v4, vm0, $0xb8;
	[tilespmem:$0x18800] =	vst v63  }
0x108: {  	v3 =	vperm.xlane v3, v2;
	s23 =	simm.s32 $0x11000  }
0x109: {  	[tilespmem:s23], [sflag:$0x2] =	stream.indirect_vreg.gather [hbm4b:s5+s3], $0x80, v4, vm0, $0xb8;
	[tilespmem:$0x18800] =	vst v63  }
0x10a: {  	v3 =	vadd.s32 v1, v3;
	s23 =	simm.s32 $0x11800  }
0x10b: {  	[tilespmem:s23], [sflag:$0x2] =	stream.indirect_vreg.gather [hbm4b:s6+s3], $0x80, v4, vm0, $0xb8;
	[tilespmem:$0x18800] =	vst v63  }
0x10c: {  	s15 =	simm.s32 $0x12000  }
0x10d: {  	[tilespmem:s15], [sflag:$0x2] =	stream.indirect_vreg.gather [hbm4b:s7+s3], $0x80, v4, vm0, $0xb8;
	[tilespmem:$0x18800] =	vst v63  }
0x10e: {  	s15 =	simm.s32 $0x12800  }
0x10f: {  	[tilespmem:s15], [sflag:$0x2] =	stream.indirect_vreg.gather [hbm4b:s2+s3], $0x80, v3, vm0, $0xb8;
	[tilespmem:$0x18800] =	vst v63  }
0x110: {  	s15 =	simm.s32 $0x13000  }
0x111: {  	[tilespmem:s15], [sflag:$0x2] =	stream.indirect_vreg.gather [hbm4b:s5+s3], $0x80, v3, vm0, $0xb8;
	[tilespmem:$0x18800] =	vst v63  }
0x112: {  	s15 =	simm.s32 $0x13800  }
0x113: {  	[tilespmem:s15], [sflag:$0x2] =	stream.indirect_vreg.gather [hbm4b:s6+s3], $0x80, v3, vm0, $0xb8;
	[tilespmem:$0x18800] =	vst v63  }
0x114: {  	s15 =	simm.s32 $0x14000  }
0x115: {  	[tilespmem:s15], [sflag:$0x2] =	stream.indirect_vreg.gather [hbm4b:s7+s3], $0x80, v3, vm0, $0xb8;
	[tilespmem:$0x18800] =	vst v63  }
0x116: {  	v3 =	vld [tilespmem:$0x1A0];
	_ =	sdelay $0x4  }
0x117: {  	v39 =	vshll.u32 v3, $0x3  }
0x118: {  	v3 =	vand.u32 $0x7, v3;
	v4 =	vand.u32 $0xFFFFFFC0, v39  }
0x119: {  	v3 =	vor.u32 v3, v4  }
0x11a: {  	v4 =	vperm.xlane v3, v0;
	_ =	sdelay $0x1  }
0x11b: {  	v4 =	vadd.s32 v1, v4;
	_ =	sdelay $0x3  }
0x11c: {  	s15 =	simm.s32 $0x14800  }
0x11d: {  	[tilespmem:s15], [sflag:$0x2] =	stream.indirect_vreg.gather [hbm4b:s2+s3], $0x80, v4, vm0, $0xb8;
	[tilespmem:$0x18800] =	vst v63  }
0x11e: {  	v3 =	vperm.xlane v3, v2;
	s15 =	simm.s32 $0x15000  }
0x11f: {  	[tilespmem:s15], [sflag:$0x2] =	stream.indirect_vreg.gather [hbm4b:s5+s3], $0x80, v4, vm0, $0xb8;
	[tilespmem:$0x18800] =	vst v63  }
0x120: {  	v3 =	vadd.s32 v1, v3;
	s15 =	simm.s32 $0x15800  }
0x121: {  	[tilespmem:s15], [sflag:$0x2] =	stream.indirect_vreg.gather [hbm4b:s6+s3], $0x80, v4, vm0, $0xb8;
	[tilespmem:$0x18800] =	vst v63  }
0x122: {  	s15 =	simm.s32 $0x16000  }
0x123: {  	[tilespmem:s15], [sflag:$0x2] =	stream.indirect_vreg.gather [hbm4b:s7+s3], $0x80, v4, vm0, $0xb8;
	[tilespmem:$0x18800] =	vst v63  }
0x124: {  	s15 =	simm.s32 $0x16800  }
0x125: {  	[tilespmem:s15], [sflag:$0x2] =	stream.indirect_vreg.gather [hbm4b:s2+s3], $0x80, v3, vm0, $0xb8;
	[tilespmem:$0x18800] =	vst v63  }
0x126: {  	s15 =	simm.s32 $0x17000  }
0x127: {  	[tilespmem:s15], [sflag:$0x2] =	stream.indirect_vreg.gather [hbm4b:s5+s3], $0x80, v3, vm0, $0xb8;
	[tilespmem:$0x18800] =	vst v63  }
0x128: {  	s15 =	simm.s32 $0x17800  }
0x129: {  	[tilespmem:s15], [sflag:$0x2] =	stream.indirect_vreg.gather [hbm4b:s6+s3], $0x80, v3, vm0, $0xb8;
	[tilespmem:$0x18800] =	vst v63  }
0x12a: {  	s15 =	simm.s32 $0x18000  }
0x12b: {  	[tilespmem:s15], [sflag:$0x2] =	stream.indirect_vreg.gather [hbm4b:s7+s3], $0x80, v3, vm0, $0xb8;
	[tilespmem:$0x18800] =	vst v63  }
0x12c: {  	_ =	swait.ge [sflag:s11], $0xC000  }
0x12d: {  	[sflag:s11] =	ssyncset.done $0x0  }
0x12e: {  	s15 =	rddreg [dreg:$0x6];
	[sflag:s11] =	ssyncadd.s32 $0xFFFF4000  }
0x12f: {  	[hbm4b:s15+s3] =	stream.linear.scatter [tilespmem:s21], [sflag:$0x3], $0xC000, $0x38;
	[tilespmem:$0x18800] =	vst v63  }
0x130: {  	_ =	swait.ge [sflag:s12], $0xC000  }
0x131: {  	[sflag:s12] =	ssyncset.done $0x0  }
0x132: {  	[sflag:s12] =	ssyncadd.s32 $0xFFFF4000  }
0x133: {  	v3 =	vld [tilespmem:$0x200];
	_ =	sdelay $0x4  }
0x134: {  	v40 =	vshll.u32 v3, $0x3  }
0x135: {  	v3 =	vand.u32 $0x7, v3;
	v4 =	vand.u32 $0xFFFFFFC0, v40  }
0x136: {  	v3 =	vor.u32 v3, v4  }
0x137: {  	v4 =	vperm.xlane v3, v0;
	_ =	sdelay $0x1  }
0x138: {  	v4 =	vadd.s32 v1, v4;
	_ =	sdelay $0x4  }
0x139: {  	[tilespmem:s21], [sflag:$0x1] =	stream.indirect_vreg.gather [hbm4b:s2+s3], $0x80, v4, vm0, $0xb8;
	[tilespmem:$0x18800] =	vst v63  }
0x13a: {  	s15 =	simm.s32 $0x1000;
	v3 =	vperm.xlane v3, v2  }
0x13b: {  	[tilespmem:s15], [sflag:$0x1] =	stream.indirect_vreg.gather [hbm4b:s5+s3], $0x80, v4, vm0, $0xb8;
	[tilespmem:$0x18800] =	vst v63  }
0x13c: {  	v3 =	vadd.s32 v1, v3  }
0x13d: {  	[tilespmem:s0], [sflag:$0x1] =	stream.indirect_vreg.gather [hbm4b:s6+s3], $0x80, v4, vm0, $0xb8;
	[tilespmem:$0x18800] =	vst v63  }
0x13e: {  	_ = 	snop  }
0x13f: {  	[tilespmem:s1], [sflag:$0x1] =	stream.indirect_vreg.gather [hbm4b:s7+s3], $0x80, v4, vm0, $0xb8;
	[tilespmem:$0x18800] =	vst v63  }
0x140: {  	_ = 	snop  }
0x141: {  	[tilespmem:s4], [sflag:$0x1] =	stream.indirect_vreg.gather [hbm4b:s2+s3], $0x80, v3, vm0, $0xb8;
	[tilespmem:$0x18800] =	vst v63  }
0x142: {  	_ = 	snop  }
0x143: {  	[tilespmem:s10], [sflag:$0x1] =	stream.indirect_vreg.gather [hbm4b:s5+s3], $0x80, v3, vm0, $0xb8;
	[tilespmem:$0x18800] =	vst v63  }
0x144: {  	_ = 	snop  }
0x145: {  	[tilespmem:s24], [sflag:$0x1] =	stream.indirect_vreg.gather [hbm4b:s6+s3], $0x80, v3, vm0, $0xb8;
	[tilespmem:$0x18800] =	vst v63  }
0x146: {  	s15 =	simm.s32 $0x4000  }
0x147: {  	[tilespmem:s15], [sflag:$0x1] =	stream.indirect_vreg.gather [hbm4b:s7+s3], $0x80, v3, vm0, $0xb8;
	[tilespmem:$0x18800] =	vst v63  }
0x148: {  	v3 =	vld [tilespmem:$0x210];
	_ =	sdelay $0x4  }
0x149: {  	v41 =	vshll.u32 v3, $0x3  }
0x14a: {  	v3 =	vand.u32 $0x7, v3;
	v4 =	vand.u32 $0xFFFFFFC0, v41  }
0x14b: {  	v3 =	vor.u32 v3, v4  }
0x14c: {  	v4 =	vperm.xlane v3, v0;
	_ =	sdelay $0x1  }
0x14d: {  	v4 =	vadd.s32 v1, v4;
	_ =	sdelay $0x3  }
0x14e: {  	s15 =	simm.s32 $0x4800  }
0x14f: {  	[tilespmem:s15], [sflag:$0x1] =	stream.indirect_vreg.gather [hbm4b:s2+s3], $0x80, v4, vm0, $0xb8;
	[tilespmem:$0x18800] =	vst v63  }
0x150: {  	v3 =	vperm.xlane v3, v2;
	s15 =	simm.s32 $0x5000  }
0x151: {  	[tilespmem:s15], [sflag:$0x1] =	stream.indirect_vreg.gather [hbm4b:s5+s3], $0x80, v4, vm0, $0xb8;
	[tilespmem:$0x18800] =	vst v63  }
0x152: {  	v3 =	vadd.s32 v1, v3  }
0x153: {  	[tilespmem:s25], [sflag:$0x1] =	stream.indirect_vreg.gather [hbm4b:s6+s3], $0x80, v4, vm0, $0xb8;
	[tilespmem:$0x18800] =	vst v63  }
0x154: {  	_ = 	snop  }
0x155: {  	[tilespmem:s26], [sflag:$0x1] =	stream.indirect_vreg.gather [hbm4b:s7+s3], $0x80, v4, vm0, $0xb8;
	[tilespmem:$0x18800] =	vst v63  }
0x156: {  	_ = 	snop  }
0x157: {  	[tilespmem:s28], [sflag:$0x1] =	stream.indirect_vreg.gather [hbm4b:s2+s3], $0x80, v3, vm0, $0xb8;
	[tilespmem:$0x18800] =	vst v63  }
0x158: {  	_ = 	snop  }
0x159: {  	[tilespmem:s29], [sflag:$0x1] =	stream.indirect_vreg.gather [hbm4b:s5+s3], $0x80, v3, vm0, $0xb8;
	[tilespmem:$0x18800] =	vst v63  }
0x15a: {  	_ = 	snop  }
0x15b: {  	[tilespmem:s30], [sflag:$0x1] =	stream.indirect_vreg.gather [hbm4b:s6+s3], $0x80, v3, vm0, $0xb8;
	[tilespmem:$0x18800] =	vst v63  }
0x15c: {  	s15 =	simm.s32 $0x8000  }
0x15d: {  	[tilespmem:s15], [sflag:$0x1] =	stream.indirect_vreg.gather [hbm4b:s7+s3], $0x80, v3, vm0, $0xb8;
	[tilespmem:$0x18800] =	vst v63  }
0x15e: {  	v3 =	vld [tilespmem:$0x220];
	_ =	sdelay $0x4  }
0x15f: {  	v42 =	vshll.u32 v3, $0x3  }
0x160: {  	v3 =	vand.u32 $0x7, v3;
	v4 =	vand.u32 $0xFFFFFFC0, v42  }
0x161: {  	v3 =	vor.u32 v3, v4  }
0x162: {  	v4 =	vperm.xlane v3, v0;
	_ =	sdelay $0x1  }
0x163: {  	v4 =	vadd.s32 v1, v4;
	_ =	sdelay $0x3  }
0x164: {  	s15 =	simm.s32 $0x8800  }
0x165: {  	[tilespmem:s15], [sflag:$0x1] =	stream.indirect_vreg.gather [hbm4b:s2+s3], $0x80, v4, vm0, $0xb8;
	[tilespmem:$0x18800] =	vst v63  }
0x166: {  	v3 =	vperm.xlane v3, v2  }
0x167: {  	[tilespmem:s20], [sflag:$0x1] =	stream.indirect_vreg.gather [hbm4b:s5+s3], $0x80, v4, vm0, $0xb8;
	[tilespmem:$0x18800] =	vst v63  }
0x168: {  	v3 =	vadd.s32 v1, v3  }
0x169: {  	[tilespmem:s31], [sflag:$0x1] =	stream.indirect_vreg.gather [hbm4b:s6+s3], $0x80, v4, vm0, $0xb8;
	[tilespmem:$0x18800] =	vst v63  }
0x16a: {  	_ = 	snop  }
0x16b: {  	[tilespmem:s16], [sflag:$0x1] =	stream.indirect_vreg.gather [hbm4b:s7+s3], $0x80, v4, vm0, $0xb8;
	[tilespmem:$0x18800] =	vst v63  }
0x16c: {  	_ = 	snop  }
0x16d: {  	[tilespmem:s17], [sflag:$0x1] =	stream.indirect_vreg.gather [hbm4b:s2+s3], $0x80, v3, vm0, $0xb8;
	[tilespmem:$0x18800] =	vst v63  }
0x16e: {  	_ = 	snop  }
0x16f: {  	[tilespmem:s18], [sflag:$0x1] =	stream.indirect_vreg.gather [hbm4b:s5+s3], $0x80, v3, vm0, $0xb8;
	[tilespmem:$0x18800] =	vst v63  }
0x170: {  	_ = 	snop  }
0x171: {  	[tilespmem:s19], [sflag:$0x1] =	stream.indirect_vreg.gather [hbm4b:s6+s3], $0x80, v3, vm0, $0xb8;
	[tilespmem:$0x18800] =	vst v63  }
0x172: {  	s19 =	simm.s32 $0xC000  }
0x173: {  	[tilespmem:s19], [sflag:$0x1] =	stream.indirect_vreg.gather [hbm4b:s7+s3], $0x80, v3, vm0, $0xb8;
	[tilespmem:$0x18800] =	vst v63  }
0x174: {  	_ =	swait.ge [sflag:s13], $0xC000  }
0x175: {  	[sflag:s13] =	ssyncset.done $0x0  }
0x176: {  	s19 =	rddreg [dreg:$0x7];
	[sflag:s13] =	ssyncadd.s32 $0xFFFF4000  }
0x177: {  	[hbm4b:s19+s3] =	stream.linear.scatter [tilespmem:s9], [sflag:$0x4], $0xC000, $0x38;
	[tilespmem:$0x18800] =	vst v63  }
0x178: {  	_ =	swait.ge [sflag:s14], $0xC000  }
0x179: {  	[sflag:s14] =	ssyncset.done $0x0  }
0x17a: {  	[sflag:s14] =	ssyncadd.s32 $0xFFFF4000  }
0x17b: {  	v3 =	vld [tilespmem:$0x280];
	_ =	sdelay $0x4  }
0x17c: {  	v43 =	vshll.u32 v3, $0x3  }
0x17d: {  	v3 =	vand.u32 $0x7, v3;
	v4 =	vand.u32 $0xFFFFFFC0, v43  }
0x17e: {  	v3 =	vor.u32 v3, v4  }
0x17f: {  	v4 =	vperm.xlane v3, v0;
	_ =	sdelay $0x1  }
0x180: {  	v4 =	vadd.s32 v1, v4;
	_ =	sdelay $0x4  }
0x181: {  	[tilespmem:s9], [sflag:$0x2] =	stream.indirect_vreg.gather [hbm4b:s2+s3], $0x80, v4, vm0, $0xb8;
	[tilespmem:$0x18800] =	vst v63  }
0x182: {  	s19 =	simm.s32 $0xD000;
	v3 =	vperm.xlane v3, v2  }
0x183: {  	[tilespmem:s19], [sflag:$0x2] =	stream.indirect_vreg.gather [hbm4b:s5+s3], $0x80, v4, vm0, $0xb8;
	[tilespmem:$0x18800] =	vst v63  }
0x184: {  	s22 =	simm.s32 $0xD800;
	v3 =	vadd.s32 v1, v3  }
0x185: {  	[tilespmem:s22], [sflag:$0x2] =	stream.indirect_vreg.gather [hbm4b:s6+s3], $0x80, v4, vm0, $0xb8;
	[tilespmem:$0x18800] =	vst v63  }
0x186: {  	s22 =	simm.s32 $0xE000  }
0x187: {  	[tilespmem:s22], [sflag:$0x2] =	stream.indirect_vreg.gather [hbm4b:s7+s3], $0x80, v4, vm0, $0xb8;
	[tilespmem:$0x18800] =	vst v63  }
0x188: {  	s15 =	simm.s32 $0xE800  }
0x189: {  	[tilespmem:s15], [sflag:$0x2] =	stream.indirect_vreg.gather [hbm4b:s2+s3], $0x80, v3, vm0, $0xb8;
	[tilespmem:$0x18800] =	vst v63  }
0x18a: {  	s15 =	simm.s32 $0xF000  }
0x18b: {  	[tilespmem:s15], [sflag:$0x2] =	stream.indirect_vreg.gather [hbm4b:s5+s3], $0x80, v3, vm0, $0xb8;
	[tilespmem:$0x18800] =	vst v63  }
0x18c: {  	s15 =	simm.s32 $0xF800  }
0x18d: {  	[tilespmem:s15], [sflag:$0x2] =	stream.indirect_vreg.gather [hbm4b:s6+s3], $0x80, v3, vm0, $0xb8;
	[tilespmem:$0x18800] =	vst v63  }
0x18e: {  	s15 =	simm.s32 $0x10000  }
0x18f: {  	[tilespmem:s15], [sflag:$0x2] =	stream.indirect_vreg.gather [hbm4b:s7+s3], $0x80, v3, vm0, $0xb8;
	[tilespmem:$0x18800] =	vst v63  }
0x190: {  	v3 =	vld [tilespmem:$0x290];
	_ =	sdelay $0x4  }
0x191: {  	v44 =	vshll.u32 v3, $0x3  }
0x192: {  	v3 =	vand.u32 $0x7, v3;
	v4 =	vand.u32 $0xFFFFFFC0, v44  }
0x193: {  	v3 =	vor.u32 v3, v4  }
0x194: {  	v4 =	vperm.xlane v3, v0;
	_ =	sdelay $0x1  }
0x195: {  	v4 =	vadd.s32 v1, v4;
	_ =	sdelay $0x3  }
0x196: {  	s15 =	simm.s32 $0x10800  }
0x197: {  	[tilespmem:s15], [sflag:$0x2] =	stream.indirect_vreg.gather [hbm4b:s2+s3], $0x80, v4, vm0, $0xb8;
	[tilespmem:$0x18800] =	vst v63  }
0x198: {  	v3 =	vperm.xlane v3, v2;
	s15 =	simm.s32 $0x11000  }
0x199: {  	[tilespmem:s15], [sflag:$0x2] =	stream.indirect_vreg.gather [hbm4b:s5+s3], $0x80, v4, vm0, $0xb8;
	[tilespmem:$0x18800] =	vst v63  }
0x19a: {  	s23 =	simm.s32 $0x11800;
	v3 =	vadd.s32 v1, v3  }
0x19b: {  	[tilespmem:s23], [sflag:$0x2] =	stream.indirect_vreg.gather [hbm4b:s6+s3], $0x80, v4, vm0, $0xb8;
	[tilespmem:$0x18800] =	vst v63  }
0x19c: {  	s15 =	simm.s32 $0x12000  }
0x19d: {  	[tilespmem:s15], [sflag:$0x2] =	stream.indirect_vreg.gather [hbm4b:s7+s3], $0x80, v4, vm0, $0xb8;
	[tilespmem:$0x18800] =	vst v63  }
0x19e: {  	s15 =	simm.s32 $0x12800  }
0x19f: {  	[tilespmem:s15], [sflag:$0x2] =	stream.indirect_vreg.gather [hbm4b:s2+s3], $0x80, v3, vm0, $0xb8;
	[tilespmem:$0x18800] =	vst v63  }
0x1a0: {  	s15 =	simm.s32 $0x13000  }
0x1a1: {  	[tilespmem:s15], [sflag:$0x2] =	stream.indirect_vreg.gather [hbm4b:s5+s3], $0x80, v3, vm0, $0xb8;
	[tilespmem:$0x18800] =	vst v63  }
0x1a2: {  	s15 =	simm.s32 $0x13800  }
0x1a3: {  	[tilespmem:s15], [sflag:$0x2] =	stream.indirect_vreg.gather [hbm4b:s6+s3], $0x80, v3, vm0, $0xb8;
	[tilespmem:$0x18800] =	vst v63  }
0x1a4: {  	s15 =	simm.s32 $0x14000  }
0x1a5: {  	[tilespmem:s15], [sflag:$0x2] =	stream.indirect_vreg.gather [hbm4b:s7+s3], $0x80, v3, vm0, $0xb8;
	[tilespmem:$0x18800] =	vst v63  }
0x1a6: {  	v3 =	vld [tilespmem:$0x2A0];
	_ =	sdelay $0x4  }
0x1a7: {  	v45 =	vshll.u32 v3, $0x3  }
0x1a8: {  	v3 =	vand.u32 $0x7, v3;
	v4 =	vand.u32 $0xFFFFFFC0, v45  }
0x1a9: {  	v3 =	vor.u32 v3, v4  }
0x1aa: {  	v4 =	vperm.xlane v3, v0;
	_ =	sdelay $0x1  }
0x1ab: {  	v4 =	vadd.s32 v1, v4;
	_ =	sdelay $0x3  }
0x1ac: {  	s15 =	simm.s32 $0x14800  }
0x1ad: {  	[tilespmem:s15], [sflag:$0x2] =	stream.indirect_vreg.gather [hbm4b:s2+s3], $0x80, v4, vm0, $0xb8;
	[tilespmem:$0x18800] =	vst v63  }
0x1ae: {  	v3 =	vperm.xlane v3, v2;
	s15 =	simm.s32 $0x15000  }
0x1af: {  	[tilespmem:s15], [sflag:$0x2] =	stream.indirect_vreg.gather [hbm4b:s5+s3], $0x80, v4, vm0, $0xb8;
	[tilespmem:$0x18800] =	vst v63  }
0x1b0: {  	v3 =	vadd.s32 v1, v3;
	s15 =	simm.s32 $0x15800  }
0x1b1: {  	[tilespmem:s15], [sflag:$0x2] =	stream.indirect_vreg.gather [hbm4b:s6+s3], $0x80, v4, vm0, $0xb8;
	[tilespmem:$0x18800] =	vst v63  }
0x1b2: {  	s15 =	simm.s32 $0x16000  }
0x1b3: {  	[tilespmem:s15], [sflag:$0x2] =	stream.indirect_vreg.gather [hbm4b:s7+s3], $0x80, v4, vm0, $0xb8;
	[tilespmem:$0x18800] =	vst v63  }
0x1b4: {  	s15 =	simm.s32 $0x16800  }
0x1b5: {  	[tilespmem:s15], [sflag:$0x2] =	stream.indirect_vreg.gather [hbm4b:s2+s3], $0x80, v3, vm0, $0xb8;
	[tilespmem:$0x18800] =	vst v63  }
0x1b6: {  	s15 =	simm.s32 $0x17000  }
0x1b7: {  	[tilespmem:s15], [sflag:$0x2] =	stream.indirect_vreg.gather [hbm4b:s5+s3], $0x80, v3, vm0, $0xb8;
	[tilespmem:$0x18800] =	vst v63  }
0x1b8: {  	s15 =	simm.s32 $0x17800  }
0x1b9: {  	[tilespmem:s15], [sflag:$0x2] =	stream.indirect_vreg.gather [hbm4b:s6+s3], $0x80, v3, vm0, $0xb8;
	[tilespmem:$0x18800] =	vst v63  }
0x1ba: {  	s15 =	simm.s32 $0x18000  }
0x1bb: {  	[tilespmem:s15], [sflag:$0x2] =	stream.indirect_vreg.gather [hbm4b:s7+s3], $0x80, v3, vm0, $0xb8;
	[tilespmem:$0x18800] =	vst v63  }
0x1bc: {  	_ =	swait.ge [sflag:s11], $0xC000  }
0x1bd: {  	[sflag:s11] =	ssyncset.done $0x0  }
0x1be: {  	s15 =	rddreg [dreg:$0x8];
	[sflag:s11] =	ssyncadd.s32 $0xFFFF4000  }
0x1bf: {  	[hbm4b:s15+s3] =	stream.linear.scatter [tilespmem:s21], [sflag:$0x3], $0xC000, $0x38;
	[tilespmem:$0x18800] =	vst v63  }
0x1c0: {  	_ =	swait.ge [sflag:s12], $0xC000  }
0x1c1: {  	[sflag:s12] =	ssyncset.done $0x0  }
0x1c2: {  	[sflag:s12] =	ssyncadd.s32 $0xFFFF4000  }
0x1c3: {  	v3 =	vld [tilespmem:$0x300];
	_ =	sdelay $0x4  }
0x1c4: {  	v46 =	vshll.u32 v3, $0x3  }
0x1c5: {  	v3 =	vand.u32 $0x7, v3;
	v4 =	vand.u32 $0xFFFFFFC0, v46  }
0x1c6: {  	v3 =	vor.u32 v3, v4  }
0x1c7: {  	v4 =	vperm.xlane v3, v0;
	_ =	sdelay $0x1  }
0x1c8: {  	v4 =	vadd.s32 v1, v4;
	_ =	sdelay $0x4  }
0x1c9: {  	[tilespmem:s21], [sflag:$0x1] =	stream.indirect_vreg.gather [hbm4b:s2+s3], $0x80, v4, vm0, $0xb8;
	[tilespmem:$0x18800] =	vst v63  }
0x1ca: {  	s15 =	simm.s32 $0x1000;
	v3 =	vperm.xlane v3, v2  }
0x1cb: {  	[tilespmem:s15], [sflag:$0x1] =	stream.indirect_vreg.gather [hbm4b:s5+s3], $0x80, v4, vm0, $0xb8;
	[tilespmem:$0x18800] =	vst v63  }
0x1cc: {  	s0 =	simm.s32 $0x1800;
	v3 =	vadd.s32 v1, v3  }
0x1cd: {  	[tilespmem:s0], [sflag:$0x1] =	stream.indirect_vreg.gather [hbm4b:s6+s3], $0x80, v4, vm0, $0xb8;
	[tilespmem:$0x18800] =	vst v63  }
0x1ce: {  	s1 =	simm.s32 $0x2000  }
0x1cf: {  	[tilespmem:s1], [sflag:$0x1] =	stream.indirect_vreg.gather [hbm4b:s7+s3], $0x80, v4, vm0, $0xb8;
	[tilespmem:$0x18800] =	vst v63  }
0x1d0: {  	s4 =	simm.s32 $0x2800  }
0x1d1: {  	[tilespmem:s4], [sflag:$0x1] =	stream.indirect_vreg.gather [hbm4b:s2+s3], $0x80, v3, vm0, $0xb8;
	[tilespmem:$0x18800] =	vst v63  }
0x1d2: {  	s10 =	simm.s32 $0x3000  }
0x1d3: {  	[tilespmem:s10], [sflag:$0x1] =	stream.indirect_vreg.gather [hbm4b:s5+s3], $0x80, v3, vm0, $0xb8;
	[tilespmem:$0x18800] =	vst v63  }
0x1d4: {  	s24 =	simm.s32 $0x3800  }
0x1d5: {  	[tilespmem:s24], [sflag:$0x1] =	stream.indirect_vreg.gather [hbm4b:s6+s3], $0x80, v3, vm0, $0xb8;
	[tilespmem:$0x18800] =	vst v63  }
0x1d6: {  	s4 =	simm.s32 $0x4000  }
0x1d7: {  	[tilespmem:s4], [sflag:$0x1] =	stream.indirect_vreg.gather [hbm4b:s7+s3], $0x80, v3, vm0, $0xb8;
	[tilespmem:$0x18800] =	vst v63  }
0x1d8: {  	v3 =	vld [tilespmem:$0x310];
	_ =	sdelay $0x4  }
0x1d9: {  	v47 =	vshll.u32 v3, $0x3  }
0x1da: {  	v3 =	vand.u32 $0x7, v3;
	v4 =	vand.u32 $0xFFFFFFC0, v47  }
0x1db: {  	v3 =	vor.u32 v3, v4  }
0x1dc: {  	v4 =	vperm.xlane v3, v0;
	_ =	sdelay $0x1  }
0x1dd: {  	v4 =	vadd.s32 v1, v4;
	_ =	sdelay $0x3  }
0x1de: {  	s10 =	simm.s32 $0x4800  }
0x1df: {  	[tilespmem:s10], [sflag:$0x1] =	stream.indirect_vreg.gather [hbm4b:s2+s3], $0x80, v4, vm0, $0xb8;
	[tilespmem:$0x18800] =	vst v63  }
0x1e0: {  	s15 =	simm.s32 $0x5000;
	v3 =	vperm.xlane v3, v2  }
0x1e1: {  	[tilespmem:s15], [sflag:$0x1] =	stream.indirect_vreg.gather [hbm4b:s5+s3], $0x80, v4, vm0, $0xb8;
	[tilespmem:$0x18800] =	vst v63  }
0x1e2: {  	s25 =	simm.s32 $0x5800;
	v3 =	vadd.s32 v1, v3  }
0x1e3: {  	[tilespmem:s25], [sflag:$0x1] =	stream.indirect_vreg.gather [hbm4b:s6+s3], $0x80, v4, vm0, $0xb8;
	[tilespmem:$0x18800] =	vst v63  }
0x1e4: {  	s26 =	simm.s32 $0x6000  }
0x1e5: {  	[tilespmem:s26], [sflag:$0x1] =	stream.indirect_vreg.gather [hbm4b:s7+s3], $0x80, v4, vm0, $0xb8;
	[tilespmem:$0x18800] =	vst v63  }
0x1e6: {  	s28 =	simm.s32 $0x6800  }
0x1e7: {  	[tilespmem:s28], [sflag:$0x1] =	stream.indirect_vreg.gather [hbm4b:s2+s3], $0x80, v3, vm0, $0xb8;
	[tilespmem:$0x18800] =	vst v63  }
0x1e8: {  	s29 =	simm.s32 $0x7000  }
0x1e9: {  	[tilespmem:s29], [sflag:$0x1] =	stream.indirect_vreg.gather [hbm4b:s5+s3], $0x80, v3, vm0, $0xb8;
	[tilespmem:$0x18800] =	vst v63  }
0x1ea: {  	s30 =	simm.s32 $0x7800  }
0x1eb: {  	[tilespmem:s30], [sflag:$0x1] =	stream.indirect_vreg.gather [hbm4b:s6+s3], $0x80, v3, vm0, $0xb8;
	[tilespmem:$0x18800] =	vst v63  }
0x1ec: {  	s24 =	simm.s32 $0x8000  }
0x1ed: {  	[tilespmem:s24], [sflag:$0x1] =	stream.indirect_vreg.gather [hbm4b:s7+s3], $0x80, v3, vm0, $0xb8;
	[tilespmem:$0x18800] =	vst v63  }
0x1ee: {  	v3 =	vld [tilespmem:$0x320];
	_ =	sdelay $0x4  }
0x1ef: {  	v48 =	vshll.u32 v3, $0x3  }
0x1f0: {  	v3 =	vand.u32 $0x7, v3;
	v4 =	vand.u32 $0xFFFFFFC0, v48  }
0x1f1: {  	v3 =	vor.u32 v3, v4  }
0x1f2: {  	v4 =	vperm.xlane v3, v0;
	_ =	sdelay $0x1  }
0x1f3: {  	v4 =	vadd.s32 v1, v4;
	_ =	sdelay $0x3  }
0x1f4: {  	s4 =	simm.s32 $0x8800  }
0x1f5: {  	[tilespmem:s4], [sflag:$0x1] =	stream.indirect_vreg.gather [hbm4b:s2+s3], $0x80, v4, vm0, $0xb8;
	[tilespmem:$0x18800] =	vst v63  }
0x1f6: {  	s10 =	simm.s32 $0x9000;
	v3 =	vperm.xlane v3, v2  }
0x1f7: {  	[tilespmem:s10], [sflag:$0x1] =	stream.indirect_vreg.gather [hbm4b:s5+s3], $0x80, v4, vm0, $0xb8;
	[tilespmem:$0x18800] =	vst v63  }
0x1f8: {  	s20 =	simm.s32 $0x9800;
	v3 =	vadd.s32 v1, v3  }
0x1f9: {  	[tilespmem:s20], [sflag:$0x1] =	stream.indirect_vreg.gather [hbm4b:s6+s3], $0x80, v4, vm0, $0xb8;
	[tilespmem:$0x18800] =	vst v63  }
0x1fa: {  	s31 =	simm.s32 $0xA000  }
0x1fb: {  	[tilespmem:s31], [sflag:$0x1] =	stream.indirect_vreg.gather [hbm4b:s7+s3], $0x80, v4, vm0, $0xb8;
	[tilespmem:$0x18800] =	vst v63  }
0x1fc: {  	s16 =	simm.s32 $0xA800  }
0x1fd: {  	[tilespmem:s16], [sflag:$0x1] =	stream.indirect_vreg.gather [hbm4b:s2+s3], $0x80, v3, vm0, $0xb8;
	[tilespmem:$0x18800] =	vst v63  }
0x1fe: {  	s17 =	simm.s32 $0xB000  }
0x1ff: {  	[tilespmem:s17], [sflag:$0x1] =	stream.indirect_vreg.gather [hbm4b:s5+s3], $0x80, v3, vm0, $0xb8;
	[tilespmem:$0x18800] =	vst v63  }
0x200: {  	s18 =	simm.s32 $0xB800  }
0x201: {  	[tilespmem:s18], [sflag:$0x1] =	stream.indirect_vreg.gather [hbm4b:s6+s3], $0x80, v3, vm0, $0xb8;
	[tilespmem:$0x18800] =	vst v63  }
0x202: {  	s15 =	simm.s32 $0xC000  }
0x203: {  	[tilespmem:s15], [sflag:$0x1] =	stream.indirect_vreg.gather [hbm4b:s7+s3], $0x80, v3, vm0, $0xb8;
	[tilespmem:$0x18800] =	vst v63  }
0x204: {  	_ =	swait.ge [sflag:s13], $0xC000  }
0x205: {  	[sflag:s13] =	ssyncset.done $0x0  }
0x206: {  	s16 =	rddreg [dreg:$0x9];
	[sflag:s13] =	ssyncadd.s32 $0xFFFF4000  }
0x207: {  	[hbm4b:s16+s3] =	stream.linear.scatter [tilespmem:s9], [sflag:$0x4], $0xC000, $0x38;
	[tilespmem:$0x18800] =	vst v63  }
0x208: {  	_ =	swait.ge [sflag:s14], $0xC000  }
0x209: {  	[sflag:s14] =	ssyncset.done $0x0  }
0x20a: {  	[sflag:s14] =	ssyncadd.s32 $0xFFFF4000  }
0x20b: {  	v3 =	vld [tilespmem:$0x380];
	_ =	sdelay $0x4  }
0x20c: {  	v49 =	vshll.u32 v3, $0x3  }
0x20d: {  	v3 =	vand.u32 $0x7, v3;
	v4 =	vand.u32 $0xFFFFFFC0, v49  }
0x20e: {  	v3 =	vor.u32 v3, v4  }
0x20f: {  	v4 =	vperm.xlane v3, v0;
	_ =	sdelay $0x1  }
0x210: {  	v4 =	vadd.s32 v1, v4;
	_ =	sdelay $0x4  }
0x211: {  	[tilespmem:s9], [sflag:$0x2] =	stream.indirect_vreg.gather [hbm4b:s2+s3], $0x80, v4, vm0, $0xb8;
	[tilespmem:$0x18800] =	vst v63  }
0x212: {  	s20 =	simm.s32 $0xD000;
	v3 =	vperm.xlane v3, v2  }
0x213: {  	[tilespmem:s20], [sflag:$0x2] =	stream.indirect_vreg.gather [hbm4b:s5+s3], $0x80, v4, vm0, $0xb8;
	[tilespmem:$0x18800] =	vst v63  }
0x214: {  	s19 =	simm.s32 $0xD800;
	v3 =	vadd.s32 v1, v3  }
0x215: {  	[tilespmem:s19], [sflag:$0x2] =	stream.indirect_vreg.gather [hbm4b:s6+s3], $0x80, v4, vm0, $0xb8;
	[tilespmem:$0x18800] =	vst v63  }
0x216: {  	s22 =	simm.s32 $0xE000  }
0x217: {  	[tilespmem:s22], [sflag:$0x2] =	stream.indirect_vreg.gather [hbm4b:s7+s3], $0x80, v4, vm0, $0xb8;
	[tilespmem:$0x18800] =	vst v63  }
0x218: {  	s4 =	simm.s32 $0xE800  }
0x219: {  	[tilespmem:s4], [sflag:$0x2] =	stream.indirect_vreg.gather [hbm4b:s2+s3], $0x80, v3, vm0, $0xb8;
	[tilespmem:$0x18800] =	vst v63  }
0x21a: {  	s10 =	simm.s32 $0xF000  }
0x21b: {  	[tilespmem:s10], [sflag:$0x2] =	stream.indirect_vreg.gather [hbm4b:s5+s3], $0x80, v3, vm0, $0xb8;
	[tilespmem:$0x18800] =	vst v63  }
0x21c: {  	s15 =	simm.s32 $0xF800  }
0x21d: {  	[tilespmem:s15], [sflag:$0x2] =	stream.indirect_vreg.gather [hbm4b:s6+s3], $0x80, v3, vm0, $0xb8;
	[tilespmem:$0x18800] =	vst v63  }
0x21e: {  	s16 =	simm.s32 $0x10000  }
0x21f: {  	[tilespmem:s16], [sflag:$0x2] =	stream.indirect_vreg.gather [hbm4b:s7+s3], $0x80, v3, vm0, $0xb8;
	[tilespmem:$0x18800] =	vst v63  }
0x220: {  	v3 =	vld [tilespmem:$0x390];
	_ =	sdelay $0x4  }
0x221: {  	v50 =	vshll.u32 v3, $0x3  }
0x222: {  	v3 =	vand.u32 $0x7, v3;
	v4 =	vand.u32 $0xFFFFFFC0, v50  }
0x223: {  	v3 =	vor.u32 v3, v4  }
0x224: {  	v4 =	vperm.xlane v3, v0;
	_ =	sdelay $0x1  }
0x225: {  	v4 =	vadd.s32 v1, v4;
	_ =	sdelay $0x3  }
0x226: {  	s19 =	simm.s32 $0x10800  }
0x227: {  	[tilespmem:s19], [sflag:$0x2] =	stream.indirect_vreg.gather [hbm4b:s2+s3], $0x80, v4, vm0, $0xb8;
	[tilespmem:$0x18800] =	vst v63  }
0x228: {  	s20 =	simm.s32 $0x11000;
	v3 =	vperm.xlane v3, v2  }
0x229: {  	[tilespmem:s20], [sflag:$0x2] =	stream.indirect_vreg.gather [hbm4b:s5+s3], $0x80, v4, vm0, $0xb8;
	[tilespmem:$0x18800] =	vst v63  }
0x22a: {  	s23 =	simm.s32 $0x11800;
	v3 =	vadd.s32 v1, v3  }
0x22b: {  	[tilespmem:s23], [sflag:$0x2] =	stream.indirect_vreg.gather [hbm4b:s6+s3], $0x80, v4, vm0, $0xb8;
	[tilespmem:$0x18800] =	vst v63  }
0x22c: {  	s23 =	simm.s32 $0x12000  }
0x22d: {  	[tilespmem:s23], [sflag:$0x2] =	stream.indirect_vreg.gather [hbm4b:s7+s3], $0x80, v4, vm0, $0xb8;
	[tilespmem:$0x18800] =	vst v63  }
0x22e: {  	s4 =	simm.s32 $0x12800  }
0x22f: {  	[tilespmem:s4], [sflag:$0x2] =	stream.indirect_vreg.gather [hbm4b:s2+s3], $0x80, v3, vm0, $0xb8;
	[tilespmem:$0x18800] =	vst v63  }
0x230: {  	s10 =	simm.s32 $0x13000  }
0x231: {  	[tilespmem:s10], [sflag:$0x2] =	stream.indirect_vreg.gather [hbm4b:s5+s3], $0x80, v3, vm0, $0xb8;
	[tilespmem:$0x18800] =	vst v63  }
0x232: {  	s15 =	simm.s32 $0x13800  }
0x233: {  	[tilespmem:s15], [sflag:$0x2] =	stream.indirect_vreg.gather [hbm4b:s6+s3], $0x80, v3, vm0, $0xb8;
	[tilespmem:$0x18800] =	vst v63  }
0x234: {  	s16 =	simm.s32 $0x14000  }
0x235: {  	[tilespmem:s16], [sflag:$0x2] =	stream.indirect_vreg.gather [hbm4b:s7+s3], $0x80, v3, vm0, $0xb8;
	[tilespmem:$0x18800] =	vst v63  }
0x236: {  	v3 =	vld [tilespmem:$0x3A0];
	_ =	sdelay $0x4  }
0x237: {  	v51 =	vshll.u32 v3, $0x3  }
0x238: {  	v3 =	vand.u32 $0x7, v3;
	v4 =	vand.u32 $0xFFFFFFC0, v51  }
0x239: {  	v3 =	vor.u32 v3, v4  }
0x23a: {  	v4 =	vperm.xlane v3, v0;
	_ =	sdelay $0x1  }
0x23b: {  	v4 =	vadd.s32 v1, v4;
	_ =	sdelay $0x3  }
0x23c: {  	s19 =	simm.s32 $0x14800  }
0x23d: {  	[tilespmem:s19], [sflag:$0x2] =	stream.indirect_vreg.gather [hbm4b:s2+s3], $0x80, v4, vm0, $0xb8;
	[tilespmem:$0x18800] =	vst v63  }
0x23e: {  	s20 =	simm.s32 $0x15000;
	v3 =	vperm.xlane v3, v2  }
0x23f: {  	[tilespmem:s20], [sflag:$0x2] =	stream.indirect_vreg.gather [hbm4b:s5+s3], $0x80, v4, vm0, $0xb8;
	[tilespmem:$0x18800] =	vst v63  }
0x240: {  	s23 =	simm.s32 $0x15800;
	v3 =	vadd.s32 v1, v3  }
0x241: {  	[tilespmem:s23], [sflag:$0x2] =	stream.indirect_vreg.gather [hbm4b:s6+s3], $0x80, v4, vm0, $0xb8;
	[tilespmem:$0x18800] =	vst v63  }
0x242: {  	s4 =	simm.s32 $0x16000  }
0x243: {  	[tilespmem:s4], [sflag:$0x2] =	stream.indirect_vreg.gather [hbm4b:s7+s3], $0x80, v4, vm0, $0xb8;
	[tilespmem:$0x18800] =	vst v63  }
0x244: {  	s10 =	simm.s32 $0x16800  }
0x245: {  	[tilespmem:s10], [sflag:$0x2] =	stream.indirect_vreg.gather [hbm4b:s2+s3], $0x80, v3, vm0, $0xb8;
	[tilespmem:$0x18800] =	vst v63  }
0x246: {  	s15 =	simm.s32 $0x17000  }
0x247: {  	[tilespmem:s15], [sflag:$0x2] =	stream.indirect_vreg.gather [hbm4b:s5+s3], $0x80, v3, vm0, $0xb8;
	[tilespmem:$0x18800] =	vst v63  }
0x248: {  	s16 =	simm.s32 $0x17800  }
0x249: {  	[tilespmem:s16], [sflag:$0x2] =	stream.indirect_vreg.gather [hbm4b:s6+s3], $0x80, v3, vm0, $0xb8;
	[tilespmem:$0x18800] =	vst v63  }
0x24a: {  	s19 =	simm.s32 $0x18000  }
0x24b: {  	[tilespmem:s19], [sflag:$0x2] =	stream.indirect_vreg.gather [hbm4b:s7+s3], $0x80, v3, vm0, $0xb8;
	[tilespmem:$0x18800] =	vst v63  }
0x24c: {  	_ =	swait.ge [sflag:s11], $0xC000  }
0x24d: {  	[sflag:s11] =	ssyncset.done $0x0  }
0x24e: {  	s20 =	rddreg [dreg:$0xa];
	[sflag:s11] =	ssyncadd.s32 $0xFFFF4000  }
0x24f: {  	[hbm4b:s20+s3] =	stream.linear.scatter [tilespmem:s21], [sflag:$0x3], $0xC000, $0x38;
	[tilespmem:$0x18800] =	vst v63  }
0x250: {  	_ =	swait.ge [sflag:s12], $0xC000  }
0x251: {  	[sflag:s12] =	ssyncset.done $0x0  }
0x252: {  	[sflag:s12] =	ssyncadd.s32 $0xFFFF4000  }
0x253: {  	v3 =	vld [tilespmem:$0x400];
	_ =	sdelay $0x4  }
0x254: {  	v52 =	vshll.u32 v3, $0x3  }
0x255: {  	v3 =	vand.u32 $0x7, v3;
	v4 =	vand.u32 $0xFFFFFFC0, v52  }
0x256: {  	v3 =	vor.u32 v3, v4  }
0x257: {  	v4 =	vperm.xlane v3, v0;
	_ =	sdelay $0x1  }
0x258: {  	v4 =	vadd.s32 v1, v4;
	_ =	sdelay $0x4  }
0x259: {  	[tilespmem:s21], [sflag:$0x1] =	stream.indirect_vreg.gather [hbm4b:s2+s3], $0x80, v4, vm0, $0xb8;
	[tilespmem:$0x18800] =	vst v63  }
0x25a: {  	s23 =	simm.s32 $0x1000;
	v3 =	vperm.xlane v3, v2  }
0x25b: {  	[tilespmem:s23], [sflag:$0x1] =	stream.indirect_vreg.gather [hbm4b:s5+s3], $0x80, v4, vm0, $0xb8;
	[tilespmem:$0x18800] =	vst v63  }
0x25c: {  	s4 =	simm.s32 $0x1800;
	v3 =	vadd.s32 v1, v3  }
0x25d: {  	[tilespmem:s4], [sflag:$0x1] =	stream.indirect_vreg.gather [hbm4b:s6+s3], $0x80, v4, vm0, $0xb8;
	[tilespmem:$0x18800] =	vst v63  }
0x25e: {  	s10 =	simm.s32 $0x2000  }
0x25f: {  	[tilespmem:s10], [sflag:$0x1] =	stream.indirect_vreg.gather [hbm4b:s7+s3], $0x80, v4, vm0, $0xb8;
	[tilespmem:$0x18800] =	vst v63  }
0x260: {  	s15 =	simm.s32 $0x2800  }
0x261: {  	[tilespmem:s15], [sflag:$0x1] =	stream.indirect_vreg.gather [hbm4b:s2+s3], $0x80, v3, vm0, $0xb8;
	[tilespmem:$0x18800] =	vst v63  }
0x262: {  	s16 =	simm.s32 $0x3000  }
0x263: {  	[tilespmem:s16], [sflag:$0x1] =	stream.indirect_vreg.gather [hbm4b:s5+s3], $0x80, v3, vm0, $0xb8;
	[tilespmem:$0x18800] =	vst v63  }
0x264: {  	s0 =	simm.s32 $0x3800  }
0x265: {  	[tilespmem:s0], [sflag:$0x1] =	stream.indirect_vreg.gather [hbm4b:s6+s3], $0x80, v3, vm0, $0xb8;
	[tilespmem:$0x18800] =	vst v63  }
0x266: {  	s19 =	simm.s32 $0x4000  }
0x267: {  	[tilespmem:s19], [sflag:$0x1] =	stream.indirect_vreg.gather [hbm4b:s7+s3], $0x80, v3, vm0, $0xb8;
	[tilespmem:$0x18800] =	vst v63  }
0x268: {  	v3 =	vld [tilespmem:$0x410];
	_ =	sdelay $0x4  }
0x269: {  	v53 =	vshll.u32 v3, $0x3  }
0x26a: {  	v3 =	vand.u32 $0x7, v3;
	v4 =	vand.u32 $0xFFFFFFC0, v53  }
0x26b: {  	v3 =	vor.u32 v3, v4  }
0x26c: {  	v4 =	vperm.xlane v3, v0;
	_ =	sdelay $0x1  }
0x26d: {  	v4 =	vadd.s32 v1, v4;
	_ =	sdelay $0x3  }
0x26e: {  	s20 =	simm.s32 $0x4800  }
0x26f: {  	[tilespmem:s20], [sflag:$0x1] =	stream.indirect_vreg.gather [hbm4b:s2+s3], $0x80, v4, vm0, $0xb8;
	[tilespmem:$0x18800] =	vst v63  }
0x270: {  	s23 =	simm.s32 $0x5000;
	v3 =	vperm.xlane v3, v2  }
0x271: {  	[tilespmem:s23], [sflag:$0x1] =	stream.indirect_vreg.gather [hbm4b:s5+s3], $0x80, v4, vm0, $0xb8;
	[tilespmem:$0x18800] =	vst v63  }
0x272: {  	s25 =	simm.s32 $0x5800;
	v3 =	vadd.s32 v1, v3  }
0x273: {  	[tilespmem:s25], [sflag:$0x1] =	stream.indirect_vreg.gather [hbm4b:s6+s3], $0x80, v4, vm0, $0xb8;
	[tilespmem:$0x18800] =	vst v63  }
0x274: {  	s26 =	simm.s32 $0x6000  }
0x275: {  	[tilespmem:s26], [sflag:$0x1] =	stream.indirect_vreg.gather [hbm4b:s7+s3], $0x80, v4, vm0, $0xb8;
	[tilespmem:$0x18800] =	vst v63  }
0x276: {  	s28 =	simm.s32 $0x6800  }
0x277: {  	[tilespmem:s28], [sflag:$0x1] =	stream.indirect_vreg.gather [hbm4b:s2+s3], $0x80, v3, vm0, $0xb8;
	[tilespmem:$0x18800] =	vst v63  }
0x278: {  	s29 =	simm.s32 $0x7000  }
0x279: {  	[tilespmem:s29], [sflag:$0x1] =	stream.indirect_vreg.gather [hbm4b:s5+s3], $0x80, v3, vm0, $0xb8;
	[tilespmem:$0x18800] =	vst v63  }
0x27a: {  	s30 =	simm.s32 $0x7800  }
0x27b: {  	[tilespmem:s30], [sflag:$0x1] =	stream.indirect_vreg.gather [hbm4b:s6+s3], $0x80, v3, vm0, $0xb8;
	[tilespmem:$0x18800] =	vst v63  }
0x27c: {  	s19 =	simm.s32 $0x8000  }
0x27d: {  	[tilespmem:s19], [sflag:$0x1] =	stream.indirect_vreg.gather [hbm4b:s7+s3], $0x80, v3, vm0, $0xb8;
	[tilespmem:$0x18800] =	vst v63  }
0x27e: {  	v3 =	vld [tilespmem:$0x420];
	_ =	sdelay $0x4  }
0x27f: {  	v54 =	vshll.u32 v3, $0x3  }
0x280: {  	v3 =	vand.u32 $0x7, v3;
	v4 =	vand.u32 $0xFFFFFFC0, v54  }
0x281: {  	v3 =	vor.u32 v3, v4  }
0x282: {  	v4 =	vperm.xlane v3, v0;
	_ =	sdelay $0x1  }
0x283: {  	v4 =	vadd.s32 v1, v4;
	_ =	sdelay $0x3  }
0x284: {  	s23 =	simm.s32 $0x8800  }
0x285: {  	[tilespmem:s23], [sflag:$0x1] =	stream.indirect_vreg.gather [hbm4b:s2+s3], $0x80, v4, vm0, $0xb8;
	[tilespmem:$0x18800] =	vst v63  }
0x286: {  	s24 =	simm.s32 $0x9000;
	v3 =	vperm.xlane v3, v2  }
0x287: {  	[tilespmem:s24], [sflag:$0x1] =	stream.indirect_vreg.gather [hbm4b:s5+s3], $0x80, v4, vm0, $0xb8;
	[tilespmem:$0x18800] =	vst v63  }
0x288: {  	v3 =	vadd.s32 v1, v3;
	s24 =	simm.s32 $0x9800  }
0x289: {  	[tilespmem:s24], [sflag:$0x1] =	stream.indirect_vreg.gather [hbm4b:s6+s3], $0x80, v4, vm0, $0xb8;
	[tilespmem:$0x18800] =	vst v63  }
0x28a: {  	s30 =	simm.s32 $0xA000  }
0x28b: {  	[tilespmem:s30], [sflag:$0x1] =	stream.indirect_vreg.gather [hbm4b:s7+s3], $0x80, v4, vm0, $0xb8;
	[tilespmem:$0x18800] =	vst v63  }
0x28c: {  	s31 =	simm.s32 $0xA800  }
0x28d: {  	[tilespmem:s31], [sflag:$0x1] =	stream.indirect_vreg.gather [hbm4b:s2+s3], $0x80, v3, vm0, $0xb8;
	[tilespmem:$0x18800] =	vst v63  }
0x28e: {  	s17 =	simm.s32 $0xB000  }
0x28f: {  	[tilespmem:s17], [sflag:$0x1] =	stream.indirect_vreg.gather [hbm4b:s5+s3], $0x80, v3, vm0, $0xb8;
	[tilespmem:$0x18800] =	vst v63  }
0x290: {  	s18 =	simm.s32 $0xB800  }
0x291: {  	[tilespmem:s18], [sflag:$0x1] =	stream.indirect_vreg.gather [hbm4b:s6+s3], $0x80, v3, vm0, $0xb8;
	[tilespmem:$0x18800] =	vst v63  }
0x292: {  	s31 =	simm.s32 $0xC000  }
0x293: {  	[tilespmem:s31], [sflag:$0x1] =	stream.indirect_vreg.gather [hbm4b:s7+s3], $0x80, v3, vm0, $0xb8;
	[tilespmem:$0x18800] =	vst v63  }
0x294: {  	_ =	swait.ge [sflag:s13], $0xC000  }
0x295: {  	[sflag:s13] =	ssyncset.done $0x0  }
0x296: {  	s31 =	rddreg [dreg:$0xb];
	[sflag:s13] =	ssyncadd.s32 $0xFFFF4000  }
0x297: {  	[hbm4b:s31+s3] =	stream.linear.scatter [tilespmem:s9], [sflag:$0x4], $0xC000, $0x38;
	[tilespmem:$0x18800] =	vst v63  }
0x298: {  	_ =	swait.ge [sflag:s14], $0xC000  }
0x299: {  	[sflag:s14] =	ssyncset.done $0x0  }
0x29a: {  	[sflag:s14] =	ssyncadd.s32 $0xFFFF4000  }
0x29b: {  	v3 =	vld [tilespmem:$0x480];
	_ =	sdelay $0x4  }
0x29c: {  	v55 =	vshll.u32 v3, $0x3  }
0x29d: {  	v3 =	vand.u32 $0x7, v3;
	v4 =	vand.u32 $0xFFFFFFC0, v55  }
0x29e: {  	v3 =	vor.u32 v3, v4  }
0x29f: {  	v4 =	vperm.xlane v3, v0;
	_ =	sdelay $0x1  }
0x2a0: {  	v4 =	vadd.s32 v1, v4;
	_ =	sdelay $0x4  }
0x2a1: {  	[tilespmem:s9], [sflag:$0x2] =	stream.indirect_vreg.gather [hbm4b:s2+s3], $0x80, v4, vm0, $0xb8;
	[tilespmem:$0x18800] =	vst v63  }
0x2a2: {  	s31 =	simm.s32 $0xD000;
	v3 =	vperm.xlane v3, v2  }
0x2a3: {  	[tilespmem:s31], [sflag:$0x2] =	stream.indirect_vreg.gather [hbm4b:s5+s3], $0x80, v4, vm0, $0xb8;
	[tilespmem:$0x18800] =	vst v63  }
0x2a4: {  	v3 =	vadd.s32 v1, v3;
	s31 =	simm.s32 $0xD800  }
0x2a5: {  	[tilespmem:s31], [sflag:$0x2] =	stream.indirect_vreg.gather [hbm4b:s6+s3], $0x80, v4, vm0, $0xb8;
	[tilespmem:$0x18800] =	vst v63  }
0x2a6: {  	s22 =	simm.s32 $0xE000  }
0x2a7: {  	[tilespmem:s22], [sflag:$0x2] =	stream.indirect_vreg.gather [hbm4b:s7+s3], $0x80, v4, vm0, $0xb8;
	[tilespmem:$0x18800] =	vst v63  }
0x2a8: {  	s15 =	simm.s32 $0xE800  }
0x2a9: {  	[tilespmem:s15], [sflag:$0x2] =	stream.indirect_vreg.gather [hbm4b:s2+s3], $0x80, v3, vm0, $0xb8;
	[tilespmem:$0x18800] =	vst v63  }
0x2aa: {  	s15 =	simm.s32 $0xF000  }
0x2ab: {  	[tilespmem:s15], [sflag:$0x2] =	stream.indirect_vreg.gather [hbm4b:s5+s3], $0x80, v3, vm0, $0xb8;
	[tilespmem:$0x18800] =	vst v63  }
0x2ac: {  	s15 =	simm.s32 $0xF800  }
0x2ad: {  	[tilespmem:s15], [sflag:$0x2] =	stream.indirect_vreg.gather [hbm4b:s6+s3], $0x80, v3, vm0, $0xb8;
	[tilespmem:$0x18800] =	vst v63  }
0x2ae: {  	s15 =	simm.s32 $0x10000  }
0x2af: {  	[tilespmem:s15], [sflag:$0x2] =	stream.indirect_vreg.gather [hbm4b:s7+s3], $0x80, v3, vm0, $0xb8;
	[tilespmem:$0x18800] =	vst v63  }
0x2b0: {  	v3 =	vld [tilespmem:$0x490];
	_ =	sdelay $0x4  }
0x2b1: {  	v56 =	vshll.u32 v3, $0x3  }
0x2b2: {  	v3 =	vand.u32 $0x7, v3;
	v4 =	vand.u32 $0xFFFFFFC0, v56  }
0x2b3: {  	v3 =	vor.u32 v3, v4  }
0x2b4: {  	v4 =	vperm.xlane v3, v0;
	_ =	sdelay $0x1  }
0x2b5: {  	v4 =	vadd.s32 v1, v4;
	_ =	sdelay $0x3  }
0x2b6: {  	s15 =	simm.s32 $0x10800  }
0x2b7: {  	[tilespmem:s15], [sflag:$0x2] =	stream.indirect_vreg.gather [hbm4b:s2+s3], $0x80, v4, vm0, $0xb8;
	[tilespmem:$0x18800] =	vst v63  }
0x2b8: {  	v3 =	vperm.xlane v3, v2;
	s15 =	simm.s32 $0x11000  }
0x2b9: {  	[tilespmem:s15], [sflag:$0x2] =	stream.indirect_vreg.gather [hbm4b:s5+s3], $0x80, v4, vm0, $0xb8;
	[tilespmem:$0x18800] =	vst v63  }
0x2ba: {  	v3 =	vadd.s32 v1, v3;
	s15 =	simm.s32 $0x11800  }
0x2bb: {  	[tilespmem:s15], [sflag:$0x2] =	stream.indirect_vreg.gather [hbm4b:s6+s3], $0x80, v4, vm0, $0xb8;
	[tilespmem:$0x18800] =	vst v63  }
0x2bc: {  	s15 =	simm.s32 $0x12000  }
0x2bd: {  	[tilespmem:s15], [sflag:$0x2] =	stream.indirect_vreg.gather [hbm4b:s7+s3], $0x80, v4, vm0, $0xb8;
	[tilespmem:$0x18800] =	vst v63  }
0x2be: {  	s15 =	simm.s32 $0x12800  }
0x2bf: {  	[tilespmem:s15], [sflag:$0x2] =	stream.indirect_vreg.gather [hbm4b:s2+s3], $0x80, v3, vm0, $0xb8;
	[tilespmem:$0x18800] =	vst v63  }
0x2c0: {  	s15 =	simm.s32 $0x13000  }
0x2c1: {  	[tilespmem:s15], [sflag:$0x2] =	stream.indirect_vreg.gather [hbm4b:s5+s3], $0x80, v3, vm0, $0xb8;
	[tilespmem:$0x18800] =	vst v63  }
0x2c2: {  	s15 =	simm.s32 $0x13800  }
0x2c3: {  	[tilespmem:s15], [sflag:$0x2] =	stream.indirect_vreg.gather [hbm4b:s6+s3], $0x80, v3, vm0, $0xb8;
	[tilespmem:$0x18800] =	vst v63  }
0x2c4: {  	s15 =	simm.s32 $0x14000  }
0x2c5: {  	[tilespmem:s15], [sflag:$0x2] =	stream.indirect_vreg.gather [hbm4b:s7+s3], $0x80, v3, vm0, $0xb8;
	[tilespmem:$0x18800] =	vst v63  }
0x2c6: {  	v3 =	vld [tilespmem:$0x4A0];
	_ =	sdelay $0x4  }
0x2c7: {  	v57 =	vshll.u32 v3, $0x3  }
0x2c8: {  	v3 =	vand.u32 $0x7, v3;
	v4 =	vand.u32 $0xFFFFFFC0, v57  }
0x2c9: {  	v3 =	vor.u32 v3, v4  }
0x2ca: {  	v4 =	vperm.xlane v3, v0;
	_ =	sdelay $0x1  }
0x2cb: {  	v4 =	vadd.s32 v1, v4;
	_ =	sdelay $0x3  }
0x2cc: {  	s15 =	simm.s32 $0x14800  }
0x2cd: {  	[tilespmem:s15], [sflag:$0x2] =	stream.indirect_vreg.gather [hbm4b:s2+s3], $0x80, v4, vm0, $0xb8;
	[tilespmem:$0x18800] =	vst v63  }
0x2ce: {  	v3 =	vperm.xlane v3, v2;
	s15 =	simm.s32 $0x15000  }
0x2cf: {  	[tilespmem:s15], [sflag:$0x2] =	stream.indirect_vreg.gather [hbm4b:s5+s3], $0x80, v4, vm0, $0xb8;
	[tilespmem:$0x18800] =	vst v63  }
0x2d0: {  	v3 =	vadd.s32 v1, v3;
	s15 =	simm.s32 $0x15800  }
0x2d1: {  	[tilespmem:s15], [sflag:$0x2] =	stream.indirect_vreg.gather [hbm4b:s6+s3], $0x80, v4, vm0, $0xb8;
	[tilespmem:$0x18800] =	vst v63  }
0x2d2: {  	s15 =	simm.s32 $0x16000  }
0x2d3: {  	[tilespmem:s15], [sflag:$0x2] =	stream.indirect_vreg.gather [hbm4b:s7+s3], $0x80, v4, vm0, $0xb8;
	[tilespmem:$0x18800] =	vst v63  }
0x2d4: {  	s15 =	simm.s32 $0x16800  }
0x2d5: {  	[tilespmem:s15], [sflag:$0x2] =	stream.indirect_vreg.gather [hbm4b:s2+s3], $0x80, v3, vm0, $0xb8;
	[tilespmem:$0x18800] =	vst v63  }
0x2d6: {  	s15 =	simm.s32 $0x17000  }
0x2d7: {  	[tilespmem:s15], [sflag:$0x2] =	stream.indirect_vreg.gather [hbm4b:s5+s3], $0x80, v3, vm0, $0xb8;
	[tilespmem:$0x18800] =	vst v63  }
0x2d8: {  	s15 =	simm.s32 $0x17800  }
0x2d9: {  	[tilespmem:s15], [sflag:$0x2] =	stream.indirect_vreg.gather [hbm4b:s6+s3], $0x80, v3, vm0, $0xb8;
	[tilespmem:$0x18800] =	vst v63  }
0x2da: {  	s15 =	simm.s32 $0x18000  }
0x2db: {  	[tilespmem:s15], [sflag:$0x2] =	stream.indirect_vreg.gather [hbm4b:s7+s3], $0x80, v3, vm0, $0xb8;
	[tilespmem:$0x18800] =	vst v63  }
0x2dc: {  	_ =	swait.ge [sflag:s11], $0xC000  }
0x2dd: {  	[sflag:s11] =	ssyncset.done $0x0  }
0x2de: {  	s15 =	rddreg [dreg:$0xc];
	[sflag:s11] =	ssyncadd.s32 $0xFFFF4000  }
0x2df: {  	[hbm4b:s15+s3] =	stream.linear.scatter [tilespmem:s21], [sflag:$0x3], $0xC000, $0x38;
	[tilespmem:$0x18800] =	vst v63  }
0x2e0: {  	_ =	swait.ge [sflag:s12], $0xC000  }
0x2e1: {  	[sflag:s12] =	ssyncset.done $0x0  }
0x2e2: {  	[sflag:s12] =	ssyncadd.s32 $0xFFFF4000  }
0x2e3: {  	v3 =	vld [tilespmem:$0x500];
	_ =	sdelay $0x4  }
0x2e4: {  	v58 =	vshll.u32 v3, $0x3  }
0x2e5: {  	v3 =	vand.u32 $0x7, v3;
	v4 =	vand.u32 $0xFFFFFFC0, v58  }
0x2e6: {  	v3 =	vor.u32 v3, v4  }
0x2e7: {  	v4 =	vperm.xlane v3, v0;
	_ =	sdelay $0x1  }
0x2e8: {  	v4 =	vadd.s32 v1, v4;
	_ =	sdelay $0x4  }
0x2e9: {  	[tilespmem:s21], [sflag:$0x1] =	stream.indirect_vreg.gather [hbm4b:s2+s3], $0x80, v4, vm0, $0xb8;
	[tilespmem:$0x18800] =	vst v63  }
0x2ea: {  	s15 =	simm.s32 $0x1000;
	v3 =	vperm.xlane v3, v2  }
0x2eb: {  	[tilespmem:s15], [sflag:$0x1] =	stream.indirect_vreg.gather [hbm4b:s5+s3], $0x80, v4, vm0, $0xb8;
	[tilespmem:$0x18800] =	vst v63  }
0x2ec: {  	s1 =	simm.s32 $0x1800;
	v3 =	vadd.s32 v1, v3  }
0x2ed: {  	[tilespmem:s1], [sflag:$0x1] =	stream.indirect_vreg.gather [hbm4b:s6+s3], $0x80, v4, vm0, $0xb8;
	[tilespmem:$0x18800] =	vst v63  }
0x2ee: {  	s4 =	simm.s32 $0x2000  }
0x2ef: {  	[tilespmem:s4], [sflag:$0x1] =	stream.indirect_vreg.gather [hbm4b:s7+s3], $0x80, v4, vm0, $0xb8;
	[tilespmem:$0x18800] =	vst v63  }
0x2f0: {  	s10 =	simm.s32 $0x2800  }
0x2f1: {  	[tilespmem:s10], [sflag:$0x1] =	stream.indirect_vreg.gather [hbm4b:s2+s3], $0x80, v3, vm0, $0xb8;
	[tilespmem:$0x18800] =	vst v63  }
0x2f2: {  	s16 =	simm.s32 $0x3000  }
0x2f3: {  	[tilespmem:s16], [sflag:$0x1] =	stream.indirect_vreg.gather [hbm4b:s5+s3], $0x80, v3, vm0, $0xb8;
	[tilespmem:$0x18800] =	vst v63  }
0x2f4: {  	s0 =	simm.s32 $0x3800  }
0x2f5: {  	[tilespmem:s0], [sflag:$0x1] =	stream.indirect_vreg.gather [hbm4b:s6+s3], $0x80, v3, vm0, $0xb8;
	[tilespmem:$0x18800] =	vst v63  }
0x2f6: {  	s4 =	simm.s32 $0x4000  }
0x2f7: {  	[tilespmem:s4], [sflag:$0x1] =	stream.indirect_vreg.gather [hbm4b:s7+s3], $0x80, v3, vm0, $0xb8;
	[tilespmem:$0x18800] =	vst v63  }
0x2f8: {  	v3 =	vld [tilespmem:$0x510];
	_ =	sdelay $0x4  }
0x2f9: {  	v59 =	vshll.u32 v3, $0x3  }
0x2fa: {  	v3 =	vand.u32 $0x7, v3;
	v4 =	vand.u32 $0xFFFFFFC0, v59  }
0x2fb: {  	v3 =	vor.u32 v3, v4  }
0x2fc: {  	v4 =	vperm.xlane v3, v0;
	_ =	sdelay $0x1  }
0x2fd: {  	v4 =	vadd.s32 v1, v4;
	_ =	sdelay $0x3  }
0x2fe: {  	s10 =	simm.s32 $0x4800  }
0x2ff: {  	[tilespmem:s10], [sflag:$0x1] =	stream.indirect_vreg.gather [hbm4b:s2+s3], $0x80, v4, vm0, $0xb8;
	[tilespmem:$0x18800] =	vst v63  }
0x300: {  	s15 =	simm.s32 $0x5000;
	v3 =	vperm.xlane v3, v2  }
0x301: {  	[tilespmem:s15], [sflag:$0x1] =	stream.indirect_vreg.gather [hbm4b:s5+s3], $0x80, v4, vm0, $0xb8;
	[tilespmem:$0x18800] =	vst v63  }
0x302: {  	s20 =	simm.s32 $0x5800;
	v3 =	vadd.s32 v1, v3  }
0x303: {  	[tilespmem:s20], [sflag:$0x1] =	stream.indirect_vreg.gather [hbm4b:s6+s3], $0x80, v4, vm0, $0xb8;
	[tilespmem:$0x18800] =	vst v63  }
0x304: {  	s25 =	simm.s32 $0x6000  }
0x305: {  	[tilespmem:s25], [sflag:$0x1] =	stream.indirect_vreg.gather [hbm4b:s7+s3], $0x80, v4, vm0, $0xb8;
	[tilespmem:$0x18800] =	vst v63  }
0x306: {  	s26 =	simm.s32 $0x6800  }
0x307: {  	[tilespmem:s26], [sflag:$0x1] =	stream.indirect_vreg.gather [hbm4b:s2+s3], $0x80, v3, vm0, $0xb8;
	[tilespmem:$0x18800] =	vst v63  }
0x308: {  	s28 =	simm.s32 $0x7000  }
0x309: {  	[tilespmem:s28], [sflag:$0x1] =	stream.indirect_vreg.gather [hbm4b:s5+s3], $0x80, v3, vm0, $0xb8;
	[tilespmem:$0x18800] =	vst v63  }
0x30a: {  	s29 =	simm.s32 $0x7800  }
0x30b: {  	[tilespmem:s29], [sflag:$0x1] =	stream.indirect_vreg.gather [hbm4b:s6+s3], $0x80, v3, vm0, $0xb8;
	[tilespmem:$0x18800] =	vst v63  }
0x30c: {  	s16 =	simm.s32 $0x8000  }
0x30d: {  	[tilespmem:s16], [sflag:$0x1] =	stream.indirect_vreg.gather [hbm4b:s7+s3], $0x80, v3, vm0, $0xb8;
	[tilespmem:$0x18800] =	vst v63  }
0x30e: {  	v3 =	vld [tilespmem:$0x520];
	_ =	sdelay $0x4  }
0x30f: {  	v60 =	vshll.u32 v3, $0x3  }
0x310: {  	v3 =	vand.u32 $0x7, v3;
	v4 =	vand.u32 $0xFFFFFFC0, v60  }
0x311: {  	v3 =	vor.u32 v3, v4  }
0x312: {  	v4 =	vperm.xlane v3, v0;
	_ =	sdelay $0x1  }
0x313: {  	v4 =	vadd.s32 v1, v4;
	_ =	sdelay $0x3  }
0x314: {  	s20 =	simm.s32 $0x8800  }
0x315: {  	[tilespmem:s20], [sflag:$0x1] =	stream.indirect_vreg.gather [hbm4b:s2+s3], $0x80, v4, vm0, $0xb8;
	[tilespmem:$0x18800] =	vst v63  }
0x316: {  	s19 =	simm.s32 $0x9000;
	v3 =	vperm.xlane v3, v2  }
0x317: {  	[tilespmem:s19], [sflag:$0x1] =	stream.indirect_vreg.gather [hbm4b:s5+s3], $0x80, v4, vm0, $0xb8;
	[tilespmem:$0x18800] =	vst v63  }
0x318: {  	s24 =	simm.s32 $0x9800;
	v3 =	vadd.s32 v1, v3  }
0x319: {  	[tilespmem:s24], [sflag:$0x1] =	stream.indirect_vreg.gather [hbm4b:s6+s3], $0x80, v4, vm0, $0xb8;
	[tilespmem:$0x18800] =	vst v63  }
0x31a: {  	s23 =	simm.s32 $0xA000  }
0x31b: {  	[tilespmem:s23], [sflag:$0x1] =	stream.indirect_vreg.gather [hbm4b:s7+s3], $0x80, v4, vm0, $0xb8;
	[tilespmem:$0x18800] =	vst v63  }
0x31c: {  	s30 =	simm.s32 $0xA800  }
0x31d: {  	[tilespmem:s30], [sflag:$0x1] =	stream.indirect_vreg.gather [hbm4b:s2+s3], $0x80, v3, vm0, $0xb8;
	[tilespmem:$0x18800] =	vst v63  }
0x31e: {  	s17 =	simm.s32 $0xB000  }
0x31f: {  	[tilespmem:s17], [sflag:$0x1] =	stream.indirect_vreg.gather [hbm4b:s5+s3], $0x80, v3, vm0, $0xb8;
	[tilespmem:$0x18800] =	vst v63  }
0x320: {  	s18 =	simm.s32 $0xB800  }
0x321: {  	[tilespmem:s18], [sflag:$0x1] =	stream.indirect_vreg.gather [hbm4b:s6+s3], $0x80, v3, vm0, $0xb8;
	[tilespmem:$0x18800] =	vst v63  }
0x322: {  	s24 =	simm.s32 $0xC000  }
0x323: {  	[tilespmem:s24], [sflag:$0x1] =	stream.indirect_vreg.gather [hbm4b:s7+s3], $0x80, v3, vm0, $0xb8;
	[tilespmem:$0x18800] =	vst v63  }
0x324: {  	_ =	swait.ge [sflag:s13], $0xC000  }
0x325: {  	[sflag:s13] =	ssyncset.done $0x0  }
0x326: {  	s25 =	rddreg [dreg:$0xd];
	[sflag:s13] =	ssyncadd.s32 $0xFFFF4000  }
0x327: {  	[hbm4b:s25+s3] =	stream.linear.scatter [tilespmem:s9], [sflag:$0x4], $0xC000, $0x38;
	[tilespmem:$0x18800] =	vst v63  }
0x328: {  	_ =	swait.ge [sflag:s14], $0xC000  }
0x329: {  	[sflag:s14] =	ssyncset.done $0x0  }
0x32a: {  	[sflag:s14] =	ssyncadd.s32 $0xFFFF4000  }
0x32b: {  	v3 =	vld [tilespmem:$0x580];
	_ =	sdelay $0x4  }
0x32c: {  	v61 =	vshll.u32 v3, $0x3  }
0x32d: {  	v3 =	vand.u32 $0x7, v3;
	v4 =	vand.u32 $0xFFFFFFC0, v61  }
0x32e: {  	v3 =	vor.u32 v3, v4  }
0x32f: {  	v4 =	vperm.xlane v3, v0;
	_ =	sdelay $0x1  }
0x330: {  	v4 =	vadd.s32 v1, v4;
	_ =	sdelay $0x4  }
0x331: {  	[tilespmem:s9], [sflag:$0x2] =	stream.indirect_vreg.gather [hbm4b:s2+s3], $0x80, v4, vm0, $0xb8;
	[tilespmem:$0x18800] =	vst v63  }
0x332: {  	s26 =	simm.s32 $0xD000;
	v3 =	vperm.xlane v3, v2  }
0x333: {  	[tilespmem:s26], [sflag:$0x2] =	stream.indirect_vreg.gather [hbm4b:s5+s3], $0x80, v4, vm0, $0xb8;
	[tilespmem:$0x18800] =	vst v63  }
0x334: {  	s31 =	simm.s32 $0xD800;
	v3 =	vadd.s32 v1, v3  }
0x335: {  	[tilespmem:s31], [sflag:$0x2] =	stream.indirect_vreg.gather [hbm4b:s6+s3], $0x80, v4, vm0, $0xb8;
	[tilespmem:$0x18800] =	vst v63  }
0x336: {  	s22 =	simm.s32 $0xE000  }
0x337: {  	[tilespmem:s22], [sflag:$0x2] =	stream.indirect_vreg.gather [hbm4b:s7+s3], $0x80, v4, vm0, $0xb8;
	[tilespmem:$0x18800] =	vst v63  }
0x338: {  	s28 =	simm.s32 $0xE800  }
0x339: {  	[tilespmem:s28], [sflag:$0x2] =	stream.indirect_vreg.gather [hbm4b:s2+s3], $0x80, v3, vm0, $0xb8;
	[tilespmem:$0x18800] =	vst v63  }
0x33a: {  	s29 =	simm.s32 $0xF000  }
0x33b: {  	[tilespmem:s29], [sflag:$0x2] =	stream.indirect_vreg.gather [hbm4b:s5+s3], $0x80, v3, vm0, $0xb8;
	[tilespmem:$0x18800] =	vst v63  }
0x33c: {  	s30 =	simm.s32 $0xF800  }
0x33d: {  	[tilespmem:s30], [sflag:$0x2] =	stream.indirect_vreg.gather [hbm4b:s6+s3], $0x80, v3, vm0, $0xb8;
	[tilespmem:$0x18800] =	vst v63  }
0x33e: {  	s31 =	simm.s32 $0x10000  }
0x33f: {  	[tilespmem:s31], [sflag:$0x2] =	stream.indirect_vreg.gather [hbm4b:s7+s3], $0x80, v3, vm0, $0xb8;
	[tilespmem:$0x18800] =	vst v63  }
0x340: {  	v3 =	vld [tilespmem:$0x590];
	_ =	sdelay $0x4  }
0x341: {  	v62 =	vshll.u32 v3, $0x3  }
0x342: {  	v3 =	vand.u32 $0x7, v3;
	v4 =	vand.u32 $0xFFFFFFC0, v62  }
0x343: {  	v3 =	vor.u32 v3, v4  }
0x344: {  	v4 =	vperm.xlane v3, v0;
	_ =	sdelay $0x1  }
0x345: {  	v4 =	vadd.s32 v1, v4;
	_ =	sdelay $0x3  }
0x346: {  	s1 =	simm.s32 $0x10800  }
0x347: {  	[tilespmem:s1], [sflag:$0x2] =	stream.indirect_vreg.gather [hbm4b:s2+s3], $0x80, v4, vm0, $0xb8;
	[tilespmem:$0x18800] =	vst v63  }
0x348: {  	s4 =	simm.s32 $0x11000;
	v3 =	vperm.xlane v3, v2  }
0x349: {  	[tilespmem:s4], [sflag:$0x2] =	stream.indirect_vreg.gather [hbm4b:s5+s3], $0x80, v4, vm0, $0xb8;
	[tilespmem:$0x18800] =	vst v63  }
0x34a: {  	s10 =	simm.s32 $0x11800;
	v3 =	vadd.s32 v1, v3  }
0x34b: {  	[tilespmem:s10], [sflag:$0x2] =	stream.indirect_vreg.gather [hbm4b:s6+s3], $0x80, v4, vm0, $0xb8;
	[tilespmem:$0x18800] =	vst v63  }
0x34c: {  	s15 =	simm.s32 $0x12000  }
0x34d: {  	[tilespmem:s15], [sflag:$0x2] =	stream.indirect_vreg.gather [hbm4b:s7+s3], $0x80, v4, vm0, $0xb8;
	[tilespmem:$0x18800] =	vst v63  }
0x34e: {  	s16 =	simm.s32 $0x12800  }
0x34f: {  	[tilespmem:s16], [sflag:$0x2] =	stream.indirect_vreg.gather [hbm4b:s2+s3], $0x80, v3, vm0, $0xb8;
	[tilespmem:$0x18800] =	vst v63  }
0x350: {  	s17 =	simm.s32 $0x13000  }
0x351: {  	[tilespmem:s17], [sflag:$0x2] =	stream.indirect_vreg.gather [hbm4b:s5+s3], $0x80, v3, vm0, $0xb8;
	[tilespmem:$0x18800] =	vst v63  }
0x352: {  	s18 =	simm.s32 $0x13800  }
0x353: {  	[tilespmem:s18], [sflag:$0x2] =	stream.indirect_vreg.gather [hbm4b:s6+s3], $0x80, v3, vm0, $0xb8;
	[tilespmem:$0x18800] =	vst v63  }
0x354: {  	s19 =	simm.s32 $0x14000  }
0x355: {  	[tilespmem:s19], [sflag:$0x2] =	stream.indirect_vreg.gather [hbm4b:s7+s3], $0x80, v3, vm0, $0xb8;
	[tilespmem:$0x18800] =	vst v63  }
0x356: {  	v3 =	vld [tilespmem:$0x5A0];
	_ =	sdelay $0x4  }
0x357: {  	v63 =	vshll.u32 v3, $0x3  }
0x358: {  	v3 =	vand.u32 $0x7, v3;
	v4 =	vand.u32 $0xFFFFFFC0, v63  }
0x359: {  	v3 =	vor.u32 v3, v4  }
0x35a: {  	v4 =	vperm.xlane v3, v0;
	_ =	sdelay $0x1  }
0x35b: {  	v4 =	vadd.s32 v1, v4;
	_ =	sdelay $0x3  }
0x35c: {  	s20 =	simm.s32 $0x14800  }
0x35d: {  	[tilespmem:s20], [sflag:$0x2] =	stream.indirect_vreg.gather [hbm4b:s2+s3], $0x80, v4, vm0, $0xb8;
	[tilespmem:$0x18800] =	vst v63  }
0x35e: {  	s22 =	simm.s32 $0x15000;
	v3 =	vperm.xlane v3, v2  }
0x35f: {  	[tilespmem:s22], [sflag:$0x2] =	stream.indirect_vreg.gather [hbm4b:s5+s3], $0x80, v4, vm0, $0xb8;
	[tilespmem:$0x18800] =	vst v63  }
0x360: {  	s23 =	simm.s32 $0x15800;
	v3 =	vadd.s32 v1, v3  }
0x361: {  	[tilespmem:s23], [sflag:$0x2] =	stream.indirect_vreg.gather [hbm4b:s6+s3], $0x80, v4, vm0, $0xb8;
	[tilespmem:$0x18800] =	vst v63  }
0x362: {  	s24 =	simm.s32 $0x16000  }
0x363: {  	[tilespmem:s24], [sflag:$0x2] =	stream.indirect_vreg.gather [hbm4b:s7+s3], $0x80, v4, vm0, $0xb8;
	[tilespmem:$0x18800] =	vst v63  }
0x364: {  	s25 =	simm.s32 $0x16800  }
0x365: {  	[tilespmem:s25], [sflag:$0x2] =	stream.indirect_vreg.gather [hbm4b:s2+s3], $0x80, v3, vm0, $0xb8;
	[tilespmem:$0x18800] =	vst v63  }
0x366: {  	s26 =	simm.s32 $0x17000  }
0x367: {  	[tilespmem:s26], [sflag:$0x2] =	stream.indirect_vreg.gather [hbm4b:s5+s3], $0x80, v3, vm0, $0xb8;
	[tilespmem:$0x18800] =	vst v63  }
0x368: {  	s28 =	simm.s32 $0x17800  }
0x369: {  	[tilespmem:s28], [sflag:$0x2] =	stream.indirect_vreg.gather [hbm4b:s6+s3], $0x80, v3, vm0, $0xb8;
	[tilespmem:$0x18800] =	vst v63  }
0x36a: {  	s29 =	simm.s32 $0x18000  }
0x36b: {  	[tilespmem:s29], [sflag:$0x2] =	stream.indirect_vreg.gather [hbm4b:s7+s3], $0x80, v3, vm0, $0xb8;
	[tilespmem:$0x18800] =	vst v63  }
0x36c: {  	_ =	swait.ge [sflag:s11], $0xC000  }
0x36d: {  	[sflag:s11] =	ssyncset.done $0x0  }
0x36e: {  	s30 =	rddreg [dreg:$0xe];
	[sflag:s11] =	ssyncadd.s32 $0xFFFF4000  }
0x36f: {  	[hbm4b:s30+s3] =	stream.linear.scatter [tilespmem:s21], [sflag:$0x3], $0xC000, $0x38;
	[tilespmem:$0x18800] =	vst v63  }
0x370: {  	_ =	swait.ge [sflag:s13], $0xC000  }
0x371: {  	[sflag:s13] =	ssyncset.done $0x0  }
0x372: {  	s31 =	rddreg [dreg:$0xf];
	[sflag:s13] =	ssyncadd.s32 $0xFFFF4000  }
0x373: {  	[hbm4b:s31+s3] =	stream.linear.scatter [tilespmem:s9], [sflag:$0x4], $0xC000, $0x38;
	[tilespmem:$0x18800] =	vst v63  }
0x374: {  	p0 =	sne.s32 s8, $0x1;
	_ =	swait.ge [sflag:s12], $0xC000  }
.Ltmp0:
0x375: {  	[sflag:s12] =	ssyncset.done $0x0;
	(pc) =	sbr.rel @p0 .LBB2_1-.Ltmp0, $4  }
0x376: {  	[sflag:s12] =	ssyncadd.s32 $0xFFFF4000  }
0x377: {  	_ =	swait.ge [sflag:s14], $0xC000  }
0x378: {  	[sflag:s14] =	ssyncset.done $0x0  }
0x379: {  	s8 =	sadd.s32 $0xFFFFFFFF, s8;
	[sflag:s14] =	ssyncadd.s32 $0xFFFF4000  }
0x37a: {  	_ =	sfence.sel $0x180000  }
0x37b: {  	[bflag:$0x0] =	sbarrier.arrive $0xFFFF  }
0x37c: {  	_ =	strace $0x9000004D  }
0x37d: {  	s0 =	stileid.u32;
	[bflag:$0x2] =	sbarrier.arrive $0xFFFF  }
0x37e: {  	p0 =	sne.s32 s0, $0x0;
	s0 =	rddreg [dreg:$0x3]  }
0x37f: {  	s0 =	sadd.s32 @!p0 $0x100000, s0  }
0x380: {  	[sflag:s0] =	ssyncadd.tile.s32 @!p0 $0x1;
	_ =	shalt  }
.Lfunc_end2:
_tile_overlayer_lowered:
.L_overlay_start_2:
0x381: {  	(tag) =	ssettag $0x2  }
0x382: {  	s0 =	rddreg [dreg:$0x0];
	s2 =	stileid.u32  }
0x383: {  	s1 =	rddreg [dreg:$0x1];
	p0 =	sne.s32 s2, $0x0  }
0x384: {  	s3 =	rddreg [dreg:$0x2];
	[bflag:$0x3] =	sbarrier.arrive $0xFFFF;
	s2 =	simm.s32 @!p0 $0x1C05  }
0x385: {  	[timem:s3], [sflag:s2] =	dma.local @!p0 [hbm:s0], s1  }
0x386: {  	s0 =	simm.s32 @!p0 $0x5  }
0x387: {  	_ =	swait.ge @!p0 [sflag:s0], s1  }
0x388: {  	s1 =	ssub.s32 @!p0 $0x0, s1;
	[sflag:s0] =	ssyncset.done @!p0 $0x0  }
0x389: {  	[sflag:s0] =	ssyncadd.s32 @!p0 s1  }
0x38a: {  	[bflag:$0x3] =	sbarrier.arrive $0xFFFF  }
0x38b: {  	_ =	shalt  }

</sc_bundles>
